<compile_context>
chip_gen: v7x
topology: tpu7x:2x2x1
jax: 0.10.2.dev20260603
libtpu: 0.0.44.dev20260713+nightly
codegen_flags: <defaults>
</compile_context>

<pallas_src>
import dataclasses
import functools

import jax
import jax.numpy as jnp
import numpy as np
from jax import lax
from jax.experimental import pallas as pl
from jax.experimental.pallas import tpu as pltpu
from jax.experimental.pallas import tpu_sc as plsc

DIM = 128
BATCH = 16384
NC = 2
NS = 16
NW = NC * NS
BPW = BATCH // NW
CHUNK = 32
NCHUNK = BPW // CHUNK
SLOTS = 8
NQUAD = NCHUNK // SLOTS
LANES = 16
NSEG = DIM // LANES

_BITREV = [0, 8, 4, 12, 2, 10, 6, 14, 1, 9, 5, 13, 3, 11, 7, 15]


def kernel(center_words, context_words, center_table, context_table):
    cw = center_words.astype(jnp.int32)
    xw = context_words.astype(jnp.int32)

    mesh = plsc.VectorSubcoreMesh(core_axis_name="c", subcore_axis_name="s")

    cp = pltpu.CompilerParams()
    if "needs_layout_passes" in pltpu.CompilerParams.__dataclass_fields__:
        cp = dataclasses.replace(cp, needs_layout_passes=False)

    @functools.partial(
        pl.kernel,
        compiler_params=cp,
        out_type=jax.ShapeDtypeStruct((BATCH,), jnp.float32),
        mesh=mesh,
        scratch_types=[
            pltpu.VMEM((BPW,), jnp.int32),
            pltpu.VMEM((BPW,), jnp.int32),
            pltpu.VMEM((SLOTS, CHUNK, DIM), jnp.float32),
            pltpu.VMEM((SLOTS, CHUNK, DIM), jnp.float32),
            pltpu.VMEM((BPW,), jnp.float32),
            pltpu.VMEM((CHUNK, LANES), jnp.float32),
        ] + [pltpu.SemaphoreType.DMA] * (2 * SLOTS + 1),
    )
    def skipgram(cw_hbm, xw_hbm, ct_hbm, xt_hbm, out_hbm,
                 cidx, xidx, crows, xrows, scores, accbuf, *dma_sems):
        wid = lax.axis_index("s") * NC + lax.axis_index("c")
        base = wid * BPW
        c0 = pltpu.make_async_copy(cw_hbm.at[pl.ds(base, CHUNK)],
                                   cidx.at[pl.ds(0, CHUNK)], dma_sems[0])
        x0 = pltpu.make_async_copy(xw_hbm.at[pl.ds(base, CHUNK)],
                                   xidx.at[pl.ds(0, CHUNK)], dma_sems[1])
        c0.start(); x0.start()
        REST = BPW - CHUNK
        c1 = pltpu.make_async_copy(cw_hbm.at[pl.ds(base + CHUNK, REST)],
                                   cidx.at[pl.ds(CHUNK, REST)], dma_sems[2])
        x1 = pltpu.make_async_copy(xw_hbm.at[pl.ds(base + CHUNK, REST)],
                                   xidx.at[pl.ds(CHUNK, REST)], dma_sems[3])
        c1.start(); x1.start()

        lane = lax.iota(jnp.int32, LANES)
        perms = {k: (lane + k) & (LANES - 1) for k in (1, 2, 4, 8, 12, 14, 15)}
        masks = {s: (lane & (s - 1)) < (s // 2) for s in (16, 8, 4, 2)}

        gather_dnums = lax.GatherDimensionNumbers(
            offset_dims=(), collapsed_slice_dims=(0,), start_index_map=(0,))

        def rot(x, k):
            return lax.gather(
                x, perms[k % LANES][:, None], gather_dnums, (1,),
                mode=lax.GatherScatterMode.PROMISE_IN_BOUNDS)

        def merge(a, b, s):
            k = s // 2
            return jnp.where(masks[s], a + rot(a, k), b + rot(b, -k))

        sems = tuple((dma_sems[2 * i], dma_sems[2 * i + 1])
                     for i in range(SLOTS))

        def issue(j, slot):
            sel = pl.ds(j * CHUNK, CHUNK)
            pltpu.async_copy(ct_hbm.at[cidx.at[sel]], crows.at[slot],
                             sems[slot][0])
            pltpu.async_copy(xt_hbm.at[xidx.at[sel]], xrows.at[slot],
                             sems[slot][1])

        def wait(slot):
            sel = pl.ds(0, CHUNK)
            pltpu.make_async_copy(ct_hbm.at[cidx.at[sel]], crows.at[slot],
                                  sems[slot][0]).wait()
            pltpu.make_async_copy(xt_hbm.at[xidx.at[sel]], xrows.at[slot],
                                  sems[slot][1]).wait()

        def compute(j, slot):
            @plsc.parallel_loop(0, CHUNK)
            def _(r):
                acc = (crows[slot, r, pl.ds(0, LANES)]
                       * xrows[slot, r, pl.ds(0, LANES)])
                for t in range(1, NSEG):
                    acc = acc + (crows[slot, r, pl.ds(t * LANES, LANES)]
                                 * xrows[slot, r, pl.ds(t * LANES, LANES)])
                accbuf[r, pl.ds(0, LANES)] = acc

            @plsc.parallel_loop(0, CHUNK // LANES)
            def _(g):
                stack = []
                for leaf in range(LANES):
                    r = g * LANES + _BITREV[leaf]
                    node = (16, accbuf[r, pl.ds(0, LANES)])
                    while stack and stack[-1][0] == node[0]:
                        s, a = stack.pop()
                        node = (s // 2, merge(a, node[1], s))
                    stack.append(node)
                scores[pl.ds(j * CHUNK + g * LANES, LANES)] = stack[0][1]

            pltpu.async_copy(scores.at[pl.ds(j * CHUNK, CHUNK)],
                             out_hbm.at[pl.ds(wid * BPW + j * CHUNK, CHUNK)],
                             dma_sems[2 * SLOTS])

        c0.wait(); x0.wait()
        issue(0, 0)
        c1.wait(); x1.wait()
        for s0 in range(1, SLOTS):
            issue(s0, s0)

        @pl.loop(0, NQUAD)
        def _(p):
            for sl in range(SLOTS):
                jj = SLOTS * p + sl
                wait(sl)
                compute(jj, sl)
                nxt = jj + SLOTS

                @pl.when(nxt < NCHUNK)
                def _():
                    issue(nxt, sl)

        for _j in range(NCHUNK):
            pltpu.make_async_copy(
                scores.at[pl.ds(0, CHUNK)],
                out_hbm.at[pl.ds(wid * BPW, CHUNK)],
                dma_sems[2 * SLOTS]).wait()

    return skipgram(cw, xw, center_table, context_table)

# --- scband reference (transcript-rebuilt; emitter-appended) ---
"""Pipeline reference for scband-skip-gram-model-20847771254896 (READ-ONLY COPY).

The authoritative reference and input builder live on the scoring server;
editing this copy changes nothing except your own understanding.
"""

import jax, jax.numpy as jnp
import numpy as np

VOCAB = 1000000
DIM = 128
BATCH = 16384

def setup_inputs(seed: int = 0) -> dict:
    key = jax.random.key(seed)
    k1, k2, k3, k4 = jax.random.split(key, 4)
    center_words = jax.random.randint(k1, (BATCH,), 0, VOCAB, dtype=jnp.int64 if jax.config.jax_enable_x64 else jnp.int32)
    context_words = jax.random.randint(k2, (BATCH,), 0, VOCAB, dtype=jnp.int64 if jax.config.jax_enable_x64 else jnp.int32)
    center_table = jax.random.normal(k3, (VOCAB, DIM), dtype=jnp.float32) * 0.01
    context_table = jax.random.normal(k4, (VOCAB, DIM), dtype=jnp.float32) * 0.01
    return {"center_words": center_words, "context_words": context_words,
            "center_table": center_table, "context_table": context_table}

def reference(center_words, context_words, center_table, context_table):
    # Embedding lookups (gathers)
    center_embeds = jnp.take(center_table, center_words, axis=0)   # [B, D]
    context_embeds = jnp.take(context_table, context_words, axis=0)  # [B, D]
    # Dot product per pair
    scores = jnp.sum(center_embeds * context_embeds, axis=1)  # [B]
    return scores

if __name__ == "__main__":
    import jax
    _d = setup_inputs()
    print(jax.jit(kernel)(*tuple(_d.values())))

</pallas_src>

<mosaic_0001>
#map = affine_map<(d0, d1) -> (0)>
#map1 = affine_map<(d0, d1) -> (0, 0)>
module attributes {stable_mosaic.version = 14 : i64} {
  func.func @skipgram(%arg0: i32, %arg1: i32, %arg2: memref<16384xi32, #tpu.memory_space<hbm>>, %arg3: memref<16384xi32, #tpu.memory_space<hbm>>, %arg4: memref<1000000x128xf32, #tpu.memory_space<hbm>>, %arg5: memref<1000000x128xf32, #tpu.memory_space<hbm>>, %arg6: memref<16384xf32, #tpu.memory_space<hbm>>, %arg7: memref<512xi32, #tpu.memory_space<vmem>>, %arg8: memref<512xi32, #tpu.memory_space<vmem>>, %arg9: memref<8x32x128xf32, #tpu.memory_space<vmem>>, %arg10: memref<8x32x128xf32, #tpu.memory_space<vmem>>, %arg11: memref<512xf32, #tpu.memory_space<vmem>>, %arg12: memref<32x16xf32, #tpu.memory_space<vmem>>, %arg13: memref<!tpu.dma_semaphore, #tpu.memory_space<semaphore_mem>>, %arg14: memref<!tpu.dma_semaphore, #tpu.memory_space<semaphore_mem>>, %arg15: memref<!tpu.dma_semaphore, #tpu.memory_space<semaphore_mem>>, %arg16: memref<!tpu.dma_semaphore, #tpu.memory_space<semaphore_mem>>, %arg17: memref<!tpu.dma_semaphore, #tpu.memory_space<semaphore_mem>>, %arg18: memref<!tpu.dma_semaphore, #tpu.memory_space<semaphore_mem>>, %arg19: memref<!tpu.dma_semaphore, #tpu.memory_space<semaphore_mem>>, %arg20: memref<!tpu.dma_semaphore, #tpu.memory_space<semaphore_mem>>, %arg21: memref<!tpu.dma_semaphore, #tpu.memory_space<semaphore_mem>>, %arg22: memref<!tpu.dma_semaphore, #tpu.memory_space<semaphore_mem>>, %arg23: memref<!tpu.dma_semaphore, #tpu.memory_space<semaphore_mem>>, %arg24: memref<!tpu.dma_semaphore, #tpu.memory_space<semaphore_mem>>, %arg25: memref<!tpu.dma_semaphore, #tpu.memory_space<semaphore_mem>>, %arg26: memref<!tpu.dma_semaphore, #tpu.memory_space<semaphore_mem>>, %arg27: memref<!tpu.dma_semaphore, #tpu.memory_space<semaphore_mem>>, %arg28: memref<!tpu.dma_semaphore, #tpu.memory_space<semaphore_mem>>, %arg29: memref<!tpu.dma_semaphore, #tpu.memory_space<semaphore_mem>>) attributes {dimension_semantics = [#tpu.dimension_semantics<core_parallel>, #tpu.dimension_semantics<subcore_parallel>], iteration_bounds = array<i64: 2, 16>, scalar_prefetch = 0 : i64, scratch_operands = 23 : i64, tpu.core_type = #tpu.core_type<sc_vector_subcore>, window_params = [{transform_indices = #map}, {transform_indices = #map}, {transform_indices = #map1}, {transform_indices = #map1}, {transform_indices = #map}]} {
    %mul3A = arith.constant 2 : i32
    %mul3A_0 = arith.muli %arg1, %mul3A : i32
    %add3A = arith.addi %mul3A_0, %arg0 : i32
    %mul3A_1 = arith.constant 512 : i32
    %mul3A_2 = arith.muli %add3A, %mul3A_1 : i32
    %dma_start3A = arith.constant 0 : i32
    %dma_start3A_3 = tpu.memref_slice %arg7[%dma_start3A] : memref<512xi32, #tpu.memory_space<vmem>> -> memref<32xi32, #tpu.memory_space<vmem>>
    %dma_start3A_4 = tpu.memref_slice %arg2[%mul3A_2] : memref<16384xi32, #tpu.memory_space<hbm>> -> memref<32xi32, #tpu.memory_space<hbm>>
    %dma_start3A_5 = arith.constant 0 : i32
    %dma_start3A_6 = tpu.memref_slice %arg7[%dma_start3A_5] : memref<512xi32, #tpu.memory_space<vmem>> -> memref<32xi32, #tpu.memory_space<vmem>>
    %dma_start3A_7 = tpu.memref_slice %arg2[%mul3A_2] : memref<16384xi32, #tpu.memory_space<hbm>> -> memref<32xi32, #tpu.memory_space<hbm>>
    tpu.enqueue_dma source(%dma_start3A_7 : memref<32xi32, #tpu.memory_space<hbm>>) target(%dma_start3A_6 : memref<32xi32, #tpu.memory_space<vmem>>) target_semaphore(%arg13 : memref<!tpu.dma_semaphore, #tpu.memory_space<semaphore_mem>>)
    %dma_start3A_8 = arith.constant 0 : i32
    %dma_start3A_9 = tpu.memref_slice %arg8[%dma_start3A_8] : memref<512xi32, #tpu.memory_space<vmem>> -> memref<32xi32, #tpu.memory_space<vmem>>
    %dma_start3A_10 = tpu.memref_slice %arg3[%mul3A_2] : memref<16384xi32, #tpu.memory_space<hbm>> -> memref<32xi32, #tpu.memory_space<hbm>>
    %dma_start3A_11 = arith.constant 0 : i32
    %dma_start3A_12 = tpu.memref_slice %arg8[%dma_start3A_11] : memref<512xi32, #tpu.memory_space<vmem>> -> memref<32xi32, #tpu.memory_space<vmem>>
    %dma_start3A_13 = tpu.memref_slice %arg3[%mul3A_2] : memref<16384xi32, #tpu.memory_space<hbm>> -> memref<32xi32, #tpu.memory_space<hbm>>
    tpu.enqueue_dma source(%dma_start3A_13 : memref<32xi32, #tpu.memory_space<hbm>>) target(%dma_start3A_12 : memref<32xi32, #tpu.memory_space<vmem>>) target_semaphore(%arg14 : memref<!tpu.dma_semaphore, #tpu.memory_space<semaphore_mem>>)
    %add3A_14 = arith.constant 32 : i32
    %add3A_15 = arith.addi %mul3A_2, %add3A_14 : i32
    %add3A_16 = arith.constant 32 : i32
    %add3A_17 = arith.addi %mul3A_2, %add3A_16 : i32
    %dma_start3A_18 = arith.constant 32 : i32
    %dma_start3A_19 = tpu.memref_slice %arg7[%dma_start3A_18] : memref<512xi32, #tpu.memory_space<vmem>> -> memref<480xi32, #tpu.memory_space<vmem>>
    %dma_start3A_20 = tpu.memref_slice %arg2[%add3A_15] : memref<16384xi32, #tpu.memory_space<hbm>> -> memref<480xi32, #tpu.memory_space<hbm>>
    %dma_start3A_21 = arith.constant 32 : i32
    %dma_start3A_22 = tpu.memref_slice %arg7[%dma_start3A_21] : memref<512xi32, #tpu.memory_space<vmem>> -> memref<480xi32, #tpu.memory_space<vmem>>
    %dma_start3A_23 = tpu.memref_slice %arg2[%add3A_15] : memref<16384xi32, #tpu.memory_space<hbm>> -> memref<480xi32, #tpu.memory_space<hbm>>
    tpu.enqueue_dma source(%dma_start3A_23 : memref<480xi32, #tpu.memory_space<hbm>>) target(%dma_start3A_22 : memref<480xi32, #tpu.memory_space<vmem>>) target_semaphore(%arg15 : memref<!tpu.dma_semaphore, #tpu.memory_space<semaphore_mem>>)
    %dma_start3A_24 = arith.constant 32 : i32
    %dma_start3A_25 = tpu.memref_slice %arg8[%dma_start3A_24] : memref<512xi32, #tpu.memory_space<vmem>> -> memref<480xi32, #tpu.memory_space<vmem>>
    %dma_start3A_26 = tpu.memref_slice %arg3[%add3A_17] : memref<16384xi32, #tpu.memory_space<hbm>> -> memref<480xi32, #tpu.memory_space<hbm>>
    %dma_start3A_27 = arith.constant 32 : i32
    %dma_start3A_28 = tpu.memref_slice %arg8[%dma_start3A_27] : memref<512xi32, #tpu.memory_space<vmem>> -> memref<480xi32, #tpu.memory_space<vmem>>
    %dma_start3A_29 = tpu.memref_slice %arg3[%add3A_17] : memref<16384xi32, #tpu.memory_space<hbm>> -> memref<480xi32, #tpu.memory_space<hbm>>
    tpu.enqueue_dma source(%dma_start3A_29 : memref<480xi32, #tpu.memory_space<hbm>>) target(%dma_start3A_28 : memref<480xi32, #tpu.memory_space<vmem>>) target_semaphore(%arg16 : memref<!tpu.dma_semaphore, #tpu.memory_space<semaphore_mem>>)
    %iota3A = tpu.iota {dimensions = array<i32: 0>} : vector<16xi32>
    %add3A_30 = arith.constant 1 : i32
    %add3A_31 = vector.broadcast %add3A_30 : i32 to vector<16xi32>
    %add3A_32 = arith.addi %iota3A, %add3A_31 : vector<16xi32>
    %and3A = arith.constant 15 : i32
    %and3A_33 = vector.broadcast %and3A : i32 to vector<16xi32>
    %and3A_34 = arith.andi %add3A_32, %and3A_33 : vector<16xi32>
    %add3A_35 = arith.constant 2 : i32
    %add3A_36 = vector.broadcast %add3A_35 : i32 to vector<16xi32>
    %add3A_37 = arith.addi %iota3A, %add3A_36 : vector<16xi32>
    %and3A_38 = arith.constant 15 : i32
    %and3A_39 = vector.broadcast %and3A_38 : i32 to vector<16xi32>
    %and3A_40 = arith.andi %add3A_37, %and3A_39 : vector<16xi32>
    %add3A_41 = arith.constant 4 : i32
    %add3A_42 = vector.broadcast %add3A_41 : i32 to vector<16xi32>
    %add3A_43 = arith.addi %iota3A, %add3A_42 : vector<16xi32>
    %and3A_44 = arith.constant 15 : i32
    %and3A_45 = vector.broadcast %and3A_44 : i32 to vector<16xi32>
    %and3A_46 = arith.andi %add3A_43, %and3A_45 : vector<16xi32>
    %add3A_47 = arith.constant 8 : i32
    %add3A_48 = vector.broadcast %add3A_47 : i32 to vector<16xi32>
    %add3A_49 = arith.addi %iota3A, %add3A_48 : vector<16xi32>
    %and3A_50 = arith.constant 15 : i32
    %and3A_51 = vector.broadcast %and3A_50 : i32 to vector<16xi32>
    %and3A_52 = arith.andi %add3A_49, %and3A_51 : vector<16xi32>
    %add3A_53 = arith.constant 12 : i32
    %add3A_54 = vector.broadcast %add3A_53 : i32 to vector<16xi32>
    %add3A_55 = arith.addi %iota3A, %add3A_54 : vector<16xi32>
    %and3A_56 = arith.constant 15 : i32
    %and3A_57 = vector.broadcast %and3A_56 : i32 to vector<16xi32>
    %and3A_58 = arith.andi %add3A_55, %and3A_57 : vector<16xi32>
    %add3A_59 = arith.constant 14 : i32
    %add3A_60 = vector.broadcast %add3A_59 : i32 to vector<16xi32>
    %add3A_61 = arith.addi %iota3A, %add3A_60 : vector<16xi32>
    %and3A_62 = arith.constant 15 : i32
    %and3A_63 = vector.broadcast %and3A_62 : i32 to vector<16xi32>
    %and3A_64 = arith.andi %add3A_61, %and3A_63 : vector<16xi32>
    %add3A_65 = arith.constant 15 : i32
    %add3A_66 = vector.broadcast %add3A_65 : i32 to vector<16xi32>
    %add3A_67 = arith.addi %iota3A, %add3A_66 : vector<16xi32>
    %and3A_68 = arith.constant 15 : i32
    %and3A_69 = vector.broadcast %and3A_68 : i32 to vector<16xi32>
    %and3A_70 = arith.andi %add3A_67, %and3A_69 : vector<16xi32>
    %and3A_71 = arith.constant 15 : i32
    %and3A_72 = vector.broadcast %and3A_71 : i32 to vector<16xi32>
    %and3A_73 = arith.andi %iota3A, %and3A_72 : vector<16xi32>
    %lt3A = arith.constant 8 : i32
    %lt3A_74 = vector.broadcast %lt3A : i32 to vector<16xi32>
    %lt3A_75 = arith.cmpi slt, %and3A_73, %lt3A_74 : vector<16xi32>
    %and3A_76 = arith.constant 7 : i32
    %and3A_77 = vector.broadcast %and3A_76 : i32 to vector<16xi32>
    %and3A_78 = arith.andi %iota3A, %and3A_77 : vector<16xi32>
    %lt3A_79 = arith.constant 4 : i32
    %lt3A_80 = vector.broadcast %lt3A_79 : i32 to vector<16xi32>
    %lt3A_81 = arith.cmpi slt, %and3A_78, %lt3A_80 : vector<16xi32>
    %and3A_82 = arith.constant 3 : i32
    %and3A_83 = vector.broadcast %and3A_82 : i32 to vector<16xi32>
    %and3A_84 = arith.andi %iota3A, %and3A_83 : vector<16xi32>
    %lt3A_85 = arith.constant 2 : i32
    %lt3A_86 = vector.broadcast %lt3A_85 : i32 to vector<16xi32>
    %lt3A_87 = arith.cmpi slt, %and3A_84, %lt3A_86 : vector<16xi32>
    %and3A_88 = arith.constant 1 : i32
    %and3A_89 = vector.broadcast %and3A_88 : i32 to vector<16xi32>
    %and3A_90 = arith.andi %iota3A, %and3A_89 : vector<16xi32>
    %lt3A_91 = arith.constant 1 : i32
    %lt3A_92 = vector.broadcast %lt3A_91 : i32 to vector<16xi32>
    %lt3A_93 = arith.cmpi slt, %and3A_90, %lt3A_92 : vector<16xi32>
    %dma_wait3A = arith.constant 0 : i32
    %dma_wait3A_94 = tpu.memref_slice %arg7[%dma_wait3A] : memref<512xi32, #tpu.memory_space<vmem>> -> memref<32xi32, #tpu.memory_space<vmem>>
    %dma_wait3A_95 = tpu.memref_slice %arg2[%mul3A_2] : memref<16384xi32, #tpu.memory_space<hbm>> -> memref<32xi32, #tpu.memory_space<hbm>>
    %dma_wait3A_96 = arith.constant 0 : i32
    %dma_wait3A_97 = tpu.memref_slice %arg7[%dma_wait3A_96] : memref<512xi32, #tpu.memory_space<vmem>> -> memref<32xi32, #tpu.memory_space<vmem>>
    %dma_wait3A_98 = tpu.memref_slice %arg2[%mul3A_2] : memref<16384xi32, #tpu.memory_space<hbm>> -> memref<32xi32, #tpu.memory_space<hbm>>
    tpu.wait_dma2 semaphore(%arg13 : memref<!tpu.dma_semaphore, #tpu.memory_space<semaphore_mem>>) src(%dma_wait3A_98 : memref<32xi32, #tpu.memory_space<hbm>>) dst(%dma_wait3A_97 : memref<32xi32, #tpu.memory_space<vmem>>)
    %dma_wait3A_99 = arith.constant 0 : i32
    %dma_wait3A_100 = tpu.memref_slice %arg8[%dma_wait3A_99] : memref<512xi32, #tpu.memory_space<vmem>> -> memref<32xi32, #tpu.memory_space<vmem>>
    %dma_wait3A_101 = tpu.memref_slice %arg3[%mul3A_2] : memref<16384xi32, #tpu.memory_space<hbm>> -> memref<32xi32, #tpu.memory_space<hbm>>
    %dma_wait3A_102 = arith.constant 0 : i32
    %dma_wait3A_103 = tpu.memref_slice %arg8[%dma_wait3A_102] : memref<512xi32, #tpu.memory_space<vmem>> -> memref<32xi32, #tpu.memory_space<vmem>>
    %dma_wait3A_104 = tpu.memref_slice %arg3[%mul3A_2] : memref<16384xi32, #tpu.memory_space<hbm>> -> memref<32xi32, #tpu.memory_space<hbm>>
    tpu.wait_dma2 semaphore(%arg14 : memref<!tpu.dma_semaphore, #tpu.memory_space<semaphore_mem>>) src(%dma_wait3A_104 : memref<32xi32, #tpu.memory_space<hbm>>) dst(%dma_wait3A_103 : memref<32xi32, #tpu.memory_space<vmem>>)
    %dma_start3A_105 = arith.constant 0 : i32
    %dma_start3A_106 = arith.constant 0 : i32
    %dma_start3A_107 = arith.constant 0 : i32
    %dma_start3A_108 = tpu.memref_slice %arg9[%dma_start3A_105, %dma_start3A_106, %dma_start3A_107] : memref<8x32x128xf32, #tpu.memory_space<vmem>> -> memref<1x32x128xf32, #tpu.memory_space<vmem>>
    %dma_start3A_109 = tpu.memref_squeeze %dma_start3A_108 : memref<1x32x128xf32, #tpu.memory_space<vmem>> -> memref<32x128xf32, #tpu.memory_space<vmem>>
    %dma_start3A_110 = arith.constant 0 : i32
    %dma_start3A_111 = tpu.memref_slice %arg7[%dma_start3A_110] : memref<512xi32, #tpu.memory_space<vmem>> -> memref<32xi32, #tpu.memory_space<vmem>>
    %dma_start3A_112 = arith.constant 0 : i32
    %dma_start3A_113 = arith.constant 0 : i32
    %dma_start3A_114 = tpu.memref_slice %arg4[%dma_start3A_112, %dma_start3A_113] : memref<1000000x128xf32, #tpu.memory_space<hbm>> -> memref<1000000x128xf32, #tpu.memory_space<hbm>>
    tpu.enqueue_indirect_dma source(%dma_start3A_114 : memref<1000000x128xf32, #tpu.memory_space<hbm>>) target(%dma_start3A_109 : memref<32x128xf32, #tpu.memory_space<vmem>>) offsets(%dma_start3A_111 : memref<32xi32, #tpu.memory_space<vmem>>) semaphore(%arg13 : memref<!tpu.dma_semaphore, #tpu.memory_space<semaphore_mem>>)
    %dma_start3A_115 = arith.constant 0 : i32
    %dma_start3A_116 = arith.constant 0 : i32
    %dma_start3A_117 = arith.constant 0 : i32
    %dma_start3A_118 = tpu.memref_slice %arg10[%dma_start3A_115, %dma_start3A_116, %dma_start3A_117] : memref<8x32x128xf32, #tpu.memory_space<vmem>> -> memref<1x32x128xf32, #tpu.memory_space<vmem>>
    %dma_start3A_119 = tpu.memref_squeeze %dma_start3A_118 : memref<1x32x128xf32, #tpu.memory_space<vmem>> -> memref<32x128xf32, #tpu.memory_space<vmem>>
    %dma_start3A_120 = arith.constant 0 : i32
    %dma_start3A_121 = tpu.memref_slice %arg8[%dma_start3A_120] : memref<512xi32, #tpu.memory_space<vmem>> -> memref<32xi32, #tpu.memory_space<vmem>>
    %dma_start3A_122 = arith.constant 0 : i32
    %dma_start3A_123 = arith.constant 0 : i32
    %dma_start3A_124 = tpu.memref_slice %arg5[%dma_start3A_122, %dma_start3A_123] : memref<1000000x128xf32, #tpu.memory_space<hbm>> -> memref<1000000x128xf32, #tpu.memory_space<hbm>>
    tpu.enqueue_indirect_dma source(%dma_start3A_124 : memref<1000000x128xf32, #tpu.memory_space<hbm>>) target(%dma_start3A_119 : memref<32x128xf32, #tpu.memory_space<vmem>>) offsets(%dma_start3A_121 : memref<32xi32, #tpu.memory_space<vmem>>) semaphore(%arg14 : memref<!tpu.dma_semaphore, #tpu.memory_space<semaphore_mem>>)
    %dma_wait3A_125 = arith.constant 32 : i32
    %dma_wait3A_126 = tpu.memref_slice %arg7[%dma_wait3A_125] : memref<512xi32, #tpu.memory_space<vmem>> -> memref<480xi32, #tpu.memory_space<vmem>>
    %dma_wait3A_127 = tpu.memref_slice %arg2[%add3A_15] : memref<16384xi32, #tpu.memory_space<hbm>> -> memref<480xi32, #tpu.memory_space<hbm>>
    %dma_wait3A_128 = arith.constant 32 : i32
    %dma_wait3A_129 = tpu.memref_slice %arg7[%dma_wait3A_128] : memref<512xi32, #tpu.memory_space<vmem>> -> memref<480xi32, #tpu.memory_space<vmem>>
    %dma_wait3A_130 = tpu.memref_slice %arg2[%add3A_15] : memref<16384xi32, #tpu.memory_space<hbm>> -> memref<480xi32, #tpu.memory_space<hbm>>
    tpu.wait_dma2 semaphore(%arg15 : memref<!tpu.dma_semaphore, #tpu.memory_space<semaphore_mem>>) src(%dma_wait3A_130 : memref<480xi32, #tpu.memory_space<hbm>>) dst(%dma_wait3A_129 : memref<480xi32, #tpu.memory_space<vmem>>)
    %dma_wait3A_131 = arith.constant 32 : i32
    %dma_wait3A_132 = tpu.memref_slice %arg8[%dma_wait3A_131] : memref<512xi32, #tpu.memory_space<vmem>> -> memref<480xi32, #tpu.memory_space<vmem>>
    %dma_wait3A_133 = tpu.memref_slice %arg3[%add3A_17] : memref<16384xi32, #tpu.memory_space<hbm>> -> memref<480xi32, #tpu.memory_space<hbm>>
    %dma_wait3A_134 = arith.constant 32 : i32
    %dma_wait3A_135 = tpu.memref_slice %arg8[%dma_wait3A_134] : memref<512xi32, #tpu.memory_space<vmem>> -> memref<480xi32, #tpu.memory_space<vmem>>
    %dma_wait3A_136 = tpu.memref_slice %arg3[%add3A_17] : memref<16384xi32, #tpu.memory_space<hbm>> -> memref<480xi32, #tpu.memory_space<hbm>>
    tpu.wait_dma2 semaphore(%arg16 : memref<!tpu.dma_semaphore, #tpu.memory_space<semaphore_mem>>) src(%dma_wait3A_136 : memref<480xi32, #tpu.memory_space<hbm>>) dst(%dma_wait3A_135 : memref<480xi32, #tpu.memory_space<vmem>>)
    %dma_start3A_137 = arith.constant 1 : i32
    %dma_start3A_138 = arith.constant 0 : i32
    %dma_start3A_139 = arith.constant 0 : i32
    %dma_start3A_140 = tpu.memref_slice %arg9[%dma_start3A_137, %dma_start3A_138, %dma_start3A_139] : memref<8x32x128xf32, #tpu.memory_space<vmem>> -> memref<1x32x128xf32, #tpu.memory_space<vmem>>
    %dma_start3A_141 = tpu.memref_squeeze %dma_start3A_140 : memref<1x32x128xf32, #tpu.memory_space<vmem>> -> memref<32x128xf32, #tpu.memory_space<vmem>>
    %dma_start3A_142 = arith.constant 32 : i32
    %dma_start3A_143 = tpu.memref_slice %arg7[%dma_start3A_142] : memref<512xi32, #tpu.memory_space<vmem>> -> memref<32xi32, #tpu.memory_space<vmem>>
    %dma_start3A_144 = arith.constant 0 : i32
    %dma_start3A_145 = arith.constant 0 : i32
    %dma_start3A_146 = tpu.memref_slice %arg4[%dma_start3A_144, %dma_start3A_145] : memref<1000000x128xf32, #tpu.memory_space<hbm>> -> memref<1000000x128xf32, #tpu.memory_space<hbm>>
    tpu.enqueue_indirect_dma source(%dma_start3A_146 : memref<1000000x128xf32, #tpu.memory_space<hbm>>) target(%dma_start3A_141 : memref<32x128xf32, #tpu.memory_space<vmem>>) offsets(%dma_start3A_143 : memref<32xi32, #tpu.memory_space<vmem>>) semaphore(%arg15 : memref<!tpu.dma_semaphore, #tpu.memory_space<semaphore_mem>>)
    %dma_start3A_147 = arith.constant 1 : i32
    %dma_start3A_148 = arith.constant 0 : i32
    %dma_start3A_149 = arith.constant 0 : i32
    %dma_start3A_150 = tpu.memref_slice %arg10[%dma_start3A_147, %dma_start3A_148, %dma_start3A_149] : memref<8x32x128xf32, #tpu.memory_space<vmem>> -> memref<1x32x128xf32, #tpu.memory_space<vmem>>
    %dma_start3A_151 = tpu.memref_squeeze %dma_start3A_150 : memref<1x32x128xf32, #tpu.memory_space<vmem>> -> memref<32x128xf32, #tpu.memory_space<vmem>>
    %dma_start3A_152 = arith.constant 32 : i32
    %dma_start3A_153 = tpu.memref_slice %arg8[%dma_start3A_152] : memref<512xi32, #tpu.memory_space<vmem>> -> memref<32xi32, #tpu.memory_space<vmem>>
    %dma_start3A_154 = arith.constant 0 : i32
    %dma_start3A_155 = arith.constant 0 : i32
    %dma_start3A_156 = tpu.memref_slice %arg5[%dma_start3A_154, %dma_start3A_155] : memref<1000000x128xf32, #tpu.memory_space<hbm>> -> memref<1000000x128xf32, #tpu.memory_space<hbm>>
    tpu.enqueue_indirect_dma source(%dma_start3A_156 : memref<1000000x128xf32, #tpu.memory_space<hbm>>) target(%dma_start3A_151 : memref<32x128xf32, #tpu.memory_space<vmem>>) offsets(%dma_start3A_153 : memref<32xi32, #tpu.memory_space<vmem>>) semaphore(%arg16 : memref<!tpu.dma_semaphore, #tpu.memory_space<semaphore_mem>>)
    %dma_start3A_157 = arith.constant 2 : i32
    %dma_start3A_158 = arith.constant 0 : i32
    %dma_start3A_159 = arith.constant 0 : i32
    %dma_start3A_160 = tpu.memref_slice %arg9[%dma_start3A_157, %dma_start3A_158, %dma_start3A_159] : memref<8x32x128xf32, #tpu.memory_space<vmem>> -> memref<1x32x128xf32, #tpu.memory_space<vmem>>
    %dma_start3A_161 = tpu.memref_squeeze %dma_start3A_160 : memref<1x32x128xf32, #tpu.memory_space<vmem>> -> memref<32x128xf32, #tpu.memory_space<vmem>>
    %dma_start3A_162 = arith.constant 64 : i32
    %dma_start3A_163 = tpu.memref_slice %arg7[%dma_start3A_162] : memref<512xi32, #tpu.memory_space<vmem>> -> memref<32xi32, #tpu.memory_space<vmem>>
    %dma_start3A_164 = arith.constant 0 : i32
    %dma_start3A_165 = arith.constant 0 : i32
    %dma_start3A_166 = tpu.memref_slice %arg4[%dma_start3A_164, %dma_start3A_165] : memref<1000000x128xf32, #tpu.memory_space<hbm>> -> memref<1000000x128xf32, #tpu.memory_space<hbm>>
    tpu.enqueue_indirect_dma source(%dma_start3A_166 : memref<1000000x128xf32, #tpu.memory_space<hbm>>) target(%dma_start3A_161 : memref<32x128xf32, #tpu.memory_space<vmem>>) offsets(%dma_start3A_163 : memref<32xi32, #tpu.memory_space<vmem>>) semaphore(%arg17 : memref<!tpu.dma_semaphore, #tpu.memory_space<semaphore_mem>>)
    %dma_start3A_167 = arith.constant 2 : i32
    %dma_start3A_168 = arith.constant 0 : i32
    %dma_start3A_169 = arith.constant 0 : i32
    %dma_start3A_170 = tpu.memref_slice %arg10[%dma_start3A_167, %dma_start3A_168, %dma_start3A_169] : memref<8x32x128xf32, #tpu.memory_space<vmem>> -> memref<1x32x128xf32, #tpu.memory_space<vmem>>
    %dma_start3A_171 = tpu.memref_squeeze %dma_start3A_170 : memref<1x32x128xf32, #tpu.memory_space<vmem>> -> memref<32x128xf32, #tpu.memory_space<vmem>>
    %dma_start3A_172 = arith.constant 64 : i32
    %dma_start3A_173 = tpu.memref_slice %arg8[%dma_start3A_172] : memref<512xi32, #tpu.memory_space<vmem>> -> memref<32xi32, #tpu.memory_space<vmem>>
    %dma_start3A_174 = arith.constant 0 : i32
    %dma_start3A_175 = arith.constant 0 : i32
    %dma_start3A_176 = tpu.memref_slice %arg5[%dma_start3A_174, %dma_start3A_175] : memref<1000000x128xf32, #tpu.memory_space<hbm>> -> memref<1000000x128xf32, #tpu.memory_space<hbm>>
    tpu.enqueue_indirect_dma source(%dma_start3A_176 : memref<1000000x128xf32, #tpu.memory_space<hbm>>) target(%dma_start3A_171 : memref<32x128xf32, #tpu.memory_space<vmem>>) offsets(%dma_start3A_173 : memref<32xi32, #tpu.memory_space<vmem>>) semaphore(%arg18 : memref<!tpu.dma_semaphore, #tpu.memory_space<semaphore_mem>>)
    %dma_start3A_177 = arith.constant 3 : i32
    %dma_start3A_178 = arith.constant 0 : i32
    %dma_start3A_179 = arith.constant 0 : i32
    %dma_start3A_180 = tpu.memref_slice %arg9[%dma_start3A_177, %dma_start3A_178, %dma_start3A_179] : memref<8x32x128xf32, #tpu.memory_space<vmem>> -> memref<1x32x128xf32, #tpu.memory_space<vmem>>
    %dma_start3A_181 = tpu.memref_squeeze %dma_start3A_180 : memref<1x32x128xf32, #tpu.memory_space<vmem>> -> memref<32x128xf32, #tpu.memory_space<vmem>>
    %dma_start3A_182 = arith.constant 96 : i32
    %dma_start3A_183 = tpu.memref_slice %arg7[%dma_start3A_182] : memref<512xi32, #tpu.memory_space<vmem>> -> memref<32xi32, #tpu.memory_space<vmem>>
    %dma_start3A_184 = arith.constant 0 : i32
    %dma_start3A_185 = arith.constant 0 : i32
    %dma_start3A_186 = tpu.memref_slice %arg4[%dma_start3A_184, %dma_start3A_185] : memref<1000000x128xf32, #tpu.memory_space<hbm>> -> memref<1000000x128xf32, #tpu.memory_space<hbm>>
    tpu.enqueue_indirect_dma source(%dma_start3A_186 : memref<1000000x128xf32, #tpu.memory_space<hbm>>) target(%dma_start3A_181 : memref<32x128xf32, #tpu.memory_space<vmem>>) offsets(%dma_start3A_183 : memref<32xi32, #tpu.memory_space<vmem>>) semaphore(%arg19 : memref<!tpu.dma_semaphore, #tpu.memory_space<semaphore_mem>>)
    %dma_start3A_187 = arith.constant 3 : i32
    %dma_start3A_188 = arith.constant 0 : i32
    %dma_start3A_189 = arith.constant 0 : i32
    %dma_start3A_190 = tpu.memref_slice %arg10[%dma_start3A_187, %dma_start3A_188, %dma_start3A_189] : memref<8x32x128xf32, #tpu.memory_space<vmem>> -> memref<1x32x128xf32, #tpu.memory_space<vmem>>
    %dma_start3A_191 = tpu.memref_squeeze %dma_start3A_190 : memref<1x32x128xf32, #tpu.memory_space<vmem>> -> memref<32x128xf32, #tpu.memory_space<vmem>>
    %dma_start3A_192 = arith.constant 96 : i32
    %dma_start3A_193 = tpu.memref_slice %arg8[%dma_start3A_192] : memref<512xi32, #tpu.memory_space<vmem>> -> memref<32xi32, #tpu.memory_space<vmem>>
    %dma_start3A_194 = arith.constant 0 : i32
    %dma_start3A_195 = arith.constant 0 : i32
    %dma_start3A_196 = tpu.memref_slice %arg5[%dma_start3A_194, %dma_start3A_195] : memref<1000000x128xf32, #tpu.memory_space<hbm>> -> memref<1000000x128xf32, #tpu.memory_space<hbm>>
    tpu.enqueue_indirect_dma source(%dma_start3A_196 : memref<1000000x128xf32, #tpu.memory_space<hbm>>) target(%dma_start3A_191 : memref<32x128xf32, #tpu.memory_space<vmem>>) offsets(%dma_start3A_193 : memref<32xi32, #tpu.memory_space<vmem>>) semaphore(%arg20 : memref<!tpu.dma_semaphore, #tpu.memory_space<semaphore_mem>>)
    %dma_start3A_197 = arith.constant 4 : i32
    %dma_start3A_198 = arith.constant 0 : i32
    %dma_start3A_199 = arith.constant 0 : i32
    %dma_start3A_200 = tpu.memref_slice %arg9[%dma_start3A_197, %dma_start3A_198, %dma_start3A_199] : memref<8x32x128xf32, #tpu.memory_space<vmem>> -> memref<1x32x128xf32, #tpu.memory_space<vmem>>
    %dma_start3A_201 = tpu.memref_squeeze %dma_start3A_200 : memref<1x32x128xf32, #tpu.memory_space<vmem>> -> memref<32x128xf32, #tpu.memory_space<vmem>>
    %dma_start3A_202 = arith.constant 128 : i32
    %dma_start3A_203 = tpu.memref_slice %arg7[%dma_start3A_202] : memref<512xi32, #tpu.memory_space<vmem>> -> memref<32xi32, #tpu.memory_space<vmem>>
    %dma_start3A_204 = arith.constant 0 : i32
    %dma_start3A_205 = arith.constant 0 : i32
    %dma_start3A_206 = tpu.memref_slice %arg4[%dma_start3A_204, %dma_start3A_205] : memref<1000000x128xf32, #tpu.memory_space<hbm>> -> memref<1000000x128xf32, #tpu.memory_space<hbm>>
    tpu.enqueue_indirect_dma source(%dma_start3A_206 : memref<1000000x128xf32, #tpu.memory_space<hbm>>) target(%dma_start3A_201 : memref<32x128xf32, #tpu.memory_space<vmem>>) offsets(%dma_start3A_203 : memref<32xi32, #tpu.memory_space<vmem>>) semaphore(%arg21 : memref<!tpu.dma_semaphore, #tpu.memory_space<semaphore_mem>>)
    %dma_start3A_207 = arith.constant 4 : i32
    %dma_start3A_208 = arith.constant 0 : i32
    %dma_start3A_209 = arith.constant 0 : i32
    %dma_start3A_210 = tpu.memref_slice %arg10[%dma_start3A_207, %dma_start3A_208, %dma_start3A_209] : memref<8x32x128xf32, #tpu.memory_space<vmem>> -> memref<1x32x128xf32, #tpu.memory_space<vmem>>
    %dma_start3A_211 = tpu.memref_squeeze %dma_start3A_210 : memref<1x32x128xf32, #tpu.memory_space<vmem>> -> memref<32x128xf32, #tpu.memory_space<vmem>>
    %dma_start3A_212 = arith.constant 128 : i32
    %dma_start3A_213 = tpu.memref_slice %arg8[%dma_start3A_212] : memref<512xi32, #tpu.memory_space<vmem>> -> memref<32xi32, #tpu.memory_space<vmem>>
    %dma_start3A_214 = arith.constant 0 : i32
    %dma_start3A_215 = arith.constant 0 : i32
    %dma_start3A_216 = tpu.memref_slice %arg5[%dma_start3A_214, %dma_start3A_215] : memref<1000000x128xf32, #tpu.memory_space<hbm>> -> memref<1000000x128xf32, #tpu.memory_space<hbm>>
    tpu.enqueue_indirect_dma source(%dma_start3A_216 : memref<1000000x128xf32, #tpu.memory_space<hbm>>) target(%dma_start3A_211 : memref<32x128xf32, #tpu.memory_space<vmem>>) offsets(%dma_start3A_213 : memref<32xi32, #tpu.memory_space<vmem>>) semaphore(%arg22 : memref<!tpu.dma_semaphore, #tpu.memory_space<semaphore_mem>>)
    %dma_start3A_217 = arith.constant 5 : i32
    %dma_start3A_218 = arith.constant 0 : i32
    %dma_start3A_219 = arith.constant 0 : i32
    %dma_start3A_220 = tpu.memref_slice %arg9[%dma_start3A_217, %dma_start3A_218, %dma_start3A_219] : memref<8x32x128xf32, #tpu.memory_space<vmem>> -> memref<1x32x128xf32, #tpu.memory_space<vmem>>
    %dma_start3A_221 = tpu.memref_squeeze %dma_start3A_220 : memref<1x32x128xf32, #tpu.memory_space<vmem>> -> memref<32x128xf32, #tpu.memory_space<vmem>>
    %dma_start3A_222 = arith.constant 160 : i32
    %dma_start3A_223 = tpu.memref_slice %arg7[%dma_start3A_222] : memref<512xi32, #tpu.memory_space<vmem>> -> memref<32xi32, #tpu.memory_space<vmem>>
    %dma_start3A_224 = arith.constant 0 : i32
    %dma_start3A_225 = arith.constant 0 : i32
    %dma_start3A_226 = tpu.memref_slice %arg4[%dma_start3A_224, %dma_start3A_225] : memref<1000000x128xf32, #tpu.memory_space<hbm>> -> memref<1000000x128xf32, #tpu.memory_space<hbm>>
    tpu.enqueue_indirect_dma source(%dma_start3A_226 : memref<1000000x128xf32, #tpu.memory_space<hbm>>) target(%dma_start3A_221 : memref<32x128xf32, #tpu.memory_space<vmem>>) offsets(%dma_start3A_223 : memref<32xi32, #tpu.memory_space<vmem>>) semaphore(%arg23 : memref<!tpu.dma_semaphore, #tpu.memory_space<semaphore_mem>>)
    %dma_start3A_227 = arith.constant 5 : i32
    %dma_start3A_228 = arith.constant 0 : i32
    %dma_start3A_229 = arith.constant 0 : i32
    %dma_start3A_230 = tpu.memref_slice %arg10[%dma_start3A_227, %dma_start3A_228, %dma_start3A_229] : memref<8x32x128xf32, #tpu.memory_space<vmem>> -> memref<1x32x128xf32, #tpu.memory_space<vmem>>
    %dma_start3A_231 = tpu.memref_squeeze %dma_start3A_230 : memref<1x32x128xf32, #tpu.memory_space<vmem>> -> memref<32x128xf32, #tpu.memory_space<vmem>>
    %dma_start3A_232 = arith.constant 160 : i32
    %dma_start3A_233 = tpu.memref_slice %arg8[%dma_start3A_232] : memref<512xi32, #tpu.memory_space<vmem>> -> memref<32xi32, #tpu.memory_space<vmem>>
    %dma_start3A_234 = arith.constant 0 : i32
    %dma_start3A_235 = arith.constant 0 : i32
    %dma_start3A_236 = tpu.memref_slice %arg5[%dma_start3A_234, %dma_start3A_235] : memref<1000000x128xf32, #tpu.memory_space<hbm>> -> memref<1000000x128xf32, #tpu.memory_space<hbm>>
    tpu.enqueue_indirect_dma source(%dma_start3A_236 : memref<1000000x128xf32, #tpu.memory_space<hbm>>) target(%dma_start3A_231 : memref<32x128xf32, #tpu.memory_space<vmem>>) offsets(%dma_start3A_233 : memref<32xi32, #tpu.memory_space<vmem>>) semaphore(%arg24 : memref<!tpu.dma_semaphore, #tpu.memory_space<semaphore_mem>>)
    %dma_start3A_237 = arith.constant 6 : i32
    %dma_start3A_238 = arith.constant 0 : i32
    %dma_start3A_239 = arith.constant 0 : i32
    %dma_start3A_240 = tpu.memref_slice %arg9[%dma_start3A_237, %dma_start3A_238, %dma_start3A_239] : memref<8x32x128xf32, #tpu.memory_space<vmem>> -> memref<1x32x128xf32, #tpu.memory_space<vmem>>
    %dma_start3A_241 = tpu.memref_squeeze %dma_start3A_240 : memref<1x32x128xf32, #tpu.memory_space<vmem>> -> memref<32x128xf32, #tpu.memory_space<vmem>>
    %dma_start3A_242 = arith.constant 192 : i32
    %dma_start3A_243 = tpu.memref_slice %arg7[%dma_start3A_242] : memref<512xi32, #tpu.memory_space<vmem>> -> memref<32xi32, #tpu.memory_space<vmem>>
    %dma_start3A_244 = arith.constant 0 : i32
    %dma_start3A_245 = arith.constant 0 : i32
    %dma_start3A_246 = tpu.memref_slice %arg4[%dma_start3A_244, %dma_start3A_245] : memref<1000000x128xf32, #tpu.memory_space<hbm>> -> memref<1000000x128xf32, #tpu.memory_space<hbm>>
    tpu.enqueue_indirect_dma source(%dma_start3A_246 : memref<1000000x128xf32, #tpu.memory_space<hbm>>) target(%dma_start3A_241 : memref<32x128xf32, #tpu.memory_space<vmem>>) offsets(%dma_start3A_243 : memref<32xi32, #tpu.memory_space<vmem>>) semaphore(%arg25 : memref<!tpu.dma_semaphore, #tpu.memory_space<semaphore_mem>>)
    %dma_start3A_247 = arith.constant 6 : i32
    %dma_start3A_248 = arith.constant 0 : i32
    %dma_start3A_249 = arith.constant 0 : i32
    %dma_start3A_250 = tpu.memref_slice %arg10[%dma_start3A_247, %dma_start3A_248, %dma_start3A_249] : memref<8x32x128xf32, #tpu.memory_space<vmem>> -> memref<1x32x128xf32, #tpu.memory_space<vmem>>
    %dma_start3A_251 = tpu.memref_squeeze %dma_start3A_250 : memref<1x32x128xf32, #tpu.memory_space<vmem>> -> memref<32x128xf32, #tpu.memory_space<vmem>>
    %dma_start3A_252 = arith.constant 192 : i32
    %dma_start3A_253 = tpu.memref_slice %arg8[%dma_start3A_252] : memref<512xi32, #tpu.memory_space<vmem>> -> memref<32xi32, #tpu.memory_space<vmem>>
    %dma_start3A_254 = arith.constant 0 : i32
    %dma_start3A_255 = arith.constant 0 : i32
    %dma_start3A_256 = tpu.memref_slice %arg5[%dma_start3A_254, %dma_start3A_255] : memref<1000000x128xf32, #tpu.memory_space<hbm>> -> memref<1000000x128xf32, #tpu.memory_space<hbm>>
    tpu.enqueue_indirect_dma source(%dma_start3A_256 : memref<1000000x128xf32, #tpu.memory_space<hbm>>) target(%dma_start3A_251 : memref<32x128xf32, #tpu.memory_space<vmem>>) offsets(%dma_start3A_253 : memref<32xi32, #tpu.memory_space<vmem>>) semaphore(%arg26 : memref<!tpu.dma_semaphore, #tpu.memory_space<semaphore_mem>>)
    %dma_start3A_257 = arith.constant 7 : i32
    %dma_start3A_258 = arith.constant 0 : i32
    %dma_start3A_259 = arith.constant 0 : i32
    %dma_start3A_260 = tpu.memref_slice %arg9[%dma_start3A_257, %dma_start3A_258, %dma_start3A_259] : memref<8x32x128xf32, #tpu.memory_space<vmem>> -> memref<1x32x128xf32, #tpu.memory_space<vmem>>
    %dma_start3A_261 = tpu.memref_squeeze %dma_start3A_260 : memref<1x32x128xf32, #tpu.memory_space<vmem>> -> memref<32x128xf32, #tpu.memory_space<vmem>>
    %dma_start3A_262 = arith.constant 224 : i32
    %dma_start3A_263 = tpu.memref_slice %arg7[%dma_start3A_262] : memref<512xi32, #tpu.memory_space<vmem>> -> memref<32xi32, #tpu.memory_space<vmem>>
    %dma_start3A_264 = arith.constant 0 : i32
    %dma_start3A_265 = arith.constant 0 : i32
    %dma_start3A_266 = tpu.memref_slice %arg4[%dma_start3A_264, %dma_start3A_265] : memref<1000000x128xf32, #tpu.memory_space<hbm>> -> memref<1000000x128xf32, #tpu.memory_space<hbm>>
    tpu.enqueue_indirect_dma source(%dma_start3A_266 : memref<1000000x128xf32, #tpu.memory_space<hbm>>) target(%dma_start3A_261 : memref<32x128xf32, #tpu.memory_space<vmem>>) offsets(%dma_start3A_263 : memref<32xi32, #tpu.memory_space<vmem>>) semaphore(%arg27 : memref<!tpu.dma_semaphore, #tpu.memory_space<semaphore_mem>>)
    %dma_start3A_267 = arith.constant 7 : i32
    %dma_start3A_268 = arith.constant 0 : i32
    %dma_start3A_269 = arith.constant 0 : i32
    %dma_start3A_270 = tpu.memref_slice %arg10[%dma_start3A_267, %dma_start3A_268, %dma_start3A_269] : memref<8x32x128xf32, #tpu.memory_space<vmem>> -> memref<1x32x128xf32, #tpu.memory_space<vmem>>
    %dma_start3A_271 = tpu.memref_squeeze %dma_start3A_270 : memref<1x32x128xf32, #tpu.memory_space<vmem>> -> memref<32x128xf32, #tpu.memory_space<vmem>>
    %dma_start3A_272 = arith.constant 224 : i32
    %dma_start3A_273 = tpu.memref_slice %arg8[%dma_start3A_272] : memref<512xi32, #tpu.memory_space<vmem>> -> memref<32xi32, #tpu.memory_space<vmem>>
    %dma_start3A_274 = arith.constant 0 : i32
    %dma_start3A_275 = arith.constant 0 : i32
    %dma_start3A_276 = tpu.memref_slice %arg5[%dma_start3A_274, %dma_start3A_275] : memref<1000000x128xf32, #tpu.memory_space<hbm>> -> memref<1000000x128xf32, #tpu.memory_space<hbm>>
    tpu.enqueue_indirect_dma source(%dma_start3A_276 : memref<1000000x128xf32, #tpu.memory_space<hbm>>) target(%dma_start3A_271 : memref<32x128xf32, #tpu.memory_space<vmem>>) offsets(%dma_start3A_273 : memref<32xi32, #tpu.memory_space<vmem>>) semaphore(%arg28 : memref<!tpu.dma_semaphore, #tpu.memory_space<semaphore_mem>>)
    %scan3A = arith.constant 0 : i32
    %scan3A_277 = arith.constant 2 : i32
    %scan3A_278 = arith.addi %scan3A, %scan3A_277 : i32
    %scan3A_279 = arith.constant 1 : i32
    scf.for %scan3A_409 = %scan3A to %scan3A_278 step %scan3A_279  : i32 {
      %mul3A_410 = arith.constant 1 : i32
      %mul3A_411 = arith.muli %scan3A_409, %mul3A_410 : i32
      %add3A_412 = arith.constant 0 : i32
      %add3A_413 = arith.addi %add3A_412, %mul3A_411 : i32
      %mul3A_414 = arith.constant 8 : i32
      %mul3A_415 = arith.muli %mul3A_414, %add3A_413 : i32
      %add3A_416 = arith.constant 0 : i32
      %add3A_417 = arith.addi %mul3A_415, %add3A_416 : i32
      %dma_wait3A_418 = arith.constant 0 : i32
      %dma_wait3A_419 = arith.constant 0 : i32
      %dma_wait3A_420 = arith.constant 0 : i32
      %dma_wait3A_421 = tpu.memref_slice %arg9[%dma_wait3A_418, %dma_wait3A_419, %dma_wait3A_420] : memref<8x32x128xf32, #tpu.memory_space<vmem>> -> memref<1x32x128xf32, #tpu.memory_space<vmem>>
      %dma_wait3A_422 = tpu.memref_squeeze %dma_wait3A_421 : memref<1x32x128xf32, #tpu.memory_space<vmem>> -> memref<32x128xf32, #tpu.memory_space<vmem>>
      %dma_wait3A_423 = arith.constant 0 : i32
      %dma_wait3A_424 = tpu.memref_slice %arg7[%dma_wait3A_423] : memref<512xi32, #tpu.memory_space<vmem>> -> memref<32xi32, #tpu.memory_space<vmem>>
      %dma_wait3A_425 = arith.constant 0 : i32
      %dma_wait3A_426 = arith.constant 0 : i32
      %dma_wait3A_427 = tpu.memref_slice %arg4[%dma_wait3A_425, %dma_wait3A_426] : memref<1000000x128xf32, #tpu.memory_space<hbm>> -> memref<1000000x128xf32, #tpu.memory_space<hbm>>
      tpu.wait_indirect_dma semaphore(%arg13 : memref<!tpu.dma_semaphore, #tpu.memory_space<semaphore_mem>>) src(%dma_wait3A_427 : memref<1000000x128xf32, #tpu.memory_space<hbm>>) dst(%dma_wait3A_422 : memref<32x128xf32, #tpu.memory_space<vmem>>)
      %dma_wait3A_428 = arith.constant 0 : i32
      %dma_wait3A_429 = arith.constant 0 : i32
      %dma_wait3A_430 = arith.constant 0 : i32
      %dma_wait3A_431 = tpu.memref_slice %arg10[%dma_wait3A_428, %dma_wait3A_429, %dma_wait3A_430] : memref<8x32x128xf32, #tpu.memory_space<vmem>> -> memref<1x32x128xf32, #tpu.memory_space<vmem>>
      %dma_wait3A_432 = tpu.memref_squeeze %dma_wait3A_431 : memref<1x32x128xf32, #tpu.memory_space<vmem>> -> memref<32x128xf32, #tpu.memory_space<vmem>>
      %dma_wait3A_433 = arith.constant 0 : i32
      %dma_wait3A_434 = tpu.memref_slice %arg8[%dma_wait3A_433] : memref<512xi32, #tpu.memory_space<vmem>> -> memref<32xi32, #tpu.memory_space<vmem>>
      %dma_wait3A_435 = arith.constant 0 : i32
      %dma_wait3A_436 = arith.constant 0 : i32
      %dma_wait3A_437 = tpu.memref_slice %arg5[%dma_wait3A_435, %dma_wait3A_436] : memref<1000000x128xf32, #tpu.memory_space<hbm>> -> memref<1000000x128xf32, #tpu.memory_space<hbm>>
      tpu.wait_indirect_dma semaphore(%arg14 : memref<!tpu.dma_semaphore, #tpu.memory_space<semaphore_mem>>) src(%dma_wait3A_437 : memref<1000000x128xf32, #tpu.memory_space<hbm>>) dst(%dma_wait3A_432 : memref<32x128xf32, #tpu.memory_space<vmem>>)
      %parallel_loop3A = arith.constant 0 : i32
      %parallel_loop3A_438 = arith.constant 32 : i32
      %parallel_loop3A_439 = arith.constant 1 : i32
      scf.for %parallel_loop3A_795 = %parallel_loop3A to %parallel_loop3A_438 step %parallel_loop3A_439  : i32 {
        %parallel_loop3A_796 = arith.constant 0 : i32
        %parallel_loop3A_797 = arith.index_cast %parallel_loop3A_796 : i32 to index
        %parallel_loop3A_798 = arith.index_cast %parallel_loop3A_795 : i32 to index
        %parallel_loop3A_799 = arith.constant 0 : index
        %parallel_loop3A_800 = tpu.vector_load %arg9[%parallel_loop3A_797, %parallel_loop3A_798, %parallel_loop3A_799] {strides = array<i32>} : memref<8x32x128xf32, #tpu.memory_space<vmem>>, vector<16xf32>,
        %parallel_loop3A_801 = arith.constant 0 : i32
        %parallel_loop3A_802 = arith.index_cast %parallel_loop3A_801 : i32 to index
        %parallel_loop3A_803 = arith.index_cast %parallel_loop3A_795 : i32 to index
        %parallel_loop3A_804 = arith.constant 0 : index
        %parallel_loop3A_805 = tpu.vector_load %arg10[%parallel_loop3A_802, %parallel_loop3A_803, %parallel_loop3A_804] {strides = array<i32>} : memref<8x32x128xf32, #tpu.memory_space<vmem>>, vector<16xf32>,
        %parallel_loop3A_806 = arith.mulf %parallel_loop3A_800, %parallel_loop3A_805 : vector<16xf32>
        %parallel_loop3A_807 = arith.constant 0 : i32
        %parallel_loop3A_808 = arith.index_cast %parallel_loop3A_807 : i32 to index
        %parallel_loop3A_809 = arith.index_cast %parallel_loop3A_795 : i32 to index
        %parallel_loop3A_810 = arith.constant 16 : index
        %parallel_loop3A_811 = tpu.vector_load %arg9[%parallel_loop3A_808, %parallel_loop3A_809, %parallel_loop3A_810] {strides = array<i32>} : memref<8x32x128xf32, #tpu.memory_space<vmem>>, vector<16xf32>,
        %parallel_loop3A_812 = arith.constant 0 : i32
        %parallel_loop3A_813 = arith.index_cast %parallel_loop3A_812 : i32 to index
        %parallel_loop3A_814 = arith.index_cast %parallel_loop3A_795 : i32 to index
        %parallel_loop3A_815 = arith.constant 16 : index
        %parallel_loop3A_816 = tpu.vector_load %arg10[%parallel_loop3A_813, %parallel_loop3A_814, %parallel_loop3A_815] {strides = array<i32>} : memref<8x32x128xf32, #tpu.memory_space<vmem>>, vector<16xf32>,
        %parallel_loop3A_817 = arith.mulf %parallel_loop3A_811, %parallel_loop3A_816 : vector<16xf32>
        %parallel_loop3A_818 = arith.addf %parallel_loop3A_806, %parallel_loop3A_817 : vector<16xf32>
        %parallel_loop3A_819 = arith.constant 0 : i32
        %parallel_loop3A_820 = arith.index_cast %parallel_loop3A_819 : i32 to index
        %parallel_loop3A_821 = arith.index_cast %parallel_loop3A_795 : i32 to index
        %parallel_loop3A_822 = arith.constant 32 : index
        %parallel_loop3A_823 = tpu.vector_load %arg9[%parallel_loop3A_820, %parallel_loop3A_821, %parallel_loop3A_822] {strides = array<i32>} : memref<8x32x128xf32, #tpu.memory_space<vmem>>, vector<16xf32>,
        %parallel_loop3A_824 = arith.constant 0 : i32
        %parallel_loop3A_825 = arith.index_cast %parallel_loop3A_824 : i32 to index
        %parallel_loop3A_826 = arith.index_cast %parallel_loop3A_795 : i32 to index
        %parallel_loop3A_827 = arith.constant 32 : index
        %parallel_loop3A_828 = tpu.vector_load %arg10[%parallel_loop3A_825, %parallel_loop3A_826, %parallel_loop3A_827] {strides = array<i32>} : memref<8x32x128xf32, #tpu.memory_space<vmem>>, vector<16xf32>,
        %parallel_loop3A_829 = arith.mulf %parallel_loop3A_823, %parallel_loop3A_828 : vector<16xf32>
        %parallel_loop3A_830 = arith.addf %parallel_loop3A_818, %parallel_loop3A_829 : vector<16xf32>
        %parallel_loop3A_831 = arith.constant 0 : i32
        %parallel_loop3A_832 = arith.index_cast %parallel_loop3A_831 : i32 to index
        %parallel_loop3A_833 = arith.index_cast %parallel_loop3A_795 : i32 to index
        %parallel_loop3A_834 = arith.constant 48 : index
        %parallel_loop3A_835 = tpu.vector_load %arg9[%parallel_loop3A_832, %parallel_loop3A_833, %parallel_loop3A_834] {strides = array<i32>} : memref<8x32x128xf32, #tpu.memory_space<vmem>>, vector<16xf32>,
        %parallel_loop3A_836 = arith.constant 0 : i32
        %parallel_loop3A_837 = arith.index_cast %parallel_loop3A_836 : i32 to index
        %parallel_loop3A_838 = arith.index_cast %parallel_loop3A_795 : i32 to index
        %parallel_loop3A_839 = arith.constant 48 : index
        %parallel_loop3A_840 = tpu.vector_load %arg10[%parallel_loop3A_837, %parallel_loop3A_838, %parallel_loop3A_839] {strides = array<i32>} : memref<8x32x128xf32, #tpu.memory_space<vmem>>, vector<16xf32>,
        %parallel_loop3A_841 = arith.mulf %parallel_loop3A_835, %parallel_loop3A_840 : vector<16xf32>
        %parallel_loop3A_842 = arith.addf %parallel_loop3A_830, %parallel_loop3A_841 : vector<16xf32>
        %parallel_loop3A_843 = arith.constant 0 : i32
        %parallel_loop3A_844 = arith.index_cast %parallel_loop3A_843 : i32 to index
        %parallel_loop3A_845 = arith.index_cast %parallel_loop3A_795 : i32 to index
        %parallel_loop3A_846 = arith.constant 64 : index
        %parallel_loop3A_847 = tpu.vector_load %arg9[%parallel_loop3A_844, %parallel_loop3A_845, %parallel_loop3A_846] {strides = array<i32>} : memref<8x32x128xf32, #tpu.memory_space<vmem>>, vector<16xf32>,
        %parallel_loop3A_848 = arith.constant 0 : i32
        %parallel_loop3A_849 = arith.index_cast %parallel_loop3A_848 : i32 to index
        %parallel_loop3A_850 = arith.index_cast %parallel_loop3A_795 : i32 to index
        %parallel_loop3A_851 = arith.constant 64 : index
        %parallel_loop3A_852 = tpu.vector_load %arg10[%parallel_loop3A_849, %parallel_loop3A_850, %parallel_loop3A_851] {strides = array<i32>} : memref<8x32x128xf32, #tpu.memory_space<vmem>>, vector<16xf32>,
        %parallel_loop3A_853 = arith.mulf %parallel_loop3A_847, %parallel_loop3A_852 : vector<16xf32>
        %parallel_loop3A_854 = arith.addf %parallel_loop3A_842, %parallel_loop3A_853 : vector<16xf32>
        %parallel_loop3A_855 = arith.constant 0 : i32
        %parallel_loop3A_856 = arith.index_cast %parallel_loop3A_855 : i32 to index
        %parallel_loop3A_857 = arith.index_cast %parallel_loop3A_795 : i32 to index
        %parallel_loop3A_858 = arith.constant 80 : index
        %parallel_loop3A_859 = tpu.vector_load %arg9[%parallel_loop3A_856, %parallel_loop3A_857, %parallel_loop3A_858] {strides = array<i32>} : memref<8x32x128xf32, #tpu.memory_space<vmem>>, vector<16xf32>,
        %parallel_loop3A_860 = arith.constant 0 : i32
        %parallel_loop3A_861 = arith.index_cast %parallel_loop3A_860 : i32 to index
        %parallel_loop3A_862 = arith.index_cast %parallel_loop3A_795 : i32 to index
        %parallel_loop3A_863 = arith.constant 80 : index
        %parallel_loop3A_864 = tpu.vector_load %arg10[%parallel_loop3A_861, %parallel_loop3A_862, %parallel_loop3A_863] {strides = array<i32>} : memref<8x32x128xf32, #tpu.memory_space<vmem>>, vector<16xf32>,
        %parallel_loop3A_865 = arith.mulf %parallel_loop3A_859, %parallel_loop3A_864 : vector<16xf32>
        %parallel_loop3A_866 = arith.addf %parallel_loop3A_854, %parallel_loop3A_865 : vector<16xf32>
        %parallel_loop3A_867 = arith.constant 0 : i32
        %parallel_loop3A_868 = arith.index_cast %parallel_loop3A_867 : i32 to index
        %parallel_loop3A_869 = arith.index_cast %parallel_loop3A_795 : i32 to index
        %parallel_loop3A_870 = arith.constant 96 : index
        %parallel_loop3A_871 = tpu.vector_load %arg9[%parallel_loop3A_868, %parallel_loop3A_869, %parallel_loop3A_870] {strides = array<i32>} : memref<8x32x128xf32, #tpu.memory_space<vmem>>, vector<16xf32>,
        %parallel_loop3A_872 = arith.constant 0 : i32
        %parallel_loop3A_873 = arith.index_cast %parallel_loop3A_872 : i32 to index
        %parallel_loop3A_874 = arith.index_cast %parallel_loop3A_795 : i32 to index
        %parallel_loop3A_875 = arith.constant 96 : index
        %parallel_loop3A_876 = tpu.vector_load %arg10[%parallel_loop3A_873, %parallel_loop3A_874, %parallel_loop3A_875] {strides = array<i32>} : memref<8x32x128xf32, #tpu.memory_space<vmem>>, vector<16xf32>,
        %parallel_loop3A_877 = arith.mulf %parallel_loop3A_871, %parallel_loop3A_876 : vector<16xf32>
        %parallel_loop3A_878 = arith.addf %parallel_loop3A_866, %parallel_loop3A_877 : vector<16xf32>
        %parallel_loop3A_879 = arith.constant 0 : i32
        %parallel_loop3A_880 = arith.index_cast %parallel_loop3A_879 : i32 to index
        %parallel_loop3A_881 = arith.index_cast %parallel_loop3A_795 : i32 to index
        %parallel_loop3A_882 = arith.constant 112 : index
        %parallel_loop3A_883 = tpu.vector_load %arg9[%parallel_loop3A_880, %parallel_loop3A_881, %parallel_loop3A_882] {strides = array<i32>} : memref<8x32x128xf32, #tpu.memory_space<vmem>>, vector<16xf32>,
        %parallel_loop3A_884 = arith.constant 0 : i32
        %parallel_loop3A_885 = arith.index_cast %parallel_loop3A_884 : i32 to index
        %parallel_loop3A_886 = arith.index_cast %parallel_loop3A_795 : i32 to index
        %parallel_loop3A_887 = arith.constant 112 : index
        %parallel_loop3A_888 = tpu.vector_load %arg10[%parallel_loop3A_885, %parallel_loop3A_886, %parallel_loop3A_887] {strides = array<i32>} : memref<8x32x128xf32, #tpu.memory_space<vmem>>, vector<16xf32>,
        %parallel_loop3A_889 = arith.mulf %parallel_loop3A_883, %parallel_loop3A_888 : vector<16xf32>
        %parallel_loop3A_890 = arith.addf %parallel_loop3A_878, %parallel_loop3A_889 : vector<16xf32>
        %parallel_loop3A_891 = arith.index_cast %parallel_loop3A_795 : i32 to index
        %parallel_loop3A_892 = arith.constant 0 : index
        %parallel_loop3A_893 = tpu.vector_load %arg12[%parallel_loop3A_891, %parallel_loop3A_892] {strides = array<i32>} : memref<32x16xf32, #tpu.memory_space<vmem>>, vector<16xf32>,
        tpu.vector_store %arg12[%parallel_loop3A_891, %parallel_loop3A_892], %parallel_loop3A_890 {strides = array<i32>} : memref<32x16xf32, #tpu.memory_space<vmem>>, vector<16xf32>,
      } {sc.loop_unroll_factor = 1 : i64, sc.parallel_access}
      %parallel_loop3A_440 = arith.constant 0 : i32
      %parallel_loop3A_441 = arith.constant 2 : i32
      %parallel_loop3A_442 = arith.constant 1 : i32
      scf.for %parallel_loop3A_795 = %parallel_loop3A_440 to %parallel_loop3A_441 step %parallel_loop3A_442  : i32 {
        %parallel_loop3A_796 = arith.constant 16 : i32
        %parallel_loop3A_797 = arith.muli %parallel_loop3A_795, %parallel_loop3A_796 : i32
        %parallel_loop3A_798 = arith.constant 0 : i32
        %parallel_loop3A_799 = arith.addi %parallel_loop3A_797, %parallel_loop3A_798 : i32
        %parallel_loop3A_800 = arith.index_cast %parallel_loop3A_799 : i32 to index
        %parallel_loop3A_801 = arith.constant 0 : index
        %parallel_loop3A_802 = tpu.vector_load %arg12[%parallel_loop3A_800, %parallel_loop3A_801] {strides = array<i32>} : memref<32x16xf32, #tpu.memory_space<vmem>>, vector<16xf32>,
        %parallel_loop3A_803 = arith.constant 16 : i32
        %parallel_loop3A_804 = arith.muli %parallel_loop3A_795, %parallel_loop3A_803 : i32
        %parallel_loop3A_805 = arith.constant 8 : i32
        %parallel_loop3A_806 = arith.addi %parallel_loop3A_804, %parallel_loop3A_805 : i32
        %parallel_loop3A_807 = arith.index_cast %parallel_loop3A_806 : i32 to index
        %parallel_loop3A_808 = arith.constant 0 : index
        %parallel_loop3A_809 = tpu.vector_load %arg12[%parallel_loop3A_807, %parallel_loop3A_808] {strides = array<i32>} : memref<32x16xf32, #tpu.memory_space<vmem>>, vector<16xf32>,
        %parallel_loop3A_810 = vector.shape_cast %and3A_52 : vector<16xi32> to vector<16x1xi32>
        %parallel_loop3A_811 = vector.shape_cast %parallel_loop3A_810 : vector<16x1xi32> to vector<16xi32>
        %parallel_loop3A_812 = tpu.dynamic_gather %parallel_loop3A_802[%parallel_loop3A_811] in [0] : vector<16xf32>, vector<16xi32> -> vector<16xf32>
        %parallel_loop3A_813 = arith.addf %parallel_loop3A_802, %parallel_loop3A_812 : vector<16xf32>
        %parallel_loop3A_814 = vector.shape_cast %and3A_52 : vector<16xi32> to vector<16x1xi32>
        %parallel_loop3A_815 = vector.shape_cast %parallel_loop3A_814 : vector<16x1xi32> to vector<16xi32>
        %parallel_loop3A_816 = tpu.dynamic_gather %parallel_loop3A_809[%parallel_loop3A_815] in [0] : vector<16xf32>, vector<16xi32> -> vector<16xf32>
        %parallel_loop3A_817 = arith.addf %parallel_loop3A_809, %parallel_loop3A_816 : vector<16xf32>
        %parallel_loop3A_818 = arith.select %lt3A_75, %parallel_loop3A_813, %parallel_loop3A_817 : vector<16xi1>, vector<16xf32>
        %parallel_loop3A_819 = arith.constant 16 : i32
        %parallel_loop3A_820 = arith.muli %parallel_loop3A_795, %parallel_loop3A_819 : i32
        %parallel_loop3A_821 = arith.constant 4 : i32
        %parallel_loop3A_822 = arith.addi %parallel_loop3A_820, %parallel_loop3A_821 : i32
        %parallel_loop3A_823 = arith.index_cast %parallel_loop3A_822 : i32 to index
        %parallel_loop3A_824 = arith.constant 0 : index
        %parallel_loop3A_825 = tpu.vector_load %arg12[%parallel_loop3A_823, %parallel_loop3A_824] {strides = array<i32>} : memref<32x16xf32, #tpu.memory_space<vmem>>, vector<16xf32>,
        %parallel_loop3A_826 = arith.constant 16 : i32
        %parallel_loop3A_827 = arith.muli %parallel_loop3A_795, %parallel_loop3A_826 : i32
        %parallel_loop3A_828 = arith.constant 12 : i32
        %parallel_loop3A_829 = arith.addi %parallel_loop3A_827, %parallel_loop3A_828 : i32
        %parallel_loop3A_830 = arith.index_cast %parallel_loop3A_829 : i32 to index
        %parallel_loop3A_831 = arith.constant 0 : index
        %parallel_loop3A_832 = tpu.vector_load %arg12[%parallel_loop3A_830, %parallel_loop3A_831] {strides = array<i32>} : memref<32x16xf32, #tpu.memory_space<vmem>>, vector<16xf32>,
        %parallel_loop3A_833 = vector.shape_cast %and3A_52 : vector<16xi32> to vector<16x1xi32>
        %parallel_loop3A_834 = vector.shape_cast %parallel_loop3A_833 : vector<16x1xi32> to vector<16xi32>
        %parallel_loop3A_835 = tpu.dynamic_gather %parallel_loop3A_825[%parallel_loop3A_834] in [0] : vector<16xf32>, vector<16xi32> -> vector<16xf32>
        %parallel_loop3A_836 = arith.addf %parallel_loop3A_825, %parallel_loop3A_835 : vector<16xf32>
        %parallel_loop3A_837 = vector.shape_cast %and3A_52 : vector<16xi32> to vector<16x1xi32>
        %parallel_loop3A_838 = vector.shape_cast %parallel_loop3A_837 : vector<16x1xi32> to vector<16xi32>
        %parallel_loop3A_839 = tpu.dynamic_gather %parallel_loop3A_832[%parallel_loop3A_838] in [0] : vector<16xf32>, vector<16xi32> -> vector<16xf32>
        %parallel_loop3A_840 = arith.addf %parallel_loop3A_832, %parallel_loop3A_839 : vector<16xf32>
        %parallel_loop3A_841 = arith.select %lt3A_75, %parallel_loop3A_836, %parallel_loop3A_840 : vector<16xi1>, vector<16xf32>
        %parallel_loop3A_842 = vector.shape_cast %and3A_46 : vector<16xi32> to vector<16x1xi32>
        %parallel_loop3A_843 = vector.shape_cast %parallel_loop3A_842 : vector<16x1xi32> to vector<16xi32>
        %parallel_loop3A_844 = tpu.dynamic_gather %parallel_loop3A_818[%parallel_loop3A_843] in [0] : vector<16xf32>, vector<16xi32> -> vector<16xf32>
        %parallel_loop3A_845 = arith.addf %parallel_loop3A_818, %parallel_loop3A_844 : vector<16xf32>
        %parallel_loop3A_846 = vector.shape_cast %and3A_58 : vector<16xi32> to vector<16x1xi32>
        %parallel_loop3A_847 = vector.shape_cast %parallel_loop3A_846 : vector<16x1xi32> to vector<16xi32>
        %parallel_loop3A_848 = tpu.dynamic_gather %parallel_loop3A_841[%parallel_loop3A_847] in [0] : vector<16xf32>, vector<16xi32> -> vector<16xf32>
        %parallel_loop3A_849 = arith.addf %parallel_loop3A_841, %parallel_loop3A_848 : vector<16xf32>
        %parallel_loop3A_850 = arith.select %lt3A_81, %parallel_loop3A_845, %parallel_loop3A_849 : vector<16xi1>, vector<16xf32>
        %parallel_loop3A_851 = arith.constant 16 : i32
        %parallel_loop3A_852 = arith.muli %parallel_loop3A_795, %parallel_loop3A_851 : i32
        %parallel_loop3A_853 = arith.constant 2 : i32
        %parallel_loop3A_854 = arith.addi %parallel_loop3A_852, %parallel_loop3A_853 : i32
        %parallel_loop3A_855 = arith.index_cast %parallel_loop3A_854 : i32 to index
        %parallel_loop3A_856 = arith.constant 0 : index
        %parallel_loop3A_857 = tpu.vector_load %arg12[%parallel_loop3A_855, %parallel_loop3A_856] {strides = array<i32>} : memref<32x16xf32, #tpu.memory_space<vmem>>, vector<16xf32>,
        %parallel_loop3A_858 = arith.constant 16 : i32
        %parallel_loop3A_859 = arith.muli %parallel_loop3A_795, %parallel_loop3A_858 : i32
        %parallel_loop3A_860 = arith.constant 10 : i32
        %parallel_loop3A_861 = arith.addi %parallel_loop3A_859, %parallel_loop3A_860 : i32
        %parallel_loop3A_862 = arith.index_cast %parallel_loop3A_861 : i32 to index
        %parallel_loop3A_863 = arith.constant 0 : index
        %parallel_loop3A_864 = tpu.vector_load %arg12[%parallel_loop3A_862, %parallel_loop3A_863] {strides = array<i32>} : memref<32x16xf32, #tpu.memory_space<vmem>>, vector<16xf32>,
        %parallel_loop3A_865 = vector.shape_cast %and3A_52 : vector<16xi32> to vector<16x1xi32>
        %parallel_loop3A_866 = vector.shape_cast %parallel_loop3A_865 : vector<16x1xi32> to vector<16xi32>
        %parallel_loop3A_867 = tpu.dynamic_gather %parallel_loop3A_857[%parallel_loop3A_866] in [0] : vector<16xf32>, vector<16xi32> -> vector<16xf32>
        %parallel_loop3A_868 = arith.addf %parallel_loop3A_857, %parallel_loop3A_867 : vector<16xf32>
        %parallel_loop3A_869 = vector.shape_cast %and3A_52 : vector<16xi32> to vector<16x1xi32>
        %parallel_loop3A_870 = vector.shape_cast %parallel_loop3A_869 : vector<16x1xi32> to vector<16xi32>
        %parallel_loop3A_871 = tpu.dynamic_gather %parallel_loop3A_864[%parallel_loop3A_870] in [0] : vector<16xf32>, vector<16xi32> -> vector<16xf32>
        %parallel_loop3A_872 = arith.addf %parallel_loop3A_864, %parallel_loop3A_871 : vector<16xf32>
        %parallel_loop3A_873 = arith.select %lt3A_75, %parallel_loop3A_868, %parallel_loop3A_872 : vector<16xi1>, vector<16xf32>
        %parallel_loop3A_874 = arith.constant 16 : i32
        %parallel_loop3A_875 = arith.muli %parallel_loop3A_795, %parallel_loop3A_874 : i32
        %parallel_loop3A_876 = arith.constant 6 : i32
        %parallel_loop3A_877 = arith.addi %parallel_loop3A_875, %parallel_loop3A_876 : i32
        %parallel_loop3A_878 = arith.index_cast %parallel_loop3A_877 : i32 to index
        %parallel_loop3A_879 = arith.constant 0 : index
        %parallel_loop3A_880 = tpu.vector_load %arg12[%parallel_loop3A_878, %parallel_loop3A_879] {strides = array<i32>} : memref<32x16xf32, #tpu.memory_space<vmem>>, vector<16xf32>,
        %parallel_loop3A_881 = arith.constant 16 : i32
        %parallel_loop3A_882 = arith.muli %parallel_loop3A_795, %parallel_loop3A_881 : i32
        %parallel_loop3A_883 = arith.constant 14 : i32
        %parallel_loop3A_884 = arith.addi %parallel_loop3A_882, %parallel_loop3A_883 : i32
        %parallel_loop3A_885 = arith.index_cast %parallel_loop3A_884 : i32 to index
        %parallel_loop3A_886 = arith.constant 0 : index
        %parallel_loop3A_887 = tpu.vector_load %arg12[%parallel_loop3A_885, %parallel_loop3A_886] {strides = array<i32>} : memref<32x16xf32, #tpu.memory_space<vmem>>, vector<16xf32>,
        %parallel_loop3A_888 = vector.shape_cast %and3A_52 : vector<16xi32> to vector<16x1xi32>
        %parallel_loop3A_889 = vector.shape_cast %parallel_loop3A_888 : vector<16x1xi32> to vector<16xi32>
        %parallel_loop3A_890 = tpu.dynamic_gather %parallel_loop3A_880[%parallel_loop3A_889] in [0] : vector<16xf32>, vector<16xi32> -> vector<16xf32>
        %parallel_loop3A_891 = arith.addf %parallel_loop3A_880, %parallel_loop3A_890 : vector<16xf32>
        %parallel_loop3A_892 = vector.shape_cast %and3A_52 : vector<16xi32> to vector<16x1xi32>
        %parallel_loop3A_893 = vector.shape_cast %parallel_loop3A_892 : vector<16x1xi32> to vector<16xi32>
        %parallel_loop3A_894 = tpu.dynamic_gather %parallel_loop3A_887[%parallel_loop3A_893] in [0] : vector<16xf32>, vector<16xi32> -> vector<16xf32>
        %parallel_loop3A_895 = arith.addf %parallel_loop3A_887, %parallel_loop3A_894 : vector<16xf32>
        %parallel_loop3A_896 = arith.select %lt3A_75, %parallel_loop3A_891, %parallel_loop3A_895 : vector<16xi1>, vector<16xf32>
        %parallel_loop3A_897 = vector.shape_cast %and3A_46 : vector<16xi32> to vector<16x1xi32>
        %parallel_loop3A_898 = vector.shape_cast %parallel_loop3A_897 : vector<16x1xi32> to vector<16xi32>
        %parallel_loop3A_899 = tpu.dynamic_gather %parallel_loop3A_873[%parallel_loop3A_898] in [0] : vector<16xf32>, vector<16xi32> -> vector<16xf32>
        %parallel_loop3A_900 = arith.addf %parallel_loop3A_873, %parallel_loop3A_899 : vector<16xf32>
        %parallel_loop3A_901 = vector.shape_cast %and3A_58 : vector<16xi32> to vector<16x1xi32>
        %parallel_loop3A_902 = vector.shape_cast %parallel_loop3A_901 : vector<16x1xi32> to vector<16xi32>
        %parallel_loop3A_903 = tpu.dynamic_gather %parallel_loop3A_896[%parallel_loop3A_902] in [0] : vector<16xf32>, vector<16xi32> -> vector<16xf32>
        %parallel_loop3A_904 = arith.addf %parallel_loop3A_896, %parallel_loop3A_903 : vector<16xf32>
        %parallel_loop3A_905 = arith.select %lt3A_81, %parallel_loop3A_900, %parallel_loop3A_904 : vector<16xi1>, vector<16xf32>
        %parallel_loop3A_906 = vector.shape_cast %and3A_40 : vector<16xi32> to vector<16x1xi32>
        %parallel_loop3A_907 = vector.shape_cast %parallel_loop3A_906 : vector<16x1xi32> to vector<16xi32>
        %parallel_loop3A_908 = tpu.dynamic_gather %parallel_loop3A_850[%parallel_loop3A_907] in [0] : vector<16xf32>, vector<16xi32> -> vector<16xf32>
        %parallel_loop3A_909 = arith.addf %parallel_loop3A_850, %parallel_loop3A_908 : vector<16xf32>
        %parallel_loop3A_910 = vector.shape_cast %and3A_64 : vector<16xi32> to vector<16x1xi32>
        %parallel_loop3A_911 = vector.shape_cast %parallel_loop3A_910 : vector<16x1xi32> to vector<16xi32>
        %parallel_loop3A_912 = tpu.dynamic_gather %parallel_loop3A_905[%parallel_loop3A_911] in [0] : vector<16xf32>, vector<16xi32> -> vector<16xf32>
        %parallel_loop3A_913 = arith.addf %parallel_loop3A_905, %parallel_loop3A_912 : vector<16xf32>
        %parallel_loop3A_914 = arith.select %lt3A_87, %parallel_loop3A_909, %parallel_loop3A_913 : vector<16xi1>, vector<16xf32>
        %parallel_loop3A_915 = arith.constant 16 : i32
        %parallel_loop3A_916 = arith.muli %parallel_loop3A_795, %parallel_loop3A_915 : i32
        %parallel_loop3A_917 = arith.constant 1 : i32
        %parallel_loop3A_918 = arith.addi %parallel_loop3A_916, %parallel_loop3A_917 : i32
        %parallel_loop3A_919 = arith.index_cast %parallel_loop3A_918 : i32 to index
        %parallel_loop3A_920 = arith.constant 0 : index
        %parallel_loop3A_921 = tpu.vector_load %arg12[%parallel_loop3A_919, %parallel_loop3A_920] {strides = array<i32>} : memref<32x16xf32, #tpu.memory_space<vmem>>, vector<16xf32>,
        %parallel_loop3A_922 = arith.constant 16 : i32
        %parallel_loop3A_923 = arith.muli %parallel_loop3A_795, %parallel_loop3A_922 : i32
        %parallel_loop3A_924 = arith.constant 9 : i32
        %parallel_loop3A_925 = arith.addi %parallel_loop3A_923, %parallel_loop3A_924 : i32
        %parallel_loop3A_926 = arith.index_cast %parallel_loop3A_925 : i32 to index
        %parallel_loop3A_927 = arith.constant 0 : index
        %parallel_loop3A_928 = tpu.vector_load %arg12[%parallel_loop3A_926, %parallel_loop3A_927] {strides = array<i32>} : memref<32x16xf32, #tpu.memory_space<vmem>>, vector<16xf32>,
        %parallel_loop3A_929 = vector.shape_cast %and3A_52 : vector<16xi32> to vector<16x1xi32>
        %parallel_loop3A_930 = vector.shape_cast %parallel_loop3A_929 : vector<16x1xi32> to vector<16xi32>
        %parallel_loop3A_931 = tpu.dynamic_gather %parallel_loop3A_921[%parallel_loop3A_930] in [0] : vector<16xf32>, vector<16xi32> -> vector<16xf32>
        %parallel_loop3A_932 = arith.addf %parallel_loop3A_921, %parallel_loop3A_931 : vector<16xf32>
        %parallel_loop3A_933 = vector.shape_cast %and3A_52 : vector<16xi32> to vector<16x1xi32>
        %parallel_loop3A_934 = vector.shape_cast %parallel_loop3A_933 : vector<16x1xi32> to vector<16xi32>
        %parallel_loop3A_935 = tpu.dynamic_gather %parallel_loop3A_928[%parallel_loop3A_934] in [0] : vector<16xf32>, vector<16xi32> -> vector<16xf32>
        %parallel_loop3A_936 = arith.addf %parallel_loop3A_928, %parallel_loop3A_935 : vector<16xf32>
        %parallel_loop3A_937 = arith.select %lt3A_75, %parallel_loop3A_932, %parallel_loop3A_936 : vector<16xi1>, vector<16xf32>
        %parallel_loop3A_938 = arith.constant 16 : i32
        %parallel_loop3A_939 = arith.muli %parallel_loop3A_795, %parallel_loop3A_938 : i32
        %parallel_loop3A_940 = arith.constant 5 : i32
        %parallel_loop3A_941 = arith.addi %parallel_loop3A_939, %parallel_loop3A_940 : i32
        %parallel_loop3A_942 = arith.index_cast %parallel_loop3A_941 : i32 to index
        %parallel_loop3A_943 = arith.constant 0 : index
        %parallel_loop3A_944 = tpu.vector_load %arg12[%parallel_loop3A_942, %parallel_loop3A_943] {strides = array<i32>} : memref<32x16xf32, #tpu.memory_space<vmem>>, vector<16xf32>,
        %parallel_loop3A_945 = arith.constant 16 : i32
        %parallel_loop3A_946 = arith.muli %parallel_loop3A_795, %parallel_loop3A_945 : i32
        %parallel_loop3A_947 = arith.constant 13 : i32
        %parallel_loop3A_948 = arith.addi %parallel_loop3A_946, %parallel_loop3A_947 : i32
        %parallel_loop3A_949 = arith.index_cast %parallel_loop3A_948 : i32 to index
        %parallel_loop3A_950 = arith.constant 0 : index
        %parallel_loop3A_951 = tpu.vector_load %arg12[%parallel_loop3A_949, %parallel_loop3A_950] {strides = array<i32>} : memref<32x16xf32, #tpu.memory_space<vmem>>, vector<16xf32>,
        %parallel_loop3A_952 = vector.shape_cast %and3A_52 : vector<16xi32> to vector<16x1xi32>
        %parallel_loop3A_953 = vector.shape_cast %parallel_loop3A_952 : vector<16x1xi32> to vector<16xi32>
        %parallel_loop3A_954 = tpu.dynamic_gather %parallel_loop3A_944[%parallel_loop3A_953] in [0] : vector<16xf32>, vector<16xi32> -> vector<16xf32>
        %parallel_loop3A_955 = arith.addf %parallel_loop3A_944, %parallel_loop3A_954 : vector<16xf32>
        %parallel_loop3A_956 = vector.shape_cast %and3A_52 : vector<16xi32> to vector<16x1xi32>
        %parallel_loop3A_957 = vector.shape_cast %parallel_loop3A_956 : vector<16x1xi32> to vector<16xi32>
        %parallel_loop3A_958 = tpu.dynamic_gather %parallel_loop3A_951[%parallel_loop3A_957] in [0] : vector<16xf32>, vector<16xi32> -> vector<16xf32>
        %parallel_loop3A_959 = arith.addf %parallel_loop3A_951, %parallel_loop3A_958 : vector<16xf32>
        %parallel_loop3A_960 = arith.select %lt3A_75, %parallel_loop3A_955, %parallel_loop3A_959 : vector<16xi1>, vector<16xf32>
        %parallel_loop3A_961 = vector.shape_cast %and3A_46 : vector<16xi32> to vector<16x1xi32>
        %parallel_loop3A_962 = vector.shape_cast %parallel_loop3A_961 : vector<16x1xi32> to vector<16xi32>
        %parallel_loop3A_963 = tpu.dynamic_gather %parallel_loop3A_937[%parallel_loop3A_962] in [0] : vector<16xf32>, vector<16xi32> -> vector<16xf32>
        %parallel_loop3A_964 = arith.addf %parallel_loop3A_937, %parallel_loop3A_963 : vector<16xf32>
        %parallel_loop3A_965 = vector.shape_cast %and3A_58 : vector<16xi32> to vector<16x1xi32>
        %parallel_loop3A_966 = vector.shape_cast %parallel_loop3A_965 : vector<16x1xi32> to vector<16xi32>
        %parallel_loop3A_967 = tpu.dynamic_gather %parallel_loop3A_960[%parallel_loop3A_966] in [0] : vector<16xf32>, vector<16xi32> -> vector<16xf32>
        %parallel_loop3A_968 = arith.addf %parallel_loop3A_960, %parallel_loop3A_967 : vector<16xf32>
        %parallel_loop3A_969 = arith.select %lt3A_81, %parallel_loop3A_964, %parallel_loop3A_968 : vector<16xi1>, vector<16xf32>
        %parallel_loop3A_970 = arith.constant 16 : i32
        %parallel_loop3A_971 = arith.muli %parallel_loop3A_795, %parallel_loop3A_970 : i32
        %parallel_loop3A_972 = arith.constant 3 : i32
        %parallel_loop3A_973 = arith.addi %parallel_loop3A_971, %parallel_loop3A_972 : i32
        %parallel_loop3A_974 = arith.index_cast %parallel_loop3A_973 : i32 to index
        %parallel_loop3A_975 = arith.constant 0 : index
        %parallel_loop3A_976 = tpu.vector_load %arg12[%parallel_loop3A_974, %parallel_loop3A_975] {strides = array<i32>} : memref<32x16xf32, #tpu.memory_space<vmem>>, vector<16xf32>,
        %parallel_loop3A_977 = arith.constant 16 : i32
        %parallel_loop3A_978 = arith.muli %parallel_loop3A_795, %parallel_loop3A_977 : i32
        %parallel_loop3A_979 = arith.constant 11 : i32
        %parallel_loop3A_980 = arith.addi %parallel_loop3A_978, %parallel_loop3A_979 : i32
        %parallel_loop3A_981 = arith.index_cast %parallel_loop3A_980 : i32 to index
        %parallel_loop3A_982 = arith.constant 0 : index
        %parallel_loop3A_983 = tpu.vector_load %arg12[%parallel_loop3A_981, %parallel_loop3A_982] {strides = array<i32>} : memref<32x16xf32, #tpu.memory_space<vmem>>, vector<16xf32>,
        %parallel_loop3A_984 = vector.shape_cast %and3A_52 : vector<16xi32> to vector<16x1xi32>
        %parallel_loop3A_985 = vector.shape_cast %parallel_loop3A_984 : vector<16x1xi32> to vector<16xi32>
        %parallel_loop3A_986 = tpu.dynamic_gather %parallel_loop3A_976[%parallel_loop3A_985] in [0] : vector<16xf32>, vector<16xi32> -> vector<16xf32>
        %parallel_loop3A_987 = arith.addf %parallel_loop3A_976, %parallel_loop3A_986 : vector<16xf32>
        %parallel_loop3A_988 = vector.shape_cast %and3A_52 : vector<16xi32> to vector<16x1xi32>
        %parallel_loop3A_989 = vector.shape_cast %parallel_loop3A_988 : vector<16x1xi32> to vector<16xi32>
        %parallel_loop3A_990 = tpu.dynamic_gather %parallel_loop3A_983[%parallel_loop3A_989] in [0] : vector<16xf32>, vector<16xi32> -> vector<16xf32>
        %parallel_loop3A_991 = arith.addf %parallel_loop3A_983, %parallel_loop3A_990 : vector<16xf32>
        %parallel_loop3A_992 = arith.select %lt3A_75, %parallel_loop3A_987, %parallel_loop3A_991 : vector<16xi1>, vector<16xf32>
        %parallel_loop3A_993 = arith.constant 16 : i32
        %parallel_loop3A_994 = arith.muli %parallel_loop3A_795, %parallel_loop3A_993 : i32
        %parallel_loop3A_995 = arith.constant 7 : i32
        %parallel_loop3A_996 = arith.addi %parallel_loop3A_994, %parallel_loop3A_995 : i32
        %parallel_loop3A_997 = arith.index_cast %parallel_loop3A_996 : i32 to index
        %parallel_loop3A_998 = arith.constant 0 : index
        %parallel_loop3A_999 = tpu.vector_load %arg12[%parallel_loop3A_997, %parallel_loop3A_998] {strides = array<i32>} : memref<32x16xf32, #tpu.memory_space<vmem>>, vector<16xf32>,
        %parallel_loop3A_1000 = arith.constant 16 : i32
        %parallel_loop3A_1001 = arith.muli %parallel_loop3A_795, %parallel_loop3A_1000 : i32
        %parallel_loop3A_1002 = arith.constant 15 : i32
        %parallel_loop3A_1003 = arith.addi %parallel_loop3A_1001, %parallel_loop3A_1002 : i32
        %parallel_loop3A_1004 = arith.index_cast %parallel_loop3A_1003 : i32 to index
        %parallel_loop3A_1005 = arith.constant 0 : index
        %parallel_loop3A_1006 = tpu.vector_load %arg12[%parallel_loop3A_1004, %parallel_loop3A_1005] {strides = array<i32>} : memref<32x16xf32, #tpu.memory_space<vmem>>, vector<16xf32>,
        %parallel_loop3A_1007 = vector.shape_cast %and3A_52 : vector<16xi32> to vector<16x1xi32>
        %parallel_loop3A_1008 = vector.shape_cast %parallel_loop3A_1007 : vector<16x1xi32> to vector<16xi32>
        %parallel_loop3A_1009 = tpu.dynamic_gather %parallel_loop3A_999[%parallel_loop3A_1008] in [0] : vector<16xf32>, vector<16xi32> -> vector<16xf32>
        %parallel_loop3A_1010 = arith.addf %parallel_loop3A_999, %parallel_loop3A_1009 : vector<16xf32>
        %parallel_loop3A_1011 = vector.shape_cast %and3A_52 : vector<16xi32> to vector<16x1xi32>
        %parallel_loop3A_1012 = vector.shape_cast %parallel_loop3A_1011 : vector<16x1xi32> to vector<16xi32>
        %parallel_loop3A_1013 = tpu.dynamic_gather %parallel_loop3A_1006[%parallel_loop3A_1012] in [0] : vector<16xf32>, vector<16xi32> -> vector<16xf32>
        %parallel_loop3A_1014 = arith.addf %parallel_loop3A_1006, %parallel_loop3A_1013 : vector<16xf32>
        %parallel_loop3A_1015 = arith.select %lt3A_75, %parallel_loop3A_1010, %parallel_loop3A_1014 : vector<16xi1>, vector<16xf32>
        %parallel_loop3A_1016 = vector.shape_cast %and3A_46 : vector<16xi32> to vector<16x1xi32>
        %parallel_loop3A_1017 = vector.shape_cast %parallel_loop3A_1016 : vector<16x1xi32> to vector<16xi32>
        %parallel_loop3A_1018 = tpu.dynamic_gather %parallel_loop3A_992[%parallel_loop3A_1017] in [0] : vector<16xf32>, vector<16xi32> -> vector<16xf32>
        %parallel_loop3A_1019 = arith.addf %parallel_loop3A_992, %parallel_loop3A_1018 : vector<16xf32>
        %parallel_loop3A_1020 = vector.shape_cast %and3A_58 : vector<16xi32> to vector<16x1xi32>
        %parallel_loop3A_1021 = vector.shape_cast %parallel_loop3A_1020 : vector<16x1xi32> to vector<16xi32>
        %parallel_loop3A_1022 = tpu.dynamic_gather %parallel_loop3A_1015[%parallel_loop3A_1021] in [0] : vector<16xf32>, vector<16xi32> -> vector<16xf32>
        %parallel_loop3A_1023 = arith.addf %parallel_loop3A_1015, %parallel_loop3A_1022 : vector<16xf32>
        %parallel_loop3A_1024 = arith.select %lt3A_81, %parallel_loop3A_1019, %parallel_loop3A_1023 : vector<16xi1>, vector<16xf32>
        %parallel_loop3A_1025 = vector.shape_cast %and3A_40 : vector<16xi32> to vector<16x1xi32>
        %parallel_loop3A_1026 = vector.shape_cast %parallel_loop3A_1025 : vector<16x1xi32> to vector<16xi32>
        %parallel_loop3A_1027 = tpu.dynamic_gather %parallel_loop3A_969[%parallel_loop3A_1026] in [0] : vector<16xf32>, vector<16xi32> -> vector<16xf32>
        %parallel_loop3A_1028 = arith.addf %parallel_loop3A_969, %parallel_loop3A_1027 : vector<16xf32>
        %parallel_loop3A_1029 = vector.shape_cast %and3A_64 : vector<16xi32> to vector<16x1xi32>
        %parallel_loop3A_1030 = vector.shape_cast %parallel_loop3A_1029 : vector<16x1xi32> to vector<16xi32>
        %parallel_loop3A_1031 = tpu.dynamic_gather %parallel_loop3A_1024[%parallel_loop3A_1030] in [0] : vector<16xf32>, vector<16xi32> -> vector<16xf32>
        %parallel_loop3A_1032 = arith.addf %parallel_loop3A_1024, %parallel_loop3A_1031 : vector<16xf32>
        %parallel_loop3A_1033 = arith.select %lt3A_87, %parallel_loop3A_1028, %parallel_loop3A_1032 : vector<16xi1>, vector<16xf32>
        %parallel_loop3A_1034 = vector.shape_cast %and3A_34 : vector<16xi32> to vector<16x1xi32>
        %parallel_loop3A_1035 = vector.shape_cast %parallel_loop3A_1034 : vector<16x1xi32> to vector<16xi32>
        %parallel_loop3A_1036 = tpu.dynamic_gather %parallel_loop3A_914[%parallel_loop3A_1035] in [0] : vector<16xf32>, vector<16xi32> -> vector<16xf32>
        %parallel_loop3A_1037 = arith.addf %parallel_loop3A_914, %parallel_loop3A_1036 : vector<16xf32>
        %parallel_loop3A_1038 = vector.shape_cast %and3A_70 : vector<16xi32> to vector<16x1xi32>
        %parallel_loop3A_1039 = vector.shape_cast %parallel_loop3A_1038 : vector<16x1xi32> to vector<16xi32>
        %parallel_loop3A_1040 = tpu.dynamic_gather %parallel_loop3A_1033[%parallel_loop3A_1039] in [0] : vector<16xf32>, vector<16xi32> -> vector<16xf32>
        %parallel_loop3A_1041 = arith.addf %parallel_loop3A_1033, %parallel_loop3A_1040 : vector<16xf32>
        %parallel_loop3A_1042 = arith.select %lt3A_93, %parallel_loop3A_1037, %parallel_loop3A_1041 : vector<16xi1>, vector<16xf32>
        %parallel_loop3A_1043 = arith.constant 32 : i32
        %parallel_loop3A_1044 = arith.muli %add3A_417, %parallel_loop3A_1043 : i32
        %parallel_loop3A_1045 = arith.constant 16 : i32
        %parallel_loop3A_1046 = arith.muli %parallel_loop3A_795, %parallel_loop3A_1045 : i32
        %parallel_loop3A_1047 = arith.addi %parallel_loop3A_1044, %parallel_loop3A_1046 : i32
        %parallel_loop3A_1048 = arith.index_cast %parallel_loop3A_1047 : i32 to index
        %parallel_loop3A_1049 = tpu.vector_load %arg11[%parallel_loop3A_1048] {strides = array<i32>} : memref<512xf32, #tpu.memory_space<vmem>>, vector<16xf32>,
        tpu.vector_store %arg11[%parallel_loop3A_1048], %parallel_loop3A_1042 {strides = array<i32>} : memref<512xf32, #tpu.memory_space<vmem>>, vector<16xf32>,
      } {sc.loop_unroll_factor = 1 : i64, sc.parallel_access}
      %mul3A_443 = arith.constant 32 : i32
      %mul3A_444 = arith.muli %add3A_417, %mul3A_443 : i32
      %mul3A_445 = arith.constant 512 : i32
      %mul3A_446 = arith.muli %add3A, %mul3A_445 : i32
      %mul3A_447 = arith.constant 32 : i32
      %mul3A_448 = arith.muli %add3A_417, %mul3A_447 : i32
      %add3A_449 = arith.addi %mul3A_446, %mul3A_448 : i32
      %dma_start3A_450 = tpu.memref_slice %arg11[%mul3A_444] : memref<512xf32, #tpu.memory_space<vmem>> -> memref<32xf32, #tpu.memory_space<vmem>>
      %dma_start3A_451 = tpu.memref_slice %arg6[%add3A_449] : memref<16384xf32, #tpu.memory_space<hbm>> -> memref<32xf32, #tpu.memory_space<hbm>>
      %dma_start3A_452 = tpu.memref_slice %arg6[%add3A_449] : memref<16384xf32, #tpu.memory_space<hbm>> -> memref<32xf32, #tpu.memory_space<hbm>>
      %dma_start3A_453 = tpu.memref_slice %arg11[%mul3A_444] : memref<512xf32, #tpu.memory_space<vmem>> -> memref<32xf32, #tpu.memory_space<vmem>>
      tpu.enqueue_dma source(%dma_start3A_453 : memref<32xf32, #tpu.memory_space<vmem>>) target(%dma_start3A_452 : memref<32xf32, #tpu.memory_space<hbm>>) target_semaphore(%arg29 : memref<!tpu.dma_semaphore, #tpu.memory_space<semaphore_mem>>)
      %add3A_454 = arith.constant 8 : i32
      %add3A_455 = arith.addi %add3A_417, %add3A_454 : i32
      %lt3A_456 = arith.constant 16 : i32
      %lt3A_457 = arith.cmpi slt, %add3A_455, %lt3A_456 : i32
      %convert_element_type3A = arith.extui %lt3A_457 : i1 to i32
      %cond3A = arith.constant 0 : i32
      %cond3A_458 = arith.cmpi ne, %convert_element_type3A, %cond3A : i32
      scf.if %cond3A_458 {
        %mul3A_795 = arith.constant 32 : i32
        %mul3A_796 = arith.muli %add3A_455, %mul3A_795 : i32
        %dma_start3A_797 = arith.constant 0 : i32
        %dma_start3A_798 = arith.constant 0 : i32
        %dma_start3A_799 = arith.constant 0 : i32
        %dma_start3A_800 = tpu.memref_slice %arg9[%dma_start3A_797, %dma_start3A_798, %dma_start3A_799] : memref<8x32x128xf32, #tpu.memory_space<vmem>> -> memref<1x32x128xf32, #tpu.memory_space<vmem>>
        %dma_start3A_801 = tpu.memref_squeeze %dma_start3A_800 : memref<1x32x128xf32, #tpu.memory_space<vmem>> -> memref<32x128xf32, #tpu.memory_space<vmem>>
        %dma_start3A_802 = tpu.memref_slice %arg7[%mul3A_796] : memref<512xi32, #tpu.memory_space<vmem>> -> memref<32xi32, #tpu.memory_space<vmem>>
        %dma_start3A_803 = arith.constant 0 : i32
        %dma_start3A_804 = arith.constant 0 : i32
        %dma_start3A_805 = tpu.memref_slice %arg4[%dma_start3A_803, %dma_start3A_804] : memref<1000000x128xf32, #tpu.memory_space<hbm>> -> memref<1000000x128xf32, #tpu.memory_space<hbm>>
        tpu.enqueue_indirect_dma source(%dma_start3A_805 : memref<1000000x128xf32, #tpu.memory_space<hbm>>) target(%dma_start3A_801 : memref<32x128xf32, #tpu.memory_space<vmem>>) offsets(%dma_start3A_802 : memref<32xi32, #tpu.memory_space<vmem>>) semaphore(%arg13 : memref<!tpu.dma_semaphore, #tpu.memory_space<semaphore_mem>>)
        %dma_start3A_806 = arith.constant 0 : i32
        %dma_start3A_807 = arith.constant 0 : i32
        %dma_start3A_808 = arith.constant 0 : i32
        %dma_start3A_809 = tpu.memref_slice %arg10[%dma_start3A_806, %dma_start3A_807, %dma_start3A_808] : memref<8x32x128xf32, #tpu.memory_space<vmem>> -> memref<1x32x128xf32, #tpu.memory_space<vmem>>
        %dma_start3A_810 = tpu.memref_squeeze %dma_start3A_809 : memref<1x32x128xf32, #tpu.memory_space<vmem>> -> memref<32x128xf32, #tpu.memory_space<vmem>>
        %dma_start3A_811 = tpu.memref_slice %arg8[%mul3A_796] : memref<512xi32, #tpu.memory_space<vmem>> -> memref<32xi32, #tpu.memory_space<vmem>>
        %dma_start3A_812 = arith.constant 0 : i32
        %dma_start3A_813 = arith.constant 0 : i32
        %dma_start3A_814 = tpu.memref_slice %arg5[%dma_start3A_812, %dma_start3A_813] : memref<1000000x128xf32, #tpu.memory_space<hbm>> -> memref<1000000x128xf32, #tpu.memory_space<hbm>>
        tpu.enqueue_indirect_dma source(%dma_start3A_814 : memref<1000000x128xf32, #tpu.memory_space<hbm>>) target(%dma_start3A_810 : memref<32x128xf32, #tpu.memory_space<vmem>>) offsets(%dma_start3A_811 : memref<32xi32, #tpu.memory_space<vmem>>) semaphore(%arg14 : memref<!tpu.dma_semaphore, #tpu.memory_space<semaphore_mem>>)
      } else {
      }
      %mul3A_459 = arith.constant 8 : i32
      %mul3A_460 = arith.muli %mul3A_459, %add3A_413 : i32
      %add3A_461 = arith.constant 1 : i32
      %add3A_462 = arith.addi %mul3A_460, %add3A_461 : i32
      %dma_wait3A_463 = arith.constant 1 : i32
      %dma_wait3A_464 = arith.constant 0 : i32
      %dma_wait3A_465 = arith.constant 0 : i32
      %dma_wait3A_466 = tpu.memref_slice %arg9[%dma_wait3A_463, %dma_wait3A_464, %dma_wait3A_465] : memref<8x32x128xf32, #tpu.memory_space<vmem>> -> memref<1x32x128xf32, #tpu.memory_space<vmem>>
      %dma_wait3A_467 = tpu.memref_squeeze %dma_wait3A_466 : memref<1x32x128xf32, #tpu.memory_space<vmem>> -> memref<32x128xf32, #tpu.memory_space<vmem>>
      %dma_wait3A_468 = arith.constant 0 : i32
      %dma_wait3A_469 = tpu.memref_slice %arg7[%dma_wait3A_468] : memref<512xi32, #tpu.memory_space<vmem>> -> memref<32xi32, #tpu.memory_space<vmem>>
      %dma_wait3A_470 = arith.constant 0 : i32
      %dma_wait3A_471 = arith.constant 0 : i32
      %dma_wait3A_472 = tpu.memref_slice %arg4[%dma_wait3A_470, %dma_wait3A_471] : memref<1000000x128xf32, #tpu.memory_space<hbm>> -> memref<1000000x128xf32, #tpu.memory_space<hbm>>
      tpu.wait_indirect_dma semaphore(%arg15 : memref<!tpu.dma_semaphore, #tpu.memory_space<semaphore_mem>>) src(%dma_wait3A_472 : memref<1000000x128xf32, #tpu.memory_space<hbm>>) dst(%dma_wait3A_467 : memref<32x128xf32, #tpu.memory_space<vmem>>)
      %dma_wait3A_473 = arith.constant 1 : i32
      %dma_wait3A_474 = arith.constant 0 : i32
      %dma_wait3A_475 = arith.constant 0 : i32
      %dma_wait3A_476 = tpu.memref_slice %arg10[%dma_wait3A_473, %dma_wait3A_474, %dma_wait3A_475] : memref<8x32x128xf32, #tpu.memory_space<vmem>> -> memref<1x32x128xf32, #tpu.memory_space<vmem>>
      %dma_wait3A_477 = tpu.memref_squeeze %dma_wait3A_476 : memref<1x32x128xf32, #tpu.memory_space<vmem>> -> memref<32x128xf32, #tpu.memory_space<vmem>>
      %dma_wait3A_478 = arith.constant 0 : i32
      %dma_wait3A_479 = tpu.memref_slice %arg8[%dma_wait3A_478] : memref<512xi32, #tpu.memory_space<vmem>> -> memref<32xi32, #tpu.memory_space<vmem>>
      %dma_wait3A_480 = arith.constant 0 : i32
      %dma_wait3A_481 = arith.constant 0 : i32
      %dma_wait3A_482 = tpu.memref_slice %arg5[%dma_wait3A_480, %dma_wait3A_481] : memref<1000000x128xf32, #tpu.memory_space<hbm>> -> memref<1000000x128xf32, #tpu.memory_space<hbm>>
      tpu.wait_indirect_dma semaphore(%arg16 : memref<!tpu.dma_semaphore, #tpu.memory_space<semaphore_mem>>) src(%dma_wait3A_482 : memref<1000000x128xf32, #tpu.memory_space<hbm>>) dst(%dma_wait3A_477 : memref<32x128xf32, #tpu.memory_space<vmem>>)
      %parallel_loop3A_483 = arith.constant 0 : i32
      %parallel_loop3A_484 = arith.constant 32 : i32
      %parallel_loop3A_485 = arith.constant 1 : i32
      scf.for %parallel_loop3A_795 = %parallel_loop3A_483 to %parallel_loop3A_484 step %parallel_loop3A_485  : i32 {
        %parallel_loop3A_796 = arith.constant 1 : i32
        %parallel_loop3A_797 = arith.index_cast %parallel_loop3A_796 : i32 to index
        %parallel_loop3A_798 = arith.index_cast %parallel_loop3A_795 : i32 to index
        %parallel_loop3A_799 = arith.constant 0 : index
        %parallel_loop3A_800 = tpu.vector_load %arg9[%parallel_loop3A_797, %parallel_loop3A_798, %parallel_loop3A_799] {strides = array<i32>} : memref<8x32x128xf32, #tpu.memory_space<vmem>>, vector<16xf32>,
        %parallel_loop3A_801 = arith.constant 1 : i32
        %parallel_loop3A_802 = arith.index_cast %parallel_loop3A_801 : i32 to index
        %parallel_loop3A_803 = arith.index_cast %parallel_loop3A_795 : i32 to index
        %parallel_loop3A_804 = arith.constant 0 : index
        %parallel_loop3A_805 = tpu.vector_load %arg10[%parallel_loop3A_802, %parallel_loop3A_803, %parallel_loop3A_804] {strides = array<i32>} : memref<8x32x128xf32, #tpu.memory_space<vmem>>, vector<16xf32>,
        %parallel_loop3A_806 = arith.mulf %parallel_loop3A_800, %parallel_loop3A_805 : vector<16xf32>
        %parallel_loop3A_807 = arith.constant 1 : i32
        %parallel_loop3A_808 = arith.index_cast %parallel_loop3A_807 : i32 to index
        %parallel_loop3A_809 = arith.index_cast %parallel_loop3A_795 : i32 to index
        %parallel_loop3A_810 = arith.constant 16 : index
        %parallel_loop3A_811 = tpu.vector_load %arg9[%parallel_loop3A_808, %parallel_loop3A_809, %parallel_loop3A_810] {strides = array<i32>} : memref<8x32x128xf32, #tpu.memory_space<vmem>>, vector<16xf32>,
        %parallel_loop3A_812 = arith.constant 1 : i32
        %parallel_loop3A_813 = arith.index_cast %parallel_loop3A_812 : i32 to index
        %parallel_loop3A_814 = arith.index_cast %parallel_loop3A_795 : i32 to index
        %parallel_loop3A_815 = arith.constant 16 : index
        %parallel_loop3A_816 = tpu.vector_load %arg10[%parallel_loop3A_813, %parallel_loop3A_814, %parallel_loop3A_815] {strides = array<i32>} : memref<8x32x128xf32, #tpu.memory_space<vmem>>, vector<16xf32>,
        %parallel_loop3A_817 = arith.mulf %parallel_loop3A_811, %parallel_loop3A_816 : vector<16xf32>
        %parallel_loop3A_818 = arith.addf %parallel_loop3A_806, %parallel_loop3A_817 : vector<16xf32>
        %parallel_loop3A_819 = arith.constant 1 : i32
        %parallel_loop3A_820 = arith.index_cast %parallel_loop3A_819 : i32 to index
        %parallel_loop3A_821 = arith.index_cast %parallel_loop3A_795 : i32 to index
        %parallel_loop3A_822 = arith.constant 32 : index
        %parallel_loop3A_823 = tpu.vector_load %arg9[%parallel_loop3A_820, %parallel_loop3A_821, %parallel_loop3A_822] {strides = array<i32>} : memref<8x32x128xf32, #tpu.memory_space<vmem>>, vector<16xf32>,
        %parallel_loop3A_824 = arith.constant 1 : i32
        %parallel_loop3A_825 = arith.index_cast %parallel_loop3A_824 : i32 to index
        %parallel_loop3A_826 = arith.index_cast %parallel_loop3A_795 : i32 to index
        %parallel_loop3A_827 = arith.constant 32 : index
        %parallel_loop3A_828 = tpu.vector_load %arg10[%parallel_loop3A_825, %parallel_loop3A_826, %parallel_loop3A_827] {strides = array<i32>} : memref<8x32x128xf32, #tpu.memory_space<vmem>>, vector<16xf32>,
        %parallel_loop3A_829 = arith.mulf %parallel_loop3A_823, %parallel_loop3A_828 : vector<16xf32>
        %parallel_loop3A_830 = arith.addf %parallel_loop3A_818, %parallel_loop3A_829 : vector<16xf32>
        %parallel_loop3A_831 = arith.constant 1 : i32
        %parallel_loop3A_832 = arith.index_cast %parallel_loop3A_831 : i32 to index
        %parallel_loop3A_833 = arith.index_cast %parallel_loop3A_795 : i32 to index
        %parallel_loop3A_834 = arith.constant 48 : index
        %parallel_loop3A_835 = tpu.vector_load %arg9[%parallel_loop3A_832, %parallel_loop3A_833, %parallel_loop3A_834] {strides = array<i32>} : memref<8x32x128xf32, #tpu.memory_space<vmem>>, vector<16xf32>,
        %parallel_loop3A_836 = arith.constant 1 : i32
        %parallel_loop3A_837 = arith.index_cast %parallel_loop3A_836 : i32 to index
        %parallel_loop3A_838 = arith.index_cast %parallel_loop3A_795 : i32 to index
        %parallel_loop3A_839 = arith.constant 48 : index
        %parallel_loop3A_840 = tpu.vector_load %arg10[%parallel_loop3A_837, %parallel_loop3A_838, %parallel_loop3A_839] {strides = array<i32>} : memref<8x32x128xf32, #tpu.memory_space<vmem>>, vector<16xf32>,
        %parallel_loop3A_841 = arith.mulf %parallel_loop3A_835, %parallel_loop3A_840 : vector<16xf32>
        %parallel_loop3A_842 = arith.addf %parallel_loop3A_830, %parallel_loop3A_841 : vector<16xf32>
        %parallel_loop3A_843 = arith.constant 1 : i32
        %parallel_loop3A_844 = arith.index_cast %parallel_loop3A_843 : i32 to index
        %parallel_loop3A_845 = arith.index_cast %parallel_loop3A_795 : i32 to index
        %parallel_loop3A_846 = arith.constant 64 : index
        %parallel_loop3A_847 = tpu.vector_load %arg9[%parallel_loop3A_844, %parallel_loop3A_845, %parallel_loop3A_846] {strides = array<i32>} : memref<8x32x128xf32, #tpu.memory_space<vmem>>, vector<16xf32>,
        %parallel_loop3A_848 = arith.constant 1 : i32
        %parallel_loop3A_849 = arith.index_cast %parallel_loop3A_848 : i32 to index
        %parallel_loop3A_850 = arith.index_cast %parallel_loop3A_795 : i32 to index
        %parallel_loop3A_851 = arith.constant 64 : index
        %parallel_loop3A_852 = tpu.vector_load %arg10[%parallel_loop3A_849, %parallel_loop3A_850, %parallel_loop3A_851] {strides = array<i32>} : memref<8x32x128xf32, #tpu.memory_space<vmem>>, vector<16xf32>,
        %parallel_loop3A_853 = arith.mulf %parallel_loop3A_847, %parallel_loop3A_852 : vector<16xf32>
        %parallel_loop3A_854 = arith.addf %parallel_loop3A_842, %parallel_loop3A_853 : vector<16xf32>
        %parallel_loop3A_855 = arith.constant 1 : i32
        %parallel_loop3A_856 = arith.index_cast %parallel_loop3A_855 : i32 to index
        %parallel_loop3A_857 = arith.index_cast %parallel_loop3A_795 : i32 to index
        %parallel_loop3A_858 = arith.constant 80 : index
        %parallel_loop3A_859 = tpu.vector_load %arg9[%parallel_loop3A_856, %parallel_loop3A_857, %parallel_loop3A_858] {strides = array<i32>} : memref<8x32x128xf32, #tpu.memory_space<vmem>>, vector<16xf32>,
        %parallel_loop3A_860 = arith.constant 1 : i32
        %parallel_loop3A_861 = arith.index_cast %parallel_loop3A_860 : i32 to index
        %parallel_loop3A_862 = arith.index_cast %parallel_loop3A_795 : i32 to index
        %parallel_loop3A_863 = arith.constant 80 : index
        %parallel_loop3A_864 = tpu.vector_load %arg10[%parallel_loop3A_861, %parallel_loop3A_862, %parallel_loop3A_863] {strides = array<i32>} : memref<8x32x128xf32, #tpu.memory_space<vmem>>, vector<16xf32>,
        %parallel_loop3A_865 = arith.mulf %parallel_loop3A_859, %parallel_loop3A_864 : vector<16xf32>
        %parallel_loop3A_866 = arith.addf %parallel_loop3A_854, %parallel_loop3A_865 : vector<16xf32>
        %parallel_loop3A_867 = arith.constant 1 : i32
        %parallel_loop3A_868 = arith.index_cast %parallel_loop3A_867 : i32 to index
        %parallel_loop3A_869 = arith.index_cast %parallel_loop3A_795 : i32 to index
        %parallel_loop3A_870 = arith.constant 96 : index
        %parallel_loop3A_871 = tpu.vector_load %arg9[%parallel_loop3A_868, %parallel_loop3A_869, %parallel_loop3A_870] {strides = array<i32>} : memref<8x32x128xf32, #tpu.memory_space<vmem>>, vector<16xf32>,
        %parallel_loop3A_872 = arith.constant 1 : i32
        %parallel_loop3A_873 = arith.index_cast %parallel_loop3A_872 : i32 to index
        %parallel_loop3A_874 = arith.index_cast %parallel_loop3A_795 : i32 to index
        %parallel_loop3A_875 = arith.constant 96 : index
        %parallel_loop3A_876 = tpu.vector_load %arg10[%parallel_loop3A_873, %parallel_loop3A_874, %parallel_loop3A_875] {strides = array<i32>} : memref<8x32x128xf32, #tpu.memory_space<vmem>>, vector<16xf32>,
        %parallel_loop3A_877 = arith.mulf %parallel_loop3A_871, %parallel_loop3A_876 : vector<16xf32>
        %parallel_loop3A_878 = arith.addf %parallel_loop3A_866, %parallel_loop3A_877 : vector<16xf32>
        %parallel_loop3A_879 = arith.constant 1 : i32
        %parallel_loop3A_880 = arith.index_cast %parallel_loop3A_879 : i32 to index
        %parallel_loop3A_881 = arith.index_cast %parallel_loop3A_795 : i32 to index
        %parallel_loop3A_882 = arith.constant 112 : index
        %parallel_loop3A_883 = tpu.vector_load %arg9[%parallel_loop3A_880, %parallel_loop3A_881, %parallel_loop3A_882] {strides = array<i32>} : memref<8x32x128xf32, #tpu.memory_space<vmem>>, vector<16xf32>,
        %parallel_loop3A_884 = arith.constant 1 : i32
        %parallel_loop3A_885 = arith.index_cast %parallel_loop3A_884 : i32 to index
        %parallel_loop3A_886 = arith.index_cast %parallel_loop3A_795 : i32 to index
        %parallel_loop3A_887 = arith.constant 112 : index
        %parallel_loop3A_888 = tpu.vector_load %arg10[%parallel_loop3A_885, %parallel_loop3A_886, %parallel_loop3A_887] {strides = array<i32>} : memref<8x32x128xf32, #tpu.memory_space<vmem>>, vector<16xf32>,
        %parallel_loop3A_889 = arith.mulf %parallel_loop3A_883, %parallel_loop3A_888 : vector<16xf32>
        %parallel_loop3A_890 = arith.addf %parallel_loop3A_878, %parallel_loop3A_889 : vector<16xf32>
        %parallel_loop3A_891 = arith.index_cast %parallel_loop3A_795 : i32 to index
        %parallel_loop3A_892 = arith.constant 0 : index
        %parallel_loop3A_893 = tpu.vector_load %arg12[%parallel_loop3A_891, %parallel_loop3A_892] {strides = array<i32>} : memref<32x16xf32, #tpu.memory_space<vmem>>, vector<16xf32>,
        tpu.vector_store %arg12[%parallel_loop3A_891, %parallel_loop3A_892], %parallel_loop3A_890 {strides = array<i32>} : memref<32x16xf32, #tpu.memory_space<vmem>>, vector<16xf32>,
      } {sc.loop_unroll_factor = 1 : i64, sc.parallel_access}
      %parallel_loop3A_486 = arith.constant 0 : i32
      %parallel_loop3A_487 = arith.constant 2 : i32
      %parallel_loop3A_488 = arith.constant 1 : i32
      scf.for %parallel_loop3A_795 = %parallel_loop3A_486 to %parallel_loop3A_487 step %parallel_loop3A_488  : i32 {
        %parallel_loop3A_796 = arith.constant 16 : i32
        %parallel_loop3A_797 = arith.muli %parallel_loop3A_795, %parallel_loop3A_796 : i32
        %parallel_loop3A_798 = arith.constant 0 : i32
        %parallel_loop3A_799 = arith.addi %parallel_loop3A_797, %parallel_loop3A_798 : i32
        %parallel_loop3A_800 = arith.index_cast %parallel_loop3A_799 : i32 to index
        %parallel_loop3A_801 = arith.constant 0 : index
        %parallel_loop3A_802 = tpu.vector_load %arg12[%parallel_loop3A_800, %parallel_loop3A_801] {strides = array<i32>} : memref<32x16xf32, #tpu.memory_space<vmem>>, vector<16xf32>,
        %parallel_loop3A_803 = arith.constant 16 : i32
        %parallel_loop3A_804 = arith.muli %parallel_loop3A_795, %parallel_loop3A_803 : i32
        %parallel_loop3A_805 = arith.constant 8 : i32
        %parallel_loop3A_806 = arith.addi %parallel_loop3A_804, %parallel_loop3A_805 : i32
        %parallel_loop3A_807 = arith.index_cast %parallel_loop3A_806 : i32 to index
        %parallel_loop3A_808 = arith.constant 0 : index
        %parallel_loop3A_809 = tpu.vector_load %arg12[%parallel_loop3A_807, %parallel_loop3A_808] {strides = array<i32>} : memref<32x16xf32, #tpu.memory_space<vmem>>, vector<16xf32>,
        %parallel_loop3A_810 = vector.shape_cast %and3A_52 : vector<16xi32> to vector<16x1xi32>
        %parallel_loop3A_811 = vector.shape_cast %parallel_loop3A_810 : vector<16x1xi32> to vector<16xi32>
        %parallel_loop3A_812 = tpu.dynamic_gather %parallel_loop3A_802[%parallel_loop3A_811] in [0] : vector<16xf32>, vector<16xi32> -> vector<16xf32>
        %parallel_loop3A_813 = arith.addf %parallel_loop3A_802, %parallel_loop3A_812 : vector<16xf32>
        %parallel_loop3A_814 = vector.shape_cast %and3A_52 : vector<16xi32> to vector<16x1xi32>
        %parallel_loop3A_815 = vector.shape_cast %parallel_loop3A_814 : vector<16x1xi32> to vector<16xi32>
        %parallel_loop3A_816 = tpu.dynamic_gather %parallel_loop3A_809[%parallel_loop3A_815] in [0] : vector<16xf32>, vector<16xi32> -> vector<16xf32>
        %parallel_loop3A_817 = arith.addf %parallel_loop3A_809, %parallel_loop3A_816 : vector<16xf32>
        %parallel_loop3A_818 = arith.select %lt3A_75, %parallel_loop3A_813, %parallel_loop3A_817 : vector<16xi1>, vector<16xf32>
        %parallel_loop3A_819 = arith.constant 16 : i32
        %parallel_loop3A_820 = arith.muli %parallel_loop3A_795, %parallel_loop3A_819 : i32
        %parallel_loop3A_821 = arith.constant 4 : i32
        %parallel_loop3A_822 = arith.addi %parallel_loop3A_820, %parallel_loop3A_821 : i32
        %parallel_loop3A_823 = arith.index_cast %parallel_loop3A_822 : i32 to index
        %parallel_loop3A_824 = arith.constant 0 : index
        %parallel_loop3A_825 = tpu.vector_load %arg12[%parallel_loop3A_823, %parallel_loop3A_824] {strides = array<i32>} : memref<32x16xf32, #tpu.memory_space<vmem>>, vector<16xf32>,
        %parallel_loop3A_826 = arith.constant 16 : i32
        %parallel_loop3A_827 = arith.muli %parallel_loop3A_795, %parallel_loop3A_826 : i32
        %parallel_loop3A_828 = arith.constant 12 : i32
        %parallel_loop3A_829 = arith.addi %parallel_loop3A_827, %parallel_loop3A_828 : i32
        %parallel_loop3A_830 = arith.index_cast %parallel_loop3A_829 : i32 to index
        %parallel_loop3A_831 = arith.constant 0 : index
        %parallel_loop3A_832 = tpu.vector_load %arg12[%parallel_loop3A_830, %parallel_loop3A_831] {strides = array<i32>} : memref<32x16xf32, #tpu.memory_space<vmem>>, vector<16xf32>,
        %parallel_loop3A_833 = vector.shape_cast %and3A_52 : vector<16xi32> to vector<16x1xi32>
        %parallel_loop3A_834 = vector.shape_cast %parallel_loop3A_833 : vector<16x1xi32> to vector<16xi32>
        %parallel_loop3A_835 = tpu.dynamic_gather %parallel_loop3A_825[%parallel_loop3A_834] in [0] : vector<16xf32>, vector<16xi32> -> vector<16xf32>
        %parallel_loop3A_836 = arith.addf %parallel_loop3A_825, %parallel_loop3A_835 : vector<16xf32>
        %parallel_loop3A_837 = vector.shape_cast %and3A_52 : vector<16xi32> to vector<16x1xi32>
        %parallel_loop3A_838 = vector.shape_cast %parallel_loop3A_837 : vector<16x1xi32> to vector<16xi32>
        %parallel_loop3A_839 = tpu.dynamic_gather %parallel_loop3A_832[%parallel_loop3A_838] in [0] : vector<16xf32>, vector<16xi32> -> vector<16xf32>
        %parallel_loop3A_840 = arith.addf %parallel_loop3A_832, %parallel_loop3A_839 : vector<16xf32>
        %parallel_loop3A_841 = arith.select %lt3A_75, %parallel_loop3A_836, %parallel_loop3A_840 : vector<16xi1>, vector<16xf32>
        %parallel_loop3A_842 = vector.shape_cast %and3A_46 : vector<16xi32> to vector<16x1xi32>
        %parallel_loop3A_843 = vector.shape_cast %parallel_loop3A_842 : vector<16x1xi32> to vector<16xi32>
        %parallel_loop3A_844 = tpu.dynamic_gather %parallel_loop3A_818[%parallel_loop3A_843] in [0] : vector<16xf32>, vector<16xi32> -> vector<16xf32>
        %parallel_loop3A_845 = arith.addf %parallel_loop3A_818, %parallel_loop3A_844 : vector<16xf32>
        %parallel_loop3A_846 = vector.shape_cast %and3A_58 : vector<16xi32> to vector<16x1xi32>
        %parallel_loop3A_847 = vector.shape_cast %parallel_loop3A_846 : vector<16x1xi32> to vector<16xi32>
        %parallel_loop3A_848 = tpu.dynamic_gather %parallel_loop3A_841[%parallel_loop3A_847] in [0] : vector<16xf32>, vector<16xi32> -> vector<16xf32>
        %parallel_loop3A_849 = arith.addf %parallel_loop3A_841, %parallel_loop3A_848 : vector<16xf32>
        %parallel_loop3A_850 = arith.select %lt3A_81, %parallel_loop3A_845, %parallel_loop3A_849 : vector<16xi1>, vector<16xf32>
        %parallel_loop3A_851 = arith.constant 16 : i32
        %parallel_loop3A_852 = arith.muli %parallel_loop3A_795, %parallel_loop3A_851 : i32
        %parallel_loop3A_853 = arith.constant 2 : i32
        %parallel_loop3A_854 = arith.addi %parallel_loop3A_852, %parallel_loop3A_853 : i32
        %parallel_loop3A_855 = arith.index_cast %parallel_loop3A_854 : i32 to index
        %parallel_loop3A_856 = arith.constant 0 : index
        %parallel_loop3A_857 = tpu.vector_load %arg12[%parallel_loop3A_855, %parallel_loop3A_856] {strides = array<i32>} : memref<32x16xf32, #tpu.memory_space<vmem>>, vector<16xf32>,
        %parallel_loop3A_858 = arith.constant 16 : i32
        %parallel_loop3A_859 = arith.muli %parallel_loop3A_795, %parallel_loop3A_858 : i32
        %parallel_loop3A_860 = arith.constant 10 : i32
        %parallel_loop3A_861 = arith.addi %parallel_loop3A_859, %parallel_loop3A_860 : i32
        %parallel_loop3A_862 = arith.index_cast %parallel_loop3A_861 : i32 to index
        %parallel_loop3A_863 = arith.constant 0 : index
        %parallel_loop3A_864 = tpu.vector_load %arg12[%parallel_loop3A_862, %parallel_loop3A_863] {strides = array<i32>} : memref<32x16xf32, #tpu.memory_space<vmem>>, vector<16xf32>,
        %parallel_loop3A_865 = vector.shape_cast %and3A_52 : vector<16xi32> to vector<16x1xi32>
        %parallel_loop3A_866 = vector.shape_cast %parallel_loop3A_865 : vector<16x1xi32> to vector<16xi32>
        %parallel_loop3A_867 = tpu.dynamic_gather %parallel_loop3A_857[%parallel_loop3A_866] in [0] : vector<16xf32>, vector<16xi32> -> vector<16xf32>
        %parallel_loop3A_868 = arith.addf %parallel_loop3A_857, %parallel_loop3A_867 : vector<16xf32>
        %parallel_loop3A_869 = vector.shape_cast %and3A_52 : vector<16xi32> to vector<16x1xi32>
        %parallel_loop3A_870 = vector.shape_cast %parallel_loop3A_869 : vector<16x1xi32> to vector<16xi32>
        %parallel_loop3A_871 = tpu.dynamic_gather %parallel_loop3A_864[%parallel_loop3A_870] in [0] : vector<16xf32>, vector<16xi32> -> vector<16xf32>
        %parallel_loop3A_872 = arith.addf %parallel_loop3A_864, %parallel_loop3A_871 : vector<16xf32>
        %parallel_loop3A_873 = arith.select %lt3A_75, %parallel_loop3A_868, %parallel_loop3A_872 : vector<16xi1>, vector<16xf32>
        %parallel_loop3A_874 = arith.constant 16 : i32
        %parallel_loop3A_875 = arith.muli %parallel_loop3A_795, %parallel_loop3A_874 : i32
        %parallel_loop3A_876 = arith.constant 6 : i32
        %parallel_loop3A_877 = arith.addi %parallel_loop3A_875, %parallel_loop3A_876 : i32
        %parallel_loop3A_878 = arith.index_cast %parallel_loop3A_877 : i32 to index
        %parallel_loop3A_879 = arith.constant 0 : index
        %parallel_loop3A_880 = tpu.vector_load %arg12[%parallel_loop3A_878, %parallel_loop3A_879] {strides = array<i32>} : memref<32x16xf32, #tpu.memory_space<vmem>>, vector<16xf32>,
        %parallel_loop3A_881 = arith.constant 16 : i32
        %parallel_loop3A_882 = arith.muli %parallel_loop3A_795, %parallel_loop3A_881 : i32
        %parallel_loop3A_883 = arith.constant 14 : i32
        %parallel_loop3A_884 = arith.addi %parallel_loop3A_882, %parallel_loop3A_883 : i32
        %parallel_loop3A_885 = arith.index_cast %parallel_loop3A_884 : i32 to index
        %parallel_loop3A_886 = arith.constant 0 : index
        %parallel_loop3A_887 = tpu.vector_load %arg12[%parallel_loop3A_885, %parallel_loop3A_886] {strides = array<i32>} : memref<32x16xf32, #tpu.memory_space<vmem>>, vector<16xf32>,
        %parallel_loop3A_888 = vector.shape_cast %and3A_52 : vector<16xi32> to vector<16x1xi32>
        %parallel_loop3A_889 = vector.shape_cast %parallel_loop3A_888 : vector<16x1xi32> to vector<16xi32>
        %parallel_loop3A_890 = tpu.dynamic_gather %parallel_loop3A_880[%parallel_loop3A_889] in [0] : vector<16xf32>, vector<16xi32> -> vector<16xf32>
        %parallel_loop3A_891 = arith.addf %parallel_loop3A_880, %parallel_loop3A_890 : vector<16xf32>
        %parallel_loop3A_892 = vector.shape_cast %and3A_52 : vector<16xi32> to vector<16x1xi32>
        %parallel_loop3A_893 = vector.shape_cast %parallel_loop3A_892 : vector<16x1xi32> to vector<16xi32>
        %parallel_loop3A_894 = tpu.dynamic_gather %parallel_loop3A_887[%parallel_loop3A_893] in [0] : vector<16xf32>, vector<16xi32> -> vector<16xf32>
        %parallel_loop3A_895 = arith.addf %parallel_loop3A_887, %parallel_loop3A_894 : vector<16xf32>
        %parallel_loop3A_896 = arith.select %lt3A_75, %parallel_loop3A_891, %parallel_loop3A_895 : vector<16xi1>, vector<16xf32>
        %parallel_loop3A_897 = vector.shape_cast %and3A_46 : vector<16xi32> to vector<16x1xi32>
        %parallel_loop3A_898 = vector.shape_cast %parallel_loop3A_897 : vector<16x1xi32> to vector<16xi32>
        %parallel_loop3A_899 = tpu.dynamic_gather %parallel_loop3A_873[%parallel_loop3A_898] in [0] : vector<16xf32>, vector<16xi32> -> vector<16xf32>
        %parallel_loop3A_900 = arith.addf %parallel_loop3A_873, %parallel_loop3A_899 : vector<16xf32>
        %parallel_loop3A_901 = vector.shape_cast %and3A_58 : vector<16xi32> to vector<16x1xi32>
        %parallel_loop3A_902 = vector.shape_cast %parallel_loop3A_901 : vector<16x1xi32> to vector<16xi32>
        %parallel_loop3A_903 = tpu.dynamic_gather %parallel_loop3A_896[%parallel_loop3A_902] in [0] : vector<16xf32>, vector<16xi32> -> vector<16xf32>
        %parallel_loop3A_904 = arith.addf %parallel_loop3A_896, %parallel_loop3A_903 : vector<16xf32>
        %parallel_loop3A_905 = arith.select %lt3A_81, %parallel_loop3A_900, %parallel_loop3A_904 : vector<16xi1>, vector<16xf32>
        %parallel_loop3A_906 = vector.shape_cast %and3A_40 : vector<16xi32> to vector<16x1xi32>
        %parallel_loop3A_907 = vector.shape_cast %parallel_loop3A_906 : vector<16x1xi32> to vector<16xi32>
        %parallel_loop3A_908 = tpu.dynamic_gather %parallel_loop3A_850[%parallel_loop3A_907] in [0] : vector<16xf32>, vector<16xi32> -> vector<16xf32>
        %parallel_loop3A_909 = arith.addf %parallel_loop3A_850, %parallel_loop3A_908 : vector<16xf32>
        %parallel_loop3A_910 = vector.shape_cast %and3A_64 : vector<16xi32> to vector<16x1xi32>
        %parallel_loop3A_911 = vector.shape_cast %parallel_loop3A_910 : vector<16x1xi32> to vector<16xi32>
        %parallel_loop3A_912 = tpu.dynamic_gather %parallel_loop3A_905[%parallel_loop3A_911] in [0] : vector<16xf32>, vector<16xi32> -> vector<16xf32>
        %parallel_loop3A_913 = arith.addf %parallel_loop3A_905, %parallel_loop3A_912 : vector<16xf32>
        %parallel_loop3A_914 = arith.select %lt3A_87, %parallel_loop3A_909, %parallel_loop3A_913 : vector<16xi1>, vector<16xf32>
        %parallel_loop3A_915 = arith.constant 16 : i32
        %parallel_loop3A_916 = arith.muli %parallel_loop3A_795, %parallel_loop3A_915 : i32
        %parallel_loop3A_917 = arith.constant 1 : i32
        %parallel_loop3A_918 = arith.addi %parallel_loop3A_916, %parallel_loop3A_917 : i32
        %parallel_loop3A_919 = arith.index_cast %parallel_loop3A_918 : i32 to index
        %parallel_loop3A_920 = arith.constant 0 : index
        %parallel_loop3A_921 = tpu.vector_load %arg12[%parallel_loop3A_919, %parallel_loop3A_920] {strides = array<i32>} : memref<32x16xf32, #tpu.memory_space<vmem>>, vector<16xf32>,
        %parallel_loop3A_922 = arith.constant 16 : i32
        %parallel_loop3A_923 = arith.muli %parallel_loop3A_795, %parallel_loop3A_922 : i32
        %parallel_loop3A_924 = arith.constant 9 : i32
        %parallel_loop3A_925 = arith.addi %parallel_loop3A_923, %parallel_loop3A_924 : i32
        %parallel_loop3A_926 = arith.index_cast %parallel_loop3A_925 : i32 to index
        %parallel_loop3A_927 = arith.constant 0 : index
        %parallel_loop3A_928 = tpu.vector_load %arg12[%parallel_loop3A_926, %parallel_loop3A_927] {strides = array<i32>} : memref<32x16xf32, #tpu.memory_space<vmem>>, vector<16xf32>,
        %parallel_loop3A_929 = vector.shape_cast %and3A_52 : vector<16xi32> to vector<16x1xi32>
        %parallel_loop3A_930 = vector.shape_cast %parallel_loop3A_929 : vector<16x1xi32> to vector<16xi32>
        %parallel_loop3A_931 = tpu.dynamic_gather %parallel_loop3A_921[%parallel_loop3A_930] in [0] : vector<16xf32>, vector<16xi32> -> vector<16xf32>
        %parallel_loop3A_932 = arith.addf %parallel_loop3A_921, %parallel_loop3A_931 : vector<16xf32>
        %parallel_loop3A_933 = vector.shape_cast %and3A_52 : vector<16xi32> to vector<16x1xi32>
        %parallel_loop3A_934 = vector.shape_cast %parallel_loop3A_933 : vector<16x1xi32> to vector<16xi32>
        %parallel_loop3A_935 = tpu.dynamic_gather %parallel_loop3A_928[%parallel_loop3A_934] in [0] : vector<16xf32>, vector<16xi32> -> vector<16xf32>
        %parallel_loop3A_936 = arith.addf %parallel_loop3A_928, %parallel_loop3A_935 : vector<16xf32>
        %parallel_loop3A_937 = arith.select %lt3A_75, %parallel_loop3A_932, %parallel_loop3A_936 : vector<16xi1>, vector<16xf32>
        %parallel_loop3A_938 = arith.constant 16 : i32
        %parallel_loop3A_939 = arith.muli %parallel_loop3A_795, %parallel_loop3A_938 : i32
        %parallel_loop3A_940 = arith.constant 5 : i32
        %parallel_loop3A_941 = arith.addi %parallel_loop3A_939, %parallel_loop3A_940 : i32
        %parallel_loop3A_942 = arith.index_cast %parallel_loop3A_941 : i32 to index
        %parallel_loop3A_943 = arith.constant 0 : index
        %parallel_loop3A_944 = tpu.vector_load %arg12[%parallel_loop3A_942, %parallel_loop3A_943] {strides = array<i32>} : memref<32x16xf32, #tpu.memory_space<vmem>>, vector<16xf32>,
        %parallel_loop3A_945 = arith.constant 16 : i32
        %parallel_loop3A_946 = arith.muli %parallel_loop3A_795, %parallel_loop3A_945 : i32
        %parallel_loop3A_947 = arith.constant 13 : i32
        %parallel_loop3A_948 = arith.addi %parallel_loop3A_946, %parallel_loop3A_947 : i32
        %parallel_loop3A_949 = arith.index_cast %parallel_loop3A_948 : i32 to index
        %parallel_loop3A_950 = arith.constant 0 : index
        %parallel_loop3A_951 = tpu.vector_load %arg12[%parallel_loop3A_949, %parallel_loop3A_950] {strides = array<i32>} : memref<32x16xf32, #tpu.memory_space<vmem>>, vector<16xf32>,
        %parallel_loop3A_952 = vector.shape_cast %and3A_52 : vector<16xi32> to vector<16x1xi32>
        %parallel_loop3A_953 = vector.shape_cast %parallel_loop3A_952 : vector<16x1xi32> to vector<16xi32>
        %parallel_loop3A_954 = tpu.dynamic_gather %parallel_loop3A_944[%parallel_loop3A_953] in [0] : vector<16xf32>, vector<16xi32> -> vector<16xf32>
        %parallel_loop3A_955 = arith.addf %parallel_loop3A_944, %parallel_loop3A_954 : vector<16xf32>
        %parallel_loop3A_956 = vector.shape_cast %and3A_52 : vector<16xi32> to vector<16x1xi32>
        %parallel_loop3A_957 = vector.shape_cast %parallel_loop3A_956 : vector<16x1xi32> to vector<16xi32>
        %parallel_loop3A_958 = tpu.dynamic_gather %parallel_loop3A_951[%parallel_loop3A_957] in [0] : vector<16xf32>, vector<16xi32> -> vector<16xf32>
        %parallel_loop3A_959 = arith.addf %parallel_loop3A_951, %parallel_loop3A_958 : vector<16xf32>
        %parallel_loop3A_960 = arith.select %lt3A_75, %parallel_loop3A_955, %parallel_loop3A_959 : vector<16xi1>, vector<16xf32>
        %parallel_loop3A_961 = vector.shape_cast %and3A_46 : vector<16xi32> to vector<16x1xi32>
        %parallel_loop3A_962 = vector.shape_cast %parallel_loop3A_961 : vector<16x1xi32> to vector<16xi32>
        %parallel_loop3A_963 = tpu.dynamic_gather %parallel_loop3A_937[%parallel_loop3A_962] in [0] : vector<16xf32>, vector<16xi32> -> vector<16xf32>
        %parallel_loop3A_964 = arith.addf %parallel_loop3A_937, %parallel_loop3A_963 : vector<16xf32>
        %parallel_loop3A_965 = vector.shape_cast %and3A_58 : vector<16xi32> to vector<16x1xi32>
        %parallel_loop3A_966 = vector.shape_cast %parallel_loop3A_965 : vector<16x1xi32> to vector<16xi32>
        %parallel_loop3A_967 = tpu.dynamic_gather %parallel_loop3A_960[%parallel_loop3A_966] in [0] : vector<16xf32>, vector<16xi32> -> vector<16xf32>
        %parallel_loop3A_968 = arith.addf %parallel_loop3A_960, %parallel_loop3A_967 : vector<16xf32>
        %parallel_loop3A_969 = arith.select %lt3A_81, %parallel_loop3A_964, %parallel_loop3A_968 : vector<16xi1>, vector<16xf32>
        %parallel_loop3A_970 = arith.constant 16 : i32
        %parallel_loop3A_971 = arith.muli %parallel_loop3A_795, %parallel_loop3A_970 : i32
        %parallel_loop3A_972 = arith.constant 3 : i32
        %parallel_loop3A_973 = arith.addi %parallel_loop3A_971, %parallel_loop3A_972 : i32
        %parallel_loop3A_974 = arith.index_cast %parallel_loop3A_973 : i32 to index
        %parallel_loop3A_975 = arith.constant 0 : index
        %parallel_loop3A_976 = tpu.vector_load %arg12[%parallel_loop3A_974, %parallel_loop3A_975] {strides = array<i32>} : memref<32x16xf32, #tpu.memory_space<vmem>>, vector<16xf32>,
        %parallel_loop3A_977 = arith.constant 16 : i32
        %parallel_loop3A_978 = arith.muli %parallel_loop3A_795, %parallel_loop3A_977 : i32
        %parallel_loop3A_979 = arith.constant 11 : i32
        %parallel_loop3A_980 = arith.addi %parallel_loop3A_978, %parallel_loop3A_979 : i32
        %parallel_loop3A_981 = arith.index_cast %parallel_loop3A_980 : i32 to index
        %parallel_loop3A_982 = arith.constant 0 : index
        %parallel_loop3A_983 = tpu.vector_load %arg12[%parallel_loop3A_981, %parallel_loop3A_982] {strides = array<i32>} : memref<32x16xf32, #tpu.memory_space<vmem>>, vector<16xf32>,
        %parallel_loop3A_984 = vector.shape_cast %and3A_52 : vector<16xi32> to vector<16x1xi32>
        %parallel_loop3A_985 = vector.shape_cast %parallel_loop3A_984 : vector<16x1xi32> to vector<16xi32>
        %parallel_loop3A_986 = tpu.dynamic_gather %parallel_loop3A_976[%parallel_loop3A_985] in [0] : vector<16xf32>, vector<16xi32> -> vector<16xf32>
        %parallel_loop3A_987 = arith.addf %parallel_loop3A_976, %parallel_loop3A_986 : vector<16xf32>
        %parallel_loop3A_988 = vector.shape_cast %and3A_52 : vector<16xi32> to vector<16x1xi32>
        %parallel_loop3A_989 = vector.shape_cast %parallel_loop3A_988 : vector<16x1xi32> to vector<16xi32>
        %parallel_loop3A_990 = tpu.dynamic_gather %parallel_loop3A_983[%parallel_loop3A_989] in [0] : vector<16xf32>, vector<16xi32> -> vector<16xf32>
        %parallel_loop3A_991 = arith.addf %parallel_loop3A_983, %parallel_loop3A_990 : vector<16xf32>
        %parallel_loop3A_992 = arith.select %lt3A_75, %parallel_loop3A_987, %parallel_loop3A_991 : vector<16xi1>, vector<16xf32>
        %parallel_loop3A_993 = arith.constant 16 : i32
        %parallel_loop3A_994 = arith.muli %parallel_loop3A_795, %parallel_loop3A_993 : i32
        %parallel_loop3A_995 = arith.constant 7 : i32
        %parallel_loop3A_996 = arith.addi %parallel_loop3A_994, %parallel_loop3A_995 : i32
        %parallel_loop3A_997 = arith.index_cast %parallel_loop3A_996 : i32 to index
        %parallel_loop3A_998 = arith.constant 0 : index
        %parallel_loop3A_999 = tpu.vector_load %arg12[%parallel_loop3A_997, %parallel_loop3A_998] {strides = array<i32>} : memref<32x16xf32, #tpu.memory_space<vmem>>, vector<16xf32>,
        %parallel_loop3A_1000 = arith.constant 16 : i32
        %parallel_loop3A_1001 = arith.muli %parallel_loop3A_795, %parallel_loop3A_1000 : i32
        %parallel_loop3A_1002 = arith.constant 15 : i32
        %parallel_loop3A_1003 = arith.addi %parallel_loop3A_1001, %parallel_loop3A_1002 : i32
        %parallel_loop3A_1004 = arith.index_cast %parallel_loop3A_1003 : i32 to index
        %parallel_loop3A_1005 = arith.constant 0 : index
        %parallel_loop3A_1006 = tpu.vector_load %arg12[%parallel_loop3A_1004, %parallel_loop3A_1005] {strides = array<i32>} : memref<32x16xf32, #tpu.memory_space<vmem>>, vector<16xf32>,
        %parallel_loop3A_1007 = vector.shape_cast %and3A_52 : vector<16xi32> to vector<16x1xi32>
        %parallel_loop3A_1008 = vector.shape_cast %parallel_loop3A_1007 : vector<16x1xi32> to vector<16xi32>
        %parallel_loop3A_1009 = tpu.dynamic_gather %parallel_loop3A_999[%parallel_loop3A_1008] in [0] : vector<16xf32>, vector<16xi32> -> vector<16xf32>
        %parallel_loop3A_1010 = arith.addf %parallel_loop3A_999, %parallel_loop3A_1009 : vector<16xf32>
        %parallel_loop3A_1011 = vector.shape_cast %and3A_52 : vector<16xi32> to vector<16x1xi32>
        %parallel_loop3A_1012 = vector.shape_cast %parallel_loop3A_1011 : vector<16x1xi32> to vector<16xi32>
        %parallel_loop3A_1013 = tpu.dynamic_gather %parallel_loop3A_1006[%parallel_loop3A_1012] in [0] : vector<16xf32>, vector<16xi32> -> vector<16xf32>
        %parallel_loop3A_1014 = arith.addf %parallel_loop3A_1006, %parallel_loop3A_1013 : vector<16xf32>
        %parallel_loop3A_1015 = arith.select %lt3A_75, %parallel_loop3A_1010, %parallel_loop3A_1014 : vector<16xi1>, vector<16xf32>
        %parallel_loop3A_1016 = vector.shape_cast %and3A_46 : vector<16xi32> to vector<16x1xi32>
        %parallel_loop3A_1017 = vector.shape_cast %parallel_loop3A_1016 : vector<16x1xi32> to vector<16xi32>
        %parallel_loop3A_1018 = tpu.dynamic_gather %parallel_loop3A_992[%parallel_loop3A_1017] in [0] : vector<16xf32>, vector<16xi32> -> vector<16xf32>
        %parallel_loop3A_1019 = arith.addf %parallel_loop3A_992, %parallel_loop3A_1018 : vector<16xf32>
        %parallel_loop3A_1020 = vector.shape_cast %and3A_58 : vector<16xi32> to vector<16x1xi32>
        %parallel_loop3A_1021 = vector.shape_cast %parallel_loop3A_1020 : vector<16x1xi32> to vector<16xi32>
        %parallel_loop3A_1022 = tpu.dynamic_gather %parallel_loop3A_1015[%parallel_loop3A_1021] in [0] : vector<16xf32>, vector<16xi32> -> vector<16xf32>
        %parallel_loop3A_1023 = arith.addf %parallel_loop3A_1015, %parallel_loop3A_1022 : vector<16xf32>
        %parallel_loop3A_1024 = arith.select %lt3A_81, %parallel_loop3A_1019, %parallel_loop3A_1023 : vector<16xi1>, vector<16xf32>
        %parallel_loop3A_1025 = vector.shape_cast %and3A_40 : vector<16xi32> to vector<16x1xi32>
        %parallel_loop3A_1026 = vector.shape_cast %parallel_loop3A_1025 : vector<16x1xi32> to vector<16xi32>
        %parallel_loop3A_1027 = tpu.dynamic_gather %parallel_loop3A_969[%parallel_loop3A_1026] in [0] : vector<16xf32>, vector<16xi32> -> vector<16xf32>
        %parallel_loop3A_1028 = arith.addf %parallel_loop3A_969, %parallel_loop3A_1027 : vector<16xf32>
        %parallel_loop3A_1029 = vector.shape_cast %and3A_64 : vector<16xi32> to vector<16x1xi32>
        %parallel_loop3A_1030 = vector.shape_cast %parallel_loop3A_1029 : vector<16x1xi32> to vector<16xi32>
        %parallel_loop3A_1031 = tpu.dynamic_gather %parallel_loop3A_1024[%parallel_loop3A_1030] in [0] : vector<16xf32>, vector<16xi32> -> vector<16xf32>
        %parallel_loop3A_1032 = arith.addf %parallel_loop3A_1024, %parallel_loop3A_1031 : vector<16xf32>
        %parallel_loop3A_1033 = arith.select %lt3A_87, %parallel_loop3A_1028, %parallel_loop3A_1032 : vector<16xi1>, vector<16xf32>
        %parallel_loop3A_1034 = vector.shape_cast %and3A_34 : vector<16xi32> to vector<16x1xi32>
        %parallel_loop3A_1035 = vector.shape_cast %parallel_loop3A_1034 : vector<16x1xi32> to vector<16xi32>
        %parallel_loop3A_1036 = tpu.dynamic_gather %parallel_loop3A_914[%parallel_loop3A_1035] in [0] : vector<16xf32>, vector<16xi32> -> vector<16xf32>
        %parallel_loop3A_1037 = arith.addf %parallel_loop3A_914, %parallel_loop3A_1036 : vector<16xf32>
        %parallel_loop3A_1038 = vector.shape_cast %and3A_70 : vector<16xi32> to vector<16x1xi32>
        %parallel_loop3A_1039 = vector.shape_cast %parallel_loop3A_1038 : vector<16x1xi32> to vector<16xi32>
        %parallel_loop3A_1040 = tpu.dynamic_gather %parallel_loop3A_1033[%parallel_loop3A_1039] in [0] : vector<16xf32>, vector<16xi32> -> vector<16xf32>
        %parallel_loop3A_1041 = arith.addf %parallel_loop3A_1033, %parallel_loop3A_1040 : vector<16xf32>
        %parallel_loop3A_1042 = arith.select %lt3A_93, %parallel_loop3A_1037, %parallel_loop3A_1041 : vector<16xi1>, vector<16xf32>
        %parallel_loop3A_1043 = arith.constant 32 : i32
        %parallel_loop3A_1044 = arith.muli %add3A_462, %parallel_loop3A_1043 : i32
        %parallel_loop3A_1045 = arith.constant 16 : i32
        %parallel_loop3A_1046 = arith.muli %parallel_loop3A_795, %parallel_loop3A_1045 : i32
        %parallel_loop3A_1047 = arith.addi %parallel_loop3A_1044, %parallel_loop3A_1046 : i32
        %parallel_loop3A_1048 = arith.index_cast %parallel_loop3A_1047 : i32 to index
        %parallel_loop3A_1049 = tpu.vector_load %arg11[%parallel_loop3A_1048] {strides = array<i32>} : memref<512xf32, #tpu.memory_space<vmem>>, vector<16xf32>,
        tpu.vector_store %arg11[%parallel_loop3A_1048], %parallel_loop3A_1042 {strides = array<i32>} : memref<512xf32, #tpu.memory_space<vmem>>, vector<16xf32>,
      } {sc.loop_unroll_factor = 1 : i64, sc.parallel_access}
      %mul3A_489 = arith.constant 32 : i32
      %mul3A_490 = arith.muli %add3A_462, %mul3A_489 : i32
      %mul3A_491 = arith.constant 512 : i32
      %mul3A_492 = arith.muli %add3A, %mul3A_491 : i32
      %mul3A_493 = arith.constant 32 : i32
      %mul3A_494 = arith.muli %add3A_462, %mul3A_493 : i32
      %add3A_495 = arith.addi %mul3A_492, %mul3A_494 : i32
      %dma_start3A_496 = tpu.memref_slice %arg11[%mul3A_490] : memref<512xf32, #tpu.memory_space<vmem>> -> memref<32xf32, #tpu.memory_space<vmem>>
      %dma_start3A_497 = tpu.memref_slice %arg6[%add3A_495] : memref<16384xf32, #tpu.memory_space<hbm>> -> memref<32xf32, #tpu.memory_space<hbm>>
      %dma_start3A_498 = tpu.memref_slice %arg6[%add3A_495] : memref<16384xf32, #tpu.memory_space<hbm>> -> memref<32xf32, #tpu.memory_space<hbm>>
      %dma_start3A_499 = tpu.memref_slice %arg11[%mul3A_490] : memref<512xf32, #tpu.memory_space<vmem>> -> memref<32xf32, #tpu.memory_space<vmem>>
      tpu.enqueue_dma source(%dma_start3A_499 : memref<32xf32, #tpu.memory_space<vmem>>) target(%dma_start3A_498 : memref<32xf32, #tpu.memory_space<hbm>>) target_semaphore(%arg29 : memref<!tpu.dma_semaphore, #tpu.memory_space<semaphore_mem>>)
      %add3A_500 = arith.constant 8 : i32
      %add3A_501 = arith.addi %add3A_462, %add3A_500 : i32
      %lt3A_502 = arith.constant 16 : i32
      %lt3A_503 = arith.cmpi slt, %add3A_501, %lt3A_502 : i32
      %convert_element_type3A_504 = arith.extui %lt3A_503 : i1 to i32
      %cond3A_505 = arith.constant 0 : i32
      %cond3A_506 = arith.cmpi ne, %convert_element_type3A_504, %cond3A_505 : i32
      scf.if %cond3A_506 {
        %mul3A_795 = arith.constant 32 : i32
        %mul3A_796 = arith.muli %add3A_501, %mul3A_795 : i32
        %dma_start3A_797 = arith.constant 1 : i32
        %dma_start3A_798 = arith.constant 0 : i32
        %dma_start3A_799 = arith.constant 0 : i32
        %dma_start3A_800 = tpu.memref_slice %arg9[%dma_start3A_797, %dma_start3A_798, %dma_start3A_799] : memref<8x32x128xf32, #tpu.memory_space<vmem>> -> memref<1x32x128xf32, #tpu.memory_space<vmem>>
        %dma_start3A_801 = tpu.memref_squeeze %dma_start3A_800 : memref<1x32x128xf32, #tpu.memory_space<vmem>> -> memref<32x128xf32, #tpu.memory_space<vmem>>
        %dma_start3A_802 = tpu.memref_slice %arg7[%mul3A_796] : memref<512xi32, #tpu.memory_space<vmem>> -> memref<32xi32, #tpu.memory_space<vmem>>
        %dma_start3A_803 = arith.constant 0 : i32
        %dma_start3A_804 = arith.constant 0 : i32
        %dma_start3A_805 = tpu.memref_slice %arg4[%dma_start3A_803, %dma_start3A_804] : memref<1000000x128xf32, #tpu.memory_space<hbm>> -> memref<1000000x128xf32, #tpu.memory_space<hbm>>
        tpu.enqueue_indirect_dma source(%dma_start3A_805 : memref<1000000x128xf32, #tpu.memory_space<hbm>>) target(%dma_start3A_801 : memref<32x128xf32, #tpu.memory_space<vmem>>) offsets(%dma_start3A_802 : memref<32xi32, #tpu.memory_space<vmem>>) semaphore(%arg15 : memref<!tpu.dma_semaphore, #tpu.memory_space<semaphore_mem>>)
        %dma_start3A_806 = arith.constant 1 : i32
        %dma_start3A_807 = arith.constant 0 : i32
        %dma_start3A_808 = arith.constant 0 : i32
        %dma_start3A_809 = tpu.memref_slice %arg10[%dma_start3A_806, %dma_start3A_807, %dma_start3A_808] : memref<8x32x128xf32, #tpu.memory_space<vmem>> -> memref<1x32x128xf32, #tpu.memory_space<vmem>>
        %dma_start3A_810 = tpu.memref_squeeze %dma_start3A_809 : memref<1x32x128xf32, #tpu.memory_space<vmem>> -> memref<32x128xf32, #tpu.memory_space<vmem>>
        %dma_start3A_811 = tpu.memref_slice %arg8[%mul3A_796] : memref<512xi32, #tpu.memory_space<vmem>> -> memref<32xi32, #tpu.memory_space<vmem>>
        %dma_start3A_812 = arith.constant 0 : i32
        %dma_start3A_813 = arith.constant 0 : i32
        %dma_start3A_814 = tpu.memref_slice %arg5[%dma_start3A_812, %dma_start3A_813] : memref<1000000x128xf32, #tpu.memory_space<hbm>> -> memref<1000000x128xf32, #tpu.memory_space<hbm>>
        tpu.enqueue_indirect_dma source(%dma_start3A_814 : memref<1000000x128xf32, #tpu.memory_space<hbm>>) target(%dma_start3A_810 : memref<32x128xf32, #tpu.memory_space<vmem>>) offsets(%dma_start3A_811 : memref<32xi32, #tpu.memory_space<vmem>>) semaphore(%arg16 : memref<!tpu.dma_semaphore, #tpu.memory_space<semaphore_mem>>)
      } else {
      }
      %mul3A_507 = arith.constant 8 : i32
      %mul3A_508 = arith.muli %mul3A_507, %add3A_413 : i32
      %add3A_509 = arith.constant 2 : i32
      %add3A_510 = arith.addi %mul3A_508, %add3A_509 : i32
      %dma_wait3A_511 = arith.constant 2 : i32
      %dma_wait3A_512 = arith.constant 0 : i32
      %dma_wait3A_513 = arith.constant 0 : i32
      %dma_wait3A_514 = tpu.memref_slice %arg9[%dma_wait3A_511, %dma_wait3A_512, %dma_wait3A_513] : memref<8x32x128xf32, #tpu.memory_space<vmem>> -> memref<1x32x128xf32, #tpu.memory_space<vmem>>
      %dma_wait3A_515 = tpu.memref_squeeze %dma_wait3A_514 : memref<1x32x128xf32, #tpu.memory_space<vmem>> -> memref<32x128xf32, #tpu.memory_space<vmem>>
      %dma_wait3A_516 = arith.constant 0 : i32
      %dma_wait3A_517 = tpu.memref_slice %arg7[%dma_wait3A_516] : memref<512xi32, #tpu.memory_space<vmem>> -> memref<32xi32, #tpu.memory_space<vmem>>
      %dma_wait3A_518 = arith.constant 0 : i32
      %dma_wait3A_519 = arith.constant 0 : i32
      %dma_wait3A_520 = tpu.memref_slice %arg4[%dma_wait3A_518, %dma_wait3A_519] : memref<1000000x128xf32, #tpu.memory_space<hbm>> -> memref<1000000x128xf32, #tpu.memory_space<hbm>>
      tpu.wait_indirect_dma semaphore(%arg17 : memref<!tpu.dma_semaphore, #tpu.memory_space<semaphore_mem>>) src(%dma_wait3A_520 : memref<1000000x128xf32, #tpu.memory_space<hbm>>) dst(%dma_wait3A_515 : memref<32x128xf32, #tpu.memory_space<vmem>>)
      %dma_wait3A_521 = arith.constant 2 : i32
      %dma_wait3A_522 = arith.constant 0 : i32
      %dma_wait3A_523 = arith.constant 0 : i32
      %dma_wait3A_524 = tpu.memref_slice %arg10[%dma_wait3A_521, %dma_wait3A_522, %dma_wait3A_523] : memref<8x32x128xf32, #tpu.memory_space<vmem>> -> memref<1x32x128xf32, #tpu.memory_space<vmem>>
      %dma_wait3A_525 = tpu.memref_squeeze %dma_wait3A_524 : memref<1x32x128xf32, #tpu.memory_space<vmem>> -> memref<32x128xf32, #tpu.memory_space<vmem>>
      %dma_wait3A_526 = arith.constant 0 : i32
      %dma_wait3A_527 = tpu.memref_slice %arg8[%dma_wait3A_526] : memref<512xi32, #tpu.memory_space<vmem>> -> memref<32xi32, #tpu.memory_space<vmem>>
      %dma_wait3A_528 = arith.constant 0 : i32
      %dma_wait3A_529 = arith.constant 0 : i32
      %dma_wait3A_530 = tpu.memref_slice %arg5[%dma_wait3A_528, %dma_wait3A_529] : memref<1000000x128xf32, #tpu.memory_space<hbm>> -> memref<1000000x128xf32, #tpu.memory_space<hbm>>
      tpu.wait_indirect_dma semaphore(%arg18 : memref<!tpu.dma_semaphore, #tpu.memory_space<semaphore_mem>>) src(%dma_wait3A_530 : memref<1000000x128xf32, #tpu.memory_space<hbm>>) dst(%dma_wait3A_525 : memref<32x128xf32, #tpu.memory_space<vmem>>)
      %parallel_loop3A_531 = arith.constant 0 : i32
      %parallel_loop3A_532 = arith.constant 32 : i32
      %parallel_loop3A_533 = arith.constant 1 : i32
      scf.for %parallel_loop3A_795 = %parallel_loop3A_531 to %parallel_loop3A_532 step %parallel_loop3A_533  : i32 {
        %parallel_loop3A_796 = arith.constant 2 : i32
        %parallel_loop3A_797 = arith.index_cast %parallel_loop3A_796 : i32 to index
        %parallel_loop3A_798 = arith.index_cast %parallel_loop3A_795 : i32 to index
        %parallel_loop3A_799 = arith.constant 0 : index
        %parallel_loop3A_800 = tpu.vector_load %arg9[%parallel_loop3A_797, %parallel_loop3A_798, %parallel_loop3A_799] {strides = array<i32>} : memref<8x32x128xf32, #tpu.memory_space<vmem>>, vector<16xf32>,
        %parallel_loop3A_801 = arith.constant 2 : i32
        %parallel_loop3A_802 = arith.index_cast %parallel_loop3A_801 : i32 to index
        %parallel_loop3A_803 = arith.index_cast %parallel_loop3A_795 : i32 to index
        %parallel_loop3A_804 = arith.constant 0 : index
        %parallel_loop3A_805 = tpu.vector_load %arg10[%parallel_loop3A_802, %parallel_loop3A_803, %parallel_loop3A_804] {strides = array<i32>} : memref<8x32x128xf32, #tpu.memory_space<vmem>>, vector<16xf32>,
        %parallel_loop3A_806 = arith.mulf %parallel_loop3A_800, %parallel_loop3A_805 : vector<16xf32>
        %parallel_loop3A_807 = arith.constant 2 : i32
        %parallel_loop3A_808 = arith.index_cast %parallel_loop3A_807 : i32 to index
        %parallel_loop3A_809 = arith.index_cast %parallel_loop3A_795 : i32 to index
        %parallel_loop3A_810 = arith.constant 16 : index
        %parallel_loop3A_811 = tpu.vector_load %arg9[%parallel_loop3A_808, %parallel_loop3A_809, %parallel_loop3A_810] {strides = array<i32>} : memref<8x32x128xf32, #tpu.memory_space<vmem>>, vector<16xf32>,
        %parallel_loop3A_812 = arith.constant 2 : i32
        %parallel_loop3A_813 = arith.index_cast %parallel_loop3A_812 : i32 to index
        %parallel_loop3A_814 = arith.index_cast %parallel_loop3A_795 : i32 to index
        %parallel_loop3A_815 = arith.constant 16 : index
        %parallel_loop3A_816 = tpu.vector_load %arg10[%parallel_loop3A_813, %parallel_loop3A_814, %parallel_loop3A_815] {strides = array<i32>} : memref<8x32x128xf32, #tpu.memory_space<vmem>>, vector<16xf32>,
        %parallel_loop3A_817 = arith.mulf %parallel_loop3A_811, %parallel_loop3A_816 : vector<16xf32>
        %parallel_loop3A_818 = arith.addf %parallel_loop3A_806, %parallel_loop3A_817 : vector<16xf32>
        %parallel_loop3A_819 = arith.constant 2 : i32
        %parallel_loop3A_820 = arith.index_cast %parallel_loop3A_819 : i32 to index
        %parallel_loop3A_821 = arith.index_cast %parallel_loop3A_795 : i32 to index
        %parallel_loop3A_822 = arith.constant 32 : index
        %parallel_loop3A_823 = tpu.vector_load %arg9[%parallel_loop3A_820, %parallel_loop3A_821, %parallel_loop3A_822] {strides = array<i32>} : memref<8x32x128xf32, #tpu.memory_space<vmem>>, vector<16xf32>,
        %parallel_loop3A_824 = arith.constant 2 : i32
        %parallel_loop3A_825 = arith.index_cast %parallel_loop3A_824 : i32 to index
        %parallel_loop3A_826 = arith.index_cast %parallel_loop3A_795 : i32 to index
        %parallel_loop3A_827 = arith.constant 32 : index
        %parallel_loop3A_828 = tpu.vector_load %arg10[%parallel_loop3A_825, %parallel_loop3A_826, %parallel_loop3A_827] {strides = array<i32>} : memref<8x32x128xf32, #tpu.memory_space<vmem>>, vector<16xf32>,
        %parallel_loop3A_829 = arith.mulf %parallel_loop3A_823, %parallel_loop3A_828 : vector<16xf32>
        %parallel_loop3A_830 = arith.addf %parallel_loop3A_818, %parallel_loop3A_829 : vector<16xf32>
        %parallel_loop3A_831 = arith.constant 2 : i32
        %parallel_loop3A_832 = arith.index_cast %parallel_loop3A_831 : i32 to index
        %parallel_loop3A_833 = arith.index_cast %parallel_loop3A_795 : i32 to index
        %parallel_loop3A_834 = arith.constant 48 : index
        %parallel_loop3A_835 = tpu.vector_load %arg9[%parallel_loop3A_832, %parallel_loop3A_833, %parallel_loop3A_834] {strides = array<i32>} : memref<8x32x128xf32, #tpu.memory_space<vmem>>, vector<16xf32>,
        %parallel_loop3A_836 = arith.constant 2 : i32
        %parallel_loop3A_837 = arith.index_cast %parallel_loop3A_836 : i32 to index
        %parallel_loop3A_838 = arith.index_cast %parallel_loop3A_795 : i32 to index
        %parallel_loop3A_839 = arith.constant 48 : index
        %parallel_loop3A_840 = tpu.vector_load %arg10[%parallel_loop3A_837, %parallel_loop3A_838, %parallel_loop3A_839] {strides = array<i32>} : memref<8x32x128xf32, #tpu.memory_space<vmem>>, vector<16xf32>,
        %parallel_loop3A_841 = arith.mulf %parallel_loop3A_835, %parallel_loop3A_840 : vector<16xf32>
        %parallel_loop3A_842 = arith.addf %parallel_loop3A_830, %parallel_loop3A_841 : vector<16xf32>
        %parallel_loop3A_843 = arith.constant 2 : i32
        %parallel_loop3A_844 = arith.index_cast %parallel_loop3A_843 : i32 to index
        %parallel_loop3A_845 = arith.index_cast %parallel_loop3A_795 : i32 to index
        %parallel_loop3A_846 = arith.constant 64 : index
        %parallel_loop3A_847 = tpu.vector_load %arg9[%parallel_loop3A_844, %parallel_loop3A_845, %parallel_loop3A_846] {strides = array<i32>} : memref<8x32x128xf32, #tpu.memory_space<vmem>>, vector<16xf32>,
        %parallel_loop3A_848 = arith.constant 2 : i32
        %parallel_loop3A_849 = arith.index_cast %parallel_loop3A_848 : i32 to index
        %parallel_loop3A_850 = arith.index_cast %parallel_loop3A_795 : i32 to index
        %parallel_loop3A_851 = arith.constant 64 : index
        %parallel_loop3A_852 = tpu.vector_load %arg10[%parallel_loop3A_849, %parallel_loop3A_850, %parallel_loop3A_851] {strides = array<i32>} : memref<8x32x128xf32, #tpu.memory_space<vmem>>, vector<16xf32>,
        %parallel_loop3A_853 = arith.mulf %parallel_loop3A_847, %parallel_loop3A_852 : vector<16xf32>
        %parallel_loop3A_854 = arith.addf %parallel_loop3A_842, %parallel_loop3A_853 : vector<16xf32>
        %parallel_loop3A_855 = arith.constant 2 : i32
        %parallel_loop3A_856 = arith.index_cast %parallel_loop3A_855 : i32 to index
        %parallel_loop3A_857 = arith.index_cast %parallel_loop3A_795 : i32 to index
        %parallel_loop3A_858 = arith.constant 80 : index
        %parallel_loop3A_859 = tpu.vector_load %arg9[%parallel_loop3A_856, %parallel_loop3A_857, %parallel_loop3A_858] {strides = array<i32>} : memref<8x32x128xf32, #tpu.memory_space<vmem>>, vector<16xf32>,
        %parallel_loop3A_860 = arith.constant 2 : i32
        %parallel_loop3A_861 = arith.index_cast %parallel_loop3A_860 : i32 to index
        %parallel_loop3A_862 = arith.index_cast %parallel_loop3A_795 : i32 to index
        %parallel_loop3A_863 = arith.constant 80 : index
        %parallel_loop3A_864 = tpu.vector_load %arg10[%parallel_loop3A_861, %parallel_loop3A_862, %parallel_loop3A_863] {strides = array<i32>} : memref<8x32x128xf32, #tpu.memory_space<vmem>>, vector<16xf32>,
        %parallel_loop3A_865 = arith.mulf %parallel_loop3A_859, %parallel_loop3A_864 : vector<16xf32>
        %parallel_loop3A_866 = arith.addf %parallel_loop3A_854, %parallel_loop3A_865 : vector<16xf32>
        %parallel_loop3A_867 = arith.constant 2 : i32
        %parallel_loop3A_868 = arith.index_cast %parallel_loop3A_867 : i32 to index
        %parallel_loop3A_869 = arith.index_cast %parallel_loop3A_795 : i32 to index
        %parallel_loop3A_870 = arith.constant 96 : index
        %parallel_loop3A_871 = tpu.vector_load %arg9[%parallel_loop3A_868, %parallel_loop3A_869, %parallel_loop3A_870] {strides = array<i32>} : memref<8x32x128xf32, #tpu.memory_space<vmem>>, vector<16xf32>,
        %parallel_loop3A_872 = arith.constant 2 : i32
        %parallel_loop3A_873 = arith.index_cast %parallel_loop3A_872 : i32 to index
        %parallel_loop3A_874 = arith.index_cast %parallel_loop3A_795 : i32 to index
        %parallel_loop3A_875 = arith.constant 96 : index
        %parallel_loop3A_876 = tpu.vector_load %arg10[%parallel_loop3A_873, %parallel_loop3A_874, %parallel_loop3A_875] {strides = array<i32>} : memref<8x32x128xf32, #tpu.memory_space<vmem>>, vector<16xf32>,
        %parallel_loop3A_877 = arith.mulf %parallel_loop3A_871, %parallel_loop3A_876 : vector<16xf32>
        %parallel_loop3A_878 = arith.addf %parallel_loop3A_866, %parallel_loop3A_877 : vector<16xf32>
        %parallel_loop3A_879 = arith.constant 2 : i32
        %parallel_loop3A_880 = arith.index_cast %parallel_loop3A_879 : i32 to index
        %parallel_loop3A_881 = arith.index_cast %parallel_loop3A_795 : i32 to index
        %parallel_loop3A_882 = arith.constant 112 : index
        %parallel_loop3A_883 = tpu.vector_load %arg9[%parallel_loop3A_880, %parallel_loop3A_881, %parallel_loop3A_882] {strides = array<i32>} : memref<8x32x128xf32, #tpu.memory_space<vmem>>, vector<16xf32>,
        %parallel_loop3A_884 = arith.constant 2 : i32
        %parallel_loop3A_885 = arith.index_cast %parallel_loop3A_884 : i32 to index
        %parallel_loop3A_886 = arith.index_cast %parallel_loop3A_795 : i32 to index
        %parallel_loop3A_887 = arith.constant 112 : index
        %parallel_loop3A_888 = tpu.vector_load %arg10[%parallel_loop3A_885, %parallel_loop3A_886, %parallel_loop3A_887] {strides = array<i32>} : memref<8x32x128xf32, #tpu.memory_space<vmem>>, vector<16xf32>,
        %parallel_loop3A_889 = arith.mulf %parallel_loop3A_883, %parallel_loop3A_888 : vector<16xf32>
        %parallel_loop3A_890 = arith.addf %parallel_loop3A_878, %parallel_loop3A_889 : vector<16xf32>
        %parallel_loop3A_891 = arith.index_cast %parallel_loop3A_795 : i32 to index
        %parallel_loop3A_892 = arith.constant 0 : index
        %parallel_loop3A_893 = tpu.vector_load %arg12[%parallel_loop3A_891, %parallel_loop3A_892] {strides = array<i32>} : memref<32x16xf32, #tpu.memory_space<vmem>>, vector<16xf32>,
        tpu.vector_store %arg12[%parallel_loop3A_891, %parallel_loop3A_892], %parallel_loop3A_890 {strides = array<i32>} : memref<32x16xf32, #tpu.memory_space<vmem>>, vector<16xf32>,
      } {sc.loop_unroll_factor = 1 : i64, sc.parallel_access}
      %parallel_loop3A_534 = arith.constant 0 : i32
      %parallel_loop3A_535 = arith.constant 2 : i32
      %parallel_loop3A_536 = arith.constant 1 : i32
      scf.for %parallel_loop3A_795 = %parallel_loop3A_534 to %parallel_loop3A_535 step %parallel_loop3A_536  : i32 {
        %parallel_loop3A_796 = arith.constant 16 : i32
        %parallel_loop3A_797 = arith.muli %parallel_loop3A_795, %parallel_loop3A_796 : i32
        %parallel_loop3A_798 = arith.constant 0 : i32
        %parallel_loop3A_799 = arith.addi %parallel_loop3A_797, %parallel_loop3A_798 : i32
        %parallel_loop3A_800 = arith.index_cast %parallel_loop3A_799 : i32 to index
        %parallel_loop3A_801 = arith.constant 0 : index
        %parallel_loop3A_802 = tpu.vector_load %arg12[%parallel_loop3A_800, %parallel_loop3A_801] {strides = array<i32>} : memref<32x16xf32, #tpu.memory_space<vmem>>, vector<16xf32>,
        %parallel_loop3A_803 = arith.constant 16 : i32
        %parallel_loop3A_804 = arith.muli %parallel_loop3A_795, %parallel_loop3A_803 : i32
        %parallel_loop3A_805 = arith.constant 8 : i32
        %parallel_loop3A_806 = arith.addi %parallel_loop3A_804, %parallel_loop3A_805 : i32
        %parallel_loop3A_807 = arith.index_cast %parallel_loop3A_806 : i32 to index
        %parallel_loop3A_808 = arith.constant 0 : index
        %parallel_loop3A_809 = tpu.vector_load %arg12[%parallel_loop3A_807, %parallel_loop3A_808] {strides = array<i32>} : memref<32x16xf32, #tpu.memory_space<vmem>>, vector<16xf32>,
        %parallel_loop3A_810 = vector.shape_cast %and3A_52 : vector<16xi32> to vector<16x1xi32>
        %parallel_loop3A_811 = vector.shape_cast %parallel_loop3A_810 : vector<16x1xi32> to vector<16xi32>
        %parallel_loop3A_812 = tpu.dynamic_gather %parallel_loop3A_802[%parallel_loop3A_811] in [0] : vector<16xf32>, vector<16xi32> -> vector<16xf32>
        %parallel_loop3A_813 = arith.addf %parallel_loop3A_802, %parallel_loop3A_812 : vector<16xf32>
        %parallel_loop3A_814 = vector.shape_cast %and3A_52 : vector<16xi32> to vector<16x1xi32>
        %parallel_loop3A_815 = vector.shape_cast %parallel_loop3A_814 : vector<16x1xi32> to vector<16xi32>
        %parallel_loop3A_816 = tpu.dynamic_gather %parallel_loop3A_809[%parallel_loop3A_815] in [0] : vector<16xf32>, vector<16xi32> -> vector<16xf32>
        %parallel_loop3A_817 = arith.addf %parallel_loop3A_809, %parallel_loop3A_816 : vector<16xf32>
        %parallel_loop3A_818 = arith.select %lt3A_75, %parallel_loop3A_813, %parallel_loop3A_817 : vector<16xi1>, vector<16xf32>
        %parallel_loop3A_819 = arith.constant 16 : i32
        %parallel_loop3A_820 = arith.muli %parallel_loop3A_795, %parallel_loop3A_819 : i32
        %parallel_loop3A_821 = arith.constant 4 : i32
        %parallel_loop3A_822 = arith.addi %parallel_loop3A_820, %parallel_loop3A_821 : i32
        %parallel_loop3A_823 = arith.index_cast %parallel_loop3A_822 : i32 to index
        %parallel_loop3A_824 = arith.constant 0 : index
        %parallel_loop3A_825 = tpu.vector_load %arg12[%parallel_loop3A_823, %parallel_loop3A_824] {strides = array<i32>} : memref<32x16xf32, #tpu.memory_space<vmem>>, vector<16xf32>,
        %parallel_loop3A_826 = arith.constant 16 : i32
        %parallel_loop3A_827 = arith.muli %parallel_loop3A_795, %parallel_loop3A_826 : i32
        %parallel_loop3A_828 = arith.constant 12 : i32
        %parallel_loop3A_829 = arith.addi %parallel_loop3A_827, %parallel_loop3A_828 : i32
        %parallel_loop3A_830 = arith.index_cast %parallel_loop3A_829 : i32 to index
        %parallel_loop3A_831 = arith.constant 0 : index
        %parallel_loop3A_832 = tpu.vector_load %arg12[%parallel_loop3A_830, %parallel_loop3A_831] {strides = array<i32>} : memref<32x16xf32, #tpu.memory_space<vmem>>, vector<16xf32>,
        %parallel_loop3A_833 = vector.shape_cast %and3A_52 : vector<16xi32> to vector<16x1xi32>
        %parallel_loop3A_834 = vector.shape_cast %parallel_loop3A_833 : vector<16x1xi32> to vector<16xi32>
        %parallel_loop3A_835 = tpu.dynamic_gather %parallel_loop3A_825[%parallel_loop3A_834] in [0] : vector<16xf32>, vector<16xi32> -> vector<16xf32>
        %parallel_loop3A_836 = arith.addf %parallel_loop3A_825, %parallel_loop3A_835 : vector<16xf32>
        %parallel_loop3A_837 = vector.shape_cast %and3A_52 : vector<16xi32> to vector<16x1xi32>
        %parallel_loop3A_838 = vector.shape_cast %parallel_loop3A_837 : vector<16x1xi32> to vector<16xi32>
        %parallel_loop3A_839 = tpu.dynamic_gather %parallel_loop3A_832[%parallel_loop3A_838] in [0] : vector<16xf32>, vector<16xi32> -> vector<16xf32>
        %parallel_loop3A_840 = arith.addf %parallel_loop3A_832, %parallel_loop3A_839 : vector<16xf32>
        %parallel_loop3A_841 = arith.select %lt3A_75, %parallel_loop3A_836, %parallel_loop3A_840 : vector<16xi1>, vector<16xf32>
        %parallel_loop3A_842 = vector.shape_cast %and3A_46 : vector<16xi32> to vector<16x1xi32>
        %parallel_loop3A_843 = vector.shape_cast %parallel_loop3A_842 : vector<16x1xi32> to vector<16xi32>
        %parallel_loop3A_844 = tpu.dynamic_gather %parallel_loop3A_818[%parallel_loop3A_843] in [0] : vector<16xf32>, vector<16xi32> -> vector<16xf32>
        %parallel_loop3A_845 = arith.addf %parallel_loop3A_818, %parallel_loop3A_844 : vector<16xf32>
        %parallel_loop3A_846 = vector.shape_cast %and3A_58 : vector<16xi32> to vector<16x1xi32>
        %parallel_loop3A_847 = vector.shape_cast %parallel_loop3A_846 : vector<16x1xi32> to vector<16xi32>
        %parallel_loop3A_848 = tpu.dynamic_gather %parallel_loop3A_841[%parallel_loop3A_847] in [0] : vector<16xf32>, vector<16xi32> -> vector<16xf32>
        %parallel_loop3A_849 = arith.addf %parallel_loop3A_841, %parallel_loop3A_848 : vector<16xf32>
        %parallel_loop3A_850 = arith.select %lt3A_81, %parallel_loop3A_845, %parallel_loop3A_849 : vector<16xi1>, vector<16xf32>
        %parallel_loop3A_851 = arith.constant 16 : i32
        %parallel_loop3A_852 = arith.muli %parallel_loop3A_795, %parallel_loop3A_851 : i32
        %parallel_loop3A_853 = arith.constant 2 : i32
        %parallel_loop3A_854 = arith.addi %parallel_loop3A_852, %parallel_loop3A_853 : i32
        %parallel_loop3A_855 = arith.index_cast %parallel_loop3A_854 : i32 to index
        %parallel_loop3A_856 = arith.constant 0 : index
        %parallel_loop3A_857 = tpu.vector_load %arg12[%parallel_loop3A_855, %parallel_loop3A_856] {strides = array<i32>} : memref<32x16xf32, #tpu.memory_space<vmem>>, vector<16xf32>,
        %parallel_loop3A_858 = arith.constant 16 : i32
        %parallel_loop3A_859 = arith.muli %parallel_loop3A_795, %parallel_loop3A_858 : i32
        %parallel_loop3A_860 = arith.constant 10 : i32
        %parallel_loop3A_861 = arith.addi %parallel_loop3A_859, %parallel_loop3A_860 : i32
        %parallel_loop3A_862 = arith.index_cast %parallel_loop3A_861 : i32 to index
        %parallel_loop3A_863 = arith.constant 0 : index
        %parallel_loop3A_864 = tpu.vector_load %arg12[%parallel_loop3A_862, %parallel_loop3A_863] {strides = array<i32>} : memref<32x16xf32, #tpu.memory_space<vmem>>, vector<16xf32>,
        %parallel_loop3A_865 = vector.shape_cast %and3A_52 : vector<16xi32> to vector<16x1xi32>
        %parallel_loop3A_866 = vector.shape_cast %parallel_loop3A_865 : vector<16x1xi32> to vector<16xi32>
        %parallel_loop3A_867 = tpu.dynamic_gather %parallel_loop3A_857[%parallel_loop3A_866] in [0] : vector<16xf32>, vector<16xi32> -> vector<16xf32>
        %parallel_loop3A_868 = arith.addf %parallel_loop3A_857, %parallel_loop3A_867 : vector<16xf32>
        %parallel_loop3A_869 = vector.shape_cast %and3A_52 : vector<16xi32> to vector<16x1xi32>
        %parallel_loop3A_870 = vector.shape_cast %parallel_loop3A_869 : vector<16x1xi32> to vector<16xi32>
        %parallel_loop3A_871 = tpu.dynamic_gather %parallel_loop3A_864[%parallel_loop3A_870] in [0] : vector<16xf32>, vector<16xi32> -> vector<16xf32>
        %parallel_loop3A_872 = arith.addf %parallel_loop3A_864, %parallel_loop3A_871 : vector<16xf32>
        %parallel_loop3A_873 = arith.select %lt3A_75, %parallel_loop3A_868, %parallel_loop3A_872 : vector<16xi1>, vector<16xf32>
        %parallel_loop3A_874 = arith.constant 16 : i32
        %parallel_loop3A_875 = arith.muli %parallel_loop3A_795, %parallel_loop3A_874 : i32
        %parallel_loop3A_876 = arith.constant 6 : i32
        %parallel_loop3A_877 = arith.addi %parallel_loop3A_875, %parallel_loop3A_876 : i32
        %parallel_loop3A_878 = arith.index_cast %parallel_loop3A_877 : i32 to index
        %parallel_loop3A_879 = arith.constant 0 : index
        %parallel_loop3A_880 = tpu.vector_load %arg12[%parallel_loop3A_878, %parallel_loop3A_879] {strides = array<i32>} : memref<32x16xf32, #tpu.memory_space<vmem>>, vector<16xf32>,
        %parallel_loop3A_881 = arith.constant 16 : i32
        %parallel_loop3A_882 = arith.muli %parallel_loop3A_795, %parallel_loop3A_881 : i32
        %parallel_loop3A_883 = arith.constant 14 : i32
        %parallel_loop3A_884 = arith.addi %parallel_loop3A_882, %parallel_loop3A_883 : i32
        %parallel_loop3A_885 = arith.index_cast %parallel_loop3A_884 : i32 to index
        %parallel_loop3A_886 = arith.constant 0 : index
        %parallel_loop3A_887 = tpu.vector_load %arg12[%parallel_loop3A_885, %parallel_loop3A_886] {strides = array<i32>} : memref<32x16xf32, #tpu.memory_space<vmem>>, vector<16xf32>,
        %parallel_loop3A_888 = vector.shape_cast %and3A_52 : vector<16xi32> to vector<16x1xi32>
        %parallel_loop3A_889 = vector.shape_cast %parallel_loop3A_888 : vector<16x1xi32> to vector<16xi32>
        %parallel_loop3A_890 = tpu.dynamic_gather %parallel_loop3A_880[%parallel_loop3A_889] in [0] : vector<16xf32>, vector<16xi32> -> vector<16xf32>
        %parallel_loop3A_891 = arith.addf %parallel_loop3A_880, %parallel_loop3A_890 : vector<16xf32>
        %parallel_loop3A_892 = vector.shape_cast %and3A_52 : vector<16xi32> to vector<16x1xi32>
        %parallel_loop3A_893 = vector.shape_cast %parallel_loop3A_892 : vector<16x1xi32> to vector<16xi32>
        %parallel_loop3A_894 = tpu.dynamic_gather %parallel_loop3A_887[%parallel_loop3A_893] in [0] : vector<16xf32>, vector<16xi32> -> vector<16xf32>
        %parallel_loop3A_895 = arith.addf %parallel_loop3A_887, %parallel_loop3A_894 : vector<16xf32>
        %parallel_loop3A_896 = arith.select %lt3A_75, %parallel_loop3A_891, %parallel_loop3A_895 : vector<16xi1>, vector<16xf32>
        %parallel_loop3A_897 = vector.shape_cast %and3A_46 : vector<16xi32> to vector<16x1xi32>
        %parallel_loop3A_898 = vector.shape_cast %parallel_loop3A_897 : vector<16x1xi32> to vector<16xi32>
        %parallel_loop3A_899 = tpu.dynamic_gather %parallel_loop3A_873[%parallel_loop3A_898] in [0] : vector<16xf32>, vector<16xi32> -> vector<16xf32>
        %parallel_loop3A_900 = arith.addf %parallel_loop3A_873, %parallel_loop3A_899 : vector<16xf32>
        %parallel_loop3A_901 = vector.shape_cast %and3A_58 : vector<16xi32> to vector<16x1xi32>
        %parallel_loop3A_902 = vector.shape_cast %parallel_loop3A_901 : vector<16x1xi32> to vector<16xi32>
        %parallel_loop3A_903 = tpu.dynamic_gather %parallel_loop3A_896[%parallel_loop3A_902] in [0] : vector<16xf32>, vector<16xi32> -> vector<16xf32>
        %parallel_loop3A_904 = arith.addf %parallel_loop3A_896, %parallel_loop3A_903 : vector<16xf32>
        %parallel_loop3A_905 = arith.select %lt3A_81, %parallel_loop3A_900, %parallel_loop3A_904 : vector<16xi1>, vector<16xf32>
        %parallel_loop3A_906 = vector.shape_cast %and3A_40 : vector<16xi32> to vector<16x1xi32>
        %parallel_loop3A_907 = vector.shape_cast %parallel_loop3A_906 : vector<16x1xi32> to vector<16xi32>
        %parallel_loop3A_908 = tpu.dynamic_gather %parallel_loop3A_850[%parallel_loop3A_907] in [0] : vector<16xf32>, vector<16xi32> -> vector<16xf32>
        %parallel_loop3A_909 = arith.addf %parallel_loop3A_850, %parallel_loop3A_908 : vector<16xf32>
        %parallel_loop3A_910 = vector.shape_cast %and3A_64 : vector<16xi32> to vector<16x1xi32>
        %parallel_loop3A_911 = vector.shape_cast %parallel_loop3A_910 : vector<16x1xi32> to vector<16xi32>
        %parallel_loop3A_912 = tpu.dynamic_gather %parallel_loop3A_905[%parallel_loop3A_911] in [0] : vector<16xf32>, vector<16xi32> -> vector<16xf32>
        %parallel_loop3A_913 = arith.addf %parallel_loop3A_905, %parallel_loop3A_912 : vector<16xf32>
        %parallel_loop3A_914 = arith.select %lt3A_87, %parallel_loop3A_909, %parallel_loop3A_913 : vector<16xi1>, vector<16xf32>
        %parallel_loop3A_915 = arith.constant 16 : i32
        %parallel_loop3A_916 = arith.muli %parallel_loop3A_795, %parallel_loop3A_915 : i32
        %parallel_loop3A_917 = arith.constant 1 : i32
        %parallel_loop3A_918 = arith.addi %parallel_loop3A_916, %parallel_loop3A_917 : i32
        %parallel_loop3A_919 = arith.index_cast %parallel_loop3A_918 : i32 to index
        %parallel_loop3A_920 = arith.constant 0 : index
        %parallel_loop3A_921 = tpu.vector_load %arg12[%parallel_loop3A_919, %parallel_loop3A_920] {strides = array<i32>} : memref<32x16xf32, #tpu.memory_space<vmem>>, vector<16xf32>,
        %parallel_loop3A_922 = arith.constant 16 : i32
        %parallel_loop3A_923 = arith.muli %parallel_loop3A_795, %parallel_loop3A_922 : i32
        %parallel_loop3A_924 = arith.constant 9 : i32
        %parallel_loop3A_925 = arith.addi %parallel_loop3A_923, %parallel_loop3A_924 : i32
        %parallel_loop3A_926 = arith.index_cast %parallel_loop3A_925 : i32 to index
        %parallel_loop3A_927 = arith.constant 0 : index
        %parallel_loop3A_928 = tpu.vector_load %arg12[%parallel_loop3A_926, %parallel_loop3A_927] {strides = array<i32>} : memref<32x16xf32, #tpu.memory_space<vmem>>, vector<16xf32>,
        %parallel_loop3A_929 = vector.shape_cast %and3A_52 : vector<16xi32> to vector<16x1xi32>
        %parallel_loop3A_930 = vector.shape_cast %parallel_loop3A_929 : vector<16x1xi32> to vector<16xi32>
        %parallel_loop3A_931 = tpu.dynamic_gather %parallel_loop3A_921[%parallel_loop3A_930] in [0] : vector<16xf32>, vector<16xi32> -> vector<16xf32>
        %parallel_loop3A_932 = arith.addf %parallel_loop3A_921, %parallel_loop3A_931 : vector<16xf32>
        %parallel_loop3A_933 = vector.shape_cast %and3A_52 : vector<16xi32> to vector<16x1xi32>
        %parallel_loop3A_934 = vector.shape_cast %parallel_loop3A_933 : vector<16x1xi32> to vector<16xi32>
        %parallel_loop3A_935 = tpu.dynamic_gather %parallel_loop3A_928[%parallel_loop3A_934] in [0] : vector<16xf32>, vector<16xi32> -> vector<16xf32>
        %parallel_loop3A_936 = arith.addf %parallel_loop3A_928, %parallel_loop3A_935 : vector<16xf32>
        %parallel_loop3A_937 = arith.select %lt3A_75, %parallel_loop3A_932, %parallel_loop3A_936 : vector<16xi1>, vector<16xf32>
        %parallel_loop3A_938 = arith.constant 16 : i32
        %parallel_loop3A_939 = arith.muli %parallel_loop3A_795, %parallel_loop3A_938 : i32
        %parallel_loop3A_940 = arith.constant 5 : i32
        %parallel_loop3A_941 = arith.addi %parallel_loop3A_939, %parallel_loop3A_940 : i32
        %parallel_loop3A_942 = arith.index_cast %parallel_loop3A_941 : i32 to index
        %parallel_loop3A_943 = arith.constant 0 : index
        %parallel_loop3A_944 = tpu.vector_load %arg12[%parallel_loop3A_942, %parallel_loop3A_943] {strides = array<i32>} : memref<32x16xf32, #tpu.memory_space<vmem>>, vector<16xf32>,
        %parallel_loop3A_945 = arith.constant 16 : i32
        %parallel_loop3A_946 = arith.muli %parallel_loop3A_795, %parallel_loop3A_945 : i32
        %parallel_loop3A_947 = arith.constant 13 : i32
        %parallel_loop3A_948 = arith.addi %parallel_loop3A_946, %parallel_loop3A_947 : i32
        %parallel_loop3A_949 = arith.index_cast %parallel_loop3A_948 : i32 to index
        %parallel_loop3A_950 = arith.constant 0 : index
        %parallel_loop3A_951 = tpu.vector_load %arg12[%parallel_loop3A_949, %parallel_loop3A_950] {strides = array<i32>} : memref<32x16xf32, #tpu.memory_space<vmem>>, vector<16xf32>,
        %parallel_loop3A_952 = vector.shape_cast %and3A_52 : vector<16xi32> to vector<16x1xi32>
        %parallel_loop3A_953 = vector.shape_cast %parallel_loop3A_952 : vector<16x1xi32> to vector<16xi32>
        %parallel_loop3A_954 = tpu.dynamic_gather %parallel_loop3A_944[%parallel_loop3A_953] in [0] : vector<16xf32>, vector<16xi32> -> vector<16xf32>
        %parallel_loop3A_955 = arith.addf %parallel_loop3A_944, %parallel_loop3A_954 : vector<16xf32>
        %parallel_loop3A_956 = vector.shape_cast %and3A_52 : vector<16xi32> to vector<16x1xi32>
        %parallel_loop3A_957 = vector.shape_cast %parallel_loop3A_956 : vector<16x1xi32> to vector<16xi32>
        %parallel_loop3A_958 = tpu.dynamic_gather %parallel_loop3A_951[%parallel_loop3A_957] in [0] : vector<16xf32>, vector<16xi32> -> vector<16xf32>
        %parallel_loop3A_959 = arith.addf %parallel_loop3A_951, %parallel_loop3A_958 : vector<16xf32>
        %parallel_loop3A_960 = arith.select %lt3A_75, %parallel_loop3A_955, %parallel_loop3A_959 : vector<16xi1>, vector<16xf32>
        %parallel_loop3A_961 = vector.shape_cast %and3A_46 : vector<16xi32> to vector<16x1xi32>
        %parallel_loop3A_962 = vector.shape_cast %parallel_loop3A_961 : vector<16x1xi32> to vector<16xi32>
        %parallel_loop3A_963 = tpu.dynamic_gather %parallel_loop3A_937[%parallel_loop3A_962] in [0] : vector<16xf32>, vector<16xi32> -> vector<16xf32>
        %parallel_loop3A_964 = arith.addf %parallel_loop3A_937, %parallel_loop3A_963 : vector<16xf32>
        %parallel_loop3A_965 = vector.shape_cast %and3A_58 : vector<16xi32> to vector<16x1xi32>
        %parallel_loop3A_966 = vector.shape_cast %parallel_loop3A_965 : vector<16x1xi32> to vector<16xi32>
        %parallel_loop3A_967 = tpu.dynamic_gather %parallel_loop3A_960[%parallel_loop3A_966] in [0] : vector<16xf32>, vector<16xi32> -> vector<16xf32>
        %parallel_loop3A_968 = arith.addf %parallel_loop3A_960, %parallel_loop3A_967 : vector<16xf32>
        %parallel_loop3A_969 = arith.select %lt3A_81, %parallel_loop3A_964, %parallel_loop3A_968 : vector<16xi1>, vector<16xf32>
        %parallel_loop3A_970 = arith.constant 16 : i32
        %parallel_loop3A_971 = arith.muli %parallel_loop3A_795, %parallel_loop3A_970 : i32
        %parallel_loop3A_972 = arith.constant 3 : i32
        %parallel_loop3A_973 = arith.addi %parallel_loop3A_971, %parallel_loop3A_972 : i32
        %parallel_loop3A_974 = arith.index_cast %parallel_loop3A_973 : i32 to index
        %parallel_loop3A_975 = arith.constant 0 : index
        %parallel_loop3A_976 = tpu.vector_load %arg12[%parallel_loop3A_974, %parallel_loop3A_975] {strides = array<i32>} : memref<32x16xf32, #tpu.memory_space<vmem>>, vector<16xf32>,
        %parallel_loop3A_977 = arith.constant 16 : i32
        %parallel_loop3A_978 = arith.muli %parallel_loop3A_795, %parallel_loop3A_977 : i32
        %parallel_loop3A_979 = arith.constant 11 : i32
        %parallel_loop3A_980 = arith.addi %parallel_loop3A_978, %parallel_loop3A_979 : i32
        %parallel_loop3A_981 = arith.index_cast %parallel_loop3A_980 : i32 to index
        %parallel_loop3A_982 = arith.constant 0 : index
        %parallel_loop3A_983 = tpu.vector_load %arg12[%parallel_loop3A_981, %parallel_loop3A_982] {strides = array<i32>} : memref<32x16xf32, #tpu.memory_space<vmem>>, vector<16xf32>,
        %parallel_loop3A_984 = vector.shape_cast %and3A_52 : vector<16xi32> to vector<16x1xi32>
        %parallel_loop3A_985 = vector.shape_cast %parallel_loop3A_984 : vector<16x1xi32> to vector<16xi32>
        %parallel_loop3A_986 = tpu.dynamic_gather %parallel_loop3A_976[%parallel_loop3A_985] in [0] : vector<16xf32>, vector<16xi32> -> vector<16xf32>
        %parallel_loop3A_987 = arith.addf %parallel_loop3A_976, %parallel_loop3A_986 : vector<16xf32>
        %parallel_loop3A_988 = vector.shape_cast %and3A_52 : vector<16xi32> to vector<16x1xi32>
        %parallel_loop3A_989 = vector.shape_cast %parallel_loop3A_988 : vector<16x1xi32> to vector<16xi32>
        %parallel_loop3A_990 = tpu.dynamic_gather %parallel_loop3A_983[%parallel_loop3A_989] in [0] : vector<16xf32>, vector<16xi32> -> vector<16xf32>
        %parallel_loop3A_991 = arith.addf %parallel_loop3A_983, %parallel_loop3A_990 : vector<16xf32>
        %parallel_loop3A_992 = arith.select %lt3A_75, %parallel_loop3A_987, %parallel_loop3A_991 : vector<16xi1>, vector<16xf32>
        %parallel_loop3A_993 = arith.constant 16 : i32
        %parallel_loop3A_994 = arith.muli %parallel_loop3A_795, %parallel_loop3A_993 : i32
        %parallel_loop3A_995 = arith.constant 7 : i32
        %parallel_loop3A_996 = arith.addi %parallel_loop3A_994, %parallel_loop3A_995 : i32
        %parallel_loop3A_997 = arith.index_cast %parallel_loop3A_996 : i32 to index
        %parallel_loop3A_998 = arith.constant 0 : index
        %parallel_loop3A_999 = tpu.vector_load %arg12[%parallel_loop3A_997, %parallel_loop3A_998] {strides = array<i32>} : memref<32x16xf32, #tpu.memory_space<vmem>>, vector<16xf32>,
        %parallel_loop3A_1000 = arith.constant 16 : i32
        %parallel_loop3A_1001 = arith.muli %parallel_loop3A_795, %parallel_loop3A_1000 : i32
        %parallel_loop3A_1002 = arith.constant 15 : i32
        %parallel_loop3A_1003 = arith.addi %parallel_loop3A_1001, %parallel_loop3A_1002 : i32
        %parallel_loop3A_1004 = arith.index_cast %parallel_loop3A_1003 : i32 to index
        %parallel_loop3A_1005 = arith.constant 0 : index
        %parallel_loop3A_1006 = tpu.vector_load %arg12[%parallel_loop3A_1004, %parallel_loop3A_1005] {strides = array<i32>} : memref<32x16xf32, #tpu.memory_space<vmem>>, vector<16xf32>,
        %parallel_loop3A_1007 = vector.shape_cast %and3A_52 : vector<16xi32> to vector<16x1xi32>
        %parallel_loop3A_1008 = vector.shape_cast %parallel_loop3A_1007 : vector<16x1xi32> to vector<16xi32>
        %parallel_loop3A_1009 = tpu.dynamic_gather %parallel_loop3A_999[%parallel_loop3A_1008] in [0] : vector<16xf32>, vector<16xi32> -> vector<16xf32>
        %parallel_loop3A_1010 = arith.addf %parallel_loop3A_999, %parallel_loop3A_1009 : vector<16xf32>
        %parallel_loop3A_1011 = vector.shape_cast %and3A_52 : vector<16xi32> to vector<16x1xi32>
        %parallel_loop3A_1012 = vector.shape_cast %parallel_loop3A_1011 : vector<16x1xi32> to vector<16xi32>
        %parallel_loop3A_1013 = tpu.dynamic_gather %parallel_loop3A_1006[%parallel_loop3A_1012] in [0] : vector<16xf32>, vector<16xi32> -> vector<16xf32>
        %parallel_loop3A_1014 = arith.addf %parallel_loop3A_1006, %parallel_loop3A_1013 : vector<16xf32>
        %parallel_loop3A_1015 = arith.select %lt3A_75, %parallel_loop3A_1010, %parallel_loop3A_1014 : vector<16xi1>, vector<16xf32>
        %parallel_loop3A_1016 = vector.shape_cast %and3A_46 : vector<16xi32> to vector<16x1xi32>
        %parallel_loop3A_1017 = vector.shape_cast %parallel_loop3A_1016 : vector<16x1xi32> to vector<16xi32>
        %parallel_loop3A_1018 = tpu.dynamic_gather %parallel_loop3A_992[%parallel_loop3A_1017] in [0] : vector<16xf32>, vector<16xi32> -> vector<16xf32>
        %parallel_loop3A_1019 = arith.addf %parallel_loop3A_992, %parallel_loop3A_1018 : vector<16xf32>
        %parallel_loop3A_1020 = vector.shape_cast %and3A_58 : vector<16xi32> to vector<16x1xi32>
        %parallel_loop3A_1021 = vector.shape_cast %parallel_loop3A_1020 : vector<16x1xi32> to vector<16xi32>
        %parallel_loop3A_1022 = tpu.dynamic_gather %parallel_loop3A_1015[%parallel_loop3A_1021] in [0] : vector<16xf32>, vector<16xi32> -> vector<16xf32>
        %parallel_loop3A_1023 = arith.addf %parallel_loop3A_1015, %parallel_loop3A_1022 : vector<16xf32>
        %parallel_loop3A_1024 = arith.select %lt3A_81, %parallel_loop3A_1019, %parallel_loop3A_1023 : vector<16xi1>, vector<16xf32>
        %parallel_loop3A_1025 = vector.shape_cast %and3A_40 : vector<16xi32> to vector<16x1xi32>
        %parallel_loop3A_1026 = vector.shape_cast %parallel_loop3A_1025 : vector<16x1xi32> to vector<16xi32>
        %parallel_loop3A_1027 = tpu.dynamic_gather %parallel_loop3A_969[%parallel_loop3A_1026] in [0] : vector<16xf32>, vector<16xi32> -> vector<16xf32>
        %parallel_loop3A_1028 = arith.addf %parallel_loop3A_969, %parallel_loop3A_1027 : vector<16xf32>
        %parallel_loop3A_1029 = vector.shape_cast %and3A_64 : vector<16xi32> to vector<16x1xi32>
        %parallel_loop3A_1030 = vector.shape_cast %parallel_loop3A_1029 : vector<16x1xi32> to vector<16xi32>
        %parallel_loop3A_1031 = tpu.dynamic_gather %parallel_loop3A_1024[%parallel_loop3A_1030] in [0] : vector<16xf32>, vector<16xi32> -> vector<16xf32>
        %parallel_loop3A_1032 = arith.addf %parallel_loop3A_1024, %parallel_loop3A_1031 : vector<16xf32>
        %parallel_loop3A_1033 = arith.select %lt3A_87, %parallel_loop3A_1028, %parallel_loop3A_1032 : vector<16xi1>, vector<16xf32>
        %parallel_loop3A_1034 = vector.shape_cast %and3A_34 : vector<16xi32> to vector<16x1xi32>
        %parallel_loop3A_1035 = vector.shape_cast %parallel_loop3A_1034 : vector<16x1xi32> to vector<16xi32>
        %parallel_loop3A_1036 = tpu.dynamic_gather %parallel_loop3A_914[%parallel_loop3A_1035] in [0] : vector<16xf32>, vector<16xi32> -> vector<16xf32>
        %parallel_loop3A_1037 = arith.addf %parallel_loop3A_914, %parallel_loop3A_1036 : vector<16xf32>
        %parallel_loop3A_1038 = vector.shape_cast %and3A_70 : vector<16xi32> to vector<16x1xi32>
        %parallel_loop3A_1039 = vector.shape_cast %parallel_loop3A_1038 : vector<16x1xi32> to vector<16xi32>
        %parallel_loop3A_1040 = tpu.dynamic_gather %parallel_loop3A_1033[%parallel_loop3A_1039] in [0] : vector<16xf32>, vector<16xi32> -> vector<16xf32>
        %parallel_loop3A_1041 = arith.addf %parallel_loop3A_1033, %parallel_loop3A_1040 : vector<16xf32>
        %parallel_loop3A_1042 = arith.select %lt3A_93, %parallel_loop3A_1037, %parallel_loop3A_1041 : vector<16xi1>, vector<16xf32>
        %parallel_loop3A_1043 = arith.constant 32 : i32
        %parallel_loop3A_1044 = arith.muli %add3A_510, %parallel_loop3A_1043 : i32
        %parallel_loop3A_1045 = arith.constant 16 : i32
        %parallel_loop3A_1046 = arith.muli %parallel_loop3A_795, %parallel_loop3A_1045 : i32
        %parallel_loop3A_1047 = arith.addi %parallel_loop3A_1044, %parallel_loop3A_1046 : i32
        %parallel_loop3A_1048 = arith.index_cast %parallel_loop3A_1047 : i32 to index
        %parallel_loop3A_1049 = tpu.vector_load %arg11[%parallel_loop3A_1048] {strides = array<i32>} : memref<512xf32, #tpu.memory_space<vmem>>, vector<16xf32>,
        tpu.vector_store %arg11[%parallel_loop3A_1048], %parallel_loop3A_1042 {strides = array<i32>} : memref<512xf32, #tpu.memory_space<vmem>>, vector<16xf32>,
      } {sc.loop_unroll_factor = 1 : i64, sc.parallel_access}
      %mul3A_537 = arith.constant 32 : i32
      %mul3A_538 = arith.muli %add3A_510, %mul3A_537 : i32
      %mul3A_539 = arith.constant 512 : i32
      %mul3A_540 = arith.muli %add3A, %mul3A_539 : i32
      %mul3A_541 = arith.constant 32 : i32
      %mul3A_542 = arith.muli %add3A_510, %mul3A_541 : i32
      %add3A_543 = arith.addi %mul3A_540, %mul3A_542 : i32
      %dma_start3A_544 = tpu.memref_slice %arg11[%mul3A_538] : memref<512xf32, #tpu.memory_space<vmem>> -> memref<32xf32, #tpu.memory_space<vmem>>
      %dma_start3A_545 = tpu.memref_slice %arg6[%add3A_543] : memref<16384xf32, #tpu.memory_space<hbm>> -> memref<32xf32, #tpu.memory_space<hbm>>
      %dma_start3A_546 = tpu.memref_slice %arg6[%add3A_543] : memref<16384xf32, #tpu.memory_space<hbm>> -> memref<32xf32, #tpu.memory_space<hbm>>
      %dma_start3A_547 = tpu.memref_slice %arg11[%mul3A_538] : memref<512xf32, #tpu.memory_space<vmem>> -> memref<32xf32, #tpu.memory_space<vmem>>
      tpu.enqueue_dma source(%dma_start3A_547 : memref<32xf32, #tpu.memory_space<vmem>>) target(%dma_start3A_546 : memref<32xf32, #tpu.memory_space<hbm>>) target_semaphore(%arg29 : memref<!tpu.dma_semaphore, #tpu.memory_space<semaphore_mem>>)
      %add3A_548 = arith.constant 8 : i32
      %add3A_549 = arith.addi %add3A_510, %add3A_548 : i32
      %lt3A_550 = arith.constant 16 : i32
      %lt3A_551 = arith.cmpi slt, %add3A_549, %lt3A_550 : i32
      %convert_element_type3A_552 = arith.extui %lt3A_551 : i1 to i32
      %cond3A_553 = arith.constant 0 : i32
      %cond3A_554 = arith.cmpi ne, %convert_element_type3A_552, %cond3A_553 : i32
      scf.if %cond3A_554 {
        %mul3A_795 = arith.constant 32 : i32
        %mul3A_796 = arith.muli %add3A_549, %mul3A_795 : i32
        %dma_start3A_797 = arith.constant 2 : i32
        %dma_start3A_798 = arith.constant 0 : i32
        %dma_start3A_799 = arith.constant 0 : i32
        %dma_start3A_800 = tpu.memref_slice %arg9[%dma_start3A_797, %dma_start3A_798, %dma_start3A_799] : memref<8x32x128xf32, #tpu.memory_space<vmem>> -> memref<1x32x128xf32, #tpu.memory_space<vmem>>
        %dma_start3A_801 = tpu.memref_squeeze %dma_start3A_800 : memref<1x32x128xf32, #tpu.memory_space<vmem>> -> memref<32x128xf32, #tpu.memory_space<vmem>>
        %dma_start3A_802 = tpu.memref_slice %arg7[%mul3A_796] : memref<512xi32, #tpu.memory_space<vmem>> -> memref<32xi32, #tpu.memory_space<vmem>>
        %dma_start3A_803 = arith.constant 0 : i32
        %dma_start3A_804 = arith.constant 0 : i32
        %dma_start3A_805 = tpu.memref_slice %arg4[%dma_start3A_803, %dma_start3A_804] : memref<1000000x128xf32, #tpu.memory_space<hbm>> -> memref<1000000x128xf32, #tpu.memory_space<hbm>>
        tpu.enqueue_indirect_dma source(%dma_start3A_805 : memref<1000000x128xf32, #tpu.memory_space<hbm>>) target(%dma_start3A_801 : memref<32x128xf32, #tpu.memory_space<vmem>>) offsets(%dma_start3A_802 : memref<32xi32, #tpu.memory_space<vmem>>) semaphore(%arg17 : memref<!tpu.dma_semaphore, #tpu.memory_space<semaphore_mem>>)
        %dma_start3A_806 = arith.constant 2 : i32
        %dma_start3A_807 = arith.constant 0 : i32
        %dma_start3A_808 = arith.constant 0 : i32
        %dma_start3A_809 = tpu.memref_slice %arg10[%dma_start3A_806, %dma_start3A_807, %dma_start3A_808] : memref<8x32x128xf32, #tpu.memory_space<vmem>> -> memref<1x32x128xf32, #tpu.memory_space<vmem>>
        %dma_start3A_810 = tpu.memref_squeeze %dma_start3A_809 : memref<1x32x128xf32, #tpu.memory_space<vmem>> -> memref<32x128xf32, #tpu.memory_space<vmem>>
        %dma_start3A_811 = tpu.memref_slice %arg8[%mul3A_796] : memref<512xi32, #tpu.memory_space<vmem>> -> memref<32xi32, #tpu.memory_space<vmem>>
        %dma_start3A_812 = arith.constant 0 : i32
        %dma_start3A_813 = arith.constant 0 : i32
        %dma_start3A_814 = tpu.memref_slice %arg5[%dma_start3A_812, %dma_start3A_813] : memref<1000000x128xf32, #tpu.memory_space<hbm>> -> memref<1000000x128xf32, #tpu.memory_space<hbm>>
        tpu.enqueue_indirect_dma source(%dma_start3A_814 : memref<1000000x128xf32, #tpu.memory_space<hbm>>) target(%dma_start3A_810 : memref<32x128xf32, #tpu.memory_space<vmem>>) offsets(%dma_start3A_811 : memref<32xi32, #tpu.memory_space<vmem>>) semaphore(%arg18 : memref<!tpu.dma_semaphore, #tpu.memory_space<semaphore_mem>>)
      } else {
      }
      %mul3A_555 = arith.constant 8 : i32
      %mul3A_556 = arith.muli %mul3A_555, %add3A_413 : i32
      %add3A_557 = arith.constant 3 : i32
      %add3A_558 = arith.addi %mul3A_556, %add3A_557 : i32
      %dma_wait3A_559 = arith.constant 3 : i32
      %dma_wait3A_560 = arith.constant 0 : i32
      %dma_wait3A_561 = arith.constant 0 : i32
      %dma_wait3A_562 = tpu.memref_slice %arg9[%dma_wait3A_559, %dma_wait3A_560, %dma_wait3A_561] : memref<8x32x128xf32, #tpu.memory_space<vmem>> -> memref<1x32x128xf32, #tpu.memory_space<vmem>>
      %dma_wait3A_563 = tpu.memref_squeeze %dma_wait3A_562 : memref<1x32x128xf32, #tpu.memory_space<vmem>> -> memref<32x128xf32, #tpu.memory_space<vmem>>
      %dma_wait3A_564 = arith.constant 0 : i32
      %dma_wait3A_565 = tpu.memref_slice %arg7[%dma_wait3A_564] : memref<512xi32, #tpu.memory_space<vmem>> -> memref<32xi32, #tpu.memory_space<vmem>>
      %dma_wait3A_566 = arith.constant 0 : i32
      %dma_wait3A_567 = arith.constant 0 : i32
      %dma_wait3A_568 = tpu.memref_slice %arg4[%dma_wait3A_566, %dma_wait3A_567] : memref<1000000x128xf32, #tpu.memory_space<hbm>> -> memref<1000000x128xf32, #tpu.memory_space<hbm>>
      tpu.wait_indirect_dma semaphore(%arg19 : memref<!tpu.dma_semaphore, #tpu.memory_space<semaphore_mem>>) src(%dma_wait3A_568 : memref<1000000x128xf32, #tpu.memory_space<hbm>>) dst(%dma_wait3A_563 : memref<32x128xf32, #tpu.memory_space<vmem>>)
      %dma_wait3A_569 = arith.constant 3 : i32
      %dma_wait3A_570 = arith.constant 0 : i32
      %dma_wait3A_571 = arith.constant 0 : i32
      %dma_wait3A_572 = tpu.memref_slice %arg10[%dma_wait3A_569, %dma_wait3A_570, %dma_wait3A_571] : memref<8x32x128xf32, #tpu.memory_space<vmem>> -> memref<1x32x128xf32, #tpu.memory_space<vmem>>
      %dma_wait3A_573 = tpu.memref_squeeze %dma_wait3A_572 : memref<1x32x128xf32, #tpu.memory_space<vmem>> -> memref<32x128xf32, #tpu.memory_space<vmem>>
      %dma_wait3A_574 = arith.constant 0 : i32
      %dma_wait3A_575 = tpu.memref_slice %arg8[%dma_wait3A_574] : memref<512xi32, #tpu.memory_space<vmem>> -> memref<32xi32, #tpu.memory_space<vmem>>
      %dma_wait3A_576 = arith.constant 0 : i32
      %dma_wait3A_577 = arith.constant 0 : i32
      %dma_wait3A_578 = tpu.memref_slice %arg5[%dma_wait3A_576, %dma_wait3A_577] : memref<1000000x128xf32, #tpu.memory_space<hbm>> -> memref<1000000x128xf32, #tpu.memory_space<hbm>>
      tpu.wait_indirect_dma semaphore(%arg20 : memref<!tpu.dma_semaphore, #tpu.memory_space<semaphore_mem>>) src(%dma_wait3A_578 : memref<1000000x128xf32, #tpu.memory_space<hbm>>) dst(%dma_wait3A_573 : memref<32x128xf32, #tpu.memory_space<vmem>>)
      %parallel_loop3A_579 = arith.constant 0 : i32
      %parallel_loop3A_580 = arith.constant 32 : i32
      %parallel_loop3A_581 = arith.constant 1 : i32
      scf.for %parallel_loop3A_795 = %parallel_loop3A_579 to %parallel_loop3A_580 step %parallel_loop3A_581  : i32 {
        %parallel_loop3A_796 = arith.constant 3 : i32
        %parallel_loop3A_797 = arith.index_cast %parallel_loop3A_796 : i32 to index
        %parallel_loop3A_798 = arith.index_cast %parallel_loop3A_795 : i32 to index
        %parallel_loop3A_799 = arith.constant 0 : index
        %parallel_loop3A_800 = tpu.vector_load %arg9[%parallel_loop3A_797, %parallel_loop3A_798, %parallel_loop3A_799] {strides = array<i32>} : memref<8x32x128xf32, #tpu.memory_space<vmem>>, vector<16xf32>,
        %parallel_loop3A_801 = arith.constant 3 : i32
        %parallel_loop3A_802 = arith.index_cast %parallel_loop3A_801 : i32 to index
        %parallel_loop3A_803 = arith.index_cast %parallel_loop3A_795 : i32 to index
        %parallel_loop3A_804 = arith.constant 0 : index
        %parallel_loop3A_805 = tpu.vector_load %arg10[%parallel_loop3A_802, %parallel_loop3A_803, %parallel_loop3A_804] {strides = array<i32>} : memref<8x32x128xf32, #tpu.memory_space<vmem>>, vector<16xf32>,
        %parallel_loop3A_806 = arith.mulf %parallel_loop3A_800, %parallel_loop3A_805 : vector<16xf32>
        %parallel_loop3A_807 = arith.constant 3 : i32
        %parallel_loop3A_808 = arith.index_cast %parallel_loop3A_807 : i32 to index
        %parallel_loop3A_809 = arith.index_cast %parallel_loop3A_795 : i32 to index
        %parallel_loop3A_810 = arith.constant 16 : index
        %parallel_loop3A_811 = tpu.vector_load %arg9[%parallel_loop3A_808, %parallel_loop3A_809, %parallel_loop3A_810] {strides = array<i32>} : memref<8x32x128xf32, #tpu.memory_space<vmem>>, vector<16xf32>,
        %parallel_loop3A_812 = arith.constant 3 : i32
        %parallel_loop3A_813 = arith.index_cast %parallel_loop3A_812 : i32 to index
        %parallel_loop3A_814 = arith.index_cast %parallel_loop3A_795 : i32 to index
        %parallel_loop3A_815 = arith.constant 16 : index
        %parallel_loop3A_816 = tpu.vector_load %arg10[%parallel_loop3A_813, %parallel_loop3A_814, %parallel_loop3A_815] {strides = array<i32>} : memref<8x32x128xf32, #tpu.memory_space<vmem>>, vector<16xf32>,
        %parallel_loop3A_817 = arith.mulf %parallel_loop3A_811, %parallel_loop3A_816 : vector<16xf32>
        %parallel_loop3A_818 = arith.addf %parallel_loop3A_806, %parallel_loop3A_817 : vector<16xf32>
        %parallel_loop3A_819 = arith.constant 3 : i32
        %parallel_loop3A_820 = arith.index_cast %parallel_loop3A_819 : i32 to index
        %parallel_loop3A_821 = arith.index_cast %parallel_loop3A_795 : i32 to index
        %parallel_loop3A_822 = arith.constant 32 : index
        %parallel_loop3A_823 = tpu.vector_load %arg9[%parallel_loop3A_820, %parallel_loop3A_821, %parallel_loop3A_822] {strides = array<i32>} : memref<8x32x128xf32, #tpu.memory_space<vmem>>, vector<16xf32>,
        %parallel_loop3A_824 = arith.constant 3 : i32
        %parallel_loop3A_825 = arith.index_cast %parallel_loop3A_824 : i32 to index
        %parallel_loop3A_826 = arith.index_cast %parallel_loop3A_795 : i32 to index
        %parallel_loop3A_827 = arith.constant 32 : index
        %parallel_loop3A_828 = tpu.vector_load %arg10[%parallel_loop3A_825, %parallel_loop3A_826, %parallel_loop3A_827] {strides = array<i32>} : memref<8x32x128xf32, #tpu.memory_space<vmem>>, vector<16xf32>,
        %parallel_loop3A_829 = arith.mulf %parallel_loop3A_823, %parallel_loop3A_828 : vector<16xf32>
        %parallel_loop3A_830 = arith.addf %parallel_loop3A_818, %parallel_loop3A_829 : vector<16xf32>
        %parallel_loop3A_831 = arith.constant 3 : i32
        %parallel_loop3A_832 = arith.index_cast %parallel_loop3A_831 : i32 to index
        %parallel_loop3A_833 = arith.index_cast %parallel_loop3A_795 : i32 to index
        %parallel_loop3A_834 = arith.constant 48 : index
        %parallel_loop3A_835 = tpu.vector_load %arg9[%parallel_loop3A_832, %parallel_loop3A_833, %parallel_loop3A_834] {strides = array<i32>} : memref<8x32x128xf32, #tpu.memory_space<vmem>>, vector<16xf32>,
        %parallel_loop3A_836 = arith.constant 3 : i32
        %parallel_loop3A_837 = arith.index_cast %parallel_loop3A_836 : i32 to index
        %parallel_loop3A_838 = arith.index_cast %parallel_loop3A_795 : i32 to index
        %parallel_loop3A_839 = arith.constant 48 : index
        %parallel_loop3A_840 = tpu.vector_load %arg10[%parallel_loop3A_837, %parallel_loop3A_838, %parallel_loop3A_839] {strides = array<i32>} : memref<8x32x128xf32, #tpu.memory_space<vmem>>, vector<16xf32>,
        %parallel_loop3A_841 = arith.mulf %parallel_loop3A_835, %parallel_loop3A_840 : vector<16xf32>
        %parallel_loop3A_842 = arith.addf %parallel_loop3A_830, %parallel_loop3A_841 : vector<16xf32>
        %parallel_loop3A_843 = arith.constant 3 : i32
        %parallel_loop3A_844 = arith.index_cast %parallel_loop3A_843 : i32 to index
        %parallel_loop3A_845 = arith.index_cast %parallel_loop3A_795 : i32 to index
        %parallel_loop3A_846 = arith.constant 64 : index
        %parallel_loop3A_847 = tpu.vector_load %arg9[%parallel_loop3A_844, %parallel_loop3A_845, %parallel_loop3A_846] {strides = array<i32>} : memref<8x32x128xf32, #tpu.memory_space<vmem>>, vector<16xf32>,
        %parallel_loop3A_848 = arith.constant 3 : i32
        %parallel_loop3A_849 = arith.index_cast %parallel_loop3A_848 : i32 to index
        %parallel_loop3A_850 = arith.index_cast %parallel_loop3A_795 : i32 to index
        %parallel_loop3A_851 = arith.constant 64 : index
        %parallel_loop3A_852 = tpu.vector_load %arg10[%parallel_loop3A_849, %parallel_loop3A_850, %parallel_loop3A_851] {strides = array<i32>} : memref<8x32x128xf32, #tpu.memory_space<vmem>>, vector<16xf32>,
        %parallel_loop3A_853 = arith.mulf %parallel_loop3A_847, %parallel_loop3A_852 : vector<16xf32>
        %parallel_loop3A_854 = arith.addf %parallel_loop3A_842, %parallel_loop3A_853 : vector<16xf32>
        %parallel_loop3A_855 = arith.constant 3 : i32
        %parallel_loop3A_856 = arith.index_cast %parallel_loop3A_855 : i32 to index
        %parallel_loop3A_857 = arith.index_cast %parallel_loop3A_795 : i32 to index
        %parallel_loop3A_858 = arith.constant 80 : index
        %parallel_loop3A_859 = tpu.vector_load %arg9[%parallel_loop3A_856, %parallel_loop3A_857, %parallel_loop3A_858] {strides = array<i32>} : memref<8x32x128xf32, #tpu.memory_space<vmem>>, vector<16xf32>,
        %parallel_loop3A_860 = arith.constant 3 : i32
        %parallel_loop3A_861 = arith.index_cast %parallel_loop3A_860 : i32 to index
        %parallel_loop3A_862 = arith.index_cast %parallel_loop3A_795 : i32 to index
        %parallel_loop3A_863 = arith.constant 80 : index
        %parallel_loop3A_864 = tpu.vector_load %arg10[%parallel_loop3A_861, %parallel_loop3A_862, %parallel_loop3A_863] {strides = array<i32>} : memref<8x32x128xf32, #tpu.memory_space<vmem>>, vector<16xf32>,
        %parallel_loop3A_865 = arith.mulf %parallel_loop3A_859, %parallel_loop3A_864 : vector<16xf32>
        %parallel_loop3A_866 = arith.addf %parallel_loop3A_854, %parallel_loop3A_865 : vector<16xf32>
        %parallel_loop3A_867 = arith.constant 3 : i32
        %parallel_loop3A_868 = arith.index_cast %parallel_loop3A_867 : i32 to index
        %parallel_loop3A_869 = arith.index_cast %parallel_loop3A_795 : i32 to index
        %parallel_loop3A_870 = arith.constant 96 : index
        %parallel_loop3A_871 = tpu.vector_load %arg9[%parallel_loop3A_868, %parallel_loop3A_869, %parallel_loop3A_870] {strides = array<i32>} : memref<8x32x128xf32, #tpu.memory_space<vmem>>, vector<16xf32>,
        %parallel_loop3A_872 = arith.constant 3 : i32
        %parallel_loop3A_873 = arith.index_cast %parallel_loop3A_872 : i32 to index
        %parallel_loop3A_874 = arith.index_cast %parallel_loop3A_795 : i32 to index
        %parallel_loop3A_875 = arith.constant 96 : index
        %parallel_loop3A_876 = tpu.vector_load %arg10[%parallel_loop3A_873, %parallel_loop3A_874, %parallel_loop3A_875] {strides = array<i32>} : memref<8x32x128xf32, #tpu.memory_space<vmem>>, vector<16xf32>,
        %parallel_loop3A_877 = arith.mulf %parallel_loop3A_871, %parallel_loop3A_876 : vector<16xf32>
        %parallel_loop3A_878 = arith.addf %parallel_loop3A_866, %parallel_loop3A_877 : vector<16xf32>
        %parallel_loop3A_879 = arith.constant 3 : i32
        %parallel_loop3A_880 = arith.index_cast %parallel_loop3A_879 : i32 to index
        %parallel_loop3A_881 = arith.index_cast %parallel_loop3A_795 : i32 to index
        %parallel_loop3A_882 = arith.constant 112 : index
        %parallel_loop3A_883 = tpu.vector_load %arg9[%parallel_loop3A_880, %parallel_loop3A_881, %parallel_loop3A_882] {strides = array<i32>} : memref<8x32x128xf32, #tpu.memory_space<vmem>>, vector<16xf32>,
        %parallel_loop3A_884 = arith.constant 3 : i32
        %parallel_loop3A_885 = arith.index_cast %parallel_loop3A_884 : i32 to index
        %parallel_loop3A_886 = arith.index_cast %parallel_loop3A_795 : i32 to index
        %parallel_loop3A_887 = arith.constant 112 : index
        %parallel_loop3A_888 = tpu.vector_load %arg10[%parallel_loop3A_885, %parallel_loop3A_886, %parallel_loop3A_887] {strides = array<i32>} : memref<8x32x128xf32, #tpu.memory_space<vmem>>, vector<16xf32>,
        %parallel_loop3A_889 = arith.mulf %parallel_loop3A_883, %parallel_loop3A_888 : vector<16xf32>
        %parallel_loop3A_890 = arith.addf %parallel_loop3A_878, %parallel_loop3A_889 : vector<16xf32>
        %parallel_loop3A_891 = arith.index_cast %parallel_loop3A_795 : i32 to index
        %parallel_loop3A_892 = arith.constant 0 : index
        %parallel_loop3A_893 = tpu.vector_load %arg12[%parallel_loop3A_891, %parallel_loop3A_892] {strides = array<i32>} : memref<32x16xf32, #tpu.memory_space<vmem>>, vector<16xf32>,
        tpu.vector_store %arg12[%parallel_loop3A_891, %parallel_loop3A_892], %parallel_loop3A_890 {strides = array<i32>} : memref<32x16xf32, #tpu.memory_space<vmem>>, vector<16xf32>,
      } {sc.loop_unroll_factor = 1 : i64, sc.parallel_access}
      %parallel_loop3A_582 = arith.constant 0 : i32
      %parallel_loop3A_583 = arith.constant 2 : i32
      %parallel_loop3A_584 = arith.constant 1 : i32
      scf.for %parallel_loop3A_795 = %parallel_loop3A_582 to %parallel_loop3A_583 step %parallel_loop3A_584  : i32 {
        %parallel_loop3A_796 = arith.constant 16 : i32
        %parallel_loop3A_797 = arith.muli %parallel_loop3A_795, %parallel_loop3A_796 : i32
        %parallel_loop3A_798 = arith.constant 0 : i32
        %parallel_loop3A_799 = arith.addi %parallel_loop3A_797, %parallel_loop3A_798 : i32
        %parallel_loop3A_800 = arith.index_cast %parallel_loop3A_799 : i32 to index
        %parallel_loop3A_801 = arith.constant 0 : index
        %parallel_loop3A_802 = tpu.vector_load %arg12[%parallel_loop3A_800, %parallel_loop3A_801] {strides = array<i32>} : memref<32x16xf32, #tpu.memory_space<vmem>>, vector<16xf32>,
        %parallel_loop3A_803 = arith.constant 16 : i32
        %parallel_loop3A_804 = arith.muli %parallel_loop3A_795, %parallel_loop3A_803 : i32
        %parallel_loop3A_805 = arith.constant 8 : i32
        %parallel_loop3A_806 = arith.addi %parallel_loop3A_804, %parallel_loop3A_805 : i32
        %parallel_loop3A_807 = arith.index_cast %parallel_loop3A_806 : i32 to index
        %parallel_loop3A_808 = arith.constant 0 : index
        %parallel_loop3A_809 = tpu.vector_load %arg12[%parallel_loop3A_807, %parallel_loop3A_808] {strides = array<i32>} : memref<32x16xf32, #tpu.memory_space<vmem>>, vector<16xf32>,
        %parallel_loop3A_810 = vector.shape_cast %and3A_52 : vector<16xi32> to vector<16x1xi32>
        %parallel_loop3A_811 = vector.shape_cast %parallel_loop3A_810 : vector<16x1xi32> to vector<16xi32>
        %parallel_loop3A_812 = tpu.dynamic_gather %parallel_loop3A_802[%parallel_loop3A_811] in [0] : vector<16xf32>, vector<16xi32> -> vector<16xf32>
        %parallel_loop3A_813 = arith.addf %parallel_loop3A_802, %parallel_loop3A_812 : vector<16xf32>
        %parallel_loop3A_814 = vector.shape_cast %and3A_52 : vector<16xi32> to vector<16x1xi32>
        %parallel_loop3A_815 = vector.shape_cast %parallel_loop3A_814 : vector<16x1xi32> to vector<16xi32>
        %parallel_loop3A_816 = tpu.dynamic_gather %parallel_loop3A_809[%parallel_loop3A_815] in [0] : vector<16xf32>, vector<16xi32> -> vector<16xf32>
        %parallel_loop3A_817 = arith.addf %parallel_loop3A_809, %parallel_loop3A_816 : vector<16xf32>
        %parallel_loop3A_818 = arith.select %lt3A_75, %parallel_loop3A_813, %parallel_loop3A_817 : vector<16xi1>, vector<16xf32>
        %parallel_loop3A_819 = arith.constant 16 : i32
        %parallel_loop3A_820 = arith.muli %parallel_loop3A_795, %parallel_loop3A_819 : i32
        %parallel_loop3A_821 = arith.constant 4 : i32
        %parallel_loop3A_822 = arith.addi %parallel_loop3A_820, %parallel_loop3A_821 : i32
        %parallel_loop3A_823 = arith.index_cast %parallel_loop3A_822 : i32 to index
        %parallel_loop3A_824 = arith.constant 0 : index
        %parallel_loop3A_825 = tpu.vector_load %arg12[%parallel_loop3A_823, %parallel_loop3A_824] {strides = array<i32>} : memref<32x16xf32, #tpu.memory_space<vmem>>, vector<16xf32>,
        %parallel_loop3A_826 = arith.constant 16 : i32
        %parallel_loop3A_827 = arith.muli %parallel_loop3A_795, %parallel_loop3A_826 : i32
        %parallel_loop3A_828 = arith.constant 12 : i32
        %parallel_loop3A_829 = arith.addi %parallel_loop3A_827, %parallel_loop3A_828 : i32
        %parallel_loop3A_830 = arith.index_cast %parallel_loop3A_829 : i32 to index
        %parallel_loop3A_831 = arith.constant 0 : index
        %parallel_loop3A_832 = tpu.vector_load %arg12[%parallel_loop3A_830, %parallel_loop3A_831] {strides = array<i32>} : memref<32x16xf32, #tpu.memory_space<vmem>>, vector<16xf32>,
        %parallel_loop3A_833 = vector.shape_cast %and3A_52 : vector<16xi32> to vector<16x1xi32>
        %parallel_loop3A_834 = vector.shape_cast %parallel_loop3A_833 : vector<16x1xi32> to vector<16xi32>
        %parallel_loop3A_835 = tpu.dynamic_gather %parallel_loop3A_825[%parallel_loop3A_834] in [0] : vector<16xf32>, vector<16xi32> -> vector<16xf32>
        %parallel_loop3A_836 = arith.addf %parallel_loop3A_825, %parallel_loop3A_835 : vector<16xf32>
        %parallel_loop3A_837 = vector.shape_cast %and3A_52 : vector<16xi32> to vector<16x1xi32>
        %parallel_loop3A_838 = vector.shape_cast %parallel_loop3A_837 : vector<16x1xi32> to vector<16xi32>
        %parallel_loop3A_839 = tpu.dynamic_gather %parallel_loop3A_832[%parallel_loop3A_838] in [0] : vector<16xf32>, vector<16xi32> -> vector<16xf32>
        %parallel_loop3A_840 = arith.addf %parallel_loop3A_832, %parallel_loop3A_839 : vector<16xf32>
        %parallel_loop3A_841 = arith.select %lt3A_75, %parallel_loop3A_836, %parallel_loop3A_840 : vector<16xi1>, vector<16xf32>
        %parallel_loop3A_842 = vector.shape_cast %and3A_46 : vector<16xi32> to vector<16x1xi32>
        %parallel_loop3A_843 = vector.shape_cast %parallel_loop3A_842 : vector<16x1xi32> to vector<16xi32>
        %parallel_loop3A_844 = tpu.dynamic_gather %parallel_loop3A_818[%parallel_loop3A_843] in [0] : vector<16xf32>, vector<16xi32> -> vector<16xf32>
        %parallel_loop3A_845 = arith.addf %parallel_loop3A_818, %parallel_loop3A_844 : vector<16xf32>
        %parallel_loop3A_846 = vector.shape_cast %and3A_58 : vector<16xi32> to vector<16x1xi32>
        %parallel_loop3A_847 = vector.shape_cast %parallel_loop3A_846 : vector<16x1xi32> to vector<16xi32>
        %parallel_loop3A_848 = tpu.dynamic_gather %parallel_loop3A_841[%parallel_loop3A_847] in [0] : vector<16xf32>, vector<16xi32> -> vector<16xf32>
        %parallel_loop3A_849 = arith.addf %parallel_loop3A_841, %parallel_loop3A_848 : vector<16xf32>
        %parallel_loop3A_850 = arith.select %lt3A_81, %parallel_loop3A_845, %parallel_loop3A_849 : vector<16xi1>, vector<16xf32>
        %parallel_loop3A_851 = arith.constant 16 : i32
        %parallel_loop3A_852 = arith.muli %parallel_loop3A_795, %parallel_loop3A_851 : i32
        %parallel_loop3A_853 = arith.constant 2 : i32
        %parallel_loop3A_854 = arith.addi %parallel_loop3A_852, %parallel_loop3A_853 : i32
        %parallel_loop3A_855 = arith.index_cast %parallel_loop3A_854 : i32 to index
        %parallel_loop3A_856 = arith.constant 0 : index
        %parallel_loop3A_857 = tpu.vector_load %arg12[%parallel_loop3A_855, %parallel_loop3A_856] {strides = array<i32>} : memref<32x16xf32, #tpu.memory_space<vmem>>, vector<16xf32>,
        %parallel_loop3A_858 = arith.constant 16 : i32
        %parallel_loop3A_859 = arith.muli %parallel_loop3A_795, %parallel_loop3A_858 : i32
        %parallel_loop3A_860 = arith.constant 10 : i32
        %parallel_loop3A_861 = arith.addi %parallel_loop3A_859, %parallel_loop3A_860 : i32
        %parallel_loop3A_862 = arith.index_cast %parallel_loop3A_861 : i32 to index
        %parallel_loop3A_863 = arith.constant 0 : index
        %parallel_loop3A_864 = tpu.vector_load %arg12[%parallel_loop3A_862, %parallel_loop3A_863] {strides = array<i32>} : memref<32x16xf32, #tpu.memory_space<vmem>>, vector<16xf32>,
        %parallel_loop3A_865 = vector.shape_cast %and3A_52 : vector<16xi32> to vector<16x1xi32>
        %parallel_loop3A_866 = vector.shape_cast %parallel_loop3A_865 : vector<16x1xi32> to vector<16xi32>
        %parallel_loop3A_867 = tpu.dynamic_gather %parallel_loop3A_857[%parallel_loop3A_866] in [0] : vector<16xf32>, vector<16xi32> -> vector<16xf32>
        %parallel_loop3A_868 = arith.addf %parallel_loop3A_857, %parallel_loop3A_867 : vector<16xf32>
        %parallel_loop3A_869 = vector.shape_cast %and3A_52 : vector<16xi32> to vector<16x1xi32>
        %parallel_loop3A_870 = vector.shape_cast %parallel_loop3A_869 : vector<16x1xi32> to vector<16xi32>
        %parallel_loop3A_871 = tpu.dynamic_gather %parallel_loop3A_864[%parallel_loop3A_870] in [0] : vector<16xf32>, vector<16xi32> -> vector<16xf32>
        %parallel_loop3A_872 = arith.addf %parallel_loop3A_864, %parallel_loop3A_871 : vector<16xf32>
        %parallel_loop3A_873 = arith.select %lt3A_75, %parallel_loop3A_868, %parallel_loop3A_872 : vector<16xi1>, vector<16xf32>
        %parallel_loop3A_874 = arith.constant 16 : i32
        %parallel_loop3A_875 = arith.muli %parallel_loop3A_795, %parallel_loop3A_874 : i32
        %parallel_loop3A_876 = arith.constant 6 : i32
        %parallel_loop3A_877 = arith.addi %parallel_loop3A_875, %parallel_loop3A_876 : i32
        %parallel_loop3A_878 = arith.index_cast %parallel_loop3A_877 : i32 to index
        %parallel_loop3A_879 = arith.constant 0 : index
        %parallel_loop3A_880 = tpu.vector_load %arg12[%parallel_loop3A_878, %parallel_loop3A_879] {strides = array<i32>} : memref<32x16xf32, #tpu.memory_space<vmem>>, vector<16xf32>,
        %parallel_loop3A_881 = arith.constant 16 : i32
        %parallel_loop3A_882 = arith.muli %parallel_loop3A_795, %parallel_loop3A_881 : i32
        %parallel_loop3A_883 = arith.constant 14 : i32
        %parallel_loop3A_884 = arith.addi %parallel_loop3A_882, %parallel_loop3A_883 : i32
        %parallel_loop3A_885 = arith.index_cast %parallel_loop3A_884 : i32 to index
        %parallel_loop3A_886 = arith.constant 0 : index
        %parallel_loop3A_887 = tpu.vector_load %arg12[%parallel_loop3A_885, %parallel_loop3A_886] {strides = array<i32>} : memref<32x16xf32, #tpu.memory_space<vmem>>, vector<16xf32>,
        %parallel_loop3A_888 = vector.shape_cast %and3A_52 : vector<16xi32> to vector<16x1xi32>
        %parallel_loop3A_889 = vector.shape_cast %parallel_loop3A_888 : vector<16x1xi32> to vector<16xi32>
        %parallel_loop3A_890 = tpu.dynamic_gather %parallel_loop3A_880[%parallel_loop3A_889] in [0] : vector<16xf32>, vector<16xi32> -> vector<16xf32>
        %parallel_loop3A_891 = arith.addf %parallel_loop3A_880, %parallel_loop3A_890 : vector<16xf32>
        %parallel_loop3A_892 = vector.shape_cast %and3A_52 : vector<16xi32> to vector<16x1xi32>
        %parallel_loop3A_893 = vector.shape_cast %parallel_loop3A_892 : vector<16x1xi32> to vector<16xi32>
        %parallel_loop3A_894 = tpu.dynamic_gather %parallel_loop3A_887[%parallel_loop3A_893] in [0] : vector<16xf32>, vector<16xi32> -> vector<16xf32>
        %parallel_loop3A_895 = arith.addf %parallel_loop3A_887, %parallel_loop3A_894 : vector<16xf32>
        %parallel_loop3A_896 = arith.select %lt3A_75, %parallel_loop3A_891, %parallel_loop3A_895 : vector<16xi1>, vector<16xf32>
        %parallel_loop3A_897 = vector.shape_cast %and3A_46 : vector<16xi32> to vector<16x1xi32>
        %parallel_loop3A_898 = vector.shape_cast %parallel_loop3A_897 : vector<16x1xi32> to vector<16xi32>
        %parallel_loop3A_899 = tpu.dynamic_gather %parallel_loop3A_873[%parallel_loop3A_898] in [0] : vector<16xf32>, vector<16xi32> -> vector<16xf32>
        %parallel_loop3A_900 = arith.addf %parallel_loop3A_873, %parallel_loop3A_899 : vector<16xf32>
        %parallel_loop3A_901 = vector.shape_cast %and3A_58 : vector<16xi32> to vector<16x1xi32>
        %parallel_loop3A_902 = vector.shape_cast %parallel_loop3A_901 : vector<16x1xi32> to vector<16xi32>
        %parallel_loop3A_903 = tpu.dynamic_gather %parallel_loop3A_896[%parallel_loop3A_902] in [0] : vector<16xf32>, vector<16xi32> -> vector<16xf32>
        %parallel_loop3A_904 = arith.addf %parallel_loop3A_896, %parallel_loop3A_903 : vector<16xf32>
        %parallel_loop3A_905 = arith.select %lt3A_81, %parallel_loop3A_900, %parallel_loop3A_904 : vector<16xi1>, vector<16xf32>
        %parallel_loop3A_906 = vector.shape_cast %and3A_40 : vector<16xi32> to vector<16x1xi32>
        %parallel_loop3A_907 = vector.shape_cast %parallel_loop3A_906 : vector<16x1xi32> to vector<16xi32>
        %parallel_loop3A_908 = tpu.dynamic_gather %parallel_loop3A_850[%parallel_loop3A_907] in [0] : vector<16xf32>, vector<16xi32> -> vector<16xf32>
        %parallel_loop3A_909 = arith.addf %parallel_loop3A_850, %parallel_loop3A_908 : vector<16xf32>
        %parallel_loop3A_910 = vector.shape_cast %and3A_64 : vector<16xi32> to vector<16x1xi32>
        %parallel_loop3A_911 = vector.shape_cast %parallel_loop3A_910 : vector<16x1xi32> to vector<16xi32>
        %parallel_loop3A_912 = tpu.dynamic_gather %parallel_loop3A_905[%parallel_loop3A_911] in [0] : vector<16xf32>, vector<16xi32> -> vector<16xf32>
        %parallel_loop3A_913 = arith.addf %parallel_loop3A_905, %parallel_loop3A_912 : vector<16xf32>
        %parallel_loop3A_914 = arith.select %lt3A_87, %parallel_loop3A_909, %parallel_loop3A_913 : vector<16xi1>, vector<16xf32>
        %parallel_loop3A_915 = arith.constant 16 : i32
        %parallel_loop3A_916 = arith.muli %parallel_loop3A_795, %parallel_loop3A_915 : i32
        %parallel_loop3A_917 = arith.constant 1 : i32
        %parallel_loop3A_918 = arith.addi %parallel_loop3A_916, %parallel_loop3A_917 : i32
        %parallel_loop3A_919 = arith.index_cast %parallel_loop3A_918 : i32 to index
        %parallel_loop3A_920 = arith.constant 0 : index
        %parallel_loop3A_921 = tpu.vector_load %arg12[%parallel_loop3A_919, %parallel_loop3A_920] {strides = array<i32>} : memref<32x16xf32, #tpu.memory_space<vmem>>, vector<16xf32>,
        %parallel_loop3A_922 = arith.constant 16 : i32
        %parallel_loop3A_923 = arith.muli %parallel_loop3A_795, %parallel_loop3A_922 : i32
        %parallel_loop3A_924 = arith.constant 9 : i32
        %parallel_loop3A_925 = arith.addi %parallel_loop3A_923, %parallel_loop3A_924 : i32
        %parallel_loop3A_926 = arith.index_cast %parallel_loop3A_925 : i32 to index
        %parallel_loop3A_927 = arith.constant 0 : index
        %parallel_loop3A_928 = tpu.vector_load %arg12[%parallel_loop3A_926, %parallel_loop3A_927] {strides = array<i32>} : memref<32x16xf32, #tpu.memory_space<vmem>>, vector<16xf32>,
        %parallel_loop3A_929 = vector.shape_cast %and3A_52 : vector<16xi32> to vector<16x1xi32>
        %parallel_loop3A_930 = vector.shape_cast %parallel_loop3A_929 : vector<16x1xi32> to vector<16xi32>
        %parallel_loop3A_931 = tpu.dynamic_gather %parallel_loop3A_921[%parallel_loop3A_930] in [0] : vector<16xf32>, vector<16xi32> -> vector<16xf32>
        %parallel_loop3A_932 = arith.addf %parallel_loop3A_921, %parallel_loop3A_931 : vector<16xf32>
        %parallel_loop3A_933 = vector.shape_cast %and3A_52 : vector<16xi32> to vector<16x1xi32>
        %parallel_loop3A_934 = vector.shape_cast %parallel_loop3A_933 : vector<16x1xi32> to vector<16xi32>
        %parallel_loop3A_935 = tpu.dynamic_gather %parallel_loop3A_928[%parallel_loop3A_934] in [0] : vector<16xf32>, vector<16xi32> -> vector<16xf32>
        %parallel_loop3A_936 = arith.addf %parallel_loop3A_928, %parallel_loop3A_935 : vector<16xf32>
        %parallel_loop3A_937 = arith.select %lt3A_75, %parallel_loop3A_932, %parallel_loop3A_936 : vector<16xi1>, vector<16xf32>
        %parallel_loop3A_938 = arith.constant 16 : i32
        %parallel_loop3A_939 = arith.muli %parallel_loop3A_795, %parallel_loop3A_938 : i32
        %parallel_loop3A_940 = arith.constant 5 : i32
        %parallel_loop3A_941 = arith.addi %parallel_loop3A_939, %parallel_loop3A_940 : i32
        %parallel_loop3A_942 = arith.index_cast %parallel_loop3A_941 : i32 to index
        %parallel_loop3A_943 = arith.constant 0 : index
        %parallel_loop3A_944 = tpu.vector_load %arg12[%parallel_loop3A_942, %parallel_loop3A_943] {strides = array<i32>} : memref<32x16xf32, #tpu.memory_space<vmem>>, vector<16xf32>,
        %parallel_loop3A_945 = arith.constant 16 : i32
        %parallel_loop3A_946 = arith.muli %parallel_loop3A_795, %parallel_loop3A_945 : i32
        %parallel_loop3A_947 = arith.constant 13 : i32
        %parallel_loop3A_948 = arith.addi %parallel_loop3A_946, %parallel_loop3A_947 : i32
        %parallel_loop3A_949 = arith.index_cast %parallel_loop3A_948 : i32 to index
        %parallel_loop3A_950 = arith.constant 0 : index
        %parallel_loop3A_951 = tpu.vector_load %arg12[%parallel_loop3A_949, %parallel_loop3A_950] {strides = array<i32>} : memref<32x16xf32, #tpu.memory_space<vmem>>, vector<16xf32>,
        %parallel_loop3A_952 = vector.shape_cast %and3A_52 : vector<16xi32> to vector<16x1xi32>
        %parallel_loop3A_953 = vector.shape_cast %parallel_loop3A_952 : vector<16x1xi32> to vector<16xi32>
        %parallel_loop3A_954 = tpu.dynamic_gather %parallel_loop3A_944[%parallel_loop3A_953] in [0] : vector<16xf32>, vector<16xi32> -> vector<16xf32>
        %parallel_loop3A_955 = arith.addf %parallel_loop3A_944, %parallel_loop3A_954 : vector<16xf32>
        %parallel_loop3A_956 = vector.shape_cast %and3A_52 : vector<16xi32> to vector<16x1xi32>
        %parallel_loop3A_957 = vector.shape_cast %parallel_loop3A_956 : vector<16x1xi32> to vector<16xi32>
        %parallel_loop3A_958 = tpu.dynamic_gather %parallel_loop3A_951[%parallel_loop3A_957] in [0] : vector<16xf32>, vector<16xi32> -> vector<16xf32>
        %parallel_loop3A_959 = arith.addf %parallel_loop3A_951, %parallel_loop3A_958 : vector<16xf32>
        %parallel_loop3A_960 = arith.select %lt3A_75, %parallel_loop3A_955, %parallel_loop3A_959 : vector<16xi1>, vector<16xf32>
        %parallel_loop3A_961 = vector.shape_cast %and3A_46 : vector<16xi32> to vector<16x1xi32>
        %parallel_loop3A_962 = vector.shape_cast %parallel_loop3A_961 : vector<16x1xi32> to vector<16xi32>
        %parallel_loop3A_963 = tpu.dynamic_gather %parallel_loop3A_937[%parallel_loop3A_962] in [0] : vector<16xf32>, vector<16xi32> -> vector<16xf32>
        %parallel_loop3A_964 = arith.addf %parallel_loop3A_937, %parallel_loop3A_963 : vector<16xf32>
        %parallel_loop3A_965 = vector.shape_cast %and3A_58 : vector<16xi32> to vector<16x1xi32>
        %parallel_loop3A_966 = vector.shape_cast %parallel_loop3A_965 : vector<16x1xi32> to vector<16xi32>
        %parallel_loop3A_967 = tpu.dynamic_gather %parallel_loop3A_960[%parallel_loop3A_966] in [0] : vector<16xf32>, vector<16xi32> -> vector<16xf32>
        %parallel_loop3A_968 = arith.addf %parallel_loop3A_960, %parallel_loop3A_967 : vector<16xf32>
        %parallel_loop3A_969 = arith.select %lt3A_81, %parallel_loop3A_964, %parallel_loop3A_968 : vector<16xi1>, vector<16xf32>
        %parallel_loop3A_970 = arith.constant 16 : i32
        %parallel_loop3A_971 = arith.muli %parallel_loop3A_795, %parallel_loop3A_970 : i32
        %parallel_loop3A_972 = arith.constant 3 : i32
        %parallel_loop3A_973 = arith.addi %parallel_loop3A_971, %parallel_loop3A_972 : i32
        %parallel_loop3A_974 = arith.index_cast %parallel_loop3A_973 : i32 to index
        %parallel_loop3A_975 = arith.constant 0 : index
        %parallel_loop3A_976 = tpu.vector_load %arg12[%parallel_loop3A_974, %parallel_loop3A_975] {strides = array<i32>} : memref<32x16xf32, #tpu.memory_space<vmem>>, vector<16xf32>,
        %parallel_loop3A_977 = arith.constant 16 : i32
        %parallel_loop3A_978 = arith.muli %parallel_loop3A_795, %parallel_loop3A_977 : i32
        %parallel_loop3A_979 = arith.constant 11 : i32
        %parallel_loop3A_980 = arith.addi %parallel_loop3A_978, %parallel_loop3A_979 : i32
        %parallel_loop3A_981 = arith.index_cast %parallel_loop3A_980 : i32 to index
        %parallel_loop3A_982 = arith.constant 0 : index
        %parallel_loop3A_983 = tpu.vector_load %arg12[%parallel_loop3A_981, %parallel_loop3A_982] {strides = array<i32>} : memref<32x16xf32, #tpu.memory_space<vmem>>, vector<16xf32>,
        %parallel_loop3A_984 = vector.shape_cast %and3A_52 : vector<16xi32> to vector<16x1xi32>
        %parallel_loop3A_985 = vector.shape_cast %parallel_loop3A_984 : vector<16x1xi32> to vector<16xi32>
        %parallel_loop3A_986 = tpu.dynamic_gather %parallel_loop3A_976[%parallel_loop3A_985] in [0] : vector<16xf32>, vector<16xi32> -> vector<16xf32>
        %parallel_loop3A_987 = arith.addf %parallel_loop3A_976, %parallel_loop3A_986 : vector<16xf32>
        %parallel_loop3A_988 = vector.shape_cast %and3A_52 : vector<16xi32> to vector<16x1xi32>
        %parallel_loop3A_989 = vector.shape_cast %parallel_loop3A_988 : vector<16x1xi32> to vector<16xi32>
        %parallel_loop3A_990 = tpu.dynamic_gather %parallel_loop3A_983[%parallel_loop3A_989] in [0] : vector<16xf32>, vector<16xi32> -> vector<16xf32>
        %parallel_loop3A_991 = arith.addf %parallel_loop3A_983, %parallel_loop3A_990 : vector<16xf32>
        %parallel_loop3A_992 = arith.select %lt3A_75, %parallel_loop3A_987, %parallel_loop3A_991 : vector<16xi1>, vector<16xf32>
        %parallel_loop3A_993 = arith.constant 16 : i32
        %parallel_loop3A_994 = arith.muli %parallel_loop3A_795, %parallel_loop3A_993 : i32
        %parallel_loop3A_995 = arith.constant 7 : i32
        %parallel_loop3A_996 = arith.addi %parallel_loop3A_994, %parallel_loop3A_995 : i32
        %parallel_loop3A_997 = arith.index_cast %parallel_loop3A_996 : i32 to index
        %parallel_loop3A_998 = arith.constant 0 : index
        %parallel_loop3A_999 = tpu.vector_load %arg12[%parallel_loop3A_997, %parallel_loop3A_998] {strides = array<i32>} : memref<32x16xf32, #tpu.memory_space<vmem>>, vector<16xf32>,
        %parallel_loop3A_1000 = arith.constant 16 : i32
        %parallel_loop3A_1001 = arith.muli %parallel_loop3A_795, %parallel_loop3A_1000 : i32
        %parallel_loop3A_1002 = arith.constant 15 : i32
        %parallel_loop3A_1003 = arith.addi %parallel_loop3A_1001, %parallel_loop3A_1002 : i32
        %parallel_loop3A_1004 = arith.index_cast %parallel_loop3A_1003 : i32 to index
        %parallel_loop3A_1005 = arith.constant 0 : index
        %parallel_loop3A_1006 = tpu.vector_load %arg12[%parallel_loop3A_1004, %parallel_loop3A_1005] {strides = array<i32>} : memref<32x16xf32, #tpu.memory_space<vmem>>, vector<16xf32>,
        %parallel_loop3A_1007 = vector.shape_cast %and3A_52 : vector<16xi32> to vector<16x1xi32>
        %parallel_loop3A_1008 = vector.shape_cast %parallel_loop3A_1007 : vector<16x1xi32> to vector<16xi32>
        %parallel_loop3A_1009 = tpu.dynamic_gather %parallel_loop3A_999[%parallel_loop3A_1008] in [0] : vector<16xf32>, vector<16xi32> -> vector<16xf32>
        %parallel_loop3A_1010 = arith.addf %parallel_loop3A_999, %parallel_loop3A_1009 : vector<16xf32>
        %parallel_loop3A_1011 = vector.shape_cast %and3A_52 : vector<16xi32> to vector<16x1xi32>
        %parallel_loop3A_1012 = vector.shape_cast %parallel_loop3A_1011 : vector<16x1xi32> to vector<16xi32>
        %parallel_loop3A_1013 = tpu.dynamic_gather %parallel_loop3A_1006[%parallel_loop3A_1012] in [0] : vector<16xf32>, vector<16xi32> -> vector<16xf32>
        %parallel_loop3A_1014 = arith.addf %parallel_loop3A_1006, %parallel_loop3A_1013 : vector<16xf32>
        %parallel_loop3A_1015 = arith.select %lt3A_75, %parallel_loop3A_1010, %parallel_loop3A_1014 : vector<16xi1>, vector<16xf32>
        %parallel_loop3A_1016 = vector.shape_cast %and3A_46 : vector<16xi32> to vector<16x1xi32>
        %parallel_loop3A_1017 = vector.shape_cast %parallel_loop3A_1016 : vector<16x1xi32> to vector<16xi32>
        %parallel_loop3A_1018 = tpu.dynamic_gather %parallel_loop3A_992[%parallel_loop3A_1017] in [0] : vector<16xf32>, vector<16xi32> -> vector<16xf32>
        %parallel_loop3A_1019 = arith.addf %parallel_loop3A_992, %parallel_loop3A_1018 : vector<16xf32>
        %parallel_loop3A_1020 = vector.shape_cast %and3A_58 : vector<16xi32> to vector<16x1xi32>
        %parallel_loop3A_1021 = vector.shape_cast %parallel_loop3A_1020 : vector<16x1xi32> to vector<16xi32>
        %parallel_loop3A_1022 = tpu.dynamic_gather %parallel_loop3A_1015[%parallel_loop3A_1021] in [0] : vector<16xf32>, vector<16xi32> -> vector<16xf32>
        %parallel_loop3A_1023 = arith.addf %parallel_loop3A_1015, %parallel_loop3A_1022 : vector<16xf32>
        %parallel_loop3A_1024 = arith.select %lt3A_81, %parallel_loop3A_1019, %parallel_loop3A_1023 : vector<16xi1>, vector<16xf32>
        %parallel_loop3A_1025 = vector.shape_cast %and3A_40 : vector<16xi32> to vector<16x1xi32>
        %parallel_loop3A_1026 = vector.shape_cast %parallel_loop3A_1025 : vector<16x1xi32> to vector<16xi32>
        %parallel_loop3A_1027 = tpu.dynamic_gather %parallel_loop3A_969[%parallel_loop3A_1026] in [0] : vector<16xf32>, vector<16xi32> -> vector<16xf32>
        %parallel_loop3A_1028 = arith.addf %parallel_loop3A_969, %parallel_loop3A_1027 : vector<16xf32>
        %parallel_loop3A_1029 = vector.shape_cast %and3A_64 : vector<16xi32> to vector<16x1xi32>
        %parallel_loop3A_1030 = vector.shape_cast %parallel_loop3A_1029 : vector<16x1xi32> to vector<16xi32>
        %parallel_loop3A_1031 = tpu.dynamic_gather %parallel_loop3A_1024[%parallel_loop3A_1030] in [0] : vector<16xf32>, vector<16xi32> -> vector<16xf32>
        %parallel_loop3A_1032 = arith.addf %parallel_loop3A_1024, %parallel_loop3A_1031 : vector<16xf32>
        %parallel_loop3A_1033 = arith.select %lt3A_87, %parallel_loop3A_1028, %parallel_loop3A_1032 : vector<16xi1>, vector<16xf32>
        %parallel_loop3A_1034 = vector.shape_cast %and3A_34 : vector<16xi32> to vector<16x1xi32>
        %parallel_loop3A_1035 = vector.shape_cast %parallel_loop3A_1034 : vector<16x1xi32> to vector<16xi32>
        %parallel_loop3A_1036 = tpu.dynamic_gather %parallel_loop3A_914[%parallel_loop3A_1035] in [0] : vector<16xf32>, vector<16xi32> -> vector<16xf32>
        %parallel_loop3A_1037 = arith.addf %parallel_loop3A_914, %parallel_loop3A_1036 : vector<16xf32>
        %parallel_loop3A_1038 = vector.shape_cast %and3A_70 : vector<16xi32> to vector<16x1xi32>
        %parallel_loop3A_1039 = vector.shape_cast %parallel_loop3A_1038 : vector<16x1xi32> to vector<16xi32>
        %parallel_loop3A_1040 = tpu.dynamic_gather %parallel_loop3A_1033[%parallel_loop3A_1039] in [0] : vector<16xf32>, vector<16xi32> -> vector<16xf32>
        %parallel_loop3A_1041 = arith.addf %parallel_loop3A_1033, %parallel_loop3A_1040 : vector<16xf32>
        %parallel_loop3A_1042 = arith.select %lt3A_93, %parallel_loop3A_1037, %parallel_loop3A_1041 : vector<16xi1>, vector<16xf32>
        %parallel_loop3A_1043 = arith.constant 32 : i32
        %parallel_loop3A_1044 = arith.muli %add3A_558, %parallel_loop3A_1043 : i32
        %parallel_loop3A_1045 = arith.constant 16 : i32
        %parallel_loop3A_1046 = arith.muli %parallel_loop3A_795, %parallel_loop3A_1045 : i32
        %parallel_loop3A_1047 = arith.addi %parallel_loop3A_1044, %parallel_loop3A_1046 : i32
        %parallel_loop3A_1048 = arith.index_cast %parallel_loop3A_1047 : i32 to index
        %parallel_loop3A_1049 = tpu.vector_load %arg11[%parallel_loop3A_1048] {strides = array<i32>} : memref<512xf32, #tpu.memory_space<vmem>>, vector<16xf32>,
        tpu.vector_store %arg11[%parallel_loop3A_1048], %parallel_loop3A_1042 {strides = array<i32>} : memref<512xf32, #tpu.memory_space<vmem>>, vector<16xf32>,
      } {sc.loop_unroll_factor = 1 : i64, sc.parallel_access}
      %mul3A_585 = arith.constant 32 : i32
      %mul3A_586 = arith.muli %add3A_558, %mul3A_585 : i32
      %mul3A_587 = arith.constant 512 : i32
      %mul3A_588 = arith.muli %add3A, %mul3A_587 : i32
      %mul3A_589 = arith.constant 32 : i32
      %mul3A_590 = arith.muli %add3A_558, %mul3A_589 : i32
      %add3A_591 = arith.addi %mul3A_588, %mul3A_590 : i32
      %dma_start3A_592 = tpu.memref_slice %arg11[%mul3A_586] : memref<512xf32, #tpu.memory_space<vmem>> -> memref<32xf32, #tpu.memory_space<vmem>>
      %dma_start3A_593 = tpu.memref_slice %arg6[%add3A_591] : memref<16384xf32, #tpu.memory_space<hbm>> -> memref<32xf32, #tpu.memory_space<hbm>>
      %dma_start3A_594 = tpu.memref_slice %arg6[%add3A_591] : memref<16384xf32, #tpu.memory_space<hbm>> -> memref<32xf32, #tpu.memory_space<hbm>>
      %dma_start3A_595 = tpu.memref_slice %arg11[%mul3A_586] : memref<512xf32, #tpu.memory_space<vmem>> -> memref<32xf32, #tpu.memory_space<vmem>>
      tpu.enqueue_dma source(%dma_start3A_595 : memref<32xf32, #tpu.memory_space<vmem>>) target(%dma_start3A_594 : memref<32xf32, #tpu.memory_space<hbm>>) target_semaphore(%arg29 : memref<!tpu.dma_semaphore, #tpu.memory_space<semaphore_mem>>)
      %add3A_596 = arith.constant 8 : i32
      %add3A_597 = arith.addi %add3A_558, %add3A_596 : i32
      %lt3A_598 = arith.constant 16 : i32
      %lt3A_599 = arith.cmpi slt, %add3A_597, %lt3A_598 : i32
      %convert_element_type3A_600 = arith.extui %lt3A_599 : i1 to i32
      %cond3A_601 = arith.constant 0 : i32
      %cond3A_602 = arith.cmpi ne, %convert_element_type3A_600, %cond3A_601 : i32
      scf.if %cond3A_602 {
        %mul3A_795 = arith.constant 32 : i32
        %mul3A_796 = arith.muli %add3A_597, %mul3A_795 : i32
        %dma_start3A_797 = arith.constant 3 : i32
        %dma_start3A_798 = arith.constant 0 : i32
        %dma_start3A_799 = arith.constant 0 : i32
        %dma_start3A_800 = tpu.memref_slice %arg9[%dma_start3A_797, %dma_start3A_798, %dma_start3A_799] : memref<8x32x128xf32, #tpu.memory_space<vmem>> -> memref<1x32x128xf32, #tpu.memory_space<vmem>>
        %dma_start3A_801 = tpu.memref_squeeze %dma_start3A_800 : memref<1x32x128xf32, #tpu.memory_space<vmem>> -> memref<32x128xf32, #tpu.memory_space<vmem>>
        %dma_start3A_802 = tpu.memref_slice %arg7[%mul3A_796] : memref<512xi32, #tpu.memory_space<vmem>> -> memref<32xi32, #tpu.memory_space<vmem>>
        %dma_start3A_803 = arith.constant 0 : i32
        %dma_start3A_804 = arith.constant 0 : i32
        %dma_start3A_805 = tpu.memref_slice %arg4[%dma_start3A_803, %dma_start3A_804] : memref<1000000x128xf32, #tpu.memory_space<hbm>> -> memref<1000000x128xf32, #tpu.memory_space<hbm>>
        tpu.enqueue_indirect_dma source(%dma_start3A_805 : memref<1000000x128xf32, #tpu.memory_space<hbm>>) target(%dma_start3A_801 : memref<32x128xf32, #tpu.memory_space<vmem>>) offsets(%dma_start3A_802 : memref<32xi32, #tpu.memory_space<vmem>>) semaphore(%arg19 : memref<!tpu.dma_semaphore, #tpu.memory_space<semaphore_mem>>)
        %dma_start3A_806 = arith.constant 3 : i32
        %dma_start3A_807 = arith.constant 0 : i32
        %dma_start3A_808 = arith.constant 0 : i32
        %dma_start3A_809 = tpu.memref_slice %arg10[%dma_start3A_806, %dma_start3A_807, %dma_start3A_808] : memref<8x32x128xf32, #tpu.memory_space<vmem>> -> memref<1x32x128xf32, #tpu.memory_space<vmem>>
        %dma_start3A_810 = tpu.memref_squeeze %dma_start3A_809 : memref<1x32x128xf32, #tpu.memory_space<vmem>> -> memref<32x128xf32, #tpu.memory_space<vmem>>
        %dma_start3A_811 = tpu.memref_slice %arg8[%mul3A_796] : memref<512xi32, #tpu.memory_space<vmem>> -> memref<32xi32, #tpu.memory_space<vmem>>
        %dma_start3A_812 = arith.constant 0 : i32
        %dma_start3A_813 = arith.constant 0 : i32
        %dma_start3A_814 = tpu.memref_slice %arg5[%dma_start3A_812, %dma_start3A_813] : memref<1000000x128xf32, #tpu.memory_space<hbm>> -> memref<1000000x128xf32, #tpu.memory_space<hbm>>
        tpu.enqueue_indirect_dma source(%dma_start3A_814 : memref<1000000x128xf32, #tpu.memory_space<hbm>>) target(%dma_start3A_810 : memref<32x128xf32, #tpu.memory_space<vmem>>) offsets(%dma_start3A_811 : memref<32xi32, #tpu.memory_space<vmem>>) semaphore(%arg20 : memref<!tpu.dma_semaphore, #tpu.memory_space<semaphore_mem>>)
      } else {
      }
      %mul3A_603 = arith.constant 8 : i32
      %mul3A_604 = arith.muli %mul3A_603, %add3A_413 : i32
      %add3A_605 = arith.constant 4 : i32
      %add3A_606 = arith.addi %mul3A_604, %add3A_605 : i32
      %dma_wait3A_607 = arith.constant 4 : i32
      %dma_wait3A_608 = arith.constant 0 : i32
      %dma_wait3A_609 = arith.constant 0 : i32
      %dma_wait3A_610 = tpu.memref_slice %arg9[%dma_wait3A_607, %dma_wait3A_608, %dma_wait3A_609] : memref<8x32x128xf32, #tpu.memory_space<vmem>> -> memref<1x32x128xf32, #tpu.memory_space<vmem>>
      %dma_wait3A_611 = tpu.memref_squeeze %dma_wait3A_610 : memref<1x32x128xf32, #tpu.memory_space<vmem>> -> memref<32x128xf32, #tpu.memory_space<vmem>>
      %dma_wait3A_612 = arith.constant 0 : i32
      %dma_wait3A_613 = tpu.memref_slice %arg7[%dma_wait3A_612] : memref<512xi32, #tpu.memory_space<vmem>> -> memref<32xi32, #tpu.memory_space<vmem>>
      %dma_wait3A_614 = arith.constant 0 : i32
      %dma_wait3A_615 = arith.constant 0 : i32
      %dma_wait3A_616 = tpu.memref_slice %arg4[%dma_wait3A_614, %dma_wait3A_615] : memref<1000000x128xf32, #tpu.memory_space<hbm>> -> memref<1000000x128xf32, #tpu.memory_space<hbm>>
      tpu.wait_indirect_dma semaphore(%arg21 : memref<!tpu.dma_semaphore, #tpu.memory_space<semaphore_mem>>) src(%dma_wait3A_616 : memref<1000000x128xf32, #tpu.memory_space<hbm>>) dst(%dma_wait3A_611 : memref<32x128xf32, #tpu.memory_space<vmem>>)
      %dma_wait3A_617 = arith.constant 4 : i32
      %dma_wait3A_618 = arith.constant 0 : i32
      %dma_wait3A_619 = arith.constant 0 : i32
      %dma_wait3A_620 = tpu.memref_slice %arg10[%dma_wait3A_617, %dma_wait3A_618, %dma_wait3A_619] : memref<8x32x128xf32, #tpu.memory_space<vmem>> -> memref<1x32x128xf32, #tpu.memory_space<vmem>>
      %dma_wait3A_621 = tpu.memref_squeeze %dma_wait3A_620 : memref<1x32x128xf32, #tpu.memory_space<vmem>> -> memref<32x128xf32, #tpu.memory_space<vmem>>
      %dma_wait3A_622 = arith.constant 0 : i32
      %dma_wait3A_623 = tpu.memref_slice %arg8[%dma_wait3A_622] : memref<512xi32, #tpu.memory_space<vmem>> -> memref<32xi32, #tpu.memory_space<vmem>>
      %dma_wait3A_624 = arith.constant 0 : i32
      %dma_wait3A_625 = arith.constant 0 : i32
      %dma_wait3A_626 = tpu.memref_slice %arg5[%dma_wait3A_624, %dma_wait3A_625] : memref<1000000x128xf32, #tpu.memory_space<hbm>> -> memref<1000000x128xf32, #tpu.memory_space<hbm>>
      tpu.wait_indirect_dma semaphore(%arg22 : memref<!tpu.dma_semaphore, #tpu.memory_space<semaphore_mem>>) src(%dma_wait3A_626 : memref<1000000x128xf32, #tpu.memory_space<hbm>>) dst(%dma_wait3A_621 : memref<32x128xf32, #tpu.memory_space<vmem>>)
      %parallel_loop3A_627 = arith.constant 0 : i32
      %parallel_loop3A_628 = arith.constant 32 : i32
      %parallel_loop3A_629 = arith.constant 1 : i32
      scf.for %parallel_loop3A_795 = %parallel_loop3A_627 to %parallel_loop3A_628 step %parallel_loop3A_629  : i32 {
        %parallel_loop3A_796 = arith.constant 4 : i32
        %parallel_loop3A_797 = arith.index_cast %parallel_loop3A_796 : i32 to index
        %parallel_loop3A_798 = arith.index_cast %parallel_loop3A_795 : i32 to index
        %parallel_loop3A_799 = arith.constant 0 : index
        %parallel_loop3A_800 = tpu.vector_load %arg9[%parallel_loop3A_797, %parallel_loop3A_798, %parallel_loop3A_799] {strides = array<i32>} : memref<8x32x128xf32, #tpu.memory_space<vmem>>, vector<16xf32>,
        %parallel_loop3A_801 = arith.constant 4 : i32
        %parallel_loop3A_802 = arith.index_cast %parallel_loop3A_801 : i32 to index
        %parallel_loop3A_803 = arith.index_cast %parallel_loop3A_795 : i32 to index
        %parallel_loop3A_804 = arith.constant 0 : index
        %parallel_loop3A_805 = tpu.vector_load %arg10[%parallel_loop3A_802, %parallel_loop3A_803, %parallel_loop3A_804] {strides = array<i32>} : memref<8x32x128xf32, #tpu.memory_space<vmem>>, vector<16xf32>,
        %parallel_loop3A_806 = arith.mulf %parallel_loop3A_800, %parallel_loop3A_805 : vector<16xf32>
        %parallel_loop3A_807 = arith.constant 4 : i32
        %parallel_loop3A_808 = arith.index_cast %parallel_loop3A_807 : i32 to index
        %parallel_loop3A_809 = arith.index_cast %parallel_loop3A_795 : i32 to index
        %parallel_loop3A_810 = arith.constant 16 : index
        %parallel_loop3A_811 = tpu.vector_load %arg9[%parallel_loop3A_808, %parallel_loop3A_809, %parallel_loop3A_810] {strides = array<i32>} : memref<8x32x128xf32, #tpu.memory_space<vmem>>, vector<16xf32>,
        %parallel_loop3A_812 = arith.constant 4 : i32
        %parallel_loop3A_813 = arith.index_cast %parallel_loop3A_812 : i32 to index
        %parallel_loop3A_814 = arith.index_cast %parallel_loop3A_795 : i32 to index
        %parallel_loop3A_815 = arith.constant 16 : index
        %parallel_loop3A_816 = tpu.vector_load %arg10[%parallel_loop3A_813, %parallel_loop3A_814, %parallel_loop3A_815] {strides = array<i32>} : memref<8x32x128xf32, #tpu.memory_space<vmem>>, vector<16xf32>,
        %parallel_loop3A_817 = arith.mulf %parallel_loop3A_811, %parallel_loop3A_816 : vector<16xf32>
        %parallel_loop3A_818 = arith.addf %parallel_loop3A_806, %parallel_loop3A_817 : vector<16xf32>
        %parallel_loop3A_819 = arith.constant 4 : i32
        %parallel_loop3A_820 = arith.index_cast %parallel_loop3A_819 : i32 to index
        %parallel_loop3A_821 = arith.index_cast %parallel_loop3A_795 : i32 to index
        %parallel_loop3A_822 = arith.constant 32 : index
        %parallel_loop3A_823 = tpu.vector_load %arg9[%parallel_loop3A_820, %parallel_loop3A_821, %parallel_loop3A_822] {strides = array<i32>} : memref<8x32x128xf32, #tpu.memory_space<vmem>>, vector<16xf32>,
        %parallel_loop3A_824 = arith.constant 4 : i32
        %parallel_loop3A_825 = arith.index_cast %parallel_loop3A_824 : i32 to index
        %parallel_loop3A_826 = arith.index_cast %parallel_loop3A_795 : i32 to index
        %parallel_loop3A_827 = arith.constant 32 : index
        %parallel_loop3A_828 = tpu.vector_load %arg10[%parallel_loop3A_825, %parallel_loop3A_826, %parallel_loop3A_827] {strides = array<i32>} : memref<8x32x128xf32, #tpu.memory_space<vmem>>, vector<16xf32>,
        %parallel_loop3A_829 = arith.mulf %parallel_loop3A_823, %parallel_loop3A_828 : vector<16xf32>
        %parallel_loop3A_830 = arith.addf %parallel_loop3A_818, %parallel_loop3A_829 : vector<16xf32>
        %parallel_loop3A_831 = arith.constant 4 : i32
        %parallel_loop3A_832 = arith.index_cast %parallel_loop3A_831 : i32 to index
        %parallel_loop3A_833 = arith.index_cast %parallel_loop3A_795 : i32 to index
        %parallel_loop3A_834 = arith.constant 48 : index
        %parallel_loop3A_835 = tpu.vector_load %arg9[%parallel_loop3A_832, %parallel_loop3A_833, %parallel_loop3A_834] {strides = array<i32>} : memref<8x32x128xf32, #tpu.memory_space<vmem>>, vector<16xf32>,
        %parallel_loop3A_836 = arith.constant 4 : i32
        %parallel_loop3A_837 = arith.index_cast %parallel_loop3A_836 : i32 to index
        %parallel_loop3A_838 = arith.index_cast %parallel_loop3A_795 : i32 to index
        %parallel_loop3A_839 = arith.constant 48 : index
        %parallel_loop3A_840 = tpu.vector_load %arg10[%parallel_loop3A_837, %parallel_loop3A_838, %parallel_loop3A_839] {strides = array<i32>} : memref<8x32x128xf32, #tpu.memory_space<vmem>>, vector<16xf32>,
        %parallel_loop3A_841 = arith.mulf %parallel_loop3A_835, %parallel_loop3A_840 : vector<16xf32>
        %parallel_loop3A_842 = arith.addf %parallel_loop3A_830, %parallel_loop3A_841 : vector<16xf32>
        %parallel_loop3A_843 = arith.constant 4 : i32
        %parallel_loop3A_844 = arith.index_cast %parallel_loop3A_843 : i32 to index
        %parallel_loop3A_845 = arith.index_cast %parallel_loop3A_795 : i32 to index
        %parallel_loop3A_846 = arith.constant 64 : index
        %parallel_loop3A_847 = tpu.vector_load %arg9[%parallel_loop3A_844, %parallel_loop3A_845, %parallel_loop3A_846] {strides = array<i32>} : memref<8x32x128xf32, #tpu.memory_space<vmem>>, vector<16xf32>,
        %parallel_loop3A_848 = arith.constant 4 : i32
        %parallel_loop3A_849 = arith.index_cast %parallel_loop3A_848 : i32 to index
        %parallel_loop3A_850 = arith.index_cast %parallel_loop3A_795 : i32 to index
        %parallel_loop3A_851 = arith.constant 64 : index
        %parallel_loop3A_852 = tpu.vector_load %arg10[%parallel_loop3A_849, %parallel_loop3A_850, %parallel_loop3A_851] {strides = array<i32>} : memref<8x32x128xf32, #tpu.memory_space<vmem>>, vector<16xf32>,
        %parallel_loop3A_853 = arith.mulf %parallel_loop3A_847, %parallel_loop3A_852 : vector<16xf32>
        %parallel_loop3A_854 = arith.addf %parallel_loop3A_842, %parallel_loop3A_853 : vector<16xf32>
        %parallel_loop3A_855 = arith.constant 4 : i32
        %parallel_loop3A_856 = arith.index_cast %parallel_loop3A_855 : i32 to index
        %parallel_loop3A_857 = arith.index_cast %parallel_loop3A_795 : i32 to index
        %parallel_loop3A_858 = arith.constant 80 : index
        %parallel_loop3A_859 = tpu.vector_load %arg9[%parallel_loop3A_856, %parallel_loop3A_857, %parallel_loop3A_858] {strides = array<i32>} : memref<8x32x128xf32, #tpu.memory_space<vmem>>, vector<16xf32>,
        %parallel_loop3A_860 = arith.constant 4 : i32
        %parallel_loop3A_861 = arith.index_cast %parallel_loop3A_860 : i32 to index
        %parallel_loop3A_862 = arith.index_cast %parallel_loop3A_795 : i32 to index
        %parallel_loop3A_863 = arith.constant 80 : index
        %parallel_loop3A_864 = tpu.vector_load %arg10[%parallel_loop3A_861, %parallel_loop3A_862, %parallel_loop3A_863] {strides = array<i32>} : memref<8x32x128xf32, #tpu.memory_space<vmem>>, vector<16xf32>,
        %parallel_loop3A_865 = arith.mulf %parallel_loop3A_859, %parallel_loop3A_864 : vector<16xf32>
        %parallel_loop3A_866 = arith.addf %parallel_loop3A_854, %parallel_loop3A_865 : vector<16xf32>
        %parallel_loop3A_867 = arith.constant 4 : i32
        %parallel_loop3A_868 = arith.index_cast %parallel_loop3A_867 : i32 to index
        %parallel_loop3A_869 = arith.index_cast %parallel_loop3A_795 : i32 to index
        %parallel_loop3A_870 = arith.constant 96 : index
        %parallel_loop3A_871 = tpu.vector_load %arg9[%parallel_loop3A_868, %parallel_loop3A_869, %parallel_loop3A_870] {strides = array<i32>} : memref<8x32x128xf32, #tpu.memory_space<vmem>>, vector<16xf32>,
        %parallel_loop3A_872 = arith.constant 4 : i32
        %parallel_loop3A_873 = arith.index_cast %parallel_loop3A_872 : i32 to index
        %parallel_loop3A_874 = arith.index_cast %parallel_loop3A_795 : i32 to index
        %parallel_loop3A_875 = arith.constant 96 : index
        %parallel_loop3A_876 = tpu.vector_load %arg10[%parallel_loop3A_873, %parallel_loop3A_874, %parallel_loop3A_875] {strides = array<i32>} : memref<8x32x128xf32, #tpu.memory_space<vmem>>, vector<16xf32>,
        %parallel_loop3A_877 = arith.mulf %parallel_loop3A_871, %parallel_loop3A_876 : vector<16xf32>
        %parallel_loop3A_878 = arith.addf %parallel_loop3A_866, %parallel_loop3A_877 : vector<16xf32>
        %parallel_loop3A_879 = arith.constant 4 : i32
        %parallel_loop3A_880 = arith.index_cast %parallel_loop3A_879 : i32 to index
        %parallel_loop3A_881 = arith.index_cast %parallel_loop3A_795 : i32 to index
        %parallel_loop3A_882 = arith.constant 112 : index
        %parallel_loop3A_883 = tpu.vector_load %arg9[%parallel_loop3A_880, %parallel_loop3A_881, %parallel_loop3A_882] {strides = array<i32>} : memref<8x32x128xf32, #tpu.memory_space<vmem>>, vector<16xf32>,
        %parallel_loop3A_884 = arith.constant 4 : i32
        %parallel_loop3A_885 = arith.index_cast %parallel_loop3A_884 : i32 to index
        %parallel_loop3A_886 = arith.index_cast %parallel_loop3A_795 : i32 to index
        %parallel_loop3A_887 = arith.constant 112 : index
        %parallel_loop3A_888 = tpu.vector_load %arg10[%parallel_loop3A_885, %parallel_loop3A_886, %parallel_loop3A_887] {strides = array<i32>} : memref<8x32x128xf32, #tpu.memory_space<vmem>>, vector<16xf32>,
        %parallel_loop3A_889 = arith.mulf %parallel_loop3A_883, %parallel_loop3A_888 : vector<16xf32>
        %parallel_loop3A_890 = arith.addf %parallel_loop3A_878, %parallel_loop3A_889 : vector<16xf32>
        %parallel_loop3A_891 = arith.index_cast %parallel_loop3A_795 : i32 to index
        %parallel_loop3A_892 = arith.constant 0 : index
        %parallel_loop3A_893 = tpu.vector_load %arg12[%parallel_loop3A_891, %parallel_loop3A_892] {strides = array<i32>} : memref<32x16xf32, #tpu.memory_space<vmem>>, vector<16xf32>,
        tpu.vector_store %arg12[%parallel_loop3A_891, %parallel_loop3A_892], %parallel_loop3A_890 {strides = array<i32>} : memref<32x16xf32, #tpu.memory_space<vmem>>, vector<16xf32>,
      } {sc.loop_unroll_factor = 1 : i64, sc.parallel_access}
      %parallel_loop3A_630 = arith.constant 0 : i32
      %parallel_loop3A_631 = arith.constant 2 : i32
      %parallel_loop3A_632 = arith.constant 1 : i32
      scf.for %parallel_loop3A_795 = %parallel_loop3A_630 to %parallel_loop3A_631 step %parallel_loop3A_632  : i32 {
        %parallel_loop3A_796 = arith.constant 16 : i32
        %parallel_loop3A_797 = arith.muli %parallel_loop3A_795, %parallel_loop3A_796 : i32
        %parallel_loop3A_798 = arith.constant 0 : i32
        %parallel_loop3A_799 = arith.addi %parallel_loop3A_797, %parallel_loop3A_798 : i32
        %parallel_loop3A_800 = arith.index_cast %parallel_loop3A_799 : i32 to index
        %parallel_loop3A_801 = arith.constant 0 : index
        %parallel_loop3A_802 = tpu.vector_load %arg12[%parallel_loop3A_800, %parallel_loop3A_801] {strides = array<i32>} : memref<32x16xf32, #tpu.memory_space<vmem>>, vector<16xf32>,
        %parallel_loop3A_803 = arith.constant 16 : i32
        %parallel_loop3A_804 = arith.muli %parallel_loop3A_795, %parallel_loop3A_803 : i32
        %parallel_loop3A_805 = arith.constant 8 : i32
        %parallel_loop3A_806 = arith.addi %parallel_loop3A_804, %parallel_loop3A_805 : i32
        %parallel_loop3A_807 = arith.index_cast %parallel_loop3A_806 : i32 to index
        %parallel_loop3A_808 = arith.constant 0 : index
        %parallel_loop3A_809 = tpu.vector_load %arg12[%parallel_loop3A_807, %parallel_loop3A_808] {strides = array<i32>} : memref<32x16xf32, #tpu.memory_space<vmem>>, vector<16xf32>,
        %parallel_loop3A_810 = vector.shape_cast %and3A_52 : vector<16xi32> to vector<16x1xi32>
        %parallel_loop3A_811 = vector.shape_cast %parallel_loop3A_810 : vector<16x1xi32> to vector<16xi32>
        %parallel_loop3A_812 = tpu.dynamic_gather %parallel_loop3A_802[%parallel_loop3A_811] in [0] : vector<16xf32>, vector<16xi32> -> vector<16xf32>
        %parallel_loop3A_813 = arith.addf %parallel_loop3A_802, %parallel_loop3A_812 : vector<16xf32>
        %parallel_loop3A_814 = vector.shape_cast %and3A_52 : vector<16xi32> to vector<16x1xi32>
        %parallel_loop3A_815 = vector.shape_cast %parallel_loop3A_814 : vector<16x1xi32> to vector<16xi32>
        %parallel_loop3A_816 = tpu.dynamic_gather %parallel_loop3A_809[%parallel_loop3A_815] in [0] : vector<16xf32>, vector<16xi32> -> vector<16xf32>
        %parallel_loop3A_817 = arith.addf %parallel_loop3A_809, %parallel_loop3A_816 : vector<16xf32>
        %parallel_loop3A_818 = arith.select %lt3A_75, %parallel_loop3A_813, %parallel_loop3A_817 : vector<16xi1>, vector<16xf32>
        %parallel_loop3A_819 = arith.constant 16 : i32
        %parallel_loop3A_820 = arith.muli %parallel_loop3A_795, %parallel_loop3A_819 : i32
        %parallel_loop3A_821 = arith.constant 4 : i32
        %parallel_loop3A_822 = arith.addi %parallel_loop3A_820, %parallel_loop3A_821 : i32
        %parallel_loop3A_823 = arith.index_cast %parallel_loop3A_822 : i32 to index
        %parallel_loop3A_824 = arith.constant 0 : index
        %parallel_loop3A_825 = tpu.vector_load %arg12[%parallel_loop3A_823, %parallel_loop3A_824] {strides = array<i32>} : memref<32x16xf32, #tpu.memory_space<vmem>>, vector<16xf32>,
        %parallel_loop3A_826 = arith.constant 16 : i32
        %parallel_loop3A_827 = arith.muli %parallel_loop3A_795, %parallel_loop3A_826 : i32
        %parallel_loop3A_828 = arith.constant 12 : i32
        %parallel_loop3A_829 = arith.addi %parallel_loop3A_827, %parallel_loop3A_828 : i32
        %parallel_loop3A_830 = arith.index_cast %parallel_loop3A_829 : i32 to index
        %parallel_loop3A_831 = arith.constant 0 : index
        %parallel_loop3A_832 = tpu.vector_load %arg12[%parallel_loop3A_830, %parallel_loop3A_831] {strides = array<i32>} : memref<32x16xf32, #tpu.memory_space<vmem>>, vector<16xf32>,
        %parallel_loop3A_833 = vector.shape_cast %and3A_52 : vector<16xi32> to vector<16x1xi32>
        %parallel_loop3A_834 = vector.shape_cast %parallel_loop3A_833 : vector<16x1xi32> to vector<16xi32>
        %parallel_loop3A_835 = tpu.dynamic_gather %parallel_loop3A_825[%parallel_loop3A_834] in [0] : vector<16xf32>, vector<16xi32> -> vector<16xf32>
        %parallel_loop3A_836 = arith.addf %parallel_loop3A_825, %parallel_loop3A_835 : vector<16xf32>
        %parallel_loop3A_837 = vector.shape_cast %and3A_52 : vector<16xi32> to vector<16x1xi32>
        %parallel_loop3A_838 = vector.shape_cast %parallel_loop3A_837 : vector<16x1xi32> to vector<16xi32>
        %parallel_loop3A_839 = tpu.dynamic_gather %parallel_loop3A_832[%parallel_loop3A_838] in [0] : vector<16xf32>, vector<16xi32> -> vector<16xf32>
        %parallel_loop3A_840 = arith.addf %parallel_loop3A_832, %parallel_loop3A_839 : vector<16xf32>
        %parallel_loop3A_841 = arith.select %lt3A_75, %parallel_loop3A_836, %parallel_loop3A_840 : vector<16xi1>, vector<16xf32>
        %parallel_loop3A_842 = vector.shape_cast %and3A_46 : vector<16xi32> to vector<16x1xi32>
        %parallel_loop3A_843 = vector.shape_cast %parallel_loop3A_842 : vector<16x1xi32> to vector<16xi32>
        %parallel_loop3A_844 = tpu.dynamic_gather %parallel_loop3A_818[%parallel_loop3A_843] in [0] : vector<16xf32>, vector<16xi32> -> vector<16xf32>
        %parallel_loop3A_845 = arith.addf %parallel_loop3A_818, %parallel_loop3A_844 : vector<16xf32>
        %parallel_loop3A_846 = vector.shape_cast %and3A_58 : vector<16xi32> to vector<16x1xi32>
        %parallel_loop3A_847 = vector.shape_cast %parallel_loop3A_846 : vector<16x1xi32> to vector<16xi32>
        %parallel_loop3A_848 = tpu.dynamic_gather %parallel_loop3A_841[%parallel_loop3A_847] in [0] : vector<16xf32>, vector<16xi32> -> vector<16xf32>
        %parallel_loop3A_849 = arith.addf %parallel_loop3A_841, %parallel_loop3A_848 : vector<16xf32>
        %parallel_loop3A_850 = arith.select %lt3A_81, %parallel_loop3A_845, %parallel_loop3A_849 : vector<16xi1>, vector<16xf32>
        %parallel_loop3A_851 = arith.constant 16 : i32
        %parallel_loop3A_852 = arith.muli %parallel_loop3A_795, %parallel_loop3A_851 : i32
        %parallel_loop3A_853 = arith.constant 2 : i32
        %parallel_loop3A_854 = arith.addi %parallel_loop3A_852, %parallel_loop3A_853 : i32
        %parallel_loop3A_855 = arith.index_cast %parallel_loop3A_854 : i32 to index
        %parallel_loop3A_856 = arith.constant 0 : index
        %parallel_loop3A_857 = tpu.vector_load %arg12[%parallel_loop3A_855, %parallel_loop3A_856] {strides = array<i32>} : memref<32x16xf32, #tpu.memory_space<vmem>>, vector<16xf32>,
        %parallel_loop3A_858 = arith.constant 16 : i32
        %parallel_loop3A_859 = arith.muli %parallel_loop3A_795, %parallel_loop3A_858 : i32
        %parallel_loop3A_860 = arith.constant 10 : i32
        %parallel_loop3A_861 = arith.addi %parallel_loop3A_859, %parallel_loop3A_860 : i32
        %parallel_loop3A_862 = arith.index_cast %parallel_loop3A_861 : i32 to index
        %parallel_loop3A_863 = arith.constant 0 : index
        %parallel_loop3A_864 = tpu.vector_load %arg12[%parallel_loop3A_862, %parallel_loop3A_863] {strides = array<i32>} : memref<32x16xf32, #tpu.memory_space<vmem>>, vector<16xf32>,
        %parallel_loop3A_865 = vector.shape_cast %and3A_52 : vector<16xi32> to vector<16x1xi32>
        %parallel_loop3A_866 = vector.shape_cast %parallel_loop3A_865 : vector<16x1xi32> to vector<16xi32>
        %parallel_loop3A_867 = tpu.dynamic_gather %parallel_loop3A_857[%parallel_loop3A_866] in [0] : vector<16xf32>, vector<16xi32> -> vector<16xf32>
        %parallel_loop3A_868 = arith.addf %parallel_loop3A_857, %parallel_loop3A_867 : vector<16xf32>
        %parallel_loop3A_869 = vector.shape_cast %and3A_52 : vector<16xi32> to vector<16x1xi32>
        %parallel_loop3A_870 = vector.shape_cast %parallel_loop3A_869 : vector<16x1xi32> to vector<16xi32>
        %parallel_loop3A_871 = tpu.dynamic_gather %parallel_loop3A_864[%parallel_loop3A_870] in [0] : vector<16xf32>, vector<16xi32> -> vector<16xf32>
        %parallel_loop3A_872 = arith.addf %parallel_loop3A_864, %parallel_loop3A_871 : vector<16xf32>
        %parallel_loop3A_873 = arith.select %lt3A_75, %parallel_loop3A_868, %parallel_loop3A_872 : vector<16xi1>, vector<16xf32>
        %parallel_loop3A_874 = arith.constant 16 : i32
        %parallel_loop3A_875 = arith.muli %parallel_loop3A_795, %parallel_loop3A_874 : i32
        %parallel_loop3A_876 = arith.constant 6 : i32
        %parallel_loop3A_877 = arith.addi %parallel_loop3A_875, %parallel_loop3A_876 : i32
        %parallel_loop3A_878 = arith.index_cast %parallel_loop3A_877 : i32 to index
        %parallel_loop3A_879 = arith.constant 0 : index
        %parallel_loop3A_880 = tpu.vector_load %arg12[%parallel_loop3A_878, %parallel_loop3A_879] {strides = array<i32>} : memref<32x16xf32, #tpu.memory_space<vmem>>, vector<16xf32>,
        %parallel_loop3A_881 = arith.constant 16 : i32
        %parallel_loop3A_882 = arith.muli %parallel_loop3A_795, %parallel_loop3A_881 : i32
        %parallel_loop3A_883 = arith.constant 14 : i32
        %parallel_loop3A_884 = arith.addi %parallel_loop3A_882, %parallel_loop3A_883 : i32
        %parallel_loop3A_885 = arith.index_cast %parallel_loop3A_884 : i32 to index
        %parallel_loop3A_886 = arith.constant 0 : index
        %parallel_loop3A_887 = tpu.vector_load %arg12[%parallel_loop3A_885, %parallel_loop3A_886] {strides = array<i32>} : memref<32x16xf32, #tpu.memory_space<vmem>>, vector<16xf32>,
        %parallel_loop3A_888 = vector.shape_cast %and3A_52 : vector<16xi32> to vector<16x1xi32>
        %parallel_loop3A_889 = vector.shape_cast %parallel_loop3A_888 : vector<16x1xi32> to vector<16xi32>
        %parallel_loop3A_890 = tpu.dynamic_gather %parallel_loop3A_880[%parallel_loop3A_889] in [0] : vector<16xf32>, vector<16xi32> -> vector<16xf32>
        %parallel_loop3A_891 = arith.addf %parallel_loop3A_880, %parallel_loop3A_890 : vector<16xf32>
        %parallel_loop3A_892 = vector.shape_cast %and3A_52 : vector<16xi32> to vector<16x1xi32>
        %parallel_loop3A_893 = vector.shape_cast %parallel_loop3A_892 : vector<16x1xi32> to vector<16xi32>
        %parallel_loop3A_894 = tpu.dynamic_gather %parallel_loop3A_887[%parallel_loop3A_893] in [0] : vector<16xf32>, vector<16xi32> -> vector<16xf32>
        %parallel_loop3A_895 = arith.addf %parallel_loop3A_887, %parallel_loop3A_894 : vector<16xf32>
        %parallel_loop3A_896 = arith.select %lt3A_75, %parallel_loop3A_891, %parallel_loop3A_895 : vector<16xi1>, vector<16xf32>
        %parallel_loop3A_897 = vector.shape_cast %and3A_46 : vector<16xi32> to vector<16x1xi32>
        %parallel_loop3A_898 = vector.shape_cast %parallel_loop3A_897 : vector<16x1xi32> to vector<16xi32>
        %parallel_loop3A_899 = tpu.dynamic_gather %parallel_loop3A_873[%parallel_loop3A_898] in [0] : vector<16xf32>, vector<16xi32> -> vector<16xf32>
        %parallel_loop3A_900 = arith.addf %parallel_loop3A_873, %parallel_loop3A_899 : vector<16xf32>
        %parallel_loop3A_901 = vector.shape_cast %and3A_58 : vector<16xi32> to vector<16x1xi32>
        %parallel_loop3A_902 = vector.shape_cast %parallel_loop3A_901 : vector<16x1xi32> to vector<16xi32>
        %parallel_loop3A_903 = tpu.dynamic_gather %parallel_loop3A_896[%parallel_loop3A_902] in [0] : vector<16xf32>, vector<16xi32> -> vector<16xf32>
        %parallel_loop3A_904 = arith.addf %parallel_loop3A_896, %parallel_loop3A_903 : vector<16xf32>
        %parallel_loop3A_905 = arith.select %lt3A_81, %parallel_loop3A_900, %parallel_loop3A_904 : vector<16xi1>, vector<16xf32>
        %parallel_loop3A_906 = vector.shape_cast %and3A_40 : vector<16xi32> to vector<16x1xi32>
        %parallel_loop3A_907 = vector.shape_cast %parallel_loop3A_906 : vector<16x1xi32> to vector<16xi32>
        %parallel_loop3A_908 = tpu.dynamic_gather %parallel_loop3A_850[%parallel_loop3A_907] in [0] : vector<16xf32>, vector<16xi32> -> vector<16xf32>
        %parallel_loop3A_909 = arith.addf %parallel_loop3A_850, %parallel_loop3A_908 : vector<16xf32>
        %parallel_loop3A_910 = vector.shape_cast %and3A_64 : vector<16xi32> to vector<16x1xi32>
        %parallel_loop3A_911 = vector.shape_cast %parallel_loop3A_910 : vector<16x1xi32> to vector<16xi32>
        %parallel_loop3A_912 = tpu.dynamic_gather %parallel_loop3A_905[%parallel_loop3A_911] in [0] : vector<16xf32>, vector<16xi32> -> vector<16xf32>
        %parallel_loop3A_913 = arith.addf %parallel_loop3A_905, %parallel_loop3A_912 : vector<16xf32>
        %parallel_loop3A_914 = arith.select %lt3A_87, %parallel_loop3A_909, %parallel_loop3A_913 : vector<16xi1>, vector<16xf32>
        %parallel_loop3A_915 = arith.constant 16 : i32
        %parallel_loop3A_916 = arith.muli %parallel_loop3A_795, %parallel_loop3A_915 : i32
        %parallel_loop3A_917 = arith.constant 1 : i32
        %parallel_loop3A_918 = arith.addi %parallel_loop3A_916, %parallel_loop3A_917 : i32
        %parallel_loop3A_919 = arith.index_cast %parallel_loop3A_918 : i32 to index
        %parallel_loop3A_920 = arith.constant 0 : index
        %parallel_loop3A_921 = tpu.vector_load %arg12[%parallel_loop3A_919, %parallel_loop3A_920] {strides = array<i32>} : memref<32x16xf32, #tpu.memory_space<vmem>>, vector<16xf32>,
        %parallel_loop3A_922 = arith.constant 16 : i32
        %parallel_loop3A_923 = arith.muli %parallel_loop3A_795, %parallel_loop3A_922 : i32
        %parallel_loop3A_924 = arith.constant 9 : i32
        %parallel_loop3A_925 = arith.addi %parallel_loop3A_923, %parallel_loop3A_924 : i32
        %parallel_loop3A_926 = arith.index_cast %parallel_loop3A_925 : i32 to index
        %parallel_loop3A_927 = arith.constant 0 : index
        %parallel_loop3A_928 = tpu.vector_load %arg12[%parallel_loop3A_926, %parallel_loop3A_927] {strides = array<i32>} : memref<32x16xf32, #tpu.memory_space<vmem>>, vector<16xf32>,
        %parallel_loop3A_929 = vector.shape_cast %and3A_52 : vector<16xi32> to vector<16x1xi32>
        %parallel_loop3A_930 = vector.shape_cast %parallel_loop3A_929 : vector<16x1xi32> to vector<16xi32>
        %parallel_loop3A_931 = tpu.dynamic_gather %parallel_loop3A_921[%parallel_loop3A_930] in [0] : vector<16xf32>, vector<16xi32> -> vector<16xf32>
        %parallel_loop3A_932 = arith.addf %parallel_loop3A_921, %parallel_loop3A_931 : vector<16xf32>
        %parallel_loop3A_933 = vector.shape_cast %and3A_52 : vector<16xi32> to vector<16x1xi32>
        %parallel_loop3A_934 = vector.shape_cast %parallel_loop3A_933 : vector<16x1xi32> to vector<16xi32>
        %parallel_loop3A_935 = tpu.dynamic_gather %parallel_loop3A_928[%parallel_loop3A_934] in [0] : vector<16xf32>, vector<16xi32> -> vector<16xf32>
        %parallel_loop3A_936 = arith.addf %parallel_loop3A_928, %parallel_loop3A_935 : vector<16xf32>
        %parallel_loop3A_937 = arith.select %lt3A_75, %parallel_loop3A_932, %parallel_loop3A_936 : vector<16xi1>, vector<16xf32>
        %parallel_loop3A_938 = arith.constant 16 : i32
        %parallel_loop3A_939 = arith.muli %parallel_loop3A_795, %parallel_loop3A_938 : i32
        %parallel_loop3A_940 = arith.constant 5 : i32
        %parallel_loop3A_941 = arith.addi %parallel_loop3A_939, %parallel_loop3A_940 : i32
        %parallel_loop3A_942 = arith.index_cast %parallel_loop3A_941 : i32 to index
        %parallel_loop3A_943 = arith.constant 0 : index
        %parallel_loop3A_944 = tpu.vector_load %arg12[%parallel_loop3A_942, %parallel_loop3A_943] {strides = array<i32>} : memref<32x16xf32, #tpu.memory_space<vmem>>, vector<16xf32>,
        %parallel_loop3A_945 = arith.constant 16 : i32
        %parallel_loop3A_946 = arith.muli %parallel_loop3A_795, %parallel_loop3A_945 : i32
        %parallel_loop3A_947 = arith.constant 13 : i32
        %parallel_loop3A_948 = arith.addi %parallel_loop3A_946, %parallel_loop3A_947 : i32
        %parallel_loop3A_949 = arith.index_cast %parallel_loop3A_948 : i32 to index
        %parallel_loop3A_950 = arith.constant 0 : index
        %parallel_loop3A_951 = tpu.vector_load %arg12[%parallel_loop3A_949, %parallel_loop3A_950] {strides = array<i32>} : memref<32x16xf32, #tpu.memory_space<vmem>>, vector<16xf32>,
        %parallel_loop3A_952 = vector.shape_cast %and3A_52 : vector<16xi32> to vector<16x1xi32>
        %parallel_loop3A_953 = vector.shape_cast %parallel_loop3A_952 : vector<16x1xi32> to vector<16xi32>
        %parallel_loop3A_954 = tpu.dynamic_gather %parallel_loop3A_944[%parallel_loop3A_953] in [0] : vector<16xf32>, vector<16xi32> -> vector<16xf32>
        %parallel_loop3A_955 = arith.addf %parallel_loop3A_944, %parallel_loop3A_954 : vector<16xf32>
        %parallel_loop3A_956 = vector.shape_cast %and3A_52 : vector<16xi32> to vector<16x1xi32>
        %parallel_loop3A_957 = vector.shape_cast %parallel_loop3A_956 : vector<16x1xi32> to vector<16xi32>
        %parallel_loop3A_958 = tpu.dynamic_gather %parallel_loop3A_951[%parallel_loop3A_957] in [0] : vector<16xf32>, vector<16xi32> -> vector<16xf32>
        %parallel_loop3A_959 = arith.addf %parallel_loop3A_951, %parallel_loop3A_958 : vector<16xf32>
        %parallel_loop3A_960 = arith.select %lt3A_75, %parallel_loop3A_955, %parallel_loop3A_959 : vector<16xi1>, vector<16xf32>
        %parallel_loop3A_961 = vector.shape_cast %and3A_46 : vector<16xi32> to vector<16x1xi32>
        %parallel_loop3A_962 = vector.shape_cast %parallel_loop3A_961 : vector<16x1xi32> to vector<16xi32>
        %parallel_loop3A_963 = tpu.dynamic_gather %parallel_loop3A_937[%parallel_loop3A_962] in [0] : vector<16xf32>, vector<16xi32> -> vector<16xf32>
        %parallel_loop3A_964 = arith.addf %parallel_loop3A_937, %parallel_loop3A_963 : vector<16xf32>
        %parallel_loop3A_965 = vector.shape_cast %and3A_58 : vector<16xi32> to vector<16x1xi32>
        %parallel_loop3A_966 = vector.shape_cast %parallel_loop3A_965 : vector<16x1xi32> to vector<16xi32>
        %parallel_loop3A_967 = tpu.dynamic_gather %parallel_loop3A_960[%parallel_loop3A_966] in [0] : vector<16xf32>, vector<16xi32> -> vector<16xf32>
        %parallel_loop3A_968 = arith.addf %parallel_loop3A_960, %parallel_loop3A_967 : vector<16xf32>
        %parallel_loop3A_969 = arith.select %lt3A_81, %parallel_loop3A_964, %parallel_loop3A_968 : vector<16xi1>, vector<16xf32>
        %parallel_loop3A_970 = arith.constant 16 : i32
        %parallel_loop3A_971 = arith.muli %parallel_loop3A_795, %parallel_loop3A_970 : i32
        %parallel_loop3A_972 = arith.constant 3 : i32
        %parallel_loop3A_973 = arith.addi %parallel_loop3A_971, %parallel_loop3A_972 : i32
        %parallel_loop3A_974 = arith.index_cast %parallel_loop3A_973 : i32 to index
        %parallel_loop3A_975 = arith.constant 0 : index
        %parallel_loop3A_976 = tpu.vector_load %arg12[%parallel_loop3A_974, %parallel_loop3A_975] {strides = array<i32>} : memref<32x16xf32, #tpu.memory_space<vmem>>, vector<16xf32>,
        %parallel_loop3A_977 = arith.constant 16 : i32
        %parallel_loop3A_978 = arith.muli %parallel_loop3A_795, %parallel_loop3A_977 : i32
        %parallel_loop3A_979 = arith.constant 11 : i32
        %parallel_loop3A_980 = arith.addi %parallel_loop3A_978, %parallel_loop3A_979 : i32
        %parallel_loop3A_981 = arith.index_cast %parallel_loop3A_980 : i32 to index
        %parallel_loop3A_982 = arith.constant 0 : index
        %parallel_loop3A_983 = tpu.vector_load %arg12[%parallel_loop3A_981, %parallel_loop3A_982] {strides = array<i32>} : memref<32x16xf32, #tpu.memory_space<vmem>>, vector<16xf32>,
        %parallel_loop3A_984 = vector.shape_cast %and3A_52 : vector<16xi32> to vector<16x1xi32>
        %parallel_loop3A_985 = vector.shape_cast %parallel_loop3A_984 : vector<16x1xi32> to vector<16xi32>
        %parallel_loop3A_986 = tpu.dynamic_gather %parallel_loop3A_976[%parallel_loop3A_985] in [0] : vector<16xf32>, vector<16xi32> -> vector<16xf32>
        %parallel_loop3A_987 = arith.addf %parallel_loop3A_976, %parallel_loop3A_986 : vector<16xf32>
        %parallel_loop3A_988 = vector.shape_cast %and3A_52 : vector<16xi32> to vector<16x1xi32>
        %parallel_loop3A_989 = vector.shape_cast %parallel_loop3A_988 : vector<16x1xi32> to vector<16xi32>
        %parallel_loop3A_990 = tpu.dynamic_gather %parallel_loop3A_983[%parallel_loop3A_989] in [0] : vector<16xf32>, vector<16xi32> -> vector<16xf32>
        %parallel_loop3A_991 = arith.addf %parallel_loop3A_983, %parallel_loop3A_990 : vector<16xf32>
        %parallel_loop3A_992 = arith.select %lt3A_75, %parallel_loop3A_987, %parallel_loop3A_991 : vector<16xi1>, vector<16xf32>
        %parallel_loop3A_993 = arith.constant 16 : i32
        %parallel_loop3A_994 = arith.muli %parallel_loop3A_795, %parallel_loop3A_993 : i32
        %parallel_loop3A_995 = arith.constant 7 : i32
        %parallel_loop3A_996 = arith.addi %parallel_loop3A_994, %parallel_loop3A_995 : i32
        %parallel_loop3A_997 = arith.index_cast %parallel_loop3A_996 : i32 to index
        %parallel_loop3A_998 = arith.constant 0 : index
        %parallel_loop3A_999 = tpu.vector_load %arg12[%parallel_loop3A_997, %parallel_loop3A_998] {strides = array<i32>} : memref<32x16xf32, #tpu.memory_space<vmem>>, vector<16xf32>,
        %parallel_loop3A_1000 = arith.constant 16 : i32
        %parallel_loop3A_1001 = arith.muli %parallel_loop3A_795, %parallel_loop3A_1000 : i32
        %parallel_loop3A_1002 = arith.constant 15 : i32
        %parallel_loop3A_1003 = arith.addi %parallel_loop3A_1001, %parallel_loop3A_1002 : i32
        %parallel_loop3A_1004 = arith.index_cast %parallel_loop3A_1003 : i32 to index
        %parallel_loop3A_1005 = arith.constant 0 : index
        %parallel_loop3A_1006 = tpu.vector_load %arg12[%parallel_loop3A_1004, %parallel_loop3A_1005] {strides = array<i32>} : memref<32x16xf32, #tpu.memory_space<vmem>>, vector<16xf32>,
        %parallel_loop3A_1007 = vector.shape_cast %and3A_52 : vector<16xi32> to vector<16x1xi32>
        %parallel_loop3A_1008 = vector.shape_cast %parallel_loop3A_1007 : vector<16x1xi32> to vector<16xi32>
        %parallel_loop3A_1009 = tpu.dynamic_gather %parallel_loop3A_999[%parallel_loop3A_1008] in [0] : vector<16xf32>, vector<16xi32> -> vector<16xf32>
        %parallel_loop3A_1010 = arith.addf %parallel_loop3A_999, %parallel_loop3A_1009 : vector<16xf32>
        %parallel_loop3A_1011 = vector.shape_cast %and3A_52 : vector<16xi32> to vector<16x1xi32>
        %parallel_loop3A_1012 = vector.shape_cast %parallel_loop3A_1011 : vector<16x1xi32> to vector<16xi32>
        %parallel_loop3A_1013 = tpu.dynamic_gather %parallel_loop3A_1006[%parallel_loop3A_1012] in [0] : vector<16xf32>, vector<16xi32> -> vector<16xf32>
        %parallel_loop3A_1014 = arith.addf %parallel_loop3A_1006, %parallel_loop3A_1013 : vector<16xf32>
        %parallel_loop3A_1015 = arith.select %lt3A_75, %parallel_loop3A_1010, %parallel_loop3A_1014 : vector<16xi1>, vector<16xf32>
        %parallel_loop3A_1016 = vector.shape_cast %and3A_46 : vector<16xi32> to vector<16x1xi32>
        %parallel_loop3A_1017 = vector.shape_cast %parallel_loop3A_1016 : vector<16x1xi32> to vector<16xi32>
        %parallel_loop3A_1018 = tpu.dynamic_gather %parallel_loop3A_992[%parallel_loop3A_1017] in [0] : vector<16xf32>, vector<16xi32> -> vector<16xf32>
        %parallel_loop3A_1019 = arith.addf %parallel_loop3A_992, %parallel_loop3A_1018 : vector<16xf32>
        %parallel_loop3A_1020 = vector.shape_cast %and3A_58 : vector<16xi32> to vector<16x1xi32>
        %parallel_loop3A_1021 = vector.shape_cast %parallel_loop3A_1020 : vector<16x1xi32> to vector<16xi32>
        %parallel_loop3A_1022 = tpu.dynamic_gather %parallel_loop3A_1015[%parallel_loop3A_1021] in [0] : vector<16xf32>, vector<16xi32> -> vector<16xf32>
        %parallel_loop3A_1023 = arith.addf %parallel_loop3A_1015, %parallel_loop3A_1022 : vector<16xf32>
        %parallel_loop3A_1024 = arith.select %lt3A_81, %parallel_loop3A_1019, %parallel_loop3A_1023 : vector<16xi1>, vector<16xf32>
        %parallel_loop3A_1025 = vector.shape_cast %and3A_40 : vector<16xi32> to vector<16x1xi32>
        %parallel_loop3A_1026 = vector.shape_cast %parallel_loop3A_1025 : vector<16x1xi32> to vector<16xi32>
        %parallel_loop3A_1027 = tpu.dynamic_gather %parallel_loop3A_969[%parallel_loop3A_1026] in [0] : vector<16xf32>, vector<16xi32> -> vector<16xf32>
        %parallel_loop3A_1028 = arith.addf %parallel_loop3A_969, %parallel_loop3A_1027 : vector<16xf32>
        %parallel_loop3A_1029 = vector.shape_cast %and3A_64 : vector<16xi32> to vector<16x1xi32>
        %parallel_loop3A_1030 = vector.shape_cast %parallel_loop3A_1029 : vector<16x1xi32> to vector<16xi32>
        %parallel_loop3A_1031 = tpu.dynamic_gather %parallel_loop3A_1024[%parallel_loop3A_1030] in [0] : vector<16xf32>, vector<16xi32> -> vector<16xf32>
        %parallel_loop3A_1032 = arith.addf %parallel_loop3A_1024, %parallel_loop3A_1031 : vector<16xf32>
        %parallel_loop3A_1033 = arith.select %lt3A_87, %parallel_loop3A_1028, %parallel_loop3A_1032 : vector<16xi1>, vector<16xf32>
        %parallel_loop3A_1034 = vector.shape_cast %and3A_34 : vector<16xi32> to vector<16x1xi32>
        %parallel_loop3A_1035 = vector.shape_cast %parallel_loop3A_1034 : vector<16x1xi32> to vector<16xi32>
        %parallel_loop3A_1036 = tpu.dynamic_gather %parallel_loop3A_914[%parallel_loop3A_1035] in [0] : vector<16xf32>, vector<16xi32> -> vector<16xf32>
        %parallel_loop3A_1037 = arith.addf %parallel_loop3A_914, %parallel_loop3A_1036 : vector<16xf32>
        %parallel_loop3A_1038 = vector.shape_cast %and3A_70 : vector<16xi32> to vector<16x1xi32>
        %parallel_loop3A_1039 = vector.shape_cast %parallel_loop3A_1038 : vector<16x1xi32> to vector<16xi32>
        %parallel_loop3A_1040 = tpu.dynamic_gather %parallel_loop3A_1033[%parallel_loop3A_1039] in [0] : vector<16xf32>, vector<16xi32> -> vector<16xf32>
        %parallel_loop3A_1041 = arith.addf %parallel_loop3A_1033, %parallel_loop3A_1040 : vector<16xf32>
        %parallel_loop3A_1042 = arith.select %lt3A_93, %parallel_loop3A_1037, %parallel_loop3A_1041 : vector<16xi1>, vector<16xf32>
        %parallel_loop3A_1043 = arith.constant 32 : i32
        %parallel_loop3A_1044 = arith.muli %add3A_606, %parallel_loop3A_1043 : i32
        %parallel_loop3A_1045 = arith.constant 16 : i32
        %parallel_loop3A_1046 = arith.muli %parallel_loop3A_795, %parallel_loop3A_1045 : i32
        %parallel_loop3A_1047 = arith.addi %parallel_loop3A_1044, %parallel_loop3A_1046 : i32
        %parallel_loop3A_1048 = arith.index_cast %parallel_loop3A_1047 : i32 to index
        %parallel_loop3A_1049 = tpu.vector_load %arg11[%parallel_loop3A_1048] {strides = array<i32>} : memref<512xf32, #tpu.memory_space<vmem>>, vector<16xf32>,
        tpu.vector_store %arg11[%parallel_loop3A_1048], %parallel_loop3A_1042 {strides = array<i32>} : memref<512xf32, #tpu.memory_space<vmem>>, vector<16xf32>,
      } {sc.loop_unroll_factor = 1 : i64, sc.parallel_access}
      %mul3A_633 = arith.constant 32 : i32
      %mul3A_634 = arith.muli %add3A_606, %mul3A_633 : i32
      %mul3A_635 = arith.constant 512 : i32
      %mul3A_636 = arith.muli %add3A, %mul3A_635 : i32
      %mul3A_637 = arith.constant 32 : i32
      %mul3A_638 = arith.muli %add3A_606, %mul3A_637 : i32
      %add3A_639 = arith.addi %mul3A_636, %mul3A_638 : i32
      %dma_start3A_640 = tpu.memref_slice %arg11[%mul3A_634] : memref<512xf32, #tpu.memory_space<vmem>> -> memref<32xf32, #tpu.memory_space<vmem>>
      %dma_start3A_641 = tpu.memref_slice %arg6[%add3A_639] : memref<16384xf32, #tpu.memory_space<hbm>> -> memref<32xf32, #tpu.memory_space<hbm>>
      %dma_start3A_642 = tpu.memref_slice %arg6[%add3A_639] : memref<16384xf32, #tpu.memory_space<hbm>> -> memref<32xf32, #tpu.memory_space<hbm>>
      %dma_start3A_643 = tpu.memref_slice %arg11[%mul3A_634] : memref<512xf32, #tpu.memory_space<vmem>> -> memref<32xf32, #tpu.memory_space<vmem>>
      tpu.enqueue_dma source(%dma_start3A_643 : memref<32xf32, #tpu.memory_space<vmem>>) target(%dma_start3A_642 : memref<32xf32, #tpu.memory_space<hbm>>) target_semaphore(%arg29 : memref<!tpu.dma_semaphore, #tpu.memory_space<semaphore_mem>>)
      %add3A_644 = arith.constant 8 : i32
      %add3A_645 = arith.addi %add3A_606, %add3A_644 : i32
      %lt3A_646 = arith.constant 16 : i32
      %lt3A_647 = arith.cmpi slt, %add3A_645, %lt3A_646 : i32
      %convert_element_type3A_648 = arith.extui %lt3A_647 : i1 to i32
      %cond3A_649 = arith.constant 0 : i32
      %cond3A_650 = arith.cmpi ne, %convert_element_type3A_648, %cond3A_649 : i32
      scf.if %cond3A_650 {
        %mul3A_795 = arith.constant 32 : i32
        %mul3A_796 = arith.muli %add3A_645, %mul3A_795 : i32
        %dma_start3A_797 = arith.constant 4 : i32
        %dma_start3A_798 = arith.constant 0 : i32
        %dma_start3A_799 = arith.constant 0 : i32
        %dma_start3A_800 = tpu.memref_slice %arg9[%dma_start3A_797, %dma_start3A_798, %dma_start3A_799] : memref<8x32x128xf32, #tpu.memory_space<vmem>> -> memref<1x32x128xf32, #tpu.memory_space<vmem>>
        %dma_start3A_801 = tpu.memref_squeeze %dma_start3A_800 : memref<1x32x128xf32, #tpu.memory_space<vmem>> -> memref<32x128xf32, #tpu.memory_space<vmem>>
        %dma_start3A_802 = tpu.memref_slice %arg7[%mul3A_796] : memref<512xi32, #tpu.memory_space<vmem>> -> memref<32xi32, #tpu.memory_space<vmem>>
        %dma_start3A_803 = arith.constant 0 : i32
        %dma_start3A_804 = arith.constant 0 : i32
        %dma_start3A_805 = tpu.memref_slice %arg4[%dma_start3A_803, %dma_start3A_804] : memref<1000000x128xf32, #tpu.memory_space<hbm>> -> memref<1000000x128xf32, #tpu.memory_space<hbm>>
        tpu.enqueue_indirect_dma source(%dma_start3A_805 : memref<1000000x128xf32, #tpu.memory_space<hbm>>) target(%dma_start3A_801 : memref<32x128xf32, #tpu.memory_space<vmem>>) offsets(%dma_start3A_802 : memref<32xi32, #tpu.memory_space<vmem>>) semaphore(%arg21 : memref<!tpu.dma_semaphore, #tpu.memory_space<semaphore_mem>>)
        %dma_start3A_806 = arith.constant 4 : i32
        %dma_start3A_807 = arith.constant 0 : i32
        %dma_start3A_808 = arith.constant 0 : i32
        %dma_start3A_809 = tpu.memref_slice %arg10[%dma_start3A_806, %dma_start3A_807, %dma_start3A_808] : memref<8x32x128xf32, #tpu.memory_space<vmem>> -> memref<1x32x128xf32, #tpu.memory_space<vmem>>
        %dma_start3A_810 = tpu.memref_squeeze %dma_start3A_809 : memref<1x32x128xf32, #tpu.memory_space<vmem>> -> memref<32x128xf32, #tpu.memory_space<vmem>>
        %dma_start3A_811 = tpu.memref_slice %arg8[%mul3A_796] : memref<512xi32, #tpu.memory_space<vmem>> -> memref<32xi32, #tpu.memory_space<vmem>>
        %dma_start3A_812 = arith.constant 0 : i32
        %dma_start3A_813 = arith.constant 0 : i32
        %dma_start3A_814 = tpu.memref_slice %arg5[%dma_start3A_812, %dma_start3A_813] : memref<1000000x128xf32, #tpu.memory_space<hbm>> -> memref<1000000x128xf32, #tpu.memory_space<hbm>>
        tpu.enqueue_indirect_dma source(%dma_start3A_814 : memref<1000000x128xf32, #tpu.memory_space<hbm>>) target(%dma_start3A_810 : memref<32x128xf32, #tpu.memory_space<vmem>>) offsets(%dma_start3A_811 : memref<32xi32, #tpu.memory_space<vmem>>) semaphore(%arg22 : memref<!tpu.dma_semaphore, #tpu.memory_space<semaphore_mem>>)
      } else {
      }
      %mul3A_651 = arith.constant 8 : i32
      %mul3A_652 = arith.muli %mul3A_651, %add3A_413 : i32
      %add3A_653 = arith.constant 5 : i32
      %add3A_654 = arith.addi %mul3A_652, %add3A_653 : i32
      %dma_wait3A_655 = arith.constant 5 : i32
      %dma_wait3A_656 = arith.constant 0 : i32
      %dma_wait3A_657 = arith.constant 0 : i32
      %dma_wait3A_658 = tpu.memref_slice %arg9[%dma_wait3A_655, %dma_wait3A_656, %dma_wait3A_657] : memref<8x32x128xf32, #tpu.memory_space<vmem>> -> memref<1x32x128xf32, #tpu.memory_space<vmem>>
      %dma_wait3A_659 = tpu.memref_squeeze %dma_wait3A_658 : memref<1x32x128xf32, #tpu.memory_space<vmem>> -> memref<32x128xf32, #tpu.memory_space<vmem>>
      %dma_wait3A_660 = arith.constant 0 : i32
      %dma_wait3A_661 = tpu.memref_slice %arg7[%dma_wait3A_660] : memref<512xi32, #tpu.memory_space<vmem>> -> memref<32xi32, #tpu.memory_space<vmem>>
      %dma_wait3A_662 = arith.constant 0 : i32
      %dma_wait3A_663 = arith.constant 0 : i32
      %dma_wait3A_664 = tpu.memref_slice %arg4[%dma_wait3A_662, %dma_wait3A_663] : memref<1000000x128xf32, #tpu.memory_space<hbm>> -> memref<1000000x128xf32, #tpu.memory_space<hbm>>
      tpu.wait_indirect_dma semaphore(%arg23 : memref<!tpu.dma_semaphore, #tpu.memory_space<semaphore_mem>>) src(%dma_wait3A_664 : memref<1000000x128xf32, #tpu.memory_space<hbm>>) dst(%dma_wait3A_659 : memref<32x128xf32, #tpu.memory_space<vmem>>)
      %dma_wait3A_665 = arith.constant 5 : i32
      %dma_wait3A_666 = arith.constant 0 : i32
      %dma_wait3A_667 = arith.constant 0 : i32
      %dma_wait3A_668 = tpu.memref_slice %arg10[%dma_wait3A_665, %dma_wait3A_666, %dma_wait3A_667] : memref<8x32x128xf32, #tpu.memory_space<vmem>> -> memref<1x32x128xf32, #tpu.memory_space<vmem>>
      %dma_wait3A_669 = tpu.memref_squeeze %dma_wait3A_668 : memref<1x32x128xf32, #tpu.memory_space<vmem>> -> memref<32x128xf32, #tpu.memory_space<vmem>>
      %dma_wait3A_670 = arith.constant 0 : i32
      %dma_wait3A_671 = tpu.memref_slice %arg8[%dma_wait3A_670] : memref<512xi32, #tpu.memory_space<vmem>> -> memref<32xi32, #tpu.memory_space<vmem>>
      %dma_wait3A_672 = arith.constant 0 : i32
      %dma_wait3A_673 = arith.constant 0 : i32
      %dma_wait3A_674 = tpu.memref_slice %arg5[%dma_wait3A_672, %dma_wait3A_673] : memref<1000000x128xf32, #tpu.memory_space<hbm>> -> memref<1000000x128xf32, #tpu.memory_space<hbm>>
      tpu.wait_indirect_dma semaphore(%arg24 : memref<!tpu.dma_semaphore, #tpu.memory_space<semaphore_mem>>) src(%dma_wait3A_674 : memref<1000000x128xf32, #tpu.memory_space<hbm>>) dst(%dma_wait3A_669 : memref<32x128xf32, #tpu.memory_space<vmem>>)
      %parallel_loop3A_675 = arith.constant 0 : i32
      %parallel_loop3A_676 = arith.constant 32 : i32
      %parallel_loop3A_677 = arith.constant 1 : i32
      scf.for %parallel_loop3A_795 = %parallel_loop3A_675 to %parallel_loop3A_676 step %parallel_loop3A_677  : i32 {
        %parallel_loop3A_796 = arith.constant 5 : i32
        %parallel_loop3A_797 = arith.index_cast %parallel_loop3A_796 : i32 to index
        %parallel_loop3A_798 = arith.index_cast %parallel_loop3A_795 : i32 to index
        %parallel_loop3A_799 = arith.constant 0 : index
        %parallel_loop3A_800 = tpu.vector_load %arg9[%parallel_loop3A_797, %parallel_loop3A_798, %parallel_loop3A_799] {strides = array<i32>} : memref<8x32x128xf32, #tpu.memory_space<vmem>>, vector<16xf32>,
        %parallel_loop3A_801 = arith.constant 5 : i32
        %parallel_loop3A_802 = arith.index_cast %parallel_loop3A_801 : i32 to index
        %parallel_loop3A_803 = arith.index_cast %parallel_loop3A_795 : i32 to index
        %parallel_loop3A_804 = arith.constant 0 : index
        %parallel_loop3A_805 = tpu.vector_load %arg10[%parallel_loop3A_802, %parallel_loop3A_803, %parallel_loop3A_804] {strides = array<i32>} : memref<8x32x128xf32, #tpu.memory_space<vmem>>, vector<16xf32>,
        %parallel_loop3A_806 = arith.mulf %parallel_loop3A_800, %parallel_loop3A_805 : vector<16xf32>
        %parallel_loop3A_807 = arith.constant 5 : i32
        %parallel_loop3A_808 = arith.index_cast %parallel_loop3A_807 : i32 to index
        %parallel_loop3A_809 = arith.index_cast %parallel_loop3A_795 : i32 to index
        %parallel_loop3A_810 = arith.constant 16 : index
        %parallel_loop3A_811 = tpu.vector_load %arg9[%parallel_loop3A_808, %parallel_loop3A_809, %parallel_loop3A_810] {strides = array<i32>} : memref<8x32x128xf32, #tpu.memory_space<vmem>>, vector<16xf32>,
        %parallel_loop3A_812 = arith.constant 5 : i32
        %parallel_loop3A_813 = arith.index_cast %parallel_loop3A_812 : i32 to index
        %parallel_loop3A_814 = arith.index_cast %parallel_loop3A_795 : i32 to index
        %parallel_loop3A_815 = arith.constant 16 : index
        %parallel_loop3A_816 = tpu.vector_load %arg10[%parallel_loop3A_813, %parallel_loop3A_814, %parallel_loop3A_815] {strides = array<i32>} : memref<8x32x128xf32, #tpu.memory_space<vmem>>, vector<16xf32>,
        %parallel_loop3A_817 = arith.mulf %parallel_loop3A_811, %parallel_loop3A_816 : vector<16xf32>
        %parallel_loop3A_818 = arith.addf %parallel_loop3A_806, %parallel_loop3A_817 : vector<16xf32>
        %parallel_loop3A_819 = arith.constant 5 : i32
        %parallel_loop3A_820 = arith.index_cast %parallel_loop3A_819 : i32 to index
        %parallel_loop3A_821 = arith.index_cast %parallel_loop3A_795 : i32 to index
        %parallel_loop3A_822 = arith.constant 32 : index
        %parallel_loop3A_823 = tpu.vector_load %arg9[%parallel_loop3A_820, %parallel_loop3A_821, %parallel_loop3A_822] {strides = array<i32>} : memref<8x32x128xf32, #tpu.memory_space<vmem>>, vector<16xf32>,
        %parallel_loop3A_824 = arith.constant 5 : i32
        %parallel_loop3A_825 = arith.index_cast %parallel_loop3A_824 : i32 to index
        %parallel_loop3A_826 = arith.index_cast %parallel_loop3A_795 : i32 to index
        %parallel_loop3A_827 = arith.constant 32 : index
        %parallel_loop3A_828 = tpu.vector_load %arg10[%parallel_loop3A_825, %parallel_loop3A_826, %parallel_loop3A_827] {strides = array<i32>} : memref<8x32x128xf32, #tpu.memory_space<vmem>>, vector<16xf32>,
        %parallel_loop3A_829 = arith.mulf %parallel_loop3A_823, %parallel_loop3A_828 : vector<16xf32>
        %parallel_loop3A_830 = arith.addf %parallel_loop3A_818, %parallel_loop3A_829 : vector<16xf32>
        %parallel_loop3A_831 = arith.constant 5 : i32
        %parallel_loop3A_832 = arith.index_cast %parallel_loop3A_831 : i32 to index
        %parallel_loop3A_833 = arith.index_cast %parallel_loop3A_795 : i32 to index
        %parallel_loop3A_834 = arith.constant 48 : index
        %parallel_loop3A_835 = tpu.vector_load %arg9[%parallel_loop3A_832, %parallel_loop3A_833, %parallel_loop3A_834] {strides = array<i32>} : memref<8x32x128xf32, #tpu.memory_space<vmem>>, vector<16xf32>,
        %parallel_loop3A_836 = arith.constant 5 : i32
        %parallel_loop3A_837 = arith.index_cast %parallel_loop3A_836 : i32 to index
        %parallel_loop3A_838 = arith.index_cast %parallel_loop3A_795 : i32 to index
        %parallel_loop3A_839 = arith.constant 48 : index
        %parallel_loop3A_840 = tpu.vector_load %arg10[%parallel_loop3A_837, %parallel_loop3A_838, %parallel_loop3A_839] {strides = array<i32>} : memref<8x32x128xf32, #tpu.memory_space<vmem>>, vector<16xf32>,
        %parallel_loop3A_841 = arith.mulf %parallel_loop3A_835, %parallel_loop3A_840 : vector<16xf32>
        %parallel_loop3A_842 = arith.addf %parallel_loop3A_830, %parallel_loop3A_841 : vector<16xf32>
        %parallel_loop3A_843 = arith.constant 5 : i32
        %parallel_loop3A_844 = arith.index_cast %parallel_loop3A_843 : i32 to index
        %parallel_loop3A_845 = arith.index_cast %parallel_loop3A_795 : i32 to index
        %parallel_loop3A_846 = arith.constant 64 : index
        %parallel_loop3A_847 = tpu.vector_load %arg9[%parallel_loop3A_844, %parallel_loop3A_845, %parallel_loop3A_846] {strides = array<i32>} : memref<8x32x128xf32, #tpu.memory_space<vmem>>, vector<16xf32>,
        %parallel_loop3A_848 = arith.constant 5 : i32
        %parallel_loop3A_849 = arith.index_cast %parallel_loop3A_848 : i32 to index
        %parallel_loop3A_850 = arith.index_cast %parallel_loop3A_795 : i32 to index
        %parallel_loop3A_851 = arith.constant 64 : index
        %parallel_loop3A_852 = tpu.vector_load %arg10[%parallel_loop3A_849, %parallel_loop3A_850, %parallel_loop3A_851] {strides = array<i32>} : memref<8x32x128xf32, #tpu.memory_space<vmem>>, vector<16xf32>,
        %parallel_loop3A_853 = arith.mulf %parallel_loop3A_847, %parallel_loop3A_852 : vector<16xf32>
        %parallel_loop3A_854 = arith.addf %parallel_loop3A_842, %parallel_loop3A_853 : vector<16xf32>
        %parallel_loop3A_855 = arith.constant 5 : i32
        %parallel_loop3A_856 = arith.index_cast %parallel_loop3A_855 : i32 to index
        %parallel_loop3A_857 = arith.index_cast %parallel_loop3A_795 : i32 to index
        %parallel_loop3A_858 = arith.constant 80 : index
        %parallel_loop3A_859 = tpu.vector_load %arg9[%parallel_loop3A_856, %parallel_loop3A_857, %parallel_loop3A_858] {strides = array<i32>} : memref<8x32x128xf32, #tpu.memory_space<vmem>>, vector<16xf32>,
        %parallel_loop3A_860 = arith.constant 5 : i32
        %parallel_loop3A_861 = arith.index_cast %parallel_loop3A_860 : i32 to index
        %parallel_loop3A_862 = arith.index_cast %parallel_loop3A_795 : i32 to index
        %parallel_loop3A_863 = arith.constant 80 : index
        %parallel_loop3A_864 = tpu.vector_load %arg10[%parallel_loop3A_861, %parallel_loop3A_862, %parallel_loop3A_863] {strides = array<i32>} : memref<8x32x128xf32, #tpu.memory_space<vmem>>, vector<16xf32>,
        %parallel_loop3A_865 = arith.mulf %parallel_loop3A_859, %parallel_loop3A_864 : vector<16xf32>
        %parallel_loop3A_866 = arith.addf %parallel_loop3A_854, %parallel_loop3A_865 : vector<16xf32>
        %parallel_loop3A_867 = arith.constant 5 : i32
        %parallel_loop3A_868 = arith.index_cast %parallel_loop3A_867 : i32 to index
        %parallel_loop3A_869 = arith.index_cast %parallel_loop3A_795 : i32 to index
        %parallel_loop3A_870 = arith.constant 96 : index
        %parallel_loop3A_871 = tpu.vector_load %arg9[%parallel_loop3A_868, %parallel_loop3A_869, %parallel_loop3A_870] {strides = array<i32>} : memref<8x32x128xf32, #tpu.memory_space<vmem>>, vector<16xf32>,
        %parallel_loop3A_872 = arith.constant 5 : i32
        %parallel_loop3A_873 = arith.index_cast %parallel_loop3A_872 : i32 to index
        %parallel_loop3A_874 = arith.index_cast %parallel_loop3A_795 : i32 to index
        %parallel_loop3A_875 = arith.constant 96 : index
        %parallel_loop3A_876 = tpu.vector_load %arg10[%parallel_loop3A_873, %parallel_loop3A_874, %parallel_loop3A_875] {strides = array<i32>} : memref<8x32x128xf32, #tpu.memory_space<vmem>>, vector<16xf32>,
        %parallel_loop3A_877 = arith.mulf %parallel_loop3A_871, %parallel_loop3A_876 : vector<16xf32>
        %parallel_loop3A_878 = arith.addf %parallel_loop3A_866, %parallel_loop3A_877 : vector<16xf32>
        %parallel_loop3A_879 = arith.constant 5 : i32
        %parallel_loop3A_880 = arith.index_cast %parallel_loop3A_879 : i32 to index
        %parallel_loop3A_881 = arith.index_cast %parallel_loop3A_795 : i32 to index
        %parallel_loop3A_882 = arith.constant 112 : index
        %parallel_loop3A_883 = tpu.vector_load %arg9[%parallel_loop3A_880, %parallel_loop3A_881, %parallel_loop3A_882] {strides = array<i32>} : memref<8x32x128xf32, #tpu.memory_space<vmem>>, vector<16xf32>,
        %parallel_loop3A_884 = arith.constant 5 : i32
        %parallel_loop3A_885 = arith.index_cast %parallel_loop3A_884 : i32 to index
        %parallel_loop3A_886 = arith.index_cast %parallel_loop3A_795 : i32 to index
        %parallel_loop3A_887 = arith.constant 112 : index
        %parallel_loop3A_888 = tpu.vector_load %arg10[%parallel_loop3A_885, %parallel_loop3A_886, %parallel_loop3A_887] {strides = array<i32>} : memref<8x32x128xf32, #tpu.memory_space<vmem>>, vector<16xf32>,
        %parallel_loop3A_889 = arith.mulf %parallel_loop3A_883, %parallel_loop3A_888 : vector<16xf32>
        %parallel_loop3A_890 = arith.addf %parallel_loop3A_878, %parallel_loop3A_889 : vector<16xf32>
        %parallel_loop3A_891 = arith.index_cast %parallel_loop3A_795 : i32 to index
        %parallel_loop3A_892 = arith.constant 0 : index
        %parallel_loop3A_893 = tpu.vector_load %arg12[%parallel_loop3A_891, %parallel_loop3A_892] {strides = array<i32>} : memref<32x16xf32, #tpu.memory_space<vmem>>, vector<16xf32>,
        tpu.vector_store %arg12[%parallel_loop3A_891, %parallel_loop3A_892], %parallel_loop3A_890 {strides = array<i32>} : memref<32x16xf32, #tpu.memory_space<vmem>>, vector<16xf32>,
      } {sc.loop_unroll_factor = 1 : i64, sc.parallel_access}
      %parallel_loop3A_678 = arith.constant 0 : i32
      %parallel_loop3A_679 = arith.constant 2 : i32
      %parallel_loop3A_680 = arith.constant 1 : i32
      scf.for %parallel_loop3A_795 = %parallel_loop3A_678 to %parallel_loop3A_679 step %parallel_loop3A_680  : i32 {
        %parallel_loop3A_796 = arith.constant 16 : i32
        %parallel_loop3A_797 = arith.muli %parallel_loop3A_795, %parallel_loop3A_796 : i32
        %parallel_loop3A_798 = arith.constant 0 : i32
        %parallel_loop3A_799 = arith.addi %parallel_loop3A_797, %parallel_loop3A_798 : i32
        %parallel_loop3A_800 = arith.index_cast %parallel_loop3A_799 : i32 to index
        %parallel_loop3A_801 = arith.constant 0 : index
        %parallel_loop3A_802 = tpu.vector_load %arg12[%parallel_loop3A_800, %parallel_loop3A_801] {strides = array<i32>} : memref<32x16xf32, #tpu.memory_space<vmem>>, vector<16xf32>,
        %parallel_loop3A_803 = arith.constant 16 : i32
        %parallel_loop3A_804 = arith.muli %parallel_loop3A_795, %parallel_loop3A_803 : i32
        %parallel_loop3A_805 = arith.constant 8 : i32
        %parallel_loop3A_806 = arith.addi %parallel_loop3A_804, %parallel_loop3A_805 : i32
        %parallel_loop3A_807 = arith.index_cast %parallel_loop3A_806 : i32 to index
        %parallel_loop3A_808 = arith.constant 0 : index
        %parallel_loop3A_809 = tpu.vector_load %arg12[%parallel_loop3A_807, %parallel_loop3A_808] {strides = array<i32>} : memref<32x16xf32, #tpu.memory_space<vmem>>, vector<16xf32>,
        %parallel_loop3A_810 = vector.shape_cast %and3A_52 : vector<16xi32> to vector<16x1xi32>
        %parallel_loop3A_811 = vector.shape_cast %parallel_loop3A_810 : vector<16x1xi32> to vector<16xi32>
        %parallel_loop3A_812 = tpu.dynamic_gather %parallel_loop3A_802[%parallel_loop3A_811] in [0] : vector<16xf32>, vector<16xi32> -> vector<16xf32>
        %parallel_loop3A_813 = arith.addf %parallel_loop3A_802, %parallel_loop3A_812 : vector<16xf32>
        %parallel_loop3A_814 = vector.shape_cast %and3A_52 : vector<16xi32> to vector<16x1xi32>
        %parallel_loop3A_815 = vector.shape_cast %parallel_loop3A_814 : vector<16x1xi32> to vector<16xi32>
        %parallel_loop3A_816 = tpu.dynamic_gather %parallel_loop3A_809[%parallel_loop3A_815] in [0] : vector<16xf32>, vector<16xi32> -> vector<16xf32>
        %parallel_loop3A_817 = arith.addf %parallel_loop3A_809, %parallel_loop3A_816 : vector<16xf32>
        %parallel_loop3A_818 = arith.select %lt3A_75, %parallel_loop3A_813, %parallel_loop3A_817 : vector<16xi1>, vector<16xf32>
        %parallel_loop3A_819 = arith.constant 16 : i32
        %parallel_loop3A_820 = arith.muli %parallel_loop3A_795, %parallel_loop3A_819 : i32
        %parallel_loop3A_821 = arith.constant 4 : i32
        %parallel_loop3A_822 = arith.addi %parallel_loop3A_820, %parallel_loop3A_821 : i32
        %parallel_loop3A_823 = arith.index_cast %parallel_loop3A_822 : i32 to index
        %parallel_loop3A_824 = arith.constant 0 : index
        %parallel_loop3A_825 = tpu.vector_load %arg12[%parallel_loop3A_823, %parallel_loop3A_824] {strides = array<i32>} : memref<32x16xf32, #tpu.memory_space<vmem>>, vector<16xf32>,
        %parallel_loop3A_826 = arith.constant 16 : i32
        %parallel_loop3A_827 = arith.muli %parallel_loop3A_795, %parallel_loop3A_826 : i32
        %parallel_loop3A_828 = arith.constant 12 : i32
        %parallel_loop3A_829 = arith.addi %parallel_loop3A_827, %parallel_loop3A_828 : i32
        %parallel_loop3A_830 = arith.index_cast %parallel_loop3A_829 : i32 to index
        %parallel_loop3A_831 = arith.constant 0 : index
        %parallel_loop3A_832 = tpu.vector_load %arg12[%parallel_loop3A_830, %parallel_loop3A_831] {strides = array<i32>} : memref<32x16xf32, #tpu.memory_space<vmem>>, vector<16xf32>,
        %parallel_loop3A_833 = vector.shape_cast %and3A_52 : vector<16xi32> to vector<16x1xi32>
        %parallel_loop3A_834 = vector.shape_cast %parallel_loop3A_833 : vector<16x1xi32> to vector<16xi32>
        %parallel_loop3A_835 = tpu.dynamic_gather %parallel_loop3A_825[%parallel_loop3A_834] in [0] : vector<16xf32>, vector<16xi32> -> vector<16xf32>
        %parallel_loop3A_836 = arith.addf %parallel_loop3A_825, %parallel_loop3A_835 : vector<16xf32>
        %parallel_loop3A_837 = vector.shape_cast %and3A_52 : vector<16xi32> to vector<16x1xi32>
        %parallel_loop3A_838 = vector.shape_cast %parallel_loop3A_837 : vector<16x1xi32> to vector<16xi32>
        %parallel_loop3A_839 = tpu.dynamic_gather %parallel_loop3A_832[%parallel_loop3A_838] in [0] : vector<16xf32>, vector<16xi32> -> vector<16xf32>
        %parallel_loop3A_840 = arith.addf %parallel_loop3A_832, %parallel_loop3A_839 : vector<16xf32>
        %parallel_loop3A_841 = arith.select %lt3A_75, %parallel_loop3A_836, %parallel_loop3A_840 : vector<16xi1>, vector<16xf32>
        %parallel_loop3A_842 = vector.shape_cast %and3A_46 : vector<16xi32> to vector<16x1xi32>
        %parallel_loop3A_843 = vector.shape_cast %parallel_loop3A_842 : vector<16x1xi32> to vector<16xi32>
        %parallel_loop3A_844 = tpu.dynamic_gather %parallel_loop3A_818[%parallel_loop3A_843] in [0] : vector<16xf32>, vector<16xi32> -> vector<16xf32>
        %parallel_loop3A_845 = arith.addf %parallel_loop3A_818, %parallel_loop3A_844 : vector<16xf32>
        %parallel_loop3A_846 = vector.shape_cast %and3A_58 : vector<16xi32> to vector<16x1xi32>
        %parallel_loop3A_847 = vector.shape_cast %parallel_loop3A_846 : vector<16x1xi32> to vector<16xi32>
        %parallel_loop3A_848 = tpu.dynamic_gather %parallel_loop3A_841[%parallel_loop3A_847] in [0] : vector<16xf32>, vector<16xi32> -> vector<16xf32>
        %parallel_loop3A_849 = arith.addf %parallel_loop3A_841, %parallel_loop3A_848 : vector<16xf32>
        %parallel_loop3A_850 = arith.select %lt3A_81, %parallel_loop3A_845, %parallel_loop3A_849 : vector<16xi1>, vector<16xf32>
        %parallel_loop3A_851 = arith.constant 16 : i32
        %parallel_loop3A_852 = arith.muli %parallel_loop3A_795, %parallel_loop3A_851 : i32
        %parallel_loop3A_853 = arith.constant 2 : i32
        %parallel_loop3A_854 = arith.addi %parallel_loop3A_852, %parallel_loop3A_853 : i32
        %parallel_loop3A_855 = arith.index_cast %parallel_loop3A_854 : i32 to index
        %parallel_loop3A_856 = arith.constant 0 : index
        %parallel_loop3A_857 = tpu.vector_load %arg12[%parallel_loop3A_855, %parallel_loop3A_856] {strides = array<i32>} : memref<32x16xf32, #tpu.memory_space<vmem>>, vector<16xf32>,
        %parallel_loop3A_858 = arith.constant 16 : i32
        %parallel_loop3A_859 = arith.muli %parallel_loop3A_795, %parallel_loop3A_858 : i32
        %parallel_loop3A_860 = arith.constant 10 : i32
        %parallel_loop3A_861 = arith.addi %parallel_loop3A_859, %parallel_loop3A_860 : i32
        %parallel_loop3A_862 = arith.index_cast %parallel_loop3A_861 : i32 to index
        %parallel_loop3A_863 = arith.constant 0 : index
        %parallel_loop3A_864 = tpu.vector_load %arg12[%parallel_loop3A_862, %parallel_loop3A_863] {strides = array<i32>} : memref<32x16xf32, #tpu.memory_space<vmem>>, vector<16xf32>,
        %parallel_loop3A_865 = vector.shape_cast %and3A_52 : vector<16xi32> to vector<16x1xi32>
        %parallel_loop3A_866 = vector.shape_cast %parallel_loop3A_865 : vector<16x1xi32> to vector<16xi32>
        %parallel_loop3A_867 = tpu.dynamic_gather %parallel_loop3A_857[%parallel_loop3A_866] in [0] : vector<16xf32>, vector<16xi32> -> vector<16xf32>
        %parallel_loop3A_868 = arith.addf %parallel_loop3A_857, %parallel_loop3A_867 : vector<16xf32>
        %parallel_loop3A_869 = vector.shape_cast %and3A_52 : vector<16xi32> to vector<16x1xi32>
        %parallel_loop3A_870 = vector.shape_cast %parallel_loop3A_869 : vector<16x1xi32> to vector<16xi32>
        %parallel_loop3A_871 = tpu.dynamic_gather %parallel_loop3A_864[%parallel_loop3A_870] in [0] : vector<16xf32>, vector<16xi32> -> vector<16xf32>
        %parallel_loop3A_872 = arith.addf %parallel_loop3A_864, %parallel_loop3A_871 : vector<16xf32>
        %parallel_loop3A_873 = arith.select %lt3A_75, %parallel_loop3A_868, %parallel_loop3A_872 : vector<16xi1>, vector<16xf32>
        %parallel_loop3A_874 = arith.constant 16 : i32
        %parallel_loop3A_875 = arith.muli %parallel_loop3A_795, %parallel_loop3A_874 : i32
        %parallel_loop3A_876 = arith.constant 6 : i32
        %parallel_loop3A_877 = arith.addi %parallel_loop3A_875, %parallel_loop3A_876 : i32
        %parallel_loop3A_878 = arith.index_cast %parallel_loop3A_877 : i32 to index
        %parallel_loop3A_879 = arith.constant 0 : index
        %parallel_loop3A_880 = tpu.vector_load %arg12[%parallel_loop3A_878, %parallel_loop3A_879] {strides = array<i32>} : memref<32x16xf32, #tpu.memory_space<vmem>>, vector<16xf32>,
        %parallel_loop3A_881 = arith.constant 16 : i32
        %parallel_loop3A_882 = arith.muli %parallel_loop3A_795, %parallel_loop3A_881 : i32
        %parallel_loop3A_883 = arith.constant 14 : i32
        %parallel_loop3A_884 = arith.addi %parallel_loop3A_882, %parallel_loop3A_883 : i32
        %parallel_loop3A_885 = arith.index_cast %parallel_loop3A_884 : i32 to index
        %parallel_loop3A_886 = arith.constant 0 : index
        %parallel_loop3A_887 = tpu.vector_load %arg12[%parallel_loop3A_885, %parallel_loop3A_886] {strides = array<i32>} : memref<32x16xf32, #tpu.memory_space<vmem>>, vector<16xf32>,
        %parallel_loop3A_888 = vector.shape_cast %and3A_52 : vector<16xi32> to vector<16x1xi32>
        %parallel_loop3A_889 = vector.shape_cast %parallel_loop3A_888 : vector<16x1xi32> to vector<16xi32>
        %parallel_loop3A_890 = tpu.dynamic_gather %parallel_loop3A_880[%parallel_loop3A_889] in [0] : vector<16xf32>, vector<16xi32> -> vector<16xf32>
        %parallel_loop3A_891 = arith.addf %parallel_loop3A_880, %parallel_loop3A_890 : vector<16xf32>
        %parallel_loop3A_892 = vector.shape_cast %and3A_52 : vector<16xi32> to vector<16x1xi32>
        %parallel_loop3A_893 = vector.shape_cast %parallel_loop3A_892 : vector<16x1xi32> to vector<16xi32>
        %parallel_loop3A_894 = tpu.dynamic_gather %parallel_loop3A_887[%parallel_loop3A_893] in [0] : vector<16xf32>, vector<16xi32> -> vector<16xf32>
        %parallel_loop3A_895 = arith.addf %parallel_loop3A_887, %parallel_loop3A_894 : vector<16xf32>
        %parallel_loop3A_896 = arith.select %lt3A_75, %parallel_loop3A_891, %parallel_loop3A_895 : vector<16xi1>, vector<16xf32>
        %parallel_loop3A_897 = vector.shape_cast %and3A_46 : vector<16xi32> to vector<16x1xi32>
        %parallel_loop3A_898 = vector.shape_cast %parallel_loop3A_897 : vector<16x1xi32> to vector<16xi32>
        %parallel_loop3A_899 = tpu.dynamic_gather %parallel_loop3A_873[%parallel_loop3A_898] in [0] : vector<16xf32>, vector<16xi32> -> vector<16xf32>
        %parallel_loop3A_900 = arith.addf %parallel_loop3A_873, %parallel_loop3A_899 : vector<16xf32>
        %parallel_loop3A_901 = vector.shape_cast %and3A_58 : vector<16xi32> to vector<16x1xi32>
        %parallel_loop3A_902 = vector.shape_cast %parallel_loop3A_901 : vector<16x1xi32> to vector<16xi32>
        %parallel_loop3A_903 = tpu.dynamic_gather %parallel_loop3A_896[%parallel_loop3A_902] in [0] : vector<16xf32>, vector<16xi32> -> vector<16xf32>
        %parallel_loop3A_904 = arith.addf %parallel_loop3A_896, %parallel_loop3A_903 : vector<16xf32>
        %parallel_loop3A_905 = arith.select %lt3A_81, %parallel_loop3A_900, %parallel_loop3A_904 : vector<16xi1>, vector<16xf32>
        %parallel_loop3A_906 = vector.shape_cast %and3A_40 : vector<16xi32> to vector<16x1xi32>
        %parallel_loop3A_907 = vector.shape_cast %parallel_loop3A_906 : vector<16x1xi32> to vector<16xi32>
        %parallel_loop3A_908 = tpu.dynamic_gather %parallel_loop3A_850[%parallel_loop3A_907] in [0] : vector<16xf32>, vector<16xi32> -> vector<16xf32>
        %parallel_loop3A_909 = arith.addf %parallel_loop3A_850, %parallel_loop3A_908 : vector<16xf32>
        %parallel_loop3A_910 = vector.shape_cast %and3A_64 : vector<16xi32> to vector<16x1xi32>
        %parallel_loop3A_911 = vector.shape_cast %parallel_loop3A_910 : vector<16x1xi32> to vector<16xi32>
        %parallel_loop3A_912 = tpu.dynamic_gather %parallel_loop3A_905[%parallel_loop3A_911] in [0] : vector<16xf32>, vector<16xi32> -> vector<16xf32>
        %parallel_loop3A_913 = arith.addf %parallel_loop3A_905, %parallel_loop3A_912 : vector<16xf32>
        %parallel_loop3A_914 = arith.select %lt3A_87, %parallel_loop3A_909, %parallel_loop3A_913 : vector<16xi1>, vector<16xf32>
        %parallel_loop3A_915 = arith.constant 16 : i32
        %parallel_loop3A_916 = arith.muli %parallel_loop3A_795, %parallel_loop3A_915 : i32
        %parallel_loop3A_917 = arith.constant 1 : i32
        %parallel_loop3A_918 = arith.addi %parallel_loop3A_916, %parallel_loop3A_917 : i32
        %parallel_loop3A_919 = arith.index_cast %parallel_loop3A_918 : i32 to index
        %parallel_loop3A_920 = arith.constant 0 : index
        %parallel_loop3A_921 = tpu.vector_load %arg12[%parallel_loop3A_919, %parallel_loop3A_920] {strides = array<i32>} : memref<32x16xf32, #tpu.memory_space<vmem>>, vector<16xf32>,
        %parallel_loop3A_922 = arith.constant 16 : i32
        %parallel_loop3A_923 = arith.muli %parallel_loop3A_795, %parallel_loop3A_922 : i32
        %parallel_loop3A_924 = arith.constant 9 : i32
        %parallel_loop3A_925 = arith.addi %parallel_loop3A_923, %parallel_loop3A_924 : i32
        %parallel_loop3A_926 = arith.index_cast %parallel_loop3A_925 : i32 to index
        %parallel_loop3A_927 = arith.constant 0 : index
        %parallel_loop3A_928 = tpu.vector_load %arg12[%parallel_loop3A_926, %parallel_loop3A_927] {strides = array<i32>} : memref<32x16xf32, #tpu.memory_space<vmem>>, vector<16xf32>,
        %parallel_loop3A_929 = vector.shape_cast %and3A_52 : vector<16xi32> to vector<16x1xi32>
        %parallel_loop3A_930 = vector.shape_cast %parallel_loop3A_929 : vector<16x1xi32> to vector<16xi32>
        %parallel_loop3A_931 = tpu.dynamic_gather %parallel_loop3A_921[%parallel_loop3A_930] in [0] : vector<16xf32>, vector<16xi32> -> vector<16xf32>
        %parallel_loop3A_932 = arith.addf %parallel_loop3A_921, %parallel_loop3A_931 : vector<16xf32>
        %parallel_loop3A_933 = vector.shape_cast %and3A_52 : vector<16xi32> to vector<16x1xi32>
        %parallel_loop3A_934 = vector.shape_cast %parallel_loop3A_933 : vector<16x1xi32> to vector<16xi32>
        %parallel_loop3A_935 = tpu.dynamic_gather %parallel_loop3A_928[%parallel_loop3A_934] in [0] : vector<16xf32>, vector<16xi32> -> vector<16xf32>
        %parallel_loop3A_936 = arith.addf %parallel_loop3A_928, %parallel_loop3A_935 : vector<16xf32>
        %parallel_loop3A_937 = arith.select %lt3A_75, %parallel_loop3A_932, %parallel_loop3A_936 : vector<16xi1>, vector<16xf32>
        %parallel_loop3A_938 = arith.constant 16 : i32
        %parallel_loop3A_939 = arith.muli %parallel_loop3A_795, %parallel_loop3A_938 : i32
        %parallel_loop3A_940 = arith.constant 5 : i32
        %parallel_loop3A_941 = arith.addi %parallel_loop3A_939, %parallel_loop3A_940 : i32
        %parallel_loop3A_942 = arith.index_cast %parallel_loop3A_941 : i32 to index
        %parallel_loop3A_943 = arith.constant 0 : index
        %parallel_loop3A_944 = tpu.vector_load %arg12[%parallel_loop3A_942, %parallel_loop3A_943] {strides = array<i32>} : memref<32x16xf32, #tpu.memory_space<vmem>>, vector<16xf32>,
        %parallel_loop3A_945 = arith.constant 16 : i32
        %parallel_loop3A_946 = arith.muli %parallel_loop3A_795, %parallel_loop3A_945 : i32
        %parallel_loop3A_947 = arith.constant 13 : i32
        %parallel_loop3A_948 = arith.addi %parallel_loop3A_946, %parallel_loop3A_947 : i32
        %parallel_loop3A_949 = arith.index_cast %parallel_loop3A_948 : i32 to index
        %parallel_loop3A_950 = arith.constant 0 : index
        %parallel_loop3A_951 = tpu.vector_load %arg12[%parallel_loop3A_949, %parallel_loop3A_950] {strides = array<i32>} : memref<32x16xf32, #tpu.memory_space<vmem>>, vector<16xf32>,
        %parallel_loop3A_952 = vector.shape_cast %and3A_52 : vector<16xi32> to vector<16x1xi32>
        %parallel_loop3A_953 = vector.shape_cast %parallel_loop3A_952 : vector<16x1xi32> to vector<16xi32>
        %parallel_loop3A_954 = tpu.dynamic_gather %parallel_loop3A_944[%parallel_loop3A_953] in [0] : vector<16xf32>, vector<16xi32> -> vector<16xf32>
        %parallel_loop3A_955 = arith.addf %parallel_loop3A_944, %parallel_loop3A_954 : vector<16xf32>
        %parallel_loop3A_956 = vector.shape_cast %and3A_52 : vector<16xi32> to vector<16x1xi32>
        %parallel_loop3A_957 = vector.shape_cast %parallel_loop3A_956 : vector<16x1xi32> to vector<16xi32>
        %parallel_loop3A_958 = tpu.dynamic_gather %parallel_loop3A_951[%parallel_loop3A_957] in [0] : vector<16xf32>, vector<16xi32> -> vector<16xf32>
        %parallel_loop3A_959 = arith.addf %parallel_loop3A_951, %parallel_loop3A_958 : vector<16xf32>
        %parallel_loop3A_960 = arith.select %lt3A_75, %parallel_loop3A_955, %parallel_loop3A_959 : vector<16xi1>, vector<16xf32>
        %parallel_loop3A_961 = vector.shape_cast %and3A_46 : vector<16xi32> to vector<16x1xi32>
        %parallel_loop3A_962 = vector.shape_cast %parallel_loop3A_961 : vector<16x1xi32> to vector<16xi32>
        %parallel_loop3A_963 = tpu.dynamic_gather %parallel_loop3A_937[%parallel_loop3A_962] in [0] : vector<16xf32>, vector<16xi32> -> vector<16xf32>
        %parallel_loop3A_964 = arith.addf %parallel_loop3A_937, %parallel_loop3A_963 : vector<16xf32>
        %parallel_loop3A_965 = vector.shape_cast %and3A_58 : vector<16xi32> to vector<16x1xi32>
        %parallel_loop3A_966 = vector.shape_cast %parallel_loop3A_965 : vector<16x1xi32> to vector<16xi32>
        %parallel_loop3A_967 = tpu.dynamic_gather %parallel_loop3A_960[%parallel_loop3A_966] in [0] : vector<16xf32>, vector<16xi32> -> vector<16xf32>
        %parallel_loop3A_968 = arith.addf %parallel_loop3A_960, %parallel_loop3A_967 : vector<16xf32>
        %parallel_loop3A_969 = arith.select %lt3A_81, %parallel_loop3A_964, %parallel_loop3A_968 : vector<16xi1>, vector<16xf32>
        %parallel_loop3A_970 = arith.constant 16 : i32
        %parallel_loop3A_971 = arith.muli %parallel_loop3A_795, %parallel_loop3A_970 : i32
        %parallel_loop3A_972 = arith.constant 3 : i32
        %parallel_loop3A_973 = arith.addi %parallel_loop3A_971, %parallel_loop3A_972 : i32
        %parallel_loop3A_974 = arith.index_cast %parallel_loop3A_973 : i32 to index
        %parallel_loop3A_975 = arith.constant 0 : index
        %parallel_loop3A_976 = tpu.vector_load %arg12[%parallel_loop3A_974, %parallel_loop3A_975] {strides = array<i32>} : memref<32x16xf32, #tpu.memory_space<vmem>>, vector<16xf32>,
        %parallel_loop3A_977 = arith.constant 16 : i32
        %parallel_loop3A_978 = arith.muli %parallel_loop3A_795, %parallel_loop3A_977 : i32
        %parallel_loop3A_979 = arith.constant 11 : i32
        %parallel_loop3A_980 = arith.addi %parallel_loop3A_978, %parallel_loop3A_979 : i32
        %parallel_loop3A_981 = arith.index_cast %parallel_loop3A_980 : i32 to index
        %parallel_loop3A_982 = arith.constant 0 : index
        %parallel_loop3A_983 = tpu.vector_load %arg12[%parallel_loop3A_981, %parallel_loop3A_982] {strides = array<i32>} : memref<32x16xf32, #tpu.memory_space<vmem>>, vector<16xf32>,
        %parallel_loop3A_984 = vector.shape_cast %and3A_52 : vector<16xi32> to vector<16x1xi32>
        %parallel_loop3A_985 = vector.shape_cast %parallel_loop3A_984 : vector<16x1xi32> to vector<16xi32>
        %parallel_loop3A_986 = tpu.dynamic_gather %parallel_loop3A_976[%parallel_loop3A_985] in [0] : vector<16xf32>, vector<16xi32> -> vector<16xf32>
        %parallel_loop3A_987 = arith.addf %parallel_loop3A_976, %parallel_loop3A_986 : vector<16xf32>
        %parallel_loop3A_988 = vector.shape_cast %and3A_52 : vector<16xi32> to vector<16x1xi32>
        %parallel_loop3A_989 = vector.shape_cast %parallel_loop3A_988 : vector<16x1xi32> to vector<16xi32>
        %parallel_loop3A_990 = tpu.dynamic_gather %parallel_loop3A_983[%parallel_loop3A_989] in [0] : vector<16xf32>, vector<16xi32> -> vector<16xf32>
        %parallel_loop3A_991 = arith.addf %parallel_loop3A_983, %parallel_loop3A_990 : vector<16xf32>
        %parallel_loop3A_992 = arith.select %lt3A_75, %parallel_loop3A_987, %parallel_loop3A_991 : vector<16xi1>, vector<16xf32>
        %parallel_loop3A_993 = arith.constant 16 : i32
        %parallel_loop3A_994 = arith.muli %parallel_loop3A_795, %parallel_loop3A_993 : i32
        %parallel_loop3A_995 = arith.constant 7 : i32
        %parallel_loop3A_996 = arith.addi %parallel_loop3A_994, %parallel_loop3A_995 : i32
        %parallel_loop3A_997 = arith.index_cast %parallel_loop3A_996 : i32 to index
        %parallel_loop3A_998 = arith.constant 0 : index
        %parallel_loop3A_999 = tpu.vector_load %arg12[%parallel_loop3A_997, %parallel_loop3A_998] {strides = array<i32>} : memref<32x16xf32, #tpu.memory_space<vmem>>, vector<16xf32>,
        %parallel_loop3A_1000 = arith.constant 16 : i32
        %parallel_loop3A_1001 = arith.muli %parallel_loop3A_795, %parallel_loop3A_1000 : i32
        %parallel_loop3A_1002 = arith.constant 15 : i32
        %parallel_loop3A_1003 = arith.addi %parallel_loop3A_1001, %parallel_loop3A_1002 : i32
        %parallel_loop3A_1004 = arith.index_cast %parallel_loop3A_1003 : i32 to index
        %parallel_loop3A_1005 = arith.constant 0 : index
        %parallel_loop3A_1006 = tpu.vector_load %arg12[%parallel_loop3A_1004, %parallel_loop3A_1005] {strides = array<i32>} : memref<32x16xf32, #tpu.memory_space<vmem>>, vector<16xf32>,
        %parallel_loop3A_1007 = vector.shape_cast %and3A_52 : vector<16xi32> to vector<16x1xi32>
        %parallel_loop3A_1008 = vector.shape_cast %parallel_loop3A_1007 : vector<16x1xi32> to vector<16xi32>
        %parallel_loop3A_1009 = tpu.dynamic_gather %parallel_loop3A_999[%parallel_loop3A_1008] in [0] : vector<16xf32>, vector<16xi32> -> vector<16xf32>
        %parallel_loop3A_1010 = arith.addf %parallel_loop3A_999, %parallel_loop3A_1009 : vector<16xf32>
        %parallel_loop3A_1011 = vector.shape_cast %and3A_52 : vector<16xi32> to vector<16x1xi32>
        %parallel_loop3A_1012 = vector.shape_cast %parallel_loop3A_1011 : vector<16x1xi32> to vector<16xi32>
        %parallel_loop3A_1013 = tpu.dynamic_gather %parallel_loop3A_1006[%parallel_loop3A_1012] in [0] : vector<16xf32>, vector<16xi32> -> vector<16xf32>
        %parallel_loop3A_1014 = arith.addf %parallel_loop3A_1006, %parallel_loop3A_1013 : vector<16xf32>
        %parallel_loop3A_1015 = arith.select %lt3A_75, %parallel_loop3A_1010, %parallel_loop3A_1014 : vector<16xi1>, vector<16xf32>
        %parallel_loop3A_1016 = vector.shape_cast %and3A_46 : vector<16xi32> to vector<16x1xi32>
        %parallel_loop3A_1017 = vector.shape_cast %parallel_loop3A_1016 : vector<16x1xi32> to vector<16xi32>
        %parallel_loop3A_1018 = tpu.dynamic_gather %parallel_loop3A_992[%parallel_loop3A_1017] in [0] : vector<16xf32>, vector<16xi32> -> vector<16xf32>
        %parallel_loop3A_1019 = arith.addf %parallel_loop3A_992, %parallel_loop3A_1018 : vector<16xf32>
        %parallel_loop3A_1020 = vector.shape_cast %and3A_58 : vector<16xi32> to vector<16x1xi32>
        %parallel_loop3A_1021 = vector.shape_cast %parallel_loop3A_1020 : vector<16x1xi32> to vector<16xi32>
        %parallel_loop3A_1022 = tpu.dynamic_gather %parallel_loop3A_1015[%parallel_loop3A_1021] in [0] : vector<16xf32>, vector<16xi32> -> vector<16xf32>
        %parallel_loop3A_1023 = arith.addf %parallel_loop3A_1015, %parallel_loop3A_1022 : vector<16xf32>
        %parallel_loop3A_1024 = arith.select %lt3A_81, %parallel_loop3A_1019, %parallel_loop3A_1023 : vector<16xi1>, vector<16xf32>
        %parallel_loop3A_1025 = vector.shape_cast %and3A_40 : vector<16xi32> to vector<16x1xi32>
        %parallel_loop3A_1026 = vector.shape_cast %parallel_loop3A_1025 : vector<16x1xi32> to vector<16xi32>
        %parallel_loop3A_1027 = tpu.dynamic_gather %parallel_loop3A_969[%parallel_loop3A_1026] in [0] : vector<16xf32>, vector<16xi32> -> vector<16xf32>
        %parallel_loop3A_1028 = arith.addf %parallel_loop3A_969, %parallel_loop3A_1027 : vector<16xf32>
        %parallel_loop3A_1029 = vector.shape_cast %and3A_64 : vector<16xi32> to vector<16x1xi32>
        %parallel_loop3A_1030 = vector.shape_cast %parallel_loop3A_1029 : vector<16x1xi32> to vector<16xi32>
        %parallel_loop3A_1031 = tpu.dynamic_gather %parallel_loop3A_1024[%parallel_loop3A_1030] in [0] : vector<16xf32>, vector<16xi32> -> vector<16xf32>
        %parallel_loop3A_1032 = arith.addf %parallel_loop3A_1024, %parallel_loop3A_1031 : vector<16xf32>
        %parallel_loop3A_1033 = arith.select %lt3A_87, %parallel_loop3A_1028, %parallel_loop3A_1032 : vector<16xi1>, vector<16xf32>
        %parallel_loop3A_1034 = vector.shape_cast %and3A_34 : vector<16xi32> to vector<16x1xi32>
        %parallel_loop3A_1035 = vector.shape_cast %parallel_loop3A_1034 : vector<16x1xi32> to vector<16xi32>
        %parallel_loop3A_1036 = tpu.dynamic_gather %parallel_loop3A_914[%parallel_loop3A_1035] in [0] : vector<16xf32>, vector<16xi32> -> vector<16xf32>
        %parallel_loop3A_1037 = arith.addf %parallel_loop3A_914, %parallel_loop3A_1036 : vector<16xf32>
        %parallel_loop3A_1038 = vector.shape_cast %and3A_70 : vector<16xi32> to vector<16x1xi32>
        %parallel_loop3A_1039 = vector.shape_cast %parallel_loop3A_1038 : vector<16x1xi32> to vector<16xi32>
        %parallel_loop3A_1040 = tpu.dynamic_gather %parallel_loop3A_1033[%parallel_loop3A_1039] in [0] : vector<16xf32>, vector<16xi32> -> vector<16xf32>
        %parallel_loop3A_1041 = arith.addf %parallel_loop3A_1033, %parallel_loop3A_1040 : vector<16xf32>
        %parallel_loop3A_1042 = arith.select %lt3A_93, %parallel_loop3A_1037, %parallel_loop3A_1041 : vector<16xi1>, vector<16xf32>
        %parallel_loop3A_1043 = arith.constant 32 : i32
        %parallel_loop3A_1044 = arith.muli %add3A_654, %parallel_loop3A_1043 : i32
        %parallel_loop3A_1045 = arith.constant 16 : i32
        %parallel_loop3A_1046 = arith.muli %parallel_loop3A_795, %parallel_loop3A_1045 : i32
        %parallel_loop3A_1047 = arith.addi %parallel_loop3A_1044, %parallel_loop3A_1046 : i32
        %parallel_loop3A_1048 = arith.index_cast %parallel_loop3A_1047 : i32 to index
        %parallel_loop3A_1049 = tpu.vector_load %arg11[%parallel_loop3A_1048] {strides = array<i32>} : memref<512xf32, #tpu.memory_space<vmem>>, vector<16xf32>,
        tpu.vector_store %arg11[%parallel_loop3A_1048], %parallel_loop3A_1042 {strides = array<i32>} : memref<512xf32, #tpu.memory_space<vmem>>, vector<16xf32>,
      } {sc.loop_unroll_factor = 1 : i64, sc.parallel_access}
      %mul3A_681 = arith.constant 32 : i32
      %mul3A_682 = arith.muli %add3A_654, %mul3A_681 : i32
      %mul3A_683 = arith.constant 512 : i32
      %mul3A_684 = arith.muli %add3A, %mul3A_683 : i32
      %mul3A_685 = arith.constant 32 : i32
      %mul3A_686 = arith.muli %add3A_654, %mul3A_685 : i32
      %add3A_687 = arith.addi %mul3A_684, %mul3A_686 : i32
      %dma_start3A_688 = tpu.memref_slice %arg11[%mul3A_682] : memref<512xf32, #tpu.memory_space<vmem>> -> memref<32xf32, #tpu.memory_space<vmem>>
      %dma_start3A_689 = tpu.memref_slice %arg6[%add3A_687] : memref<16384xf32, #tpu.memory_space<hbm>> -> memref<32xf32, #tpu.memory_space<hbm>>
      %dma_start3A_690 = tpu.memref_slice %arg6[%add3A_687] : memref<16384xf32, #tpu.memory_space<hbm>> -> memref<32xf32, #tpu.memory_space<hbm>>
      %dma_start3A_691 = tpu.memref_slice %arg11[%mul3A_682] : memref<512xf32, #tpu.memory_space<vmem>> -> memref<32xf32, #tpu.memory_space<vmem>>
      tpu.enqueue_dma source(%dma_start3A_691 : memref<32xf32, #tpu.memory_space<vmem>>) target(%dma_start3A_690 : memref<32xf32, #tpu.memory_space<hbm>>) target_semaphore(%arg29 : memref<!tpu.dma_semaphore, #tpu.memory_space<semaphore_mem>>)
      %add3A_692 = arith.constant 8 : i32
      %add3A_693 = arith.addi %add3A_654, %add3A_692 : i32
      %lt3A_694 = arith.constant 16 : i32
      %lt3A_695 = arith.cmpi slt, %add3A_693, %lt3A_694 : i32
      %convert_element_type3A_696 = arith.extui %lt3A_695 : i1 to i32
      %cond3A_697 = arith.constant 0 : i32
      %cond3A_698 = arith.cmpi ne, %convert_element_type3A_696, %cond3A_697 : i32
      scf.if %cond3A_698 {
        %mul3A_795 = arith.constant 32 : i32
        %mul3A_796 = arith.muli %add3A_693, %mul3A_795 : i32
        %dma_start3A_797 = arith.constant 5 : i32
        %dma_start3A_798 = arith.constant 0 : i32
        %dma_start3A_799 = arith.constant 0 : i32
        %dma_start3A_800 = tpu.memref_slice %arg9[%dma_start3A_797, %dma_start3A_798, %dma_start3A_799] : memref<8x32x128xf32, #tpu.memory_space<vmem>> -> memref<1x32x128xf32, #tpu.memory_space<vmem>>
        %dma_start3A_801 = tpu.memref_squeeze %dma_start3A_800 : memref<1x32x128xf32, #tpu.memory_space<vmem>> -> memref<32x128xf32, #tpu.memory_space<vmem>>
        %dma_start3A_802 = tpu.memref_slice %arg7[%mul3A_796] : memref<512xi32, #tpu.memory_space<vmem>> -> memref<32xi32, #tpu.memory_space<vmem>>
        %dma_start3A_803 = arith.constant 0 : i32
        %dma_start3A_804 = arith.constant 0 : i32
        %dma_start3A_805 = tpu.memref_slice %arg4[%dma_start3A_803, %dma_start3A_804] : memref<1000000x128xf32, #tpu.memory_space<hbm>> -> memref<1000000x128xf32, #tpu.memory_space<hbm>>
        tpu.enqueue_indirect_dma source(%dma_start3A_805 : memref<1000000x128xf32, #tpu.memory_space<hbm>>) target(%dma_start3A_801 : memref<32x128xf32, #tpu.memory_space<vmem>>) offsets(%dma_start3A_802 : memref<32xi32, #tpu.memory_space<vmem>>) semaphore(%arg23 : memref<!tpu.dma_semaphore, #tpu.memory_space<semaphore_mem>>)
        %dma_start3A_806 = arith.constant 5 : i32
        %dma_start3A_807 = arith.constant 0 : i32
        %dma_start3A_808 = arith.constant 0 : i32
        %dma_start3A_809 = tpu.memref_slice %arg10[%dma_start3A_806, %dma_start3A_807, %dma_start3A_808] : memref<8x32x128xf32, #tpu.memory_space<vmem>> -> memref<1x32x128xf32, #tpu.memory_space<vmem>>
        %dma_start3A_810 = tpu.memref_squeeze %dma_start3A_809 : memref<1x32x128xf32, #tpu.memory_space<vmem>> -> memref<32x128xf32, #tpu.memory_space<vmem>>
        %dma_start3A_811 = tpu.memref_slice %arg8[%mul3A_796] : memref<512xi32, #tpu.memory_space<vmem>> -> memref<32xi32, #tpu.memory_space<vmem>>
        %dma_start3A_812 = arith.constant 0 : i32
        %dma_start3A_813 = arith.constant 0 : i32
        %dma_start3A_814 = tpu.memref_slice %arg5[%dma_start3A_812, %dma_start3A_813] : memref<1000000x128xf32, #tpu.memory_space<hbm>> -> memref<1000000x128xf32, #tpu.memory_space<hbm>>
        tpu.enqueue_indirect_dma source(%dma_start3A_814 : memref<1000000x128xf32, #tpu.memory_space<hbm>>) target(%dma_start3A_810 : memref<32x128xf32, #tpu.memory_space<vmem>>) offsets(%dma_start3A_811 : memref<32xi32, #tpu.memory_space<vmem>>) semaphore(%arg24 : memref<!tpu.dma_semaphore, #tpu.memory_space<semaphore_mem>>)
      } else {
      }
      %mul3A_699 = arith.constant 8 : i32
      %mul3A_700 = arith.muli %mul3A_699, %add3A_413 : i32
      %add3A_701 = arith.constant 6 : i32
      %add3A_702 = arith.addi %mul3A_700, %add3A_701 : i32
      %dma_wait3A_703 = arith.constant 6 : i32
      %dma_wait3A_704 = arith.constant 0 : i32
      %dma_wait3A_705 = arith.constant 0 : i32
      %dma_wait3A_706 = tpu.memref_slice %arg9[%dma_wait3A_703, %dma_wait3A_704, %dma_wait3A_705] : memref<8x32x128xf32, #tpu.memory_space<vmem>> -> memref<1x32x128xf32, #tpu.memory_space<vmem>>
      %dma_wait3A_707 = tpu.memref_squeeze %dma_wait3A_706 : memref<1x32x128xf32, #tpu.memory_space<vmem>> -> memref<32x128xf32, #tpu.memory_space<vmem>>
      %dma_wait3A_708 = arith.constant 0 : i32
      %dma_wait3A_709 = tpu.memref_slice %arg7[%dma_wait3A_708] : memref<512xi32, #tpu.memory_space<vmem>> -> memref<32xi32, #tpu.memory_space<vmem>>
      %dma_wait3A_710 = arith.constant 0 : i32
      %dma_wait3A_711 = arith.constant 0 : i32
      %dma_wait3A_712 = tpu.memref_slice %arg4[%dma_wait3A_710, %dma_wait3A_711] : memref<1000000x128xf32, #tpu.memory_space<hbm>> -> memref<1000000x128xf32, #tpu.memory_space<hbm>>
      tpu.wait_indirect_dma semaphore(%arg25 : memref<!tpu.dma_semaphore, #tpu.memory_space<semaphore_mem>>) src(%dma_wait3A_712 : memref<1000000x128xf32, #tpu.memory_space<hbm>>) dst(%dma_wait3A_707 : memref<32x128xf32, #tpu.memory_space<vmem>>)
      %dma_wait3A_713 = arith.constant 6 : i32
      %dma_wait3A_714 = arith.constant 0 : i32
      %dma_wait3A_715 = arith.constant 0 : i32
      %dma_wait3A_716 = tpu.memref_slice %arg10[%dma_wait3A_713, %dma_wait3A_714, %dma_wait3A_715] : memref<8x32x128xf32, #tpu.memory_space<vmem>> -> memref<1x32x128xf32, #tpu.memory_space<vmem>>
      %dma_wait3A_717 = tpu.memref_squeeze %dma_wait3A_716 : memref<1x32x128xf32, #tpu.memory_space<vmem>> -> memref<32x128xf32, #tpu.memory_space<vmem>>
      %dma_wait3A_718 = arith.constant 0 : i32
      %dma_wait3A_719 = tpu.memref_slice %arg8[%dma_wait3A_718] : memref<512xi32, #tpu.memory_space<vmem>> -> memref<32xi32, #tpu.memory_space<vmem>>
      %dma_wait3A_720 = arith.constant 0 : i32
      %dma_wait3A_721 = arith.constant 0 : i32
      %dma_wait3A_722 = tpu.memref_slice %arg5[%dma_wait3A_720, %dma_wait3A_721] : memref<1000000x128xf32, #tpu.memory_space<hbm>> -> memref<1000000x128xf32, #tpu.memory_space<hbm>>
      tpu.wait_indirect_dma semaphore(%arg26 : memref<!tpu.dma_semaphore, #tpu.memory_space<semaphore_mem>>) src(%dma_wait3A_722 : memref<1000000x128xf32, #tpu.memory_space<hbm>>) dst(%dma_wait3A_717 : memref<32x128xf32, #tpu.memory_space<vmem>>)
      %parallel_loop3A_723 = arith.constant 0 : i32
      %parallel_loop3A_724 = arith.constant 32 : i32
      %parallel_loop3A_725 = arith.constant 1 : i32
      scf.for %parallel_loop3A_795 = %parallel_loop3A_723 to %parallel_loop3A_724 step %parallel_loop3A_725  : i32 {
        %parallel_loop3A_796 = arith.constant 6 : i32
        %parallel_loop3A_797 = arith.index_cast %parallel_loop3A_796 : i32 to index
        %parallel_loop3A_798 = arith.index_cast %parallel_loop3A_795 : i32 to index
        %parallel_loop3A_799 = arith.constant 0 : index
        %parallel_loop3A_800 = tpu.vector_load %arg9[%parallel_loop3A_797, %parallel_loop3A_798, %parallel_loop3A_799] {strides = array<i32>} : memref<8x32x128xf32, #tpu.memory_space<vmem>>, vector<16xf32>,
        %parallel_loop3A_801 = arith.constant 6 : i32
        %parallel_loop3A_802 = arith.index_cast %parallel_loop3A_801 : i32 to index
        %parallel_loop3A_803 = arith.index_cast %parallel_loop3A_795 : i32 to index
        %parallel_loop3A_804 = arith.constant 0 : index
        %parallel_loop3A_805 = tpu.vector_load %arg10[%parallel_loop3A_802, %parallel_loop3A_803, %parallel_loop3A_804] {strides = array<i32>} : memref<8x32x128xf32, #tpu.memory_space<vmem>>, vector<16xf32>,
        %parallel_loop3A_806 = arith.mulf %parallel_loop3A_800, %parallel_loop3A_805 : vector<16xf32>
        %parallel_loop3A_807 = arith.constant 6 : i32
        %parallel_loop3A_808 = arith.index_cast %parallel_loop3A_807 : i32 to index
        %parallel_loop3A_809 = arith.index_cast %parallel_loop3A_795 : i32 to index
        %parallel_loop3A_810 = arith.constant 16 : index
        %parallel_loop3A_811 = tpu.vector_load %arg9[%parallel_loop3A_808, %parallel_loop3A_809, %parallel_loop3A_810] {strides = array<i32>} : memref<8x32x128xf32, #tpu.memory_space<vmem>>, vector<16xf32>,
        %parallel_loop3A_812 = arith.constant 6 : i32
        %parallel_loop3A_813 = arith.index_cast %parallel_loop3A_812 : i32 to index
        %parallel_loop3A_814 = arith.index_cast %parallel_loop3A_795 : i32 to index
        %parallel_loop3A_815 = arith.constant 16 : index
        %parallel_loop3A_816 = tpu.vector_load %arg10[%parallel_loop3A_813, %parallel_loop3A_814, %parallel_loop3A_815] {strides = array<i32>} : memref<8x32x128xf32, #tpu.memory_space<vmem>>, vector<16xf32>,
        %parallel_loop3A_817 = arith.mulf %parallel_loop3A_811, %parallel_loop3A_816 : vector<16xf32>
        %parallel_loop3A_818 = arith.addf %parallel_loop3A_806, %parallel_loop3A_817 : vector<16xf32>
        %parallel_loop3A_819 = arith.constant 6 : i32
        %parallel_loop3A_820 = arith.index_cast %parallel_loop3A_819 : i32 to index
        %parallel_loop3A_821 = arith.index_cast %parallel_loop3A_795 : i32 to index
        %parallel_loop3A_822 = arith.constant 32 : index
        %parallel_loop3A_823 = tpu.vector_load %arg9[%parallel_loop3A_820, %parallel_loop3A_821, %parallel_loop3A_822] {strides = array<i32>} : memref<8x32x128xf32, #tpu.memory_space<vmem>>, vector<16xf32>,
        %parallel_loop3A_824 = arith.constant 6 : i32
        %parallel_loop3A_825 = arith.index_cast %parallel_loop3A_824 : i32 to index
        %parallel_loop3A_826 = arith.index_cast %parallel_loop3A_795 : i32 to index
        %parallel_loop3A_827 = arith.constant 32 : index
        %parallel_loop3A_828 = tpu.vector_load %arg10[%parallel_loop3A_825, %parallel_loop3A_826, %parallel_loop3A_827] {strides = array<i32>} : memref<8x32x128xf32, #tpu.memory_space<vmem>>, vector<16xf32>,
        %parallel_loop3A_829 = arith.mulf %parallel_loop3A_823, %parallel_loop3A_828 : vector<16xf32>
        %parallel_loop3A_830 = arith.addf %parallel_loop3A_818, %parallel_loop3A_829 : vector<16xf32>
        %parallel_loop3A_831 = arith.constant 6 : i32
        %parallel_loop3A_832 = arith.index_cast %parallel_loop3A_831 : i32 to index
        %parallel_loop3A_833 = arith.index_cast %parallel_loop3A_795 : i32 to index
        %parallel_loop3A_834 = arith.constant 48 : index
        %parallel_loop3A_835 = tpu.vector_load %arg9[%parallel_loop3A_832, %parallel_loop3A_833, %parallel_loop3A_834] {strides = array<i32>} : memref<8x32x128xf32, #tpu.memory_space<vmem>>, vector<16xf32>,
        %parallel_loop3A_836 = arith.constant 6 : i32
        %parallel_loop3A_837 = arith.index_cast %parallel_loop3A_836 : i32 to index
        %parallel_loop3A_838 = arith.index_cast %parallel_loop3A_795 : i32 to index
        %parallel_loop3A_839 = arith.constant 48 : index
        %parallel_loop3A_840 = tpu.vector_load %arg10[%parallel_loop3A_837, %parallel_loop3A_838, %parallel_loop3A_839] {strides = array<i32>} : memref<8x32x128xf32, #tpu.memory_space<vmem>>, vector<16xf32>,
        %parallel_loop3A_841 = arith.mulf %parallel_loop3A_835, %parallel_loop3A_840 : vector<16xf32>
        %parallel_loop3A_842 = arith.addf %parallel_loop3A_830, %parallel_loop3A_841 : vector<16xf32>
        %parallel_loop3A_843 = arith.constant 6 : i32
        %parallel_loop3A_844 = arith.index_cast %parallel_loop3A_843 : i32 to index
        %parallel_loop3A_845 = arith.index_cast %parallel_loop3A_795 : i32 to index
        %parallel_loop3A_846 = arith.constant 64 : index
        %parallel_loop3A_847 = tpu.vector_load %arg9[%parallel_loop3A_844, %parallel_loop3A_845, %parallel_loop3A_846] {strides = array<i32>} : memref<8x32x128xf32, #tpu.memory_space<vmem>>, vector<16xf32>,
        %parallel_loop3A_848 = arith.constant 6 : i32
        %parallel_loop3A_849 = arith.index_cast %parallel_loop3A_848 : i32 to index
        %parallel_loop3A_850 = arith.index_cast %parallel_loop3A_795 : i32 to index
        %parallel_loop3A_851 = arith.constant 64 : index
        %parallel_loop3A_852 = tpu.vector_load %arg10[%parallel_loop3A_849, %parallel_loop3A_850, %parallel_loop3A_851] {strides = array<i32>} : memref<8x32x128xf32, #tpu.memory_space<vmem>>, vector<16xf32>,
        %parallel_loop3A_853 = arith.mulf %parallel_loop3A_847, %parallel_loop3A_852 : vector<16xf32>
        %parallel_loop3A_854 = arith.addf %parallel_loop3A_842, %parallel_loop3A_853 : vector<16xf32>
        %parallel_loop3A_855 = arith.constant 6 : i32
        %parallel_loop3A_856 = arith.index_cast %parallel_loop3A_855 : i32 to index
        %parallel_loop3A_857 = arith.index_cast %parallel_loop3A_795 : i32 to index
        %parallel_loop3A_858 = arith.constant 80 : index
        %parallel_loop3A_859 = tpu.vector_load %arg9[%parallel_loop3A_856, %parallel_loop3A_857, %parallel_loop3A_858] {strides = array<i32>} : memref<8x32x128xf32, #tpu.memory_space<vmem>>, vector<16xf32>,
        %parallel_loop3A_860 = arith.constant 6 : i32
        %parallel_loop3A_861 = arith.index_cast %parallel_loop3A_860 : i32 to index
        %parallel_loop3A_862 = arith.index_cast %parallel_loop3A_795 : i32 to index
        %parallel_loop3A_863 = arith.constant 80 : index
        %parallel_loop3A_864 = tpu.vector_load %arg10[%parallel_loop3A_861, %parallel_loop3A_862, %parallel_loop3A_863] {strides = array<i32>} : memref<8x32x128xf32, #tpu.memory_space<vmem>>, vector<16xf32>,
        %parallel_loop3A_865 = arith.mulf %parallel_loop3A_859, %parallel_loop3A_864 : vector<16xf32>
        %parallel_loop3A_866 = arith.addf %parallel_loop3A_854, %parallel_loop3A_865 : vector<16xf32>
        %parallel_loop3A_867 = arith.constant 6 : i32
        %parallel_loop3A_868 = arith.index_cast %parallel_loop3A_867 : i32 to index
        %parallel_loop3A_869 = arith.index_cast %parallel_loop3A_795 : i32 to index
        %parallel_loop3A_870 = arith.constant 96 : index
        %parallel_loop3A_871 = tpu.vector_load %arg9[%parallel_loop3A_868, %parallel_loop3A_869, %parallel_loop3A_870] {strides = array<i32>} : memref<8x32x128xf32, #tpu.memory_space<vmem>>, vector<16xf32>,
        %parallel_loop3A_872 = arith.constant 6 : i32
        %parallel_loop3A_873 = arith.index_cast %parallel_loop3A_872 : i32 to index
        %parallel_loop3A_874 = arith.index_cast %parallel_loop3A_795 : i32 to index
        %parallel_loop3A_875 = arith.constant 96 : index
        %parallel_loop3A_876 = tpu.vector_load %arg10[%parallel_loop3A_873, %parallel_loop3A_874, %parallel_loop3A_875] {strides = array<i32>} : memref<8x32x128xf32, #tpu.memory_space<vmem>>, vector<16xf32>,
        %parallel_loop3A_877 = arith.mulf %parallel_loop3A_871, %parallel_loop3A_876 : vector<16xf32>
        %parallel_loop3A_878 = arith.addf %parallel_loop3A_866, %parallel_loop3A_877 : vector<16xf32>
        %parallel_loop3A_879 = arith.constant 6 : i32
        %parallel_loop3A_880 = arith.index_cast %parallel_loop3A_879 : i32 to index
        %parallel_loop3A_881 = arith.index_cast %parallel_loop3A_795 : i32 to index
        %parallel_loop3A_882 = arith.constant 112 : index
        %parallel_loop3A_883 = tpu.vector_load %arg9[%parallel_loop3A_880, %parallel_loop3A_881, %parallel_loop3A_882] {strides = array<i32>} : memref<8x32x128xf32, #tpu.memory_space<vmem>>, vector<16xf32>,
        %parallel_loop3A_884 = arith.constant 6 : i32
        %parallel_loop3A_885 = arith.index_cast %parallel_loop3A_884 : i32 to index
        %parallel_loop3A_886 = arith.index_cast %parallel_loop3A_795 : i32 to index
        %parallel_loop3A_887 = arith.constant 112 : index
        %parallel_loop3A_888 = tpu.vector_load %arg10[%parallel_loop3A_885, %parallel_loop3A_886, %parallel_loop3A_887] {strides = array<i32>} : memref<8x32x128xf32, #tpu.memory_space<vmem>>, vector<16xf32>,
        %parallel_loop3A_889 = arith.mulf %parallel_loop3A_883, %parallel_loop3A_888 : vector<16xf32>
        %parallel_loop3A_890 = arith.addf %parallel_loop3A_878, %parallel_loop3A_889 : vector<16xf32>
        %parallel_loop3A_891 = arith.index_cast %parallel_loop3A_795 : i32 to index
        %parallel_loop3A_892 = arith.constant 0 : index
        %parallel_loop3A_893 = tpu.vector_load %arg12[%parallel_loop3A_891, %parallel_loop3A_892] {strides = array<i32>} : memref<32x16xf32, #tpu.memory_space<vmem>>, vector<16xf32>,
        tpu.vector_store %arg12[%parallel_loop3A_891, %parallel_loop3A_892], %parallel_loop3A_890 {strides = array<i32>} : memref<32x16xf32, #tpu.memory_space<vmem>>, vector<16xf32>,
      } {sc.loop_unroll_factor = 1 : i64, sc.parallel_access}
      %parallel_loop3A_726 = arith.constant 0 : i32
      %parallel_loop3A_727 = arith.constant 2 : i32
      %parallel_loop3A_728 = arith.constant 1 : i32
      scf.for %parallel_loop3A_795 = %parallel_loop3A_726 to %parallel_loop3A_727 step %parallel_loop3A_728  : i32 {
        %parallel_loop3A_796 = arith.constant 16 : i32
        %parallel_loop3A_797 = arith.muli %parallel_loop3A_795, %parallel_loop3A_796 : i32
        %parallel_loop3A_798 = arith.constant 0 : i32
        %parallel_loop3A_799 = arith.addi %parallel_loop3A_797, %parallel_loop3A_798 : i32
        %parallel_loop3A_800 = arith.index_cast %parallel_loop3A_799 : i32 to index
        %parallel_loop3A_801 = arith.constant 0 : index
        %parallel_loop3A_802 = tpu.vector_load %arg12[%parallel_loop3A_800, %parallel_loop3A_801] {strides = array<i32>} : memref<32x16xf32, #tpu.memory_space<vmem>>, vector<16xf32>,
        %parallel_loop3A_803 = arith.constant 16 : i32
        %parallel_loop3A_804 = arith.muli %parallel_loop3A_795, %parallel_loop3A_803 : i32
        %parallel_loop3A_805 = arith.constant 8 : i32
        %parallel_loop3A_806 = arith.addi %parallel_loop3A_804, %parallel_loop3A_805 : i32
        %parallel_loop3A_807 = arith.index_cast %parallel_loop3A_806 : i32 to index
        %parallel_loop3A_808 = arith.constant 0 : index
        %parallel_loop3A_809 = tpu.vector_load %arg12[%parallel_loop3A_807, %parallel_loop3A_808] {strides = array<i32>} : memref<32x16xf32, #tpu.memory_space<vmem>>, vector<16xf32>,
        %parallel_loop3A_810 = vector.shape_cast %and3A_52 : vector<16xi32> to vector<16x1xi32>
        %parallel_loop3A_811 = vector.shape_cast %parallel_loop3A_810 : vector<16x1xi32> to vector<16xi32>
        %parallel_loop3A_812 = tpu.dynamic_gather %parallel_loop3A_802[%parallel_loop3A_811] in [0] : vector<16xf32>, vector<16xi32> -> vector<16xf32>
        %parallel_loop3A_813 = arith.addf %parallel_loop3A_802, %parallel_loop3A_812 : vector<16xf32>
        %parallel_loop3A_814 = vector.shape_cast %and3A_52 : vector<16xi32> to vector<16x1xi32>
        %parallel_loop3A_815 = vector.shape_cast %parallel_loop3A_814 : vector<16x1xi32> to vector<16xi32>
        %parallel_loop3A_816 = tpu.dynamic_gather %parallel_loop3A_809[%parallel_loop3A_815] in [0] : vector<16xf32>, vector<16xi32> -> vector<16xf32>
        %parallel_loop3A_817 = arith.addf %parallel_loop3A_809, %parallel_loop3A_816 : vector<16xf32>
        %parallel_loop3A_818 = arith.select %lt3A_75, %parallel_loop3A_813, %parallel_loop3A_817 : vector<16xi1>, vector<16xf32>
        %parallel_loop3A_819 = arith.constant 16 : i32
        %parallel_loop3A_820 = arith.muli %parallel_loop3A_795, %parallel_loop3A_819 : i32
        %parallel_loop3A_821 = arith.constant 4 : i32
        %parallel_loop3A_822 = arith.addi %parallel_loop3A_820, %parallel_loop3A_821 : i32
        %parallel_loop3A_823 = arith.index_cast %parallel_loop3A_822 : i32 to index
        %parallel_loop3A_824 = arith.constant 0 : index
        %parallel_loop3A_825 = tpu.vector_load %arg12[%parallel_loop3A_823, %parallel_loop3A_824] {strides = array<i32>} : memref<32x16xf32, #tpu.memory_space<vmem>>, vector<16xf32>,
        %parallel_loop3A_826 = arith.constant 16 : i32
        %parallel_loop3A_827 = arith.muli %parallel_loop3A_795, %parallel_loop3A_826 : i32
        %parallel_loop3A_828 = arith.constant 12 : i32
        %parallel_loop3A_829 = arith.addi %parallel_loop3A_827, %parallel_loop3A_828 : i32
        %parallel_loop3A_830 = arith.index_cast %parallel_loop3A_829 : i32 to index
        %parallel_loop3A_831 = arith.constant 0 : index
        %parallel_loop3A_832 = tpu.vector_load %arg12[%parallel_loop3A_830, %parallel_loop3A_831] {strides = array<i32>} : memref<32x16xf32, #tpu.memory_space<vmem>>, vector<16xf32>,
        %parallel_loop3A_833 = vector.shape_cast %and3A_52 : vector<16xi32> to vector<16x1xi32>
        %parallel_loop3A_834 = vector.shape_cast %parallel_loop3A_833 : vector<16x1xi32> to vector<16xi32>
        %parallel_loop3A_835 = tpu.dynamic_gather %parallel_loop3A_825[%parallel_loop3A_834] in [0] : vector<16xf32>, vector<16xi32> -> vector<16xf32>
        %parallel_loop3A_836 = arith.addf %parallel_loop3A_825, %parallel_loop3A_835 : vector<16xf32>
        %parallel_loop3A_837 = vector.shape_cast %and3A_52 : vector<16xi32> to vector<16x1xi32>
        %parallel_loop3A_838 = vector.shape_cast %parallel_loop3A_837 : vector<16x1xi32> to vector<16xi32>
        %parallel_loop3A_839 = tpu.dynamic_gather %parallel_loop3A_832[%parallel_loop3A_838] in [0] : vector<16xf32>, vector<16xi32> -> vector<16xf32>
        %parallel_loop3A_840 = arith.addf %parallel_loop3A_832, %parallel_loop3A_839 : vector<16xf32>
        %parallel_loop3A_841 = arith.select %lt3A_75, %parallel_loop3A_836, %parallel_loop3A_840 : vector<16xi1>, vector<16xf32>
        %parallel_loop3A_842 = vector.shape_cast %and3A_46 : vector<16xi32> to vector<16x1xi32>
        %parallel_loop3A_843 = vector.shape_cast %parallel_loop3A_842 : vector<16x1xi32> to vector<16xi32>
        %parallel_loop3A_844 = tpu.dynamic_gather %parallel_loop3A_818[%parallel_loop3A_843] in [0] : vector<16xf32>, vector<16xi32> -> vector<16xf32>
        %parallel_loop3A_845 = arith.addf %parallel_loop3A_818, %parallel_loop3A_844 : vector<16xf32>
        %parallel_loop3A_846 = vector.shape_cast %and3A_58 : vector<16xi32> to vector<16x1xi32>
        %parallel_loop3A_847 = vector.shape_cast %parallel_loop3A_846 : vector<16x1xi32> to vector<16xi32>
        %parallel_loop3A_848 = tpu.dynamic_gather %parallel_loop3A_841[%parallel_loop3A_847] in [0] : vector<16xf32>, vector<16xi32> -> vector<16xf32>
        %parallel_loop3A_849 = arith.addf %parallel_loop3A_841, %parallel_loop3A_848 : vector<16xf32>
        %parallel_loop3A_850 = arith.select %lt3A_81, %parallel_loop3A_845, %parallel_loop3A_849 : vector<16xi1>, vector<16xf32>
        %parallel_loop3A_851 = arith.constant 16 : i32
        %parallel_loop3A_852 = arith.muli %parallel_loop3A_795, %parallel_loop3A_851 : i32
        %parallel_loop3A_853 = arith.constant 2 : i32
        %parallel_loop3A_854 = arith.addi %parallel_loop3A_852, %parallel_loop3A_853 : i32
        %parallel_loop3A_855 = arith.index_cast %parallel_loop3A_854 : i32 to index
        %parallel_loop3A_856 = arith.constant 0 : index
        %parallel_loop3A_857 = tpu.vector_load %arg12[%parallel_loop3A_855, %parallel_loop3A_856] {strides = array<i32>} : memref<32x16xf32, #tpu.memory_space<vmem>>, vector<16xf32>,
        %parallel_loop3A_858 = arith.constant 16 : i32
        %parallel_loop3A_859 = arith.muli %parallel_loop3A_795, %parallel_loop3A_858 : i32
        %parallel_loop3A_860 = arith.constant 10 : i32
        %parallel_loop3A_861 = arith.addi %parallel_loop3A_859, %parallel_loop3A_860 : i32
        %parallel_loop3A_862 = arith.index_cast %parallel_loop3A_861 : i32 to index
        %parallel_loop3A_863 = arith.constant 0 : index
        %parallel_loop3A_864 = tpu.vector_load %arg12[%parallel_loop3A_862, %parallel_loop3A_863] {strides = array<i32>} : memref<32x16xf32, #tpu.memory_space<vmem>>, vector<16xf32>,
        %parallel_loop3A_865 = vector.shape_cast %and3A_52 : vector<16xi32> to vector<16x1xi32>
        %parallel_loop3A_866 = vector.shape_cast %parallel_loop3A_865 : vector<16x1xi32> to vector<16xi32>
        %parallel_loop3A_867 = tpu.dynamic_gather %parallel_loop3A_857[%parallel_loop3A_866] in [0] : vector<16xf32>, vector<16xi32> -> vector<16xf32>
        %parallel_loop3A_868 = arith.addf %parallel_loop3A_857, %parallel_loop3A_867 : vector<16xf32>
        %parallel_loop3A_869 = vector.shape_cast %and3A_52 : vector<16xi32> to vector<16x1xi32>
        %parallel_loop3A_870 = vector.shape_cast %parallel_loop3A_869 : vector<16x1xi32> to vector<16xi32>
        %parallel_loop3A_871 = tpu.dynamic_gather %parallel_loop3A_864[%parallel_loop3A_870] in [0] : vector<16xf32>, vector<16xi32> -> vector<16xf32>
        %parallel_loop3A_872 = arith.addf %parallel_loop3A_864, %parallel_loop3A_871 : vector<16xf32>
        %parallel_loop3A_873 = arith.select %lt3A_75, %parallel_loop3A_868, %parallel_loop3A_872 : vector<16xi1>, vector<16xf32>
        %parallel_loop3A_874 = arith.constant 16 : i32
        %parallel_loop3A_875 = arith.muli %parallel_loop3A_795, %parallel_loop3A_874 : i32
        %parallel_loop3A_876 = arith.constant 6 : i32
        %parallel_loop3A_877 = arith.addi %parallel_loop3A_875, %parallel_loop3A_876 : i32
        %parallel_loop3A_878 = arith.index_cast %parallel_loop3A_877 : i32 to index
        %parallel_loop3A_879 = arith.constant 0 : index
        %parallel_loop3A_880 = tpu.vector_load %arg12[%parallel_loop3A_878, %parallel_loop3A_879] {strides = array<i32>} : memref<32x16xf32, #tpu.memory_space<vmem>>, vector<16xf32>,
        %parallel_loop3A_881 = arith.constant 16 : i32
        %parallel_loop3A_882 = arith.muli %parallel_loop3A_795, %parallel_loop3A_881 : i32
        %parallel_loop3A_883 = arith.constant 14 : i32
        %parallel_loop3A_884 = arith.addi %parallel_loop3A_882, %parallel_loop3A_883 : i32
        %parallel_loop3A_885 = arith.index_cast %parallel_loop3A_884 : i32 to index
        %parallel_loop3A_886 = arith.constant 0 : index
        %parallel_loop3A_887 = tpu.vector_load %arg12[%parallel_loop3A_885, %parallel_loop3A_886] {strides = array<i32>} : memref<32x16xf32, #tpu.memory_space<vmem>>, vector<16xf32>,
        %parallel_loop3A_888 = vector.shape_cast %and3A_52 : vector<16xi32> to vector<16x1xi32>
        %parallel_loop3A_889 = vector.shape_cast %parallel_loop3A_888 : vector<16x1xi32> to vector<16xi32>
        %parallel_loop3A_890 = tpu.dynamic_gather %parallel_loop3A_880[%parallel_loop3A_889] in [0] : vector<16xf32>, vector<16xi32> -> vector<16xf32>
        %parallel_loop3A_891 = arith.addf %parallel_loop3A_880, %parallel_loop3A_890 : vector<16xf32>
        %parallel_loop3A_892 = vector.shape_cast %and3A_52 : vector<16xi32> to vector<16x1xi32>
        %parallel_loop3A_893 = vector.shape_cast %parallel_loop3A_892 : vector<16x1xi32> to vector<16xi32>
        %parallel_loop3A_894 = tpu.dynamic_gather %parallel_loop3A_887[%parallel_loop3A_893] in [0] : vector<16xf32>, vector<16xi32> -> vector<16xf32>
        %parallel_loop3A_895 = arith.addf %parallel_loop3A_887, %parallel_loop3A_894 : vector<16xf32>
        %parallel_loop3A_896 = arith.select %lt3A_75, %parallel_loop3A_891, %parallel_loop3A_895 : vector<16xi1>, vector<16xf32>
        %parallel_loop3A_897 = vector.shape_cast %and3A_46 : vector<16xi32> to vector<16x1xi32>
        %parallel_loop3A_898 = vector.shape_cast %parallel_loop3A_897 : vector<16x1xi32> to vector<16xi32>
        %parallel_loop3A_899 = tpu.dynamic_gather %parallel_loop3A_873[%parallel_loop3A_898] in [0] : vector<16xf32>, vector<16xi32> -> vector<16xf32>
        %parallel_loop3A_900 = arith.addf %parallel_loop3A_873, %parallel_loop3A_899 : vector<16xf32>
        %parallel_loop3A_901 = vector.shape_cast %and3A_58 : vector<16xi32> to vector<16x1xi32>
        %parallel_loop3A_902 = vector.shape_cast %parallel_loop3A_901 : vector<16x1xi32> to vector<16xi32>
        %parallel_loop3A_903 = tpu.dynamic_gather %parallel_loop3A_896[%parallel_loop3A_902] in [0] : vector<16xf32>, vector<16xi32> -> vector<16xf32>
        %parallel_loop3A_904 = arith.addf %parallel_loop3A_896, %parallel_loop3A_903 : vector<16xf32>
        %parallel_loop3A_905 = arith.select %lt3A_81, %parallel_loop3A_900, %parallel_loop3A_904 : vector<16xi1>, vector<16xf32>
        %parallel_loop3A_906 = vector.shape_cast %and3A_40 : vector<16xi32> to vector<16x1xi32>
        %parallel_loop3A_907 = vector.shape_cast %parallel_loop3A_906 : vector<16x1xi32> to vector<16xi32>
        %parallel_loop3A_908 = tpu.dynamic_gather %parallel_loop3A_850[%parallel_loop3A_907] in [0] : vector<16xf32>, vector<16xi32> -> vector<16xf32>
        %parallel_loop3A_909 = arith.addf %parallel_loop3A_850, %parallel_loop3A_908 : vector<16xf32>
        %parallel_loop3A_910 = vector.shape_cast %and3A_64 : vector<16xi32> to vector<16x1xi32>
        %parallel_loop3A_911 = vector.shape_cast %parallel_loop3A_910 : vector<16x1xi32> to vector<16xi32>
        %parallel_loop3A_912 = tpu.dynamic_gather %parallel_loop3A_905[%parallel_loop3A_911] in [0] : vector<16xf32>, vector<16xi32> -> vector<16xf32>
        %parallel_loop3A_913 = arith.addf %parallel_loop3A_905, %parallel_loop3A_912 : vector<16xf32>
        %parallel_loop3A_914 = arith.select %lt3A_87, %parallel_loop3A_909, %parallel_loop3A_913 : vector<16xi1>, vector<16xf32>
        %parallel_loop3A_915 = arith.constant 16 : i32
        %parallel_loop3A_916 = arith.muli %parallel_loop3A_795, %parallel_loop3A_915 : i32
        %parallel_loop3A_917 = arith.constant 1 : i32
        %parallel_loop3A_918 = arith.addi %parallel_loop3A_916, %parallel_loop3A_917 : i32
        %parallel_loop3A_919 = arith.index_cast %parallel_loop3A_918 : i32 to index
        %parallel_loop3A_920 = arith.constant 0 : index
        %parallel_loop3A_921 = tpu.vector_load %arg12[%parallel_loop3A_919, %parallel_loop3A_920] {strides = array<i32>} : memref<32x16xf32, #tpu.memory_space<vmem>>, vector<16xf32>,
        %parallel_loop3A_922 = arith.constant 16 : i32
        %parallel_loop3A_923 = arith.muli %parallel_loop3A_795, %parallel_loop3A_922 : i32
        %parallel_loop3A_924 = arith.constant 9 : i32
        %parallel_loop3A_925 = arith.addi %parallel_loop3A_923, %parallel_loop3A_924 : i32
        %parallel_loop3A_926 = arith.index_cast %parallel_loop3A_925 : i32 to index
        %parallel_loop3A_927 = arith.constant 0 : index
        %parallel_loop3A_928 = tpu.vector_load %arg12[%parallel_loop3A_926, %parallel_loop3A_927] {strides = array<i32>} : memref<32x16xf32, #tpu.memory_space<vmem>>, vector<16xf32>,
        %parallel_loop3A_929 = vector.shape_cast %and3A_52 : vector<16xi32> to vector<16x1xi32>
        %parallel_loop3A_930 = vector.shape_cast %parallel_loop3A_929 : vector<16x1xi32> to vector<16xi32>
        %parallel_loop3A_931 = tpu.dynamic_gather %parallel_loop3A_921[%parallel_loop3A_930] in [0] : vector<16xf32>, vector<16xi32> -> vector<16xf32>
        %parallel_loop3A_932 = arith.addf %parallel_loop3A_921, %parallel_loop3A_931 : vector<16xf32>
        %parallel_loop3A_933 = vector.shape_cast %and3A_52 : vector<16xi32> to vector<16x1xi32>
        %parallel_loop3A_934 = vector.shape_cast %parallel_loop3A_933 : vector<16x1xi32> to vector<16xi32>
        %parallel_loop3A_935 = tpu.dynamic_gather %parallel_loop3A_928[%parallel_loop3A_934] in [0] : vector<16xf32>, vector<16xi32> -> vector<16xf32>
        %parallel_loop3A_936 = arith.addf %parallel_loop3A_928, %parallel_loop3A_935 : vector<16xf32>
        %parallel_loop3A_937 = arith.select %lt3A_75, %parallel_loop3A_932, %parallel_loop3A_936 : vector<16xi1>, vector<16xf32>
        %parallel_loop3A_938 = arith.constant 16 : i32
        %parallel_loop3A_939 = arith.muli %parallel_loop3A_795, %parallel_loop3A_938 : i32
        %parallel_loop3A_940 = arith.constant 5 : i32
        %parallel_loop3A_941 = arith.addi %parallel_loop3A_939, %parallel_loop3A_940 : i32
        %parallel_loop3A_942 = arith.index_cast %parallel_loop3A_941 : i32 to index
        %parallel_loop3A_943 = arith.constant 0 : index
        %parallel_loop3A_944 = tpu.vector_load %arg12[%parallel_loop3A_942, %parallel_loop3A_943] {strides = array<i32>} : memref<32x16xf32, #tpu.memory_space<vmem>>, vector<16xf32>,
        %parallel_loop3A_945 = arith.constant 16 : i32
        %parallel_loop3A_946 = arith.muli %parallel_loop3A_795, %parallel_loop3A_945 : i32
        %parallel_loop3A_947 = arith.constant 13 : i32
        %parallel_loop3A_948 = arith.addi %parallel_loop3A_946, %parallel_loop3A_947 : i32
        %parallel_loop3A_949 = arith.index_cast %parallel_loop3A_948 : i32 to index
        %parallel_loop3A_950 = arith.constant 0 : index
        %parallel_loop3A_951 = tpu.vector_load %arg12[%parallel_loop3A_949, %parallel_loop3A_950] {strides = array<i32>} : memref<32x16xf32, #tpu.memory_space<vmem>>, vector<16xf32>,
        %parallel_loop3A_952 = vector.shape_cast %and3A_52 : vector<16xi32> to vector<16x1xi32>
        %parallel_loop3A_953 = vector.shape_cast %parallel_loop3A_952 : vector<16x1xi32> to vector<16xi32>
        %parallel_loop3A_954 = tpu.dynamic_gather %parallel_loop3A_944[%parallel_loop3A_953] in [0] : vector<16xf32>, vector<16xi32> -> vector<16xf32>
        %parallel_loop3A_955 = arith.addf %parallel_loop3A_944, %parallel_loop3A_954 : vector<16xf32>
        %parallel_loop3A_956 = vector.shape_cast %and3A_52 : vector<16xi32> to vector<16x1xi32>
        %parallel_loop3A_957 = vector.shape_cast %parallel_loop3A_956 : vector<16x1xi32> to vector<16xi32>
        %parallel_loop3A_958 = tpu.dynamic_gather %parallel_loop3A_951[%parallel_loop3A_957] in [0] : vector<16xf32>, vector<16xi32> -> vector<16xf32>
        %parallel_loop3A_959 = arith.addf %parallel_loop3A_951, %parallel_loop3A_958 : vector<16xf32>
        %parallel_loop3A_960 = arith.select %lt3A_75, %parallel_loop3A_955, %parallel_loop3A_959 : vector<16xi1>, vector<16xf32>
        %parallel_loop3A_961 = vector.shape_cast %and3A_46 : vector<16xi32> to vector<16x1xi32>
        %parallel_loop3A_962 = vector.shape_cast %parallel_loop3A_961 : vector<16x1xi32> to vector<16xi32>
        %parallel_loop3A_963 = tpu.dynamic_gather %parallel_loop3A_937[%parallel_loop3A_962] in [0] : vector<16xf32>, vector<16xi32> -> vector<16xf32>
        %parallel_loop3A_964 = arith.addf %parallel_loop3A_937, %parallel_loop3A_963 : vector<16xf32>
        %parallel_loop3A_965 = vector.shape_cast %and3A_58 : vector<16xi32> to vector<16x1xi32>
        %parallel_loop3A_966 = vector.shape_cast %parallel_loop3A_965 : vector<16x1xi32> to vector<16xi32>
        %parallel_loop3A_967 = tpu.dynamic_gather %parallel_loop3A_960[%parallel_loop3A_966] in [0] : vector<16xf32>, vector<16xi32> -> vector<16xf32>
        %parallel_loop3A_968 = arith.addf %parallel_loop3A_960, %parallel_loop3A_967 : vector<16xf32>
        %parallel_loop3A_969 = arith.select %lt3A_81, %parallel_loop3A_964, %parallel_loop3A_968 : vector<16xi1>, vector<16xf32>
        %parallel_loop3A_970 = arith.constant 16 : i32
        %parallel_loop3A_971 = arith.muli %parallel_loop3A_795, %parallel_loop3A_970 : i32
        %parallel_loop3A_972 = arith.constant 3 : i32
        %parallel_loop3A_973 = arith.addi %parallel_loop3A_971, %parallel_loop3A_972 : i32
        %parallel_loop3A_974 = arith.index_cast %parallel_loop3A_973 : i32 to index
        %parallel_loop3A_975 = arith.constant 0 : index
        %parallel_loop3A_976 = tpu.vector_load %arg12[%parallel_loop3A_974, %parallel_loop3A_975] {strides = array<i32>} : memref<32x16xf32, #tpu.memory_space<vmem>>, vector<16xf32>,
        %parallel_loop3A_977 = arith.constant 16 : i32
        %parallel_loop3A_978 = arith.muli %parallel_loop3A_795, %parallel_loop3A_977 : i32
        %parallel_loop3A_979 = arith.constant 11 : i32
        %parallel_loop3A_980 = arith.addi %parallel_loop3A_978, %parallel_loop3A_979 : i32
        %parallel_loop3A_981 = arith.index_cast %parallel_loop3A_980 : i32 to index
        %parallel_loop3A_982 = arith.constant 0 : index
        %parallel_loop3A_983 = tpu.vector_load %arg12[%parallel_loop3A_981, %parallel_loop3A_982] {strides = array<i32>} : memref<32x16xf32, #tpu.memory_space<vmem>>, vector<16xf32>,
        %parallel_loop3A_984 = vector.shape_cast %and3A_52 : vector<16xi32> to vector<16x1xi32>
        %parallel_loop3A_985 = vector.shape_cast %parallel_loop3A_984 : vector<16x1xi32> to vector<16xi32>
        %parallel_loop3A_986 = tpu.dynamic_gather %parallel_loop3A_976[%parallel_loop3A_985] in [0] : vector<16xf32>, vector<16xi32> -> vector<16xf32>
        %parallel_loop3A_987 = arith.addf %parallel_loop3A_976, %parallel_loop3A_986 : vector<16xf32>
        %parallel_loop3A_988 = vector.shape_cast %and3A_52 : vector<16xi32> to vector<16x1xi32>
        %parallel_loop3A_989 = vector.shape_cast %parallel_loop3A_988 : vector<16x1xi32> to vector<16xi32>
        %parallel_loop3A_990 = tpu.dynamic_gather %parallel_loop3A_983[%parallel_loop3A_989] in [0] : vector<16xf32>, vector<16xi32> -> vector<16xf32>
        %parallel_loop3A_991 = arith.addf %parallel_loop3A_983, %parallel_loop3A_990 : vector<16xf32>
        %parallel_loop3A_992 = arith.select %lt3A_75, %parallel_loop3A_987, %parallel_loop3A_991 : vector<16xi1>, vector<16xf32>
        %parallel_loop3A_993 = arith.constant 16 : i32
        %parallel_loop3A_994 = arith.muli %parallel_loop3A_795, %parallel_loop3A_993 : i32
        %parallel_loop3A_995 = arith.constant 7 : i32
        %parallel_loop3A_996 = arith.addi %parallel_loop3A_994, %parallel_loop3A_995 : i32
        %parallel_loop3A_997 = arith.index_cast %parallel_loop3A_996 : i32 to index
        %parallel_loop3A_998 = arith.constant 0 : index
        %parallel_loop3A_999 = tpu.vector_load %arg12[%parallel_loop3A_997, %parallel_loop3A_998] {strides = array<i32>} : memref<32x16xf32, #tpu.memory_space<vmem>>, vector<16xf32>,
        %parallel_loop3A_1000 = arith.constant 16 : i32
        %parallel_loop3A_1001 = arith.muli %parallel_loop3A_795, %parallel_loop3A_1000 : i32
        %parallel_loop3A_1002 = arith.constant 15 : i32
        %parallel_loop3A_1003 = arith.addi %parallel_loop3A_1001, %parallel_loop3A_1002 : i32
        %parallel_loop3A_1004 = arith.index_cast %parallel_loop3A_1003 : i32 to index
        %parallel_loop3A_1005 = arith.constant 0 : index
        %parallel_loop3A_1006 = tpu.vector_load %arg12[%parallel_loop3A_1004, %parallel_loop3A_1005] {strides = array<i32>} : memref<32x16xf32, #tpu.memory_space<vmem>>, vector<16xf32>,
        %parallel_loop3A_1007 = vector.shape_cast %and3A_52 : vector<16xi32> to vector<16x1xi32>
        %parallel_loop3A_1008 = vector.shape_cast %parallel_loop3A_1007 : vector<16x1xi32> to vector<16xi32>
        %parallel_loop3A_1009 = tpu.dynamic_gather %parallel_loop3A_999[%parallel_loop3A_1008] in [0] : vector<16xf32>, vector<16xi32> -> vector<16xf32>
        %parallel_loop3A_1010 = arith.addf %parallel_loop3A_999, %parallel_loop3A_1009 : vector<16xf32>
        %parallel_loop3A_1011 = vector.shape_cast %and3A_52 : vector<16xi32> to vector<16x1xi32>
        %parallel_loop3A_1012 = vector.shape_cast %parallel_loop3A_1011 : vector<16x1xi32> to vector<16xi32>
        %parallel_loop3A_1013 = tpu.dynamic_gather %parallel_loop3A_1006[%parallel_loop3A_1012] in [0] : vector<16xf32>, vector<16xi32> -> vector<16xf32>
        %parallel_loop3A_1014 = arith.addf %parallel_loop3A_1006, %parallel_loop3A_1013 : vector<16xf32>
        %parallel_loop3A_1015 = arith.select %lt3A_75, %parallel_loop3A_1010, %parallel_loop3A_1014 : vector<16xi1>, vector<16xf32>
        %parallel_loop3A_1016 = vector.shape_cast %and3A_46 : vector<16xi32> to vector<16x1xi32>
        %parallel_loop3A_1017 = vector.shape_cast %parallel_loop3A_1016 : vector<16x1xi32> to vector<16xi32>
        %parallel_loop3A_1018 = tpu.dynamic_gather %parallel_loop3A_992[%parallel_loop3A_1017] in [0] : vector<16xf32>, vector<16xi32> -> vector<16xf32>
        %parallel_loop3A_1019 = arith.addf %parallel_loop3A_992, %parallel_loop3A_1018 : vector<16xf32>
        %parallel_loop3A_1020 = vector.shape_cast %and3A_58 : vector<16xi32> to vector<16x1xi32>
        %parallel_loop3A_1021 = vector.shape_cast %parallel_loop3A_1020 : vector<16x1xi32> to vector<16xi32>
        %parallel_loop3A_1022 = tpu.dynamic_gather %parallel_loop3A_1015[%parallel_loop3A_1021] in [0] : vector<16xf32>, vector<16xi32> -> vector<16xf32>
        %parallel_loop3A_1023 = arith.addf %parallel_loop3A_1015, %parallel_loop3A_1022 : vector<16xf32>
        %parallel_loop3A_1024 = arith.select %lt3A_81, %parallel_loop3A_1019, %parallel_loop3A_1023 : vector<16xi1>, vector<16xf32>
        %parallel_loop3A_1025 = vector.shape_cast %and3A_40 : vector<16xi32> to vector<16x1xi32>
        %parallel_loop3A_1026 = vector.shape_cast %parallel_loop3A_1025 : vector<16x1xi32> to vector<16xi32>
        %parallel_loop3A_1027 = tpu.dynamic_gather %parallel_loop3A_969[%parallel_loop3A_1026] in [0] : vector<16xf32>, vector<16xi32> -> vector<16xf32>
        %parallel_loop3A_1028 = arith.addf %parallel_loop3A_969, %parallel_loop3A_1027 : vector<16xf32>
        %parallel_loop3A_1029 = vector.shape_cast %and3A_64 : vector<16xi32> to vector<16x1xi32>
        %parallel_loop3A_1030 = vector.shape_cast %parallel_loop3A_1029 : vector<16x1xi32> to vector<16xi32>
        %parallel_loop3A_1031 = tpu.dynamic_gather %parallel_loop3A_1024[%parallel_loop3A_1030] in [0] : vector<16xf32>, vector<16xi32> -> vector<16xf32>
        %parallel_loop3A_1032 = arith.addf %parallel_loop3A_1024, %parallel_loop3A_1031 : vector<16xf32>
        %parallel_loop3A_1033 = arith.select %lt3A_87, %parallel_loop3A_1028, %parallel_loop3A_1032 : vector<16xi1>, vector<16xf32>
        %parallel_loop3A_1034 = vector.shape_cast %and3A_34 : vector<16xi32> to vector<16x1xi32>
        %parallel_loop3A_1035 = vector.shape_cast %parallel_loop3A_1034 : vector<16x1xi32> to vector<16xi32>
        %parallel_loop3A_1036 = tpu.dynamic_gather %parallel_loop3A_914[%parallel_loop3A_1035] in [0] : vector<16xf32>, vector<16xi32> -> vector<16xf32>
        %parallel_loop3A_1037 = arith.addf %parallel_loop3A_914, %parallel_loop3A_1036 : vector<16xf32>
        %parallel_loop3A_1038 = vector.shape_cast %and3A_70 : vector<16xi32> to vector<16x1xi32>
        %parallel_loop3A_1039 = vector.shape_cast %parallel_loop3A_1038 : vector<16x1xi32> to vector<16xi32>
        %parallel_loop3A_1040 = tpu.dynamic_gather %parallel_loop3A_1033[%parallel_loop3A_1039] in [0] : vector<16xf32>, vector<16xi32> -> vector<16xf32>
        %parallel_loop3A_1041 = arith.addf %parallel_loop3A_1033, %parallel_loop3A_1040 : vector<16xf32>
        %parallel_loop3A_1042 = arith.select %lt3A_93, %parallel_loop3A_1037, %parallel_loop3A_1041 : vector<16xi1>, vector<16xf32>
        %parallel_loop3A_1043 = arith.constant 32 : i32
        %parallel_loop3A_1044 = arith.muli %add3A_702, %parallel_loop3A_1043 : i32
        %parallel_loop3A_1045 = arith.constant 16 : i32
        %parallel_loop3A_1046 = arith.muli %parallel_loop3A_795, %parallel_loop3A_1045 : i32
        %parallel_loop3A_1047 = arith.addi %parallel_loop3A_1044, %parallel_loop3A_1046 : i32
        %parallel_loop3A_1048 = arith.index_cast %parallel_loop3A_1047 : i32 to index
        %parallel_loop3A_1049 = tpu.vector_load %arg11[%parallel_loop3A_1048] {strides = array<i32>} : memref<512xf32, #tpu.memory_space<vmem>>, vector<16xf32>,
        tpu.vector_store %arg11[%parallel_loop3A_1048], %parallel_loop3A_1042 {strides = array<i32>} : memref<512xf32, #tpu.memory_space<vmem>>, vector<16xf32>,
      } {sc.loop_unroll_factor = 1 : i64, sc.parallel_access}
      %mul3A_729 = arith.constant 32 : i32
      %mul3A_730 = arith.muli %add3A_702, %mul3A_729 : i32
      %mul3A_731 = arith.constant 512 : i32
      %mul3A_732 = arith.muli %add3A, %mul3A_731 : i32
      %mul3A_733 = arith.constant 32 : i32
      %mul3A_734 = arith.muli %add3A_702, %mul3A_733 : i32
      %add3A_735 = arith.addi %mul3A_732, %mul3A_734 : i32
      %dma_start3A_736 = tpu.memref_slice %arg11[%mul3A_730] : memref<512xf32, #tpu.memory_space<vmem>> -> memref<32xf32, #tpu.memory_space<vmem>>
      %dma_start3A_737 = tpu.memref_slice %arg6[%add3A_735] : memref<16384xf32, #tpu.memory_space<hbm>> -> memref<32xf32, #tpu.memory_space<hbm>>
      %dma_start3A_738 = tpu.memref_slice %arg6[%add3A_735] : memref<16384xf32, #tpu.memory_space<hbm>> -> memref<32xf32, #tpu.memory_space<hbm>>
      %dma_start3A_739 = tpu.memref_slice %arg11[%mul3A_730] : memref<512xf32, #tpu.memory_space<vmem>> -> memref<32xf32, #tpu.memory_space<vmem>>
      tpu.enqueue_dma source(%dma_start3A_739 : memref<32xf32, #tpu.memory_space<vmem>>) target(%dma_start3A_738 : memref<32xf32, #tpu.memory_space<hbm>>) target_semaphore(%arg29 : memref<!tpu.dma_semaphore, #tpu.memory_space<semaphore_mem>>)
      %add3A_740 = arith.constant 8 : i32
      %add3A_741 = arith.addi %add3A_702, %add3A_740 : i32
      %lt3A_742 = arith.constant 16 : i32
      %lt3A_743 = arith.cmpi slt, %add3A_741, %lt3A_742 : i32
      %convert_element_type3A_744 = arith.extui %lt3A_743 : i1 to i32
      %cond3A_745 = arith.constant 0 : i32
      %cond3A_746 = arith.cmpi ne, %convert_element_type3A_744, %cond3A_745 : i32
      scf.if %cond3A_746 {
        %mul3A_795 = arith.constant 32 : i32
        %mul3A_796 = arith.muli %add3A_741, %mul3A_795 : i32
        %dma_start3A_797 = arith.constant 6 : i32
        %dma_start3A_798 = arith.constant 0 : i32
        %dma_start3A_799 = arith.constant 0 : i32
        %dma_start3A_800 = tpu.memref_slice %arg9[%dma_start3A_797, %dma_start3A_798, %dma_start3A_799] : memref<8x32x128xf32, #tpu.memory_space<vmem>> -> memref<1x32x128xf32, #tpu.memory_space<vmem>>
        %dma_start3A_801 = tpu.memref_squeeze %dma_start3A_800 : memref<1x32x128xf32, #tpu.memory_space<vmem>> -> memref<32x128xf32, #tpu.memory_space<vmem>>
        %dma_start3A_802 = tpu.memref_slice %arg7[%mul3A_796] : memref<512xi32, #tpu.memory_space<vmem>> -> memref<32xi32, #tpu.memory_space<vmem>>
        %dma_start3A_803 = arith.constant 0 : i32
        %dma_start3A_804 = arith.constant 0 : i32
        %dma_start3A_805 = tpu.memref_slice %arg4[%dma_start3A_803, %dma_start3A_804] : memref<1000000x128xf32, #tpu.memory_space<hbm>> -> memref<1000000x128xf32, #tpu.memory_space<hbm>>
        tpu.enqueue_indirect_dma source(%dma_start3A_805 : memref<1000000x128xf32, #tpu.memory_space<hbm>>) target(%dma_start3A_801 : memref<32x128xf32, #tpu.memory_space<vmem>>) offsets(%dma_start3A_802 : memref<32xi32, #tpu.memory_space<vmem>>) semaphore(%arg25 : memref<!tpu.dma_semaphore, #tpu.memory_space<semaphore_mem>>)
        %dma_start3A_806 = arith.constant 6 : i32
        %dma_start3A_807 = arith.constant 0 : i32
        %dma_start3A_808 = arith.constant 0 : i32
        %dma_start3A_809 = tpu.memref_slice %arg10[%dma_start3A_806, %dma_start3A_807, %dma_start3A_808] : memref<8x32x128xf32, #tpu.memory_space<vmem>> -> memref<1x32x128xf32, #tpu.memory_space<vmem>>
        %dma_start3A_810 = tpu.memref_squeeze %dma_start3A_809 : memref<1x32x128xf32, #tpu.memory_space<vmem>> -> memref<32x128xf32, #tpu.memory_space<vmem>>
        %dma_start3A_811 = tpu.memref_slice %arg8[%mul3A_796] : memref<512xi32, #tpu.memory_space<vmem>> -> memref<32xi32, #tpu.memory_space<vmem>>
        %dma_start3A_812 = arith.constant 0 : i32
        %dma_start3A_813 = arith.constant 0 : i32
        %dma_start3A_814 = tpu.memref_slice %arg5[%dma_start3A_812, %dma_start3A_813] : memref<1000000x128xf32, #tpu.memory_space<hbm>> -> memref<1000000x128xf32, #tpu.memory_space<hbm>>
        tpu.enqueue_indirect_dma source(%dma_start3A_814 : memref<1000000x128xf32, #tpu.memory_space<hbm>>) target(%dma_start3A_810 : memref<32x128xf32, #tpu.memory_space<vmem>>) offsets(%dma_start3A_811 : memref<32xi32, #tpu.memory_space<vmem>>) semaphore(%arg26 : memref<!tpu.dma_semaphore, #tpu.memory_space<semaphore_mem>>)
      } else {
      }
      %mul3A_747 = arith.constant 8 : i32
      %mul3A_748 = arith.muli %mul3A_747, %add3A_413 : i32
      %add3A_749 = arith.constant 7 : i32
      %add3A_750 = arith.addi %mul3A_748, %add3A_749 : i32
      %dma_wait3A_751 = arith.constant 7 : i32
      %dma_wait3A_752 = arith.constant 0 : i32
      %dma_wait3A_753 = arith.constant 0 : i32
      %dma_wait3A_754 = tpu.memref_slice %arg9[%dma_wait3A_751, %dma_wait3A_752, %dma_wait3A_753] : memref<8x32x128xf32, #tpu.memory_space<vmem>> -> memref<1x32x128xf32, #tpu.memory_space<vmem>>
      %dma_wait3A_755 = tpu.memref_squeeze %dma_wait3A_754 : memref<1x32x128xf32, #tpu.memory_space<vmem>> -> memref<32x128xf32, #tpu.memory_space<vmem>>
      %dma_wait3A_756 = arith.constant 0 : i32
      %dma_wait3A_757 = tpu.memref_slice %arg7[%dma_wait3A_756] : memref<512xi32, #tpu.memory_space<vmem>> -> memref<32xi32, #tpu.memory_space<vmem>>
      %dma_wait3A_758 = arith.constant 0 : i32
      %dma_wait3A_759 = arith.constant 0 : i32
      %dma_wait3A_760 = tpu.memref_slice %arg4[%dma_wait3A_758, %dma_wait3A_759] : memref<1000000x128xf32, #tpu.memory_space<hbm>> -> memref<1000000x128xf32, #tpu.memory_space<hbm>>
      tpu.wait_indirect_dma semaphore(%arg27 : memref<!tpu.dma_semaphore, #tpu.memory_space<semaphore_mem>>) src(%dma_wait3A_760 : memref<1000000x128xf32, #tpu.memory_space<hbm>>) dst(%dma_wait3A_755 : memref<32x128xf32, #tpu.memory_space<vmem>>)
      %dma_wait3A_761 = arith.constant 7 : i32
      %dma_wait3A_762 = arith.constant 0 : i32
      %dma_wait3A_763 = arith.constant 0 : i32
      %dma_wait3A_764 = tpu.memref_slice %arg10[%dma_wait3A_761, %dma_wait3A_762, %dma_wait3A_763] : memref<8x32x128xf32, #tpu.memory_space<vmem>> -> memref<1x32x128xf32, #tpu.memory_space<vmem>>
      %dma_wait3A_765 = tpu.memref_squeeze %dma_wait3A_764 : memref<1x32x128xf32, #tpu.memory_space<vmem>> -> memref<32x128xf32, #tpu.memory_space<vmem>>
      %dma_wait3A_766 = arith.constant 0 : i32
      %dma_wait3A_767 = tpu.memref_slice %arg8[%dma_wait3A_766] : memref<512xi32, #tpu.memory_space<vmem>> -> memref<32xi32, #tpu.memory_space<vmem>>
      %dma_wait3A_768 = arith.constant 0 : i32
      %dma_wait3A_769 = arith.constant 0 : i32
      %dma_wait3A_770 = tpu.memref_slice %arg5[%dma_wait3A_768, %dma_wait3A_769] : memref<1000000x128xf32, #tpu.memory_space<hbm>> -> memref<1000000x128xf32, #tpu.memory_space<hbm>>
      tpu.wait_indirect_dma semaphore(%arg28 : memref<!tpu.dma_semaphore, #tpu.memory_space<semaphore_mem>>) src(%dma_wait3A_770 : memref<1000000x128xf32, #tpu.memory_space<hbm>>) dst(%dma_wait3A_765 : memref<32x128xf32, #tpu.memory_space<vmem>>)
      %parallel_loop3A_771 = arith.constant 0 : i32
      %parallel_loop3A_772 = arith.constant 32 : i32
      %parallel_loop3A_773 = arith.constant 1 : i32
      scf.for %parallel_loop3A_795 = %parallel_loop3A_771 to %parallel_loop3A_772 step %parallel_loop3A_773  : i32 {
        %parallel_loop3A_796 = arith.constant 7 : i32
        %parallel_loop3A_797 = arith.index_cast %parallel_loop3A_796 : i32 to index
        %parallel_loop3A_798 = arith.index_cast %parallel_loop3A_795 : i32 to index
        %parallel_loop3A_799 = arith.constant 0 : index
        %parallel_loop3A_800 = tpu.vector_load %arg9[%parallel_loop3A_797, %parallel_loop3A_798, %parallel_loop3A_799] {strides = array<i32>} : memref<8x32x128xf32, #tpu.memory_space<vmem>>, vector<16xf32>,
        %parallel_loop3A_801 = arith.constant 7 : i32
        %parallel_loop3A_802 = arith.index_cast %parallel_loop3A_801 : i32 to index
        %parallel_loop3A_803 = arith.index_cast %parallel_loop3A_795 : i32 to index
        %parallel_loop3A_804 = arith.constant 0 : index
        %parallel_loop3A_805 = tpu.vector_load %arg10[%parallel_loop3A_802, %parallel_loop3A_803, %parallel_loop3A_804] {strides = array<i32>} : memref<8x32x128xf32, #tpu.memory_space<vmem>>, vector<16xf32>,
        %parallel_loop3A_806 = arith.mulf %parallel_loop3A_800, %parallel_loop3A_805 : vector<16xf32>
        %parallel_loop3A_807 = arith.constant 7 : i32
        %parallel_loop3A_808 = arith.index_cast %parallel_loop3A_807 : i32 to index
        %parallel_loop3A_809 = arith.index_cast %parallel_loop3A_795 : i32 to index
        %parallel_loop3A_810 = arith.constant 16 : index
        %parallel_loop3A_811 = tpu.vector_load %arg9[%parallel_loop3A_808, %parallel_loop3A_809, %parallel_loop3A_810] {strides = array<i32>} : memref<8x32x128xf32, #tpu.memory_space<vmem>>, vector<16xf32>,
        %parallel_loop3A_812 = arith.constant 7 : i32
        %parallel_loop3A_813 = arith.index_cast %parallel_loop3A_812 : i32 to index
        %parallel_loop3A_814 = arith.index_cast %parallel_loop3A_795 : i32 to index
        %parallel_loop3A_815 = arith.constant 16 : index
        %parallel_loop3A_816 = tpu.vector_load %arg10[%parallel_loop3A_813, %parallel_loop3A_814, %parallel_loop3A_815] {strides = array<i32>} : memref<8x32x128xf32, #tpu.memory_space<vmem>>, vector<16xf32>,
        %parallel_loop3A_817 = arith.mulf %parallel_loop3A_811, %parallel_loop3A_816 : vector<16xf32>
        %parallel_loop3A_818 = arith.addf %parallel_loop3A_806, %parallel_loop3A_817 : vector<16xf32>
        %parallel_loop3A_819 = arith.constant 7 : i32
        %parallel_loop3A_820 = arith.index_cast %parallel_loop3A_819 : i32 to index
        %parallel_loop3A_821 = arith.index_cast %parallel_loop3A_795 : i32 to index
        %parallel_loop3A_822 = arith.constant 32 : index
        %parallel_loop3A_823 = tpu.vector_load %arg9[%parallel_loop3A_820, %parallel_loop3A_821, %parallel_loop3A_822] {strides = array<i32>} : memref<8x32x128xf32, #tpu.memory_space<vmem>>, vector<16xf32>,
        %parallel_loop3A_824 = arith.constant 7 : i32
        %parallel_loop3A_825 = arith.index_cast %parallel_loop3A_824 : i32 to index
        %parallel_loop3A_826 = arith.index_cast %parallel_loop3A_795 : i32 to index
        %parallel_loop3A_827 = arith.constant 32 : index
        %parallel_loop3A_828 = tpu.vector_load %arg10[%parallel_loop3A_825, %parallel_loop3A_826, %parallel_loop3A_827] {strides = array<i32>} : memref<8x32x128xf32, #tpu.memory_space<vmem>>, vector<16xf32>,
        %parallel_loop3A_829 = arith.mulf %parallel_loop3A_823, %parallel_loop3A_828 : vector<16xf32>
        %parallel_loop3A_830 = arith.addf %parallel_loop3A_818, %parallel_loop3A_829 : vector<16xf32>
        %parallel_loop3A_831 = arith.constant 7 : i32
        %parallel_loop3A_832 = arith.index_cast %parallel_loop3A_831 : i32 to index
        %parallel_loop3A_833 = arith.index_cast %parallel_loop3A_795 : i32 to index
        %parallel_loop3A_834 = arith.constant 48 : index
        %parallel_loop3A_835 = tpu.vector_load %arg9[%parallel_loop3A_832, %parallel_loop3A_833, %parallel_loop3A_834] {strides = array<i32>} : memref<8x32x128xf32, #tpu.memory_space<vmem>>, vector<16xf32>,
        %parallel_loop3A_836 = arith.constant 7 : i32
        %parallel_loop3A_837 = arith.index_cast %parallel_loop3A_836 : i32 to index
        %parallel_loop3A_838 = arith.index_cast %parallel_loop3A_795 : i32 to index
        %parallel_loop3A_839 = arith.constant 48 : index
        %parallel_loop3A_840 = tpu.vector_load %arg10[%parallel_loop3A_837, %parallel_loop3A_838, %parallel_loop3A_839] {strides = array<i32>} : memref<8x32x128xf32, #tpu.memory_space<vmem>>, vector<16xf32>,
        %parallel_loop3A_841 = arith.mulf %parallel_loop3A_835, %parallel_loop3A_840 : vector<16xf32>
        %parallel_loop3A_842 = arith.addf %parallel_loop3A_830, %parallel_loop3A_841 : vector<16xf32>
        %parallel_loop3A_843 = arith.constant 7 : i32
        %parallel_loop3A_844 = arith.index_cast %parallel_loop3A_843 : i32 to index
        %parallel_loop3A_845 = arith.index_cast %parallel_loop3A_795 : i32 to index
        %parallel_loop3A_846 = arith.constant 64 : index
        %parallel_loop3A_847 = tpu.vector_load %arg9[%parallel_loop3A_844, %parallel_loop3A_845, %parallel_loop3A_846] {strides = array<i32>} : memref<8x32x128xf32, #tpu.memory_space<vmem>>, vector<16xf32>,
        %parallel_loop3A_848 = arith.constant 7 : i32
        %parallel_loop3A_849 = arith.index_cast %parallel_loop3A_848 : i32 to index
        %parallel_loop3A_850 = arith.index_cast %parallel_loop3A_795 : i32 to index
        %parallel_loop3A_851 = arith.constant 64 : index
        %parallel_loop3A_852 = tpu.vector_load %arg10[%parallel_loop3A_849, %parallel_loop3A_850, %parallel_loop3A_851] {strides = array<i32>} : memref<8x32x128xf32, #tpu.memory_space<vmem>>, vector<16xf32>,
        %parallel_loop3A_853 = arith.mulf %parallel_loop3A_847, %parallel_loop3A_852 : vector<16xf32>
        %parallel_loop3A_854 = arith.addf %parallel_loop3A_842, %parallel_loop3A_853 : vector<16xf32>
        %parallel_loop3A_855 = arith.constant 7 : i32
        %parallel_loop3A_856 = arith.index_cast %parallel_loop3A_855 : i32 to index
        %parallel_loop3A_857 = arith.index_cast %parallel_loop3A_795 : i32 to index
        %parallel_loop3A_858 = arith.constant 80 : index
        %parallel_loop3A_859 = tpu.vector_load %arg9[%parallel_loop3A_856, %parallel_loop3A_857, %parallel_loop3A_858] {strides = array<i32>} : memref<8x32x128xf32, #tpu.memory_space<vmem>>, vector<16xf32>,
        %parallel_loop3A_860 = arith.constant 7 : i32
        %parallel_loop3A_861 = arith.index_cast %parallel_loop3A_860 : i32 to index
        %parallel_loop3A_862 = arith.index_cast %parallel_loop3A_795 : i32 to index
        %parallel_loop3A_863 = arith.constant 80 : index
        %parallel_loop3A_864 = tpu.vector_load %arg10[%parallel_loop3A_861, %parallel_loop3A_862, %parallel_loop3A_863] {strides = array<i32>} : memref<8x32x128xf32, #tpu.memory_space<vmem>>, vector<16xf32>,
        %parallel_loop3A_865 = arith.mulf %parallel_loop3A_859, %parallel_loop3A_864 : vector<16xf32>
        %parallel_loop3A_866 = arith.addf %parallel_loop3A_854, %parallel_loop3A_865 : vector<16xf32>
        %parallel_loop3A_867 = arith.constant 7 : i32
        %parallel_loop3A_868 = arith.index_cast %parallel_loop3A_867 : i32 to index
        %parallel_loop3A_869 = arith.index_cast %parallel_loop3A_795 : i32 to index
        %parallel_loop3A_870 = arith.constant 96 : index
        %parallel_loop3A_871 = tpu.vector_load %arg9[%parallel_loop3A_868, %parallel_loop3A_869, %parallel_loop3A_870] {strides = array<i32>} : memref<8x32x128xf32, #tpu.memory_space<vmem>>, vector<16xf32>,
        %parallel_loop3A_872 = arith.constant 7 : i32
        %parallel_loop3A_873 = arith.index_cast %parallel_loop3A_872 : i32 to index
        %parallel_loop3A_874 = arith.index_cast %parallel_loop3A_795 : i32 to index
        %parallel_loop3A_875 = arith.constant 96 : index
        %parallel_loop3A_876 = tpu.vector_load %arg10[%parallel_loop3A_873, %parallel_loop3A_874, %parallel_loop3A_875] {strides = array<i32>} : memref<8x32x128xf32, #tpu.memory_space<vmem>>, vector<16xf32>,
        %parallel_loop3A_877 = arith.mulf %parallel_loop3A_871, %parallel_loop3A_876 : vector<16xf32>
        %parallel_loop3A_878 = arith.addf %parallel_loop3A_866, %parallel_loop3A_877 : vector<16xf32>
        %parallel_loop3A_879 = arith.constant 7 : i32
        %parallel_loop3A_880 = arith.index_cast %parallel_loop3A_879 : i32 to index
        %parallel_loop3A_881 = arith.index_cast %parallel_loop3A_795 : i32 to index
        %parallel_loop3A_882 = arith.constant 112 : index
        %parallel_loop3A_883 = tpu.vector_load %arg9[%parallel_loop3A_880, %parallel_loop3A_881, %parallel_loop3A_882] {strides = array<i32>} : memref<8x32x128xf32, #tpu.memory_space<vmem>>, vector<16xf32>,
        %parallel_loop3A_884 = arith.constant 7 : i32
        %parallel_loop3A_885 = arith.index_cast %parallel_loop3A_884 : i32 to index
        %parallel_loop3A_886 = arith.index_cast %parallel_loop3A_795 : i32 to index
        %parallel_loop3A_887 = arith.constant 112 : index
        %parallel_loop3A_888 = tpu.vector_load %arg10[%parallel_loop3A_885, %parallel_loop3A_886, %parallel_loop3A_887] {strides = array<i32>} : memref<8x32x128xf32, #tpu.memory_space<vmem>>, vector<16xf32>,
        %parallel_loop3A_889 = arith.mulf %parallel_loop3A_883, %parallel_loop3A_888 : vector<16xf32>
        %parallel_loop3A_890 = arith.addf %parallel_loop3A_878, %parallel_loop3A_889 : vector<16xf32>
        %parallel_loop3A_891 = arith.index_cast %parallel_loop3A_795 : i32 to index
        %parallel_loop3A_892 = arith.constant 0 : index
        %parallel_loop3A_893 = tpu.vector_load %arg12[%parallel_loop3A_891, %parallel_loop3A_892] {strides = array<i32>} : memref<32x16xf32, #tpu.memory_space<vmem>>, vector<16xf32>,
        tpu.vector_store %arg12[%parallel_loop3A_891, %parallel_loop3A_892], %parallel_loop3A_890 {strides = array<i32>} : memref<32x16xf32, #tpu.memory_space<vmem>>, vector<16xf32>,
      } {sc.loop_unroll_factor = 1 : i64, sc.parallel_access}
      %parallel_loop3A_774 = arith.constant 0 : i32
      %parallel_loop3A_775 = arith.constant 2 : i32
      %parallel_loop3A_776 = arith.constant 1 : i32
      scf.for %parallel_loop3A_795 = %parallel_loop3A_774 to %parallel_loop3A_775 step %parallel_loop3A_776  : i32 {
        %parallel_loop3A_796 = arith.constant 16 : i32
        %parallel_loop3A_797 = arith.muli %parallel_loop3A_795, %parallel_loop3A_796 : i32
        %parallel_loop3A_798 = arith.constant 0 : i32
        %parallel_loop3A_799 = arith.addi %parallel_loop3A_797, %parallel_loop3A_798 : i32
        %parallel_loop3A_800 = arith.index_cast %parallel_loop3A_799 : i32 to index
        %parallel_loop3A_801 = arith.constant 0 : index
        %parallel_loop3A_802 = tpu.vector_load %arg12[%parallel_loop3A_800, %parallel_loop3A_801] {strides = array<i32>} : memref<32x16xf32, #tpu.memory_space<vmem>>, vector<16xf32>,
        %parallel_loop3A_803 = arith.constant 16 : i32
        %parallel_loop3A_804 = arith.muli %parallel_loop3A_795, %parallel_loop3A_803 : i32
        %parallel_loop3A_805 = arith.constant 8 : i32
        %parallel_loop3A_806 = arith.addi %parallel_loop3A_804, %parallel_loop3A_805 : i32
        %parallel_loop3A_807 = arith.index_cast %parallel_loop3A_806 : i32 to index
        %parallel_loop3A_808 = arith.constant 0 : index
        %parallel_loop3A_809 = tpu.vector_load %arg12[%parallel_loop3A_807, %parallel_loop3A_808] {strides = array<i32>} : memref<32x16xf32, #tpu.memory_space<vmem>>, vector<16xf32>,
        %parallel_loop3A_810 = vector.shape_cast %and3A_52 : vector<16xi32> to vector<16x1xi32>
        %parallel_loop3A_811 = vector.shape_cast %parallel_loop3A_810 : vector<16x1xi32> to vector<16xi32>
        %parallel_loop3A_812 = tpu.dynamic_gather %parallel_loop3A_802[%parallel_loop3A_811] in [0] : vector<16xf32>, vector<16xi32> -> vector<16xf32>
        %parallel_loop3A_813 = arith.addf %parallel_loop3A_802, %parallel_loop3A_812 : vector<16xf32>
        %parallel_loop3A_814 = vector.shape_cast %and3A_52 : vector<16xi32> to vector<16x1xi32>
        %parallel_loop3A_815 = vector.shape_cast %parallel_loop3A_814 : vector<16x1xi32> to vector<16xi32>
        %parallel_loop3A_816 = tpu.dynamic_gather %parallel_loop3A_809[%parallel_loop3A_815] in [0] : vector<16xf32>, vector<16xi32> -> vector<16xf32>
        %parallel_loop3A_817 = arith.addf %parallel_loop3A_809, %parallel_loop3A_816 : vector<16xf32>
        %parallel_loop3A_818 = arith.select %lt3A_75, %parallel_loop3A_813, %parallel_loop3A_817 : vector<16xi1>, vector<16xf32>
        %parallel_loop3A_819 = arith.constant 16 : i32
        %parallel_loop3A_820 = arith.muli %parallel_loop3A_795, %parallel_loop3A_819 : i32
        %parallel_loop3A_821 = arith.constant 4 : i32
        %parallel_loop3A_822 = arith.addi %parallel_loop3A_820, %parallel_loop3A_821 : i32
        %parallel_loop3A_823 = arith.index_cast %parallel_loop3A_822 : i32 to index
        %parallel_loop3A_824 = arith.constant 0 : index
        %parallel_loop3A_825 = tpu.vector_load %arg12[%parallel_loop3A_823, %parallel_loop3A_824] {strides = array<i32>} : memref<32x16xf32, #tpu.memory_space<vmem>>, vector<16xf32>,
        %parallel_loop3A_826 = arith.constant 16 : i32
        %parallel_loop3A_827 = arith.muli %parallel_loop3A_795, %parallel_loop3A_826 : i32
        %parallel_loop3A_828 = arith.constant 12 : i32
        %parallel_loop3A_829 = arith.addi %parallel_loop3A_827, %parallel_loop3A_828 : i32
        %parallel_loop3A_830 = arith.index_cast %parallel_loop3A_829 : i32 to index
        %parallel_loop3A_831 = arith.constant 0 : index
        %parallel_loop3A_832 = tpu.vector_load %arg12[%parallel_loop3A_830, %parallel_loop3A_831] {strides = array<i32>} : memref<32x16xf32, #tpu.memory_space<vmem>>, vector<16xf32>,
        %parallel_loop3A_833 = vector.shape_cast %and3A_52 : vector<16xi32> to vector<16x1xi32>
        %parallel_loop3A_834 = vector.shape_cast %parallel_loop3A_833 : vector<16x1xi32> to vector<16xi32>
        %parallel_loop3A_835 = tpu.dynamic_gather %parallel_loop3A_825[%parallel_loop3A_834] in [0] : vector<16xf32>, vector<16xi32> -> vector<16xf32>
        %parallel_loop3A_836 = arith.addf %parallel_loop3A_825, %parallel_loop3A_835 : vector<16xf32>
        %parallel_loop3A_837 = vector.shape_cast %and3A_52 : vector<16xi32> to vector<16x1xi32>
        %parallel_loop3A_838 = vector.shape_cast %parallel_loop3A_837 : vector<16x1xi32> to vector<16xi32>
        %parallel_loop3A_839 = tpu.dynamic_gather %parallel_loop3A_832[%parallel_loop3A_838] in [0] : vector<16xf32>, vector<16xi32> -> vector<16xf32>
        %parallel_loop3A_840 = arith.addf %parallel_loop3A_832, %parallel_loop3A_839 : vector<16xf32>
        %parallel_loop3A_841 = arith.select %lt3A_75, %parallel_loop3A_836, %parallel_loop3A_840 : vector<16xi1>, vector<16xf32>
        %parallel_loop3A_842 = vector.shape_cast %and3A_46 : vector<16xi32> to vector<16x1xi32>
        %parallel_loop3A_843 = vector.shape_cast %parallel_loop3A_842 : vector<16x1xi32> to vector<16xi32>
        %parallel_loop3A_844 = tpu.dynamic_gather %parallel_loop3A_818[%parallel_loop3A_843] in [0] : vector<16xf32>, vector<16xi32> -> vector<16xf32>
        %parallel_loop3A_845 = arith.addf %parallel_loop3A_818, %parallel_loop3A_844 : vector<16xf32>
        %parallel_loop3A_846 = vector.shape_cast %and3A_58 : vector<16xi32> to vector<16x1xi32>
        %parallel_loop3A_847 = vector.shape_cast %parallel_loop3A_846 : vector<16x1xi32> to vector<16xi32>
        %parallel_loop3A_848 = tpu.dynamic_gather %parallel_loop3A_841[%parallel_loop3A_847] in [0] : vector<16xf32>, vector<16xi32> -> vector<16xf32>
        %parallel_loop3A_849 = arith.addf %parallel_loop3A_841, %parallel_loop3A_848 : vector<16xf32>
        %parallel_loop3A_850 = arith.select %lt3A_81, %parallel_loop3A_845, %parallel_loop3A_849 : vector<16xi1>, vector<16xf32>
        %parallel_loop3A_851 = arith.constant 16 : i32
        %parallel_loop3A_852 = arith.muli %parallel_loop3A_795, %parallel_loop3A_851 : i32
        %parallel_loop3A_853 = arith.constant 2 : i32
        %parallel_loop3A_854 = arith.addi %parallel_loop3A_852, %parallel_loop3A_853 : i32
        %parallel_loop3A_855 = arith.index_cast %parallel_loop3A_854 : i32 to index
        %parallel_loop3A_856 = arith.constant 0 : index
        %parallel_loop3A_857 = tpu.vector_load %arg12[%parallel_loop3A_855, %parallel_loop3A_856] {strides = array<i32>} : memref<32x16xf32, #tpu.memory_space<vmem>>, vector<16xf32>,
        %parallel_loop3A_858 = arith.constant 16 : i32
        %parallel_loop3A_859 = arith.muli %parallel_loop3A_795, %parallel_loop3A_858 : i32
        %parallel_loop3A_860 = arith.constant 10 : i32
        %parallel_loop3A_861 = arith.addi %parallel_loop3A_859, %parallel_loop3A_860 : i32
        %parallel_loop3A_862 = arith.index_cast %parallel_loop3A_861 : i32 to index
        %parallel_loop3A_863 = arith.constant 0 : index
        %parallel_loop3A_864 = tpu.vector_load %arg12[%parallel_loop3A_862, %parallel_loop3A_863] {strides = array<i32>} : memref<32x16xf32, #tpu.memory_space<vmem>>, vector<16xf32>,
        %parallel_loop3A_865 = vector.shape_cast %and3A_52 : vector<16xi32> to vector<16x1xi32>
        %parallel_loop3A_866 = vector.shape_cast %parallel_loop3A_865 : vector<16x1xi32> to vector<16xi32>
        %parallel_loop3A_867 = tpu.dynamic_gather %parallel_loop3A_857[%parallel_loop3A_866] in [0] : vector<16xf32>, vector<16xi32> -> vector<16xf32>
        %parallel_loop3A_868 = arith.addf %parallel_loop3A_857, %parallel_loop3A_867 : vector<16xf32>
        %parallel_loop3A_869 = vector.shape_cast %and3A_52 : vector<16xi32> to vector<16x1xi32>
        %parallel_loop3A_870 = vector.shape_cast %parallel_loop3A_869 : vector<16x1xi32> to vector<16xi32>
        %parallel_loop3A_871 = tpu.dynamic_gather %parallel_loop3A_864[%parallel_loop3A_870] in [0] : vector<16xf32>, vector<16xi32> -> vector<16xf32>
        %parallel_loop3A_872 = arith.addf %parallel_loop3A_864, %parallel_loop3A_871 : vector<16xf32>
        %parallel_loop3A_873 = arith.select %lt3A_75, %parallel_loop3A_868, %parallel_loop3A_872 : vector<16xi1>, vector<16xf32>
        %parallel_loop3A_874 = arith.constant 16 : i32
        %parallel_loop3A_875 = arith.muli %parallel_loop3A_795, %parallel_loop3A_874 : i32
        %parallel_loop3A_876 = arith.constant 6 : i32
        %parallel_loop3A_877 = arith.addi %parallel_loop3A_875, %parallel_loop3A_876 : i32
        %parallel_loop3A_878 = arith.index_cast %parallel_loop3A_877 : i32 to index
        %parallel_loop3A_879 = arith.constant 0 : index
        %parallel_loop3A_880 = tpu.vector_load %arg12[%parallel_loop3A_878, %parallel_loop3A_879] {strides = array<i32>} : memref<32x16xf32, #tpu.memory_space<vmem>>, vector<16xf32>,
        %parallel_loop3A_881 = arith.constant 16 : i32
        %parallel_loop3A_882 = arith.muli %parallel_loop3A_795, %parallel_loop3A_881 : i32
        %parallel_loop3A_883 = arith.constant 14 : i32
        %parallel_loop3A_884 = arith.addi %parallel_loop3A_882, %parallel_loop3A_883 : i32
        %parallel_loop3A_885 = arith.index_cast %parallel_loop3A_884 : i32 to index
        %parallel_loop3A_886 = arith.constant 0 : index
        %parallel_loop3A_887 = tpu.vector_load %arg12[%parallel_loop3A_885, %parallel_loop3A_886] {strides = array<i32>} : memref<32x16xf32, #tpu.memory_space<vmem>>, vector<16xf32>,
        %parallel_loop3A_888 = vector.shape_cast %and3A_52 : vector<16xi32> to vector<16x1xi32>
        %parallel_loop3A_889 = vector.shape_cast %parallel_loop3A_888 : vector<16x1xi32> to vector<16xi32>
        %parallel_loop3A_890 = tpu.dynamic_gather %parallel_loop3A_880[%parallel_loop3A_889] in [0] : vector<16xf32>, vector<16xi32> -> vector<16xf32>
        %parallel_loop3A_891 = arith.addf %parallel_loop3A_880, %parallel_loop3A_890 : vector<16xf32>
        %parallel_loop3A_892 = vector.shape_cast %and3A_52 : vector<16xi32> to vector<16x1xi32>
        %parallel_loop3A_893 = vector.shape_cast %parallel_loop3A_892 : vector<16x1xi32> to vector<16xi32>
        %parallel_loop3A_894 = tpu.dynamic_gather %parallel_loop3A_887[%parallel_loop3A_893] in [0] : vector<16xf32>, vector<16xi32> -> vector<16xf32>
        %parallel_loop3A_895 = arith.addf %parallel_loop3A_887, %parallel_loop3A_894 : vector<16xf32>
        %parallel_loop3A_896 = arith.select %lt3A_75, %parallel_loop3A_891, %parallel_loop3A_895 : vector<16xi1>, vector<16xf32>
        %parallel_loop3A_897 = vector.shape_cast %and3A_46 : vector<16xi32> to vector<16x1xi32>
        %parallel_loop3A_898 = vector.shape_cast %parallel_loop3A_897 : vector<16x1xi32> to vector<16xi32>
        %parallel_loop3A_899 = tpu.dynamic_gather %parallel_loop3A_873[%parallel_loop3A_898] in [0] : vector<16xf32>, vector<16xi32> -> vector<16xf32>
        %parallel_loop3A_900 = arith.addf %parallel_loop3A_873, %parallel_loop3A_899 : vector<16xf32>
        %parallel_loop3A_901 = vector.shape_cast %and3A_58 : vector<16xi32> to vector<16x1xi32>
        %parallel_loop3A_902 = vector.shape_cast %parallel_loop3A_901 : vector<16x1xi32> to vector<16xi32>
        %parallel_loop3A_903 = tpu.dynamic_gather %parallel_loop3A_896[%parallel_loop3A_902] in [0] : vector<16xf32>, vector<16xi32> -> vector<16xf32>
        %parallel_loop3A_904 = arith.addf %parallel_loop3A_896, %parallel_loop3A_903 : vector<16xf32>
        %parallel_loop3A_905 = arith.select %lt3A_81, %parallel_loop3A_900, %parallel_loop3A_904 : vector<16xi1>, vector<16xf32>
        %parallel_loop3A_906 = vector.shape_cast %and3A_40 : vector<16xi32> to vector<16x1xi32>
        %parallel_loop3A_907 = vector.shape_cast %parallel_loop3A_906 : vector<16x1xi32> to vector<16xi32>
        %parallel_loop3A_908 = tpu.dynamic_gather %parallel_loop3A_850[%parallel_loop3A_907] in [0] : vector<16xf32>, vector<16xi32> -> vector<16xf32>
        %parallel_loop3A_909 = arith.addf %parallel_loop3A_850, %parallel_loop3A_908 : vector<16xf32>
        %parallel_loop3A_910 = vector.shape_cast %and3A_64 : vector<16xi32> to vector<16x1xi32>
        %parallel_loop3A_911 = vector.shape_cast %parallel_loop3A_910 : vector<16x1xi32> to vector<16xi32>
        %parallel_loop3A_912 = tpu.dynamic_gather %parallel_loop3A_905[%parallel_loop3A_911] in [0] : vector<16xf32>, vector<16xi32> -> vector<16xf32>
        %parallel_loop3A_913 = arith.addf %parallel_loop3A_905, %parallel_loop3A_912 : vector<16xf32>
        %parallel_loop3A_914 = arith.select %lt3A_87, %parallel_loop3A_909, %parallel_loop3A_913 : vector<16xi1>, vector<16xf32>
        %parallel_loop3A_915 = arith.constant 16 : i32
        %parallel_loop3A_916 = arith.muli %parallel_loop3A_795, %parallel_loop3A_915 : i32
        %parallel_loop3A_917 = arith.constant 1 : i32
        %parallel_loop3A_918 = arith.addi %parallel_loop3A_916, %parallel_loop3A_917 : i32
        %parallel_loop3A_919 = arith.index_cast %parallel_loop3A_918 : i32 to index
        %parallel_loop3A_920 = arith.constant 0 : index
        %parallel_loop3A_921 = tpu.vector_load %arg12[%parallel_loop3A_919, %parallel_loop3A_920] {strides = array<i32>} : memref<32x16xf32, #tpu.memory_space<vmem>>, vector<16xf32>,
        %parallel_loop3A_922 = arith.constant 16 : i32
        %parallel_loop3A_923 = arith.muli %parallel_loop3A_795, %parallel_loop3A_922 : i32
        %parallel_loop3A_924 = arith.constant 9 : i32
        %parallel_loop3A_925 = arith.addi %parallel_loop3A_923, %parallel_loop3A_924 : i32
        %parallel_loop3A_926 = arith.index_cast %parallel_loop3A_925 : i32 to index
        %parallel_loop3A_927 = arith.constant 0 : index
        %parallel_loop3A_928 = tpu.vector_load %arg12[%parallel_loop3A_926, %parallel_loop3A_927] {strides = array<i32>} : memref<32x16xf32, #tpu.memory_space<vmem>>, vector<16xf32>,
        %parallel_loop3A_929 = vector.shape_cast %and3A_52 : vector<16xi32> to vector<16x1xi32>
        %parallel_loop3A_930 = vector.shape_cast %parallel_loop3A_929 : vector<16x1xi32> to vector<16xi32>
        %parallel_loop3A_931 = tpu.dynamic_gather %parallel_loop3A_921[%parallel_loop3A_930] in [0] : vector<16xf32>, vector<16xi32> -> vector<16xf32>
        %parallel_loop3A_932 = arith.addf %parallel_loop3A_921, %parallel_loop3A_931 : vector<16xf32>
        %parallel_loop3A_933 = vector.shape_cast %and3A_52 : vector<16xi32> to vector<16x1xi32>
        %parallel_loop3A_934 = vector.shape_cast %parallel_loop3A_933 : vector<16x1xi32> to vector<16xi32>
        %parallel_loop3A_935 = tpu.dynamic_gather %parallel_loop3A_928[%parallel_loop3A_934] in [0] : vector<16xf32>, vector<16xi32> -> vector<16xf32>
        %parallel_loop3A_936 = arith.addf %parallel_loop3A_928, %parallel_loop3A_935 : vector<16xf32>
        %parallel_loop3A_937 = arith.select %lt3A_75, %parallel_loop3A_932, %parallel_loop3A_936 : vector<16xi1>, vector<16xf32>
        %parallel_loop3A_938 = arith.constant 16 : i32
        %parallel_loop3A_939 = arith.muli %parallel_loop3A_795, %parallel_loop3A_938 : i32
        %parallel_loop3A_940 = arith.constant 5 : i32
        %parallel_loop3A_941 = arith.addi %parallel_loop3A_939, %parallel_loop3A_940 : i32
        %parallel_loop3A_942 = arith.index_cast %parallel_loop3A_941 : i32 to index
        %parallel_loop3A_943 = arith.constant 0 : index
        %parallel_loop3A_944 = tpu.vector_load %arg12[%parallel_loop3A_942, %parallel_loop3A_943] {strides = array<i32>} : memref<32x16xf32, #tpu.memory_space<vmem>>, vector<16xf32>,
        %parallel_loop3A_945 = arith.constant 16 : i32
        %parallel_loop3A_946 = arith.muli %parallel_loop3A_795, %parallel_loop3A_945 : i32
        %parallel_loop3A_947 = arith.constant 13 : i32
        %parallel_loop3A_948 = arith.addi %parallel_loop3A_946, %parallel_loop3A_947 : i32
        %parallel_loop3A_949 = arith.index_cast %parallel_loop3A_948 : i32 to index
        %parallel_loop3A_950 = arith.constant 0 : index
        %parallel_loop3A_951 = tpu.vector_load %arg12[%parallel_loop3A_949, %parallel_loop3A_950] {strides = array<i32>} : memref<32x16xf32, #tpu.memory_space<vmem>>, vector<16xf32>,
        %parallel_loop3A_952 = vector.shape_cast %and3A_52 : vector<16xi32> to vector<16x1xi32>
        %parallel_loop3A_953 = vector.shape_cast %parallel_loop3A_952 : vector<16x1xi32> to vector<16xi32>
        %parallel_loop3A_954 = tpu.dynamic_gather %parallel_loop3A_944[%parallel_loop3A_953] in [0] : vector<16xf32>, vector<16xi32> -> vector<16xf32>
        %parallel_loop3A_955 = arith.addf %parallel_loop3A_944, %parallel_loop3A_954 : vector<16xf32>
        %parallel_loop3A_956 = vector.shape_cast %and3A_52 : vector<16xi32> to vector<16x1xi32>
        %parallel_loop3A_957 = vector.shape_cast %parallel_loop3A_956 : vector<16x1xi32> to vector<16xi32>
        %parallel_loop3A_958 = tpu.dynamic_gather %parallel_loop3A_951[%parallel_loop3A_957] in [0] : vector<16xf32>, vector<16xi32> -> vector<16xf32>
        %parallel_loop3A_959 = arith.addf %parallel_loop3A_951, %parallel_loop3A_958 : vector<16xf32>
        %parallel_loop3A_960 = arith.select %lt3A_75, %parallel_loop3A_955, %parallel_loop3A_959 : vector<16xi1>, vector<16xf32>
        %parallel_loop3A_961 = vector.shape_cast %and3A_46 : vector<16xi32> to vector<16x1xi32>
        %parallel_loop3A_962 = vector.shape_cast %parallel_loop3A_961 : vector<16x1xi32> to vector<16xi32>
        %parallel_loop3A_963 = tpu.dynamic_gather %parallel_loop3A_937[%parallel_loop3A_962] in [0] : vector<16xf32>, vector<16xi32> -> vector<16xf32>
        %parallel_loop3A_964 = arith.addf %parallel_loop3A_937, %parallel_loop3A_963 : vector<16xf32>
        %parallel_loop3A_965 = vector.shape_cast %and3A_58 : vector<16xi32> to vector<16x1xi32>
        %parallel_loop3A_966 = vector.shape_cast %parallel_loop3A_965 : vector<16x1xi32> to vector<16xi32>
        %parallel_loop3A_967 = tpu.dynamic_gather %parallel_loop3A_960[%parallel_loop3A_966] in [0] : vector<16xf32>, vector<16xi32> -> vector<16xf32>
        %parallel_loop3A_968 = arith.addf %parallel_loop3A_960, %parallel_loop3A_967 : vector<16xf32>
        %parallel_loop3A_969 = arith.select %lt3A_81, %parallel_loop3A_964, %parallel_loop3A_968 : vector<16xi1>, vector<16xf32>
        %parallel_loop3A_970 = arith.constant 16 : i32
        %parallel_loop3A_971 = arith.muli %parallel_loop3A_795, %parallel_loop3A_970 : i32
        %parallel_loop3A_972 = arith.constant 3 : i32
        %parallel_loop3A_973 = arith.addi %parallel_loop3A_971, %parallel_loop3A_972 : i32
        %parallel_loop3A_974 = arith.index_cast %parallel_loop3A_973 : i32 to index
        %parallel_loop3A_975 = arith.constant 0 : index
        %parallel_loop3A_976 = tpu.vector_load %arg12[%parallel_loop3A_974, %parallel_loop3A_975] {strides = array<i32>} : memref<32x16xf32, #tpu.memory_space<vmem>>, vector<16xf32>,
        %parallel_loop3A_977 = arith.constant 16 : i32
        %parallel_loop3A_978 = arith.muli %parallel_loop3A_795, %parallel_loop3A_977 : i32
        %parallel_loop3A_979 = arith.constant 11 : i32
        %parallel_loop3A_980 = arith.addi %parallel_loop3A_978, %parallel_loop3A_979 : i32
        %parallel_loop3A_981 = arith.index_cast %parallel_loop3A_980 : i32 to index
        %parallel_loop3A_982 = arith.constant 0 : index
        %parallel_loop3A_983 = tpu.vector_load %arg12[%parallel_loop3A_981, %parallel_loop3A_982] {strides = array<i32>} : memref<32x16xf32, #tpu.memory_space<vmem>>, vector<16xf32>,
        %parallel_loop3A_984 = vector.shape_cast %and3A_52 : vector<16xi32> to vector<16x1xi32>
        %parallel_loop3A_985 = vector.shape_cast %parallel_loop3A_984 : vector<16x1xi32> to vector<16xi32>
        %parallel_loop3A_986 = tpu.dynamic_gather %parallel_loop3A_976[%parallel_loop3A_985] in [0] : vector<16xf32>, vector<16xi32> -> vector<16xf32>
        %parallel_loop3A_987 = arith.addf %parallel_loop3A_976, %parallel_loop3A_986 : vector<16xf32>
        %parallel_loop3A_988 = vector.shape_cast %and3A_52 : vector<16xi32> to vector<16x1xi32>
        %parallel_loop3A_989 = vector.shape_cast %parallel_loop3A_988 : vector<16x1xi32> to vector<16xi32>
        %parallel_loop3A_990 = tpu.dynamic_gather %parallel_loop3A_983[%parallel_loop3A_989] in [0] : vector<16xf32>, vector<16xi32> -> vector<16xf32>
        %parallel_loop3A_991 = arith.addf %parallel_loop3A_983, %parallel_loop3A_990 : vector<16xf32>
        %parallel_loop3A_992 = arith.select %lt3A_75, %parallel_loop3A_987, %parallel_loop3A_991 : vector<16xi1>, vector<16xf32>
        %parallel_loop3A_993 = arith.constant 16 : i32
        %parallel_loop3A_994 = arith.muli %parallel_loop3A_795, %parallel_loop3A_993 : i32
        %parallel_loop3A_995 = arith.constant 7 : i32
        %parallel_loop3A_996 = arith.addi %parallel_loop3A_994, %parallel_loop3A_995 : i32
        %parallel_loop3A_997 = arith.index_cast %parallel_loop3A_996 : i32 to index
        %parallel_loop3A_998 = arith.constant 0 : index
        %parallel_loop3A_999 = tpu.vector_load %arg12[%parallel_loop3A_997, %parallel_loop3A_998] {strides = array<i32>} : memref<32x16xf32, #tpu.memory_space<vmem>>, vector<16xf32>,
        %parallel_loop3A_1000 = arith.constant 16 : i32
        %parallel_loop3A_1001 = arith.muli %parallel_loop3A_795, %parallel_loop3A_1000 : i32
        %parallel_loop3A_1002 = arith.constant 15 : i32
        %parallel_loop3A_1003 = arith.addi %parallel_loop3A_1001, %parallel_loop3A_1002 : i32
        %parallel_loop3A_1004 = arith.index_cast %parallel_loop3A_1003 : i32 to index
        %parallel_loop3A_1005 = arith.constant 0 : index
        %parallel_loop3A_1006 = tpu.vector_load %arg12[%parallel_loop3A_1004, %parallel_loop3A_1005] {strides = array<i32>} : memref<32x16xf32, #tpu.memory_space<vmem>>, vector<16xf32>,
        %parallel_loop3A_1007 = vector.shape_cast %and3A_52 : vector<16xi32> to vector<16x1xi32>
        %parallel_loop3A_1008 = vector.shape_cast %parallel_loop3A_1007 : vector<16x1xi32> to vector<16xi32>
        %parallel_loop3A_1009 = tpu.dynamic_gather %parallel_loop3A_999[%parallel_loop3A_1008] in [0] : vector<16xf32>, vector<16xi32> -> vector<16xf32>
        %parallel_loop3A_1010 = arith.addf %parallel_loop3A_999, %parallel_loop3A_1009 : vector<16xf32>
        %parallel_loop3A_1011 = vector.shape_cast %and3A_52 : vector<16xi32> to vector<16x1xi32>
        %parallel_loop3A_1012 = vector.shape_cast %parallel_loop3A_1011 : vector<16x1xi32> to vector<16xi32>
        %parallel_loop3A_1013 = tpu.dynamic_gather %parallel_loop3A_1006[%parallel_loop3A_1012] in [0] : vector<16xf32>, vector<16xi32> -> vector<16xf32>
        %parallel_loop3A_1014 = arith.addf %parallel_loop3A_1006, %parallel_loop3A_1013 : vector<16xf32>
        %parallel_loop3A_1015 = arith.select %lt3A_75, %parallel_loop3A_1010, %parallel_loop3A_1014 : vector<16xi1>, vector<16xf32>
        %parallel_loop3A_1016 = vector.shape_cast %and3A_46 : vector<16xi32> to vector<16x1xi32>
        %parallel_loop3A_1017 = vector.shape_cast %parallel_loop3A_1016 : vector<16x1xi32> to vector<16xi32>
        %parallel_loop3A_1018 = tpu.dynamic_gather %parallel_loop3A_992[%parallel_loop3A_1017] in [0] : vector<16xf32>, vector<16xi32> -> vector<16xf32>
        %parallel_loop3A_1019 = arith.addf %parallel_loop3A_992, %parallel_loop3A_1018 : vector<16xf32>
        %parallel_loop3A_1020 = vector.shape_cast %and3A_58 : vector<16xi32> to vector<16x1xi32>
        %parallel_loop3A_1021 = vector.shape_cast %parallel_loop3A_1020 : vector<16x1xi32> to vector<16xi32>
        %parallel_loop3A_1022 = tpu.dynamic_gather %parallel_loop3A_1015[%parallel_loop3A_1021] in [0] : vector<16xf32>, vector<16xi32> -> vector<16xf32>
        %parallel_loop3A_1023 = arith.addf %parallel_loop3A_1015, %parallel_loop3A_1022 : vector<16xf32>
        %parallel_loop3A_1024 = arith.select %lt3A_81, %parallel_loop3A_1019, %parallel_loop3A_1023 : vector<16xi1>, vector<16xf32>
        %parallel_loop3A_1025 = vector.shape_cast %and3A_40 : vector<16xi32> to vector<16x1xi32>
        %parallel_loop3A_1026 = vector.shape_cast %parallel_loop3A_1025 : vector<16x1xi32> to vector<16xi32>
        %parallel_loop3A_1027 = tpu.dynamic_gather %parallel_loop3A_969[%parallel_loop3A_1026] in [0] : vector<16xf32>, vector<16xi32> -> vector<16xf32>
        %parallel_loop3A_1028 = arith.addf %parallel_loop3A_969, %parallel_loop3A_1027 : vector<16xf32>
        %parallel_loop3A_1029 = vector.shape_cast %and3A_64 : vector<16xi32> to vector<16x1xi32>
        %parallel_loop3A_1030 = vector.shape_cast %parallel_loop3A_1029 : vector<16x1xi32> to vector<16xi32>
        %parallel_loop3A_1031 = tpu.dynamic_gather %parallel_loop3A_1024[%parallel_loop3A_1030] in [0] : vector<16xf32>, vector<16xi32> -> vector<16xf32>
        %parallel_loop3A_1032 = arith.addf %parallel_loop3A_1024, %parallel_loop3A_1031 : vector<16xf32>
        %parallel_loop3A_1033 = arith.select %lt3A_87, %parallel_loop3A_1028, %parallel_loop3A_1032 : vector<16xi1>, vector<16xf32>
        %parallel_loop3A_1034 = vector.shape_cast %and3A_34 : vector<16xi32> to vector<16x1xi32>
        %parallel_loop3A_1035 = vector.shape_cast %parallel_loop3A_1034 : vector<16x1xi32> to vector<16xi32>
        %parallel_loop3A_1036 = tpu.dynamic_gather %parallel_loop3A_914[%parallel_loop3A_1035] in [0] : vector<16xf32>, vector<16xi32> -> vector<16xf32>
        %parallel_loop3A_1037 = arith.addf %parallel_loop3A_914, %parallel_loop3A_1036 : vector<16xf32>
        %parallel_loop3A_1038 = vector.shape_cast %and3A_70 : vector<16xi32> to vector<16x1xi32>
        %parallel_loop3A_1039 = vector.shape_cast %parallel_loop3A_1038 : vector<16x1xi32> to vector<16xi32>
        %parallel_loop3A_1040 = tpu.dynamic_gather %parallel_loop3A_1033[%parallel_loop3A_1039] in [0] : vector<16xf32>, vector<16xi32> -> vector<16xf32>
        %parallel_loop3A_1041 = arith.addf %parallel_loop3A_1033, %parallel_loop3A_1040 : vector<16xf32>
        %parallel_loop3A_1042 = arith.select %lt3A_93, %parallel_loop3A_1037, %parallel_loop3A_1041 : vector<16xi1>, vector<16xf32>
        %parallel_loop3A_1043 = arith.constant 32 : i32
        %parallel_loop3A_1044 = arith.muli %add3A_750, %parallel_loop3A_1043 : i32
        %parallel_loop3A_1045 = arith.constant 16 : i32
        %parallel_loop3A_1046 = arith.muli %parallel_loop3A_795, %parallel_loop3A_1045 : i32
        %parallel_loop3A_1047 = arith.addi %parallel_loop3A_1044, %parallel_loop3A_1046 : i32
        %parallel_loop3A_1048 = arith.index_cast %parallel_loop3A_1047 : i32 to index
        %parallel_loop3A_1049 = tpu.vector_load %arg11[%parallel_loop3A_1048] {strides = array<i32>} : memref<512xf32, #tpu.memory_space<vmem>>, vector<16xf32>,
        tpu.vector_store %arg11[%parallel_loop3A_1048], %parallel_loop3A_1042 {strides = array<i32>} : memref<512xf32, #tpu.memory_space<vmem>>, vector<16xf32>,
      } {sc.loop_unroll_factor = 1 : i64, sc.parallel_access}
      %mul3A_777 = arith.constant 32 : i32
      %mul3A_778 = arith.muli %add3A_750, %mul3A_777 : i32
      %mul3A_779 = arith.constant 512 : i32
      %mul3A_780 = arith.muli %add3A, %mul3A_779 : i32
      %mul3A_781 = arith.constant 32 : i32
      %mul3A_782 = arith.muli %add3A_750, %mul3A_781 : i32
      %add3A_783 = arith.addi %mul3A_780, %mul3A_782 : i32
      %dma_start3A_784 = tpu.memref_slice %arg11[%mul3A_778] : memref<512xf32, #tpu.memory_space<vmem>> -> memref<32xf32, #tpu.memory_space<vmem>>
      %dma_start3A_785 = tpu.memref_slice %arg6[%add3A_783] : memref<16384xf32, #tpu.memory_space<hbm>> -> memref<32xf32, #tpu.memory_space<hbm>>
      %dma_start3A_786 = tpu.memref_slice %arg6[%add3A_783] : memref<16384xf32, #tpu.memory_space<hbm>> -> memref<32xf32, #tpu.memory_space<hbm>>
      %dma_start3A_787 = tpu.memref_slice %arg11[%mul3A_778] : memref<512xf32, #tpu.memory_space<vmem>> -> memref<32xf32, #tpu.memory_space<vmem>>
      tpu.enqueue_dma source(%dma_start3A_787 : memref<32xf32, #tpu.memory_space<vmem>>) target(%dma_start3A_786 : memref<32xf32, #tpu.memory_space<hbm>>) target_semaphore(%arg29 : memref<!tpu.dma_semaphore, #tpu.memory_space<semaphore_mem>>)
      %add3A_788 = arith.constant 8 : i32
      %add3A_789 = arith.addi %add3A_750, %add3A_788 : i32
      %lt3A_790 = arith.constant 16 : i32
      %lt3A_791 = arith.cmpi slt, %add3A_789, %lt3A_790 : i32
      %convert_element_type3A_792 = arith.extui %lt3A_791 : i1 to i32
      %cond3A_793 = arith.constant 0 : i32
      %cond3A_794 = arith.cmpi ne, %convert_element_type3A_792, %cond3A_793 : i32
      scf.if %cond3A_794 {
        %mul3A_795 = arith.constant 32 : i32
        %mul3A_796 = arith.muli %add3A_789, %mul3A_795 : i32
        %dma_start3A_797 = arith.constant 7 : i32
        %dma_start3A_798 = arith.constant 0 : i32
        %dma_start3A_799 = arith.constant 0 : i32
        %dma_start3A_800 = tpu.memref_slice %arg9[%dma_start3A_797, %dma_start3A_798, %dma_start3A_799] : memref<8x32x128xf32, #tpu.memory_space<vmem>> -> memref<1x32x128xf32, #tpu.memory_space<vmem>>
        %dma_start3A_801 = tpu.memref_squeeze %dma_start3A_800 : memref<1x32x128xf32, #tpu.memory_space<vmem>> -> memref<32x128xf32, #tpu.memory_space<vmem>>
        %dma_start3A_802 = tpu.memref_slice %arg7[%mul3A_796] : memref<512xi32, #tpu.memory_space<vmem>> -> memref<32xi32, #tpu.memory_space<vmem>>
        %dma_start3A_803 = arith.constant 0 : i32
        %dma_start3A_804 = arith.constant 0 : i32
        %dma_start3A_805 = tpu.memref_slice %arg4[%dma_start3A_803, %dma_start3A_804] : memref<1000000x128xf32, #tpu.memory_space<hbm>> -> memref<1000000x128xf32, #tpu.memory_space<hbm>>
        tpu.enqueue_indirect_dma source(%dma_start3A_805 : memref<1000000x128xf32, #tpu.memory_space<hbm>>) target(%dma_start3A_801 : memref<32x128xf32, #tpu.memory_space<vmem>>) offsets(%dma_start3A_802 : memref<32xi32, #tpu.memory_space<vmem>>) semaphore(%arg27 : memref<!tpu.dma_semaphore, #tpu.memory_space<semaphore_mem>>)
        %dma_start3A_806 = arith.constant 7 : i32
        %dma_start3A_807 = arith.constant 0 : i32
        %dma_start3A_808 = arith.constant 0 : i32
        %dma_start3A_809 = tpu.memref_slice %arg10[%dma_start3A_806, %dma_start3A_807, %dma_start3A_808] : memref<8x32x128xf32, #tpu.memory_space<vmem>> -> memref<1x32x128xf32, #tpu.memory_space<vmem>>
        %dma_start3A_810 = tpu.memref_squeeze %dma_start3A_809 : memref<1x32x128xf32, #tpu.memory_space<vmem>> -> memref<32x128xf32, #tpu.memory_space<vmem>>
        %dma_start3A_811 = tpu.memref_slice %arg8[%mul3A_796] : memref<512xi32, #tpu.memory_space<vmem>> -> memref<32xi32, #tpu.memory_space<vmem>>
        %dma_start3A_812 = arith.constant 0 : i32
        %dma_start3A_813 = arith.constant 0 : i32
        %dma_start3A_814 = tpu.memref_slice %arg5[%dma_start3A_812, %dma_start3A_813] : memref<1000000x128xf32, #tpu.memory_space<hbm>> -> memref<1000000x128xf32, #tpu.memory_space<hbm>>
        tpu.enqueue_indirect_dma source(%dma_start3A_814 : memref<1000000x128xf32, #tpu.memory_space<hbm>>) target(%dma_start3A_810 : memref<32x128xf32, #tpu.memory_space<vmem>>) offsets(%dma_start3A_811 : memref<32xi32, #tpu.memory_space<vmem>>) semaphore(%arg28 : memref<!tpu.dma_semaphore, #tpu.memory_space<semaphore_mem>>)
      } else {
      }
    }
    %scan3A_280 = arith.constant 2 : i32
    %mul3A_281 = arith.constant 512 : i32
    %mul3A_282 = arith.muli %add3A, %mul3A_281 : i32
    %dma_wait3A_283 = arith.constant 0 : i32
    %dma_wait3A_284 = tpu.memref_slice %arg11[%dma_wait3A_283] : memref<512xf32, #tpu.memory_space<vmem>> -> memref<32xf32, #tpu.memory_space<vmem>>
    %dma_wait3A_285 = tpu.memref_slice %arg6[%mul3A_282] : memref<16384xf32, #tpu.memory_space<hbm>> -> memref<32xf32, #tpu.memory_space<hbm>>
    %dma_wait3A_286 = tpu.memref_slice %arg6[%mul3A_282] : memref<16384xf32, #tpu.memory_space<hbm>> -> memref<32xf32, #tpu.memory_space<hbm>>
    %dma_wait3A_287 = arith.constant 0 : i32
    %dma_wait3A_288 = tpu.memref_slice %arg11[%dma_wait3A_287] : memref<512xf32, #tpu.memory_space<vmem>> -> memref<32xf32, #tpu.memory_space<vmem>>
    tpu.wait_dma2 semaphore(%arg29 : memref<!tpu.dma_semaphore, #tpu.memory_space<semaphore_mem>>) src(%dma_wait3A_288 : memref<32xf32, #tpu.memory_space<vmem>>) dst(%dma_wait3A_286 : memref<32xf32, #tpu.memory_space<hbm>>)
    %mul3A_289 = arith.constant 512 : i32
    %mul3A_290 = arith.muli %add3A, %mul3A_289 : i32
    %dma_wait3A_291 = arith.constant 0 : i32
    %dma_wait3A_292 = tpu.memref_slice %arg11[%dma_wait3A_291] : memref<512xf32, #tpu.memory_space<vmem>> -> memref<32xf32, #tpu.memory_space<vmem>>
    %dma_wait3A_293 = tpu.memref_slice %arg6[%mul3A_290] : memref<16384xf32, #tpu.memory_space<hbm>> -> memref<32xf32, #tpu.memory_space<hbm>>
    %dma_wait3A_294 = tpu.memref_slice %arg6[%mul3A_290] : memref<16384xf32, #tpu.memory_space<hbm>> -> memref<32xf32, #tpu.memory_space<hbm>>
    %dma_wait3A_295 = arith.constant 0 : i32
    %dma_wait3A_296 = tpu.memref_slice %arg11[%dma_wait3A_295] : memref<512xf32, #tpu.memory_space<vmem>> -> memref<32xf32, #tpu.memory_space<vmem>>
    tpu.wait_dma2 semaphore(%arg29 : memref<!tpu.dma_semaphore, #tpu.memory_space<semaphore_mem>>) src(%dma_wait3A_296 : memref<32xf32, #tpu.memory_space<vmem>>) dst(%dma_wait3A_294 : memref<32xf32, #tpu.memory_space<hbm>>)
    %mul3A_297 = arith.constant 512 : i32
    %mul3A_298 = arith.muli %add3A, %mul3A_297 : i32
    %dma_wait3A_299 = arith.constant 0 : i32
    %dma_wait3A_300 = tpu.memref_slice %arg11[%dma_wait3A_299] : memref<512xf32, #tpu.memory_space<vmem>> -> memref<32xf32, #tpu.memory_space<vmem>>
    %dma_wait3A_301 = tpu.memref_slice %arg6[%mul3A_298] : memref<16384xf32, #tpu.memory_space<hbm>> -> memref<32xf32, #tpu.memory_space<hbm>>
    %dma_wait3A_302 = tpu.memref_slice %arg6[%mul3A_298] : memref<16384xf32, #tpu.memory_space<hbm>> -> memref<32xf32, #tpu.memory_space<hbm>>
    %dma_wait3A_303 = arith.constant 0 : i32
    %dma_wait3A_304 = tpu.memref_slice %arg11[%dma_wait3A_303] : memref<512xf32, #tpu.memory_space<vmem>> -> memref<32xf32, #tpu.memory_space<vmem>>
    tpu.wait_dma2 semaphore(%arg29 : memref<!tpu.dma_semaphore, #tpu.memory_space<semaphore_mem>>) src(%dma_wait3A_304 : memref<32xf32, #tpu.memory_space<vmem>>) dst(%dma_wait3A_302 : memref<32xf32, #tpu.memory_space<hbm>>)
    %mul3A_305 = arith.constant 512 : i32
    %mul3A_306 = arith.muli %add3A, %mul3A_305 : i32
    %dma_wait3A_307 = arith.constant 0 : i32
    %dma_wait3A_308 = tpu.memref_slice %arg11[%dma_wait3A_307] : memref<512xf32, #tpu.memory_space<vmem>> -> memref<32xf32, #tpu.memory_space<vmem>>
    %dma_wait3A_309 = tpu.memref_slice %arg6[%mul3A_306] : memref<16384xf32, #tpu.memory_space<hbm>> -> memref<32xf32, #tpu.memory_space<hbm>>
    %dma_wait3A_310 = tpu.memref_slice %arg6[%mul3A_306] : memref<16384xf32, #tpu.memory_space<hbm>> -> memref<32xf32, #tpu.memory_space<hbm>>
    %dma_wait3A_311 = arith.constant 0 : i32
    %dma_wait3A_312 = tpu.memref_slice %arg11[%dma_wait3A_311] : memref<512xf32, #tpu.memory_space<vmem>> -> memref<32xf32, #tpu.memory_space<vmem>>
    tpu.wait_dma2 semaphore(%arg29 : memref<!tpu.dma_semaphore, #tpu.memory_space<semaphore_mem>>) src(%dma_wait3A_312 : memref<32xf32, #tpu.memory_space<vmem>>) dst(%dma_wait3A_310 : memref<32xf32, #tpu.memory_space<hbm>>)
    %mul3A_313 = arith.constant 512 : i32
    %mul3A_314 = arith.muli %add3A, %mul3A_313 : i32
    %dma_wait3A_315 = arith.constant 0 : i32
    %dma_wait3A_316 = tpu.memref_slice %arg11[%dma_wait3A_315] : memref<512xf32, #tpu.memory_space<vmem>> -> memref<32xf32, #tpu.memory_space<vmem>>
    %dma_wait3A_317 = tpu.memref_slice %arg6[%mul3A_314] : memref<16384xf32, #tpu.memory_space<hbm>> -> memref<32xf32, #tpu.memory_space<hbm>>
    %dma_wait3A_318 = tpu.memref_slice %arg6[%mul3A_314] : memref<16384xf32, #tpu.memory_space<hbm>> -> memref<32xf32, #tpu.memory_space<hbm>>
    %dma_wait3A_319 = arith.constant 0 : i32
    %dma_wait3A_320 = tpu.memref_slice %arg11[%dma_wait3A_319] : memref<512xf32, #tpu.memory_space<vmem>> -> memref<32xf32, #tpu.memory_space<vmem>>
    tpu.wait_dma2 semaphore(%arg29 : memref<!tpu.dma_semaphore, #tpu.memory_space<semaphore_mem>>) src(%dma_wait3A_320 : memref<32xf32, #tpu.memory_space<vmem>>) dst(%dma_wait3A_318 : memref<32xf32, #tpu.memory_space<hbm>>)
    %mul3A_321 = arith.constant 512 : i32
    %mul3A_322 = arith.muli %add3A, %mul3A_321 : i32
    %dma_wait3A_323 = arith.constant 0 : i32
    %dma_wait3A_324 = tpu.memref_slice %arg11[%dma_wait3A_323] : memref<512xf32, #tpu.memory_space<vmem>> -> memref<32xf32, #tpu.memory_space<vmem>>
    %dma_wait3A_325 = tpu.memref_slice %arg6[%mul3A_322] : memref<16384xf32, #tpu.memory_space<hbm>> -> memref<32xf32, #tpu.memory_space<hbm>>
    %dma_wait3A_326 = tpu.memref_slice %arg6[%mul3A_322] : memref<16384xf32, #tpu.memory_space<hbm>> -> memref<32xf32, #tpu.memory_space<hbm>>
    %dma_wait3A_327 = arith.constant 0 : i32
    %dma_wait3A_328 = tpu.memref_slice %arg11[%dma_wait3A_327] : memref<512xf32, #tpu.memory_space<vmem>> -> memref<32xf32, #tpu.memory_space<vmem>>
    tpu.wait_dma2 semaphore(%arg29 : memref<!tpu.dma_semaphore, #tpu.memory_space<semaphore_mem>>) src(%dma_wait3A_328 : memref<32xf32, #tpu.memory_space<vmem>>) dst(%dma_wait3A_326 : memref<32xf32, #tpu.memory_space<hbm>>)
    %mul3A_329 = arith.constant 512 : i32
    %mul3A_330 = arith.muli %add3A, %mul3A_329 : i32
    %dma_wait3A_331 = arith.constant 0 : i32
    %dma_wait3A_332 = tpu.memref_slice %arg11[%dma_wait3A_331] : memref<512xf32, #tpu.memory_space<vmem>> -> memref<32xf32, #tpu.memory_space<vmem>>
    %dma_wait3A_333 = tpu.memref_slice %arg6[%mul3A_330] : memref<16384xf32, #tpu.memory_space<hbm>> -> memref<32xf32, #tpu.memory_space<hbm>>
    %dma_wait3A_334 = tpu.memref_slice %arg6[%mul3A_330] : memref<16384xf32, #tpu.memory_space<hbm>> -> memref<32xf32, #tpu.memory_space<hbm>>
    %dma_wait3A_335 = arith.constant 0 : i32
    %dma_wait3A_336 = tpu.memref_slice %arg11[%dma_wait3A_335] : memref<512xf32, #tpu.memory_space<vmem>> -> memref<32xf32, #tpu.memory_space<vmem>>
    tpu.wait_dma2 semaphore(%arg29 : memref<!tpu.dma_semaphore, #tpu.memory_space<semaphore_mem>>) src(%dma_wait3A_336 : memref<32xf32, #tpu.memory_space<vmem>>) dst(%dma_wait3A_334 : memref<32xf32, #tpu.memory_space<hbm>>)
    %mul3A_337 = arith.constant 512 : i32
    %mul3A_338 = arith.muli %add3A, %mul3A_337 : i32
    %dma_wait3A_339 = arith.constant 0 : i32
    %dma_wait3A_340 = tpu.memref_slice %arg11[%dma_wait3A_339] : memref<512xf32, #tpu.memory_space<vmem>> -> memref<32xf32, #tpu.memory_space<vmem>>
    %dma_wait3A_341 = tpu.memref_slice %arg6[%mul3A_338] : memref<16384xf32, #tpu.memory_space<hbm>> -> memref<32xf32, #tpu.memory_space<hbm>>
    %dma_wait3A_342 = tpu.memref_slice %arg6[%mul3A_338] : memref<16384xf32, #tpu.memory_space<hbm>> -> memref<32xf32, #tpu.memory_space<hbm>>
    %dma_wait3A_343 = arith.constant 0 : i32
    %dma_wait3A_344 = tpu.memref_slice %arg11[%dma_wait3A_343] : memref<512xf32, #tpu.memory_space<vmem>> -> memref<32xf32, #tpu.memory_space<vmem>>
    tpu.wait_dma2 semaphore(%arg29 : memref<!tpu.dma_semaphore, #tpu.memory_space<semaphore_mem>>) src(%dma_wait3A_344 : memref<32xf32, #tpu.memory_space<vmem>>) dst(%dma_wait3A_342 : memref<32xf32, #tpu.memory_space<hbm>>)
    %mul3A_345 = arith.constant 512 : i32
    %mul3A_346 = arith.muli %add3A, %mul3A_345 : i32
    %dma_wait3A_347 = arith.constant 0 : i32
    %dma_wait3A_348 = tpu.memref_slice %arg11[%dma_wait3A_347] : memref<512xf32, #tpu.memory_space<vmem>> -> memref<32xf32, #tpu.memory_space<vmem>>
    %dma_wait3A_349 = tpu.memref_slice %arg6[%mul3A_346] : memref<16384xf32, #tpu.memory_space<hbm>> -> memref<32xf32, #tpu.memory_space<hbm>>
    %dma_wait3A_350 = tpu.memref_slice %arg6[%mul3A_346] : memref<16384xf32, #tpu.memory_space<hbm>> -> memref<32xf32, #tpu.memory_space<hbm>>
    %dma_wait3A_351 = arith.constant 0 : i32
    %dma_wait3A_352 = tpu.memref_slice %arg11[%dma_wait3A_351] : memref<512xf32, #tpu.memory_space<vmem>> -> memref<32xf32, #tpu.memory_space<vmem>>
    tpu.wait_dma2 semaphore(%arg29 : memref<!tpu.dma_semaphore, #tpu.memory_space<semaphore_mem>>) src(%dma_wait3A_352 : memref<32xf32, #tpu.memory_space<vmem>>) dst(%dma_wait3A_350 : memref<32xf32, #tpu.memory_space<hbm>>)
    %mul3A_353 = arith.constant 512 : i32
    %mul3A_354 = arith.muli %add3A, %mul3A_353 : i32
    %dma_wait3A_355 = arith.constant 0 : i32
    %dma_wait3A_356 = tpu.memref_slice %arg11[%dma_wait3A_355] : memref<512xf32, #tpu.memory_space<vmem>> -> memref<32xf32, #tpu.memory_space<vmem>>
    %dma_wait3A_357 = tpu.memref_slice %arg6[%mul3A_354] : memref<16384xf32, #tpu.memory_space<hbm>> -> memref<32xf32, #tpu.memory_space<hbm>>
    %dma_wait3A_358 = tpu.memref_slice %arg6[%mul3A_354] : memref<16384xf32, #tpu.memory_space<hbm>> -> memref<32xf32, #tpu.memory_space<hbm>>
    %dma_wait3A_359 = arith.constant 0 : i32
    %dma_wait3A_360 = tpu.memref_slice %arg11[%dma_wait3A_359] : memref<512xf32, #tpu.memory_space<vmem>> -> memref<32xf32, #tpu.memory_space<vmem>>
    tpu.wait_dma2 semaphore(%arg29 : memref<!tpu.dma_semaphore, #tpu.memory_space<semaphore_mem>>) src(%dma_wait3A_360 : memref<32xf32, #tpu.memory_space<vmem>>) dst(%dma_wait3A_358 : memref<32xf32, #tpu.memory_space<hbm>>)
    %mul3A_361 = arith.constant 512 : i32
    %mul3A_362 = arith.muli %add3A, %mul3A_361 : i32
    %dma_wait3A_363 = arith.constant 0 : i32
    %dma_wait3A_364 = tpu.memref_slice %arg11[%dma_wait3A_363] : memref<512xf32, #tpu.memory_space<vmem>> -> memref<32xf32, #tpu.memory_space<vmem>>
    %dma_wait3A_365 = tpu.memref_slice %arg6[%mul3A_362] : memref<16384xf32, #tpu.memory_space<hbm>> -> memref<32xf32, #tpu.memory_space<hbm>>
    %dma_wait3A_366 = tpu.memref_slice %arg6[%mul3A_362] : memref<16384xf32, #tpu.memory_space<hbm>> -> memref<32xf32, #tpu.memory_space<hbm>>
    %dma_wait3A_367 = arith.constant 0 : i32
    %dma_wait3A_368 = tpu.memref_slice %arg11[%dma_wait3A_367] : memref<512xf32, #tpu.memory_space<vmem>> -> memref<32xf32, #tpu.memory_space<vmem>>
    tpu.wait_dma2 semaphore(%arg29 : memref<!tpu.dma_semaphore, #tpu.memory_space<semaphore_mem>>) src(%dma_wait3A_368 : memref<32xf32, #tpu.memory_space<vmem>>) dst(%dma_wait3A_366 : memref<32xf32, #tpu.memory_space<hbm>>)
    %mul3A_369 = arith.constant 512 : i32
    %mul3A_370 = arith.muli %add3A, %mul3A_369 : i32
    %dma_wait3A_371 = arith.constant 0 : i32
    %dma_wait3A_372 = tpu.memref_slice %arg11[%dma_wait3A_371] : memref<512xf32, #tpu.memory_space<vmem>> -> memref<32xf32, #tpu.memory_space<vmem>>
    %dma_wait3A_373 = tpu.memref_slice %arg6[%mul3A_370] : memref<16384xf32, #tpu.memory_space<hbm>> -> memref<32xf32, #tpu.memory_space<hbm>>
    %dma_wait3A_374 = tpu.memref_slice %arg6[%mul3A_370] : memref<16384xf32, #tpu.memory_space<hbm>> -> memref<32xf32, #tpu.memory_space<hbm>>
    %dma_wait3A_375 = arith.constant 0 : i32
    %dma_wait3A_376 = tpu.memref_slice %arg11[%dma_wait3A_375] : memref<512xf32, #tpu.memory_space<vmem>> -> memref<32xf32, #tpu.memory_space<vmem>>
    tpu.wait_dma2 semaphore(%arg29 : memref<!tpu.dma_semaphore, #tpu.memory_space<semaphore_mem>>) src(%dma_wait3A_376 : memref<32xf32, #tpu.memory_space<vmem>>) dst(%dma_wait3A_374 : memref<32xf32, #tpu.memory_space<hbm>>)
    %mul3A_377 = arith.constant 512 : i32
    %mul3A_378 = arith.muli %add3A, %mul3A_377 : i32
    %dma_wait3A_379 = arith.constant 0 : i32
    %dma_wait3A_380 = tpu.memref_slice %arg11[%dma_wait3A_379] : memref<512xf32, #tpu.memory_space<vmem>> -> memref<32xf32, #tpu.memory_space<vmem>>
    %dma_wait3A_381 = tpu.memref_slice %arg6[%mul3A_378] : memref<16384xf32, #tpu.memory_space<hbm>> -> memref<32xf32, #tpu.memory_space<hbm>>
    %dma_wait3A_382 = tpu.memref_slice %arg6[%mul3A_378] : memref<16384xf32, #tpu.memory_space<hbm>> -> memref<32xf32, #tpu.memory_space<hbm>>
    %dma_wait3A_383 = arith.constant 0 : i32
    %dma_wait3A_384 = tpu.memref_slice %arg11[%dma_wait3A_383] : memref<512xf32, #tpu.memory_space<vmem>> -> memref<32xf32, #tpu.memory_space<vmem>>
    tpu.wait_dma2 semaphore(%arg29 : memref<!tpu.dma_semaphore, #tpu.memory_space<semaphore_mem>>) src(%dma_wait3A_384 : memref<32xf32, #tpu.memory_space<vmem>>) dst(%dma_wait3A_382 : memref<32xf32, #tpu.memory_space<hbm>>)
    %mul3A_385 = arith.constant 512 : i32
    %mul3A_386 = arith.muli %add3A, %mul3A_385 : i32
    %dma_wait3A_387 = arith.constant 0 : i32
    %dma_wait3A_388 = tpu.memref_slice %arg11[%dma_wait3A_387] : memref<512xf32, #tpu.memory_space<vmem>> -> memref<32xf32, #tpu.memory_space<vmem>>
    %dma_wait3A_389 = tpu.memref_slice %arg6[%mul3A_386] : memref<16384xf32, #tpu.memory_space<hbm>> -> memref<32xf32, #tpu.memory_space<hbm>>
    %dma_wait3A_390 = tpu.memref_slice %arg6[%mul3A_386] : memref<16384xf32, #tpu.memory_space<hbm>> -> memref<32xf32, #tpu.memory_space<hbm>>
    %dma_wait3A_391 = arith.constant 0 : i32
    %dma_wait3A_392 = tpu.memref_slice %arg11[%dma_wait3A_391] : memref<512xf32, #tpu.memory_space<vmem>> -> memref<32xf32, #tpu.memory_space<vmem>>
    tpu.wait_dma2 semaphore(%arg29 : memref<!tpu.dma_semaphore, #tpu.memory_space<semaphore_mem>>) src(%dma_wait3A_392 : memref<32xf32, #tpu.memory_space<vmem>>) dst(%dma_wait3A_390 : memref<32xf32, #tpu.memory_space<hbm>>)
    %mul3A_393 = arith.constant 512 : i32
    %mul3A_394 = arith.muli %add3A, %mul3A_393 : i32
    %dma_wait3A_395 = arith.constant 0 : i32
    %dma_wait3A_396 = tpu.memref_slice %arg11[%dma_wait3A_395] : memref<512xf32, #tpu.memory_space<vmem>> -> memref<32xf32, #tpu.memory_space<vmem>>
    %dma_wait3A_397 = tpu.memref_slice %arg6[%mul3A_394] : memref<16384xf32, #tpu.memory_space<hbm>> -> memref<32xf32, #tpu.memory_space<hbm>>
    %dma_wait3A_398 = tpu.memref_slice %arg6[%mul3A_394] : memref<16384xf32, #tpu.memory_space<hbm>> -> memref<32xf32, #tpu.memory_space<hbm>>
    %dma_wait3A_399 = arith.constant 0 : i32
    %dma_wait3A_400 = tpu.memref_slice %arg11[%dma_wait3A_399] : memref<512xf32, #tpu.memory_space<vmem>> -> memref<32xf32, #tpu.memory_space<vmem>>
    tpu.wait_dma2 semaphore(%arg29 : memref<!tpu.dma_semaphore, #tpu.memory_space<semaphore_mem>>) src(%dma_wait3A_400 : memref<32xf32, #tpu.memory_space<vmem>>) dst(%dma_wait3A_398 : memref<32xf32, #tpu.memory_space<hbm>>)
    %mul3A_401 = arith.constant 512 : i32
    %mul3A_402 = arith.muli %add3A, %mul3A_401 : i32
    %dma_wait3A_403 = arith.constant 0 : i32
    %dma_wait3A_404 = tpu.memref_slice %arg11[%dma_wait3A_403] : memref<512xf32, #tpu.memory_space<vmem>> -> memref<32xf32, #tpu.memory_space<vmem>>
    %dma_wait3A_405 = tpu.memref_slice %arg6[%mul3A_402] : memref<16384xf32, #tpu.memory_space<hbm>> -> memref<32xf32, #tpu.memory_space<hbm>>
    %dma_wait3A_406 = tpu.memref_slice %arg6[%mul3A_402] : memref<16384xf32, #tpu.memory_space<hbm>> -> memref<32xf32, #tpu.memory_space<hbm>>
    %dma_wait3A_407 = arith.constant 0 : i32
    %dma_wait3A_408 = tpu.memref_slice %arg11[%dma_wait3A_407] : memref<512xf32, #tpu.memory_space<vmem>> -> memref<32xf32, #tpu.memory_space<vmem>>
    tpu.wait_dma2 semaphore(%arg29 : memref<!tpu.dma_semaphore, #tpu.memory_space<semaphore_mem>>) src(%dma_wait3A_408 : memref<32xf32, #tpu.memory_space<vmem>>) dst(%dma_wait3A_406 : memref<32xf32, #tpu.memory_space<hbm>>)
    return
  }
}

</mosaic_0001>

<sc_bundles>
// kernel: kernel.3.cloned.1.call-start
scs
__scs_entry_jumppad:
0x0: {  	(pc) =	sbr.rel $0x88, $3  }
0x1: {  	(tag) =	ssettag $0x0;
	lr =	simm.s32 $0x1  }
0x2: {  	[smem:$0x3F9D] =	sst lr;
	_ =	strace $0xD0000000  }
0x3: {  	_ = 	snop  }
0x4: {  	_ = 	snop  }
0x5: {  	_ = 	snop  }
0x6: {  	_ = 	snop  }
0x7: {  	_ = 	snop  }
__scs_overlays_trampoline_lowered:
0x8: {  	[smem:$0x3FAC] =	sst s0  }
0x9: {  	[smem:$0x3FAD] =	sst s1  }
0xa: {  	[smem:$0x3FAE] =	sst s2  }
0xb: {  	[smem:$0x3FAF] =	sst s3  }
0xc: {  	[smem:$0x3FB0] =	sst s4  }
0xd: {  	[smem:$0x3FB1] =	sst s5  }
0xe: {  	[smem:$0x3FB2] =	sst s6  }
0xf: {  	[smem:$0x3FB3] =	sst s7  }
0x10: {  	[smem:$0x3FB4] =	sst s8  }
0x11: {  	[smem:$0x3FB5] =	sst s9;
	s0 =	simm.s32 @!p0 $0x0  }
0x12: {  	s1 =	sld [smem:$0x3F9B];
	s0 =	simm.s32 @p0 $0x1  }
0x13: {  	[smem:$0x3FB6] =	sst s0;
	s0 =	simm.s32 @!p1 $0x0  }
0x14: {  	s2 =	sld [smem:$0x3F9A];
	s0 =	simm.s32 @p1 $0x1  }
0x15: {  	[smem:$0x3FB7] =	sst s0;
	s0 =	simm.s32 @!p2 $0x0  }
0x16: {  	s3 =	sld [smem:$0x3FDB];
	s0 =	simm.s32 @p2 $0x1  }
0x17: {  	s4 =	simm.s32 $0x1BF5;
	[smem:$0x3FB9] =	sst s0  }
0x18: {  	s0 =	sld [smem:$0x3F9C];
	_ =	swait.ge [sflag:s4], $0x0  }
0x19: {  	s7 =	sld [smem:$0x3F9D]  }
0x1a: {  	s8 =	sadd.s32 $0xFFFFE003, lr  }
0x1b: {  	s9 =	sadd.s32 $0xFFFFFEF7, lr;
	s5 =	simm.s32 $0xFFFFFFFF;
	p2 =	slt.u32 s8, $0xFFFFF086  }
0x1c: {  	p1 =	slt.u32 s9, $0xF7A;
	s5 =	simm.s32 @!p2 $0x0  }
0x1d: {  	s5 =	simm.s32 @p1 $0x1;
	p0 =	seq.s32 s7, s2  }
0x1e: {  	s7 =	smul.u32 @!p0 $0xF7A, s2;
	p2 =	seq.s32 @!p0 s5, $0x0  }
0x1f: {  	s9 =	smul.u32 $0xF7A, s1;
	s8 =	simm.s32 @!p0 $0x1BF5;
	p2 =	por !p2, p0  }
0x20: {  	[sflag:s8] =	ssyncset.s32 @!p0 $0xFFFFF086;
	s6 =	sadd.s32 @!p0 s3, s7;
	s7 =	simm.s32 @!p0 $0x108  }
0x21: {  	s3 =	sadd.s32 s3, s9;
	s6 =	sadd.s32 @!p0 $0x88, s6;
	s7 =	simm.s32 @p2 $0x1082  }
0x22: {  	[simem:s7], [sflag:s8] =	dma.local @!p0 [hbm:s6], $0xF7A  }
0x23: {  	s9 =	sor.u32 $0xD0000000, s2;
	s6 =	simm.s32 $0x108;
	_ =	swait.ge @!p0 [sflag:s8], $0x0  }
0x24: {  	s3 =	sadd.s32 $0x88, s3;
	s6 =	simm.s32 @!p1 $0x1082;
	[sflag:s4] =	ssyncset.s32 $0xFFFFF086  }
0x25: {  	[simem:s6], [sflag:s4] =	dma.local [hbm:s3], $0xF7A  }
0x26: {  	[smem:$0x3F9D] =	sst s1;
	(tag) =	ssettag s2;
	_ =	strace s9  }
0x27: {  	s1 =	sld [smem:$0x3FAD]  }
0x28: {  	s2 =	sld [smem:$0x3FAE]  }
0x29: {  	s4 =	sld [smem:$0x3FB0]  }
0x2a: {  	p0 =	seq.s32 s5, $0x0;
	s5 =	sld [smem:$0x3FB1]  }
0x2b: {  	s6 =	sld [smem:$0x3FB2]  }
0x2c: {  	s7 =	sld [smem:$0x3FB3]  }
0x2d: {  	s3 =	simm.s32 $0x108;
	s8 =	sld [smem:$0x3FB4]  }
0x2e: {  	s3 =	simm.s32 @!p0 $0x1082;
	s9 =	sld [smem:$0x3FB5]  }
0x2f: {  	lr =	sadd.s32 s0, s3;
	s0 =	sld [smem:$0x3FAC]  }
0x30: {  	s3 =	sld [smem:$0x3FAF]  }
0x31: {  	[smem:$0x3FB8] =	sst s10  }
0x32: {  	s10 =	sld [smem:$0x3FB6];
	_ =	sdelay $0x3  }
0x33: {  	p0 =	seq.s32 s10, $0x1;
	s10 =	sld [smem:$0x3FB8];
	_ =	sdelay $0x3  }
0x34: {  	[smem:$0x3FB8] =	sst s10  }
0x35: {  	s10 =	sld [smem:$0x3FB7];
	_ =	sdelay $0x3  }
0x36: {  	p1 =	seq.s32 s10, $0x1;
	s10 =	sld [smem:$0x3FB8];
	_ =	sdelay $0x3  }
0x37: {  	[smem:$0x3FB8] =	sst s10  }
0x38: {  	s10 =	sld [smem:$0x3FB9]  }
0x39: {  	_ = 	snop;
	(pc) =	sbr.ind lr, $3  }
0x3a: {  	_ = 	snop  }
0x3b: {  	_ = 	snop  }
0x3c: {  	p2 =	seq.s32 s10, $0x1;
	s10 =	sld [smem:$0x3FB8]  }
0x3d: {  	_ =	shalt  }
0x3e: {  	_ =	shalt  }
0x3f: {  	_ =	shalt  }
0x40: {  	_ =	shalt  }
0x41: {  	_ =	shalt  }
0x42: {  	_ =	shalt  }
0x43: {  	_ =	shalt  }
0x44: {  	_ =	shalt  }
0x45: {  	_ =	shalt  }
0x46: {  	_ =	shalt  }
0x47: {  	_ =	shalt  }
0x48: {  	_ =	shalt  }
0x49: {  	_ =	shalt  }
0x4a: {  	_ =	shalt  }
0x4b: {  	_ =	shalt  }
0x4c: {  	_ =	shalt  }
0x4d: {  	_ =	shalt  }
0x4e: {  	_ =	shalt  }
0x4f: {  	_ =	shalt  }
0x50: {  	_ =	shalt  }
0x51: {  	_ =	shalt  }
0x52: {  	_ =	shalt  }
0x53: {  	_ =	shalt  }
0x54: {  	_ =	shalt  }
0x55: {  	_ =	shalt  }
0x56: {  	_ =	shalt  }
0x57: {  	_ =	shalt  }
0x58: {  	_ =	shalt  }
0x59: {  	_ =	shalt  }
0x5a: {  	_ =	shalt  }
0x5b: {  	_ =	shalt  }
0x5c: {  	_ =	shalt  }
0x5d: {  	_ =	shalt  }
0x5e: {  	_ =	shalt  }
0x5f: {  	_ =	shalt  }
0x60: {  	_ =	shalt  }
0x61: {  	_ =	shalt  }
0x62: {  	_ =	shalt  }
0x63: {  	_ =	shalt  }
0x64: {  	_ =	shalt  }
0x65: {  	_ =	shalt  }
0x66: {  	_ =	shalt  }
0x67: {  	_ =	shalt  }
0x68: {  	_ =	shalt  }
0x69: {  	_ =	shalt  }
0x6a: {  	_ =	shalt  }
0x6b: {  	_ =	shalt  }
0x6c: {  	_ =	shalt  }
0x6d: {  	_ =	shalt  }
0x6e: {  	_ =	shalt  }
0x6f: {  	_ =	shalt  }
0x70: {  	_ =	shalt  }
0x71: {  	_ =	shalt  }
0x72: {  	_ =	shalt  }
0x73: {  	_ =	shalt  }
0x74: {  	_ =	shalt  }
0x75: {  	_ =	shalt  }
0x76: {  	_ =	shalt  }
0x77: {  	_ =	shalt  }
0x78: {  	_ =	shalt  }
0x79: {  	_ =	shalt  }
0x7a: {  	_ =	shalt  }
0x7b: {  	_ =	shalt  }
0x7c: {  	_ =	shalt  }
0x7d: {  	_ =	shalt  }
0x7e: {  	_ =	shalt  }
0x7f: {  	_ =	shalt  }
0x80: {  	_ =	shalt  }
0x81: {  	_ =	shalt  }
0x82: {  	_ =	shalt  }
0x83: {  	_ =	shalt  }
0x84: {  	_ =	shalt  }
0x85: {  	_ =	shalt  }
0x86: {  	_ =	shalt  }
0x87: {  	_ =	shalt  }
.Lfunc_end0:
.L_simem_size_0:
called_computation_lowered:
.L_overlay_start_0:
0x88: {  	s2 =	sld [smem:$0x3FD9]  }
0x89: {  	s3 =	sld [smem:$0x3FFE];
	_ =	sdelay $0x1  }
0x8a: {  	s1 =	srdreg.scid  }
0x8b: {  	s0 =	sand.u32 $0x1, s1  }
0x8c: {  	s18 =	sshll.u32 s0, $0xA;
	s2 =	sadd.s32 s3, s2  }
0x8d: {  	s2 =	sadd.s32 s2, s18  }
0x8e: {  	[smem:$0x3FC4] =	sst s2  }
0x8f: {  	_ = 	snop  }
0x90: {  	s2 =	sld [smem:$0x3FC9]  }
0x91: {  	s19 =	sld [smem:$0x3FC8]  }
0x92: {  	s4 =	sld [smem:$0x3FC7]  }
0x93: {  	s5 =	sld [smem:$0x3FC6]  }
0x94: {  	s6 =	sld [smem:$0x3FD0];
	(tm) =	ssettm $0x1  }
0x95: {  	s7 =	sld [smem:$0x3FFB];
	_ =	sdelay $0x3  }
0x96: {  	_ =	strace s7  }
0x97: {  	s7 =	sld [smem:$0x3FFC];
	_ =	sdelay $0x3  }
0x98: {  	_ =	strace s7  }
0x99: {  	s7 =	sld [smem:$0x3FFD];
	_ =	sdelay $0x3  }
0x9a: {  	_ =	strace s7  }
0x9b: {  	_ =	strace $0x8FFFFFFF  }
0x9c: {  	s20 =	sld [smem:$0x3FDB];
	_ =	sdelay $0x1  }
0x9d: {  	s8 =	simm.s32 $_scs_section_size  }
0x9e: {  	s9 =	simm.s32 $_size__tile_overlayer_lowered;
	s10 =	simm.s32 $_tile_overlayer_lowered  }
0x9f: {  	s23 =	simm.s32 $0x1BFF;
	s22 =	sshll.u32 s10, $0x1;
	s7 =	sadd.s32 s8, s20  }
0xa0: {  	s11 =	simm.s32 $0x0;
	s21 =	sshll.u32 s9, $0x1;
	s9 =	sadd.s32 s22, s7  }
0xa1: {  	[timem:s11], [sflag:s23] =	dma.local [hbm:s9], s21  }
0xa2: {  	_ =	swait.ge [sflag:s23], s21  }
0xa3: {  	s8 =	ssub.s32 $0x0, s21;
	[sflag:s23] =	ssyncset.done $0x0  }
0xa4: {  	[sflag:s23] =	ssyncadd.s32 s8;
	_ =	sdelay $0x1  }
0xa5: {  	s24 =	simm.s32 $0x1B8B  }
0xa6: {  	_ =	swait.ge [sflag:s24], $0x1  }
0xa7: {  	[sflag:s24] =	ssyncset.done $0x0  }
0xa8: {  	s25 =	simm.s32 $0x1B8E;
	[sflag:s24] =	ssyncadd.s32 $0xFFFFFFFF  }
0xa9: {  	s26 =	simm.s32 $execute0_lowered;
	[smem:$0x3FD2] =	sst s25  }
0xaa: {  	s8 =	sshll.u32 s26, $0x1;
	_ =	strace $0x80000046;
	[dreg:$0x1] =	wrdreg $0xFFFFFFFF  }
0xab: {  	s28 =	simm.s32 $_size_execute0_lowered;
	s7 =	sadd.s32 s7, s8;
	[dreg:$0x0] =	wrdreg $0x0  }
0xac: {  	s8 =	sshll.u32 s28, $0x1;
	[dreg:$0x2] =	wrdreg s7  }
0xad: {  	[dreg:$0x3] =	wrdreg s8  }
0xae: {  	[dreg:$0x4] =	wrdreg $0xC0  }
0xaf: {  	_ =	task [dreg:s11], $0x5FFFF  }
0xb0: {  	[dreg:$0x1] =	wrdreg $0xFFFFFFFF  }
0xb1: {  	[dreg:$0x0] =	wrdreg $0x60  }
0xb2: {  	[dreg:$0x2] =	wrdreg s2  }
0xb3: {  	[dreg:$0x3] =	wrdreg s19  }
0xb4: {  	[dreg:$0x4] =	wrdreg s4  }
0xb5: {  	[dreg:$0x5] =	wrdreg s5  }
0xb6: {  	[dreg:$0x6] =	wrdreg s6  }
0xb7: {  	[dreg:$0x7] =	wrdreg $0x9  }
0xb8: {  	_ =	task.clear_ibuf [dreg:s11], $0x8FFFF;
	_ =	strace $0x90000046  }
0xb9: {  	s29 =	simm.s32 $0x9;
	_ =	strace $0x80000048  }
0xba: {  	_ =	swait.ge [sflag:s29], $0x1  }
0xbb: {  	[sflag:s29] =	ssyncadd.s32 $0xFFFFFFFF  }
0xbc: {  	_ =	strace $0x90000048  }
0xbd: {  	_ =	sfence  }
0xbe: {  	s30 =	sld [smem:$0x0];
	_ =	sdelay $0x2  }
0xbf: {  	s31 =	sshll.u32 s1, $0xD;
	s1 =	sshrl.u32 s1, $0x2  }
0xc0: {  	s3 =	sand.u32 $0x4000, s31;
	s1 =	sadd.s32 s1, s30  }
0xc1: {  	s0 =	sor.u32 s3, s0;
	s1 =	sshll.u32 s1, $0x11  }
0xc2: {  	s0 =	sor.u32 s1, s0  }
0xc3: {  	s0 =	sadd.s32 $0x8F2B, s0  }
0xc4: {  	[sflag:s0] =	ssyncadd.remote.s32 $0x1  }
0xc5: {  	_ =	sfence.sel $0xFFFF  }
0xc6: {  	[dreg:$0x0] =	wrdreg $0xFFFFFFFF;
	(pc) =	sbr.abs _section_cstart, $3  }
0xc7: {  	[dreg:$0x1] =	wrdreg $0xFFFFFFFF  }
0xc8: {  	_ =	task.clear_ibuf [dreg:s11], $0x2FFFF;
	_ =	strace $0x9FFFFFFF  }
0xc9: {  	(tm) =	ssettm $0x7FFFFFFF  }
tec
execute0_lowered:
.L_overlay_start_1:
0x0: {  	(tag) =	ssettag $0x1  }
0x1: {  	v0 =	vimm.s32 $0xFEDCBA98  }
0x2: {  	v1 =	vimm.s32 $0x76543210;
	v2 =	vimm.s32 $0x3210FEDC;
	v3 =	vimm.s32 $0xBA987654  }
0x3: {  	v4 =	vimm.s32 $0x10FEDCBA;
	v5 =	vimm.s32 $0x98765432;
	v6 =	vimm.s32 $0x543210FE  }
0x4: {  	vm0 =	vcmask $0x2F20;
	vm1 =	vcmask $0xF00;
	vm2 =	vcmask $0x700  }
0x5: {  	vm3 =	vcmask $0xB08;
	vm4 =	vcmask $0x300;
	v0 =	vunpack.c.l.s4.s8 v0  }
0x6: {  	v1 =	vunpack.c.l.s4.s8 v1;
	v2 =	vunpack.c.l.s4.s8 v2;
	v3 =	vunpack.c.l.s4.s8 v3  }
0x7: {  	s1 =	rddreg [dreg:$0x0];
	v4 =	vunpack.c.l.s4.s8 v4;
	vm0 =	vmor vm1, vm0;
	vm1 =	vcmask $0x1710  }
0x8: {  	s4 =	rddreg [dreg:$0x1];
	vm3 =	vmor vm4, vm3;
	vm4 =	vcmask $0x1310;
	vm1 =	vmor vm2, vm1  }
0x9: {  	s0 =	rddreg [dreg:$0x2];
	vm2 =	vcmask $0x2720;
	v0 =	vunpack.c.0.s8.s32 v0;
	v1 =	vunpack.c.0.s8.s32 v1  }
0xa: {  	s2 =	rddreg [dreg:$0x3];
	v3 =	vunpack.c.0.s8.s32 v3;
	vm1 =	vmor vm1, vm2;
	vm2 =	vcmask $0x3730  }
0xb: {  	s3 =	rddreg [dreg:$0x4];
	v4 =	vunpack.c.0.s8.s32 v4;
	vm1 =	vmor vm1, vm2;
	v0 =	vand.u32 $0xF, v0  }
0xc: {  	s5 =	srdreg.scid;
	s7 =	stileid.u32;
	v0 =	vcombine.low v0, v1;
	v1 =	vunpack.c.0.s8.s32 v2;
	v2 =	vunpack.c.l.s4.s8 v5  }
0xd: {  	s13 =	simm.s32 $0x20;
	s15 =	simm.s32 $0x1;
	s16 =	simm.s32 $0x2;
	vm2 =	vmor vm3, vm4;
	vm3 =	vcmask $0x1B18;
	v5 =	vimm.s32 $0xDCBA9876  }
0xe: {  	s19 =	simm.s32 $0x3;
	s20 =	simm.s32 $0x4;
	s30 =	simm.s32 $0x7400;
	v5 =	vunpack.c.l.s4.s8 v5;
	v2 =	vunpack.c.0.s8.s32 v2;
	v7 =	vcombine.low v3, v1  }
0xf: {  	s31 =	simm.s32 $0xF400;
	s17 =	simm.s32 $0x7;
	s18 =	simm.s32 $0x8;
	v8 =	vcombine.low v1, v3;
	v1 =	vunpack.c.l.s4.s8 v6;
	v3 =	vimm.s32 $0xFEDCBA9  }
0x10: {  	s21 =	simm.s32 $0x9;
	s22 =	simm.s32 $0xA;
	s28 =	simm.s32 $0xF;
	v3 =	vunpack.c.l.s4.s8 v3;
	v6 =	vcombine.low v2, v4;
	v4 =	vimm.s32 $0x87654321  }
0x11: {  	s29 =	simm.s32 $0x10;
	s12 =	simm.s32 $0x11;
	s6 =	sand.u32 $0x1, s5;
	v2 =	vunpack.c.0.s8.s32 v5;
	v1 =	vunpack.c.0.s8.s32 v1;
	v4 =	vunpack.c.l.s4.s8 v4  }
0x12: {  	s14 =	simm.s32 $0x0;
	s7 =	sshll.u32 s7, $0xA;
	s8 =	sshll.u32 s6, $0x9;
	vm4 =	vcmask $0x2320;
	vm3 =	vmor vm2, vm3  }
0x13: {  	s5 =	simm.s32 $0x0;
	s9 =	ssub.s32 $0x2, s6;
	s6 =	sor.u32 s8, s7;
	v9 =	vcombine.low v1, v2;
	v1 =	vunpack.c.0.s8.s32 v3;
	v2 =	vunpack.c.0.s8.s32 v4  }
0x14: {  	[smem:$0x7FF] =	sst s5;
	s23 =	sshrl.u32 s9, $0x1;
	s8 =	sshrl.u32 s6, $0x3;
	vm3 =	vmor vm3, vm4;
	vm4 =	vcmask $0x2B28;
	v3 =	vimm.s32 $0xEDCBA987  }
0x15: {  	_ =	strace $0x80000047;
	s7 =	ssub.s32 s9, s23;
	s24 =	sadd.s32 s1, s8;
	v1 =	vcombine.low v2, v1;
	v2 =	vunpack.c.l.s4.s8 v3;
	v3 =	vimm.s32 $0x6543210F  }
0x16: {  	s25 =	sor.u32 $0x4, s8;
	s8 =	sadd.s32 s4, s8;
	[dreg:$0x6] =	wrdreg s24;
	vm3 =	vmor vm3, vm4;
	vm4 =	vcmask $0x3330;
	v3 =	vunpack.c.l.s4.s8 v3  }
0x17: {  	s23 =	simm.s32 $0xB;
	s11 =	smax.u32 s7, $0x1;
	vm2 =	vmmov $0xff;
	[dreg:$0x7] =	wrdreg s8;
	vm3 =	vmor vm3, vm4  }
0x18: {  	s1 =	sadd.s32 s1, s25;
	s26 =	sadd.s32 s4, s25;
	s4 =	simm.s32 $0x6;
	vm4 =	vcmask $0x3B38;
	v2 =	vunpack.c.0.s8.s32 v2;
	v3 =	vunpack.c.0.s8.s32 v3  }
0x19: {  	s24 =	simm.s32 $0xC;
	s25 =	simm.s32 $0xD;
	[dreg:$0x8] =	wrdreg s1;
	vm3 =	vmor vm3, vm4;
	v5 =	vand.u32 $0xF, v6;
	v4 =	vand.u32 $0xF, v8  }
0x1a: {  	[dreg:$0x9] =	wrdreg s26;
	s1 =	simm.s32 $0x5;
	s26 =	simm.s32 $0xE;
	v6 =	vand.u32 $0xF, v9;
	v2 =	vcombine.low v3, v2;
	v3 =	vand.u32 $0xF, v7  }
.LBB2_1:
0x1b: {  	s7 =	rddreg [dreg:$0x6]  }
0x1c: {  	[tilespmem:s5], [sflag:$0x1] =	stream.linear.gather [hbm4b:s7+s5], $0x20, $0x38;
	[tilespmem:$0x11600] =	vst v63  }
0x1d: {  	s10 =	rddreg [dreg:$0x7];
	s8 =	simm.s32 $0x200  }
0x1e: {  	[tilespmem:s8], [sflag:$0x2] =	stream.linear.gather [hbm4b:s10+s5], $0x20, $0x38;
	[tilespmem:$0x11600] =	vst v63  }
0x1f: {  	s9 =	rddreg [dreg:$0x8]  }
0x20: {  	[tilespmem:s13], [sflag:$0x3] =	stream.linear.gather [hbm4b:s9+s5], $0x1E0, $0x38;
	[tilespmem:$0x11600] =	vst v63  }
0x21: {  	s10 =	rddreg [dreg:$0x9];
	s9 =	simm.s32 $0x220  }
0x22: {  	[tilespmem:s9], [sflag:$0x4] =	stream.linear.gather [hbm4b:s10+s5], $0x1E0, $0x38;
	[tilespmem:$0x11600] =	vst v63  }
0x23: {  	_ =	swait.ge [sflag:s15], $0x20  }
0x24: {  	[sflag:s15] =	ssyncset.done $0x0  }
0x25: {  	[sflag:s15] =	ssyncadd.s32 $0xFFFFFFE0  }
0x26: {  	_ =	swait.ge [sflag:s16], $0x20  }
0x27: {  	[sflag:s16] =	ssyncset.done $0x0  }
0x28: {  	s10 =	simm.s32 $0x400;
	[sflag:s16] =	ssyncadd.s32 $0xFFFFFFE0  }
0x29: {  	[tilespmem:s10], [sflag:$0x1] =	stream.indirect.gather [hbm4b:s0+s13], $0x80, s5, s13, $0xb8;
	[tilespmem:$0x11600] =	vst v63  }
0x2a: {  	s10 =	simm.s32 $0x8400  }
0x2b: {  	[tilespmem:s10], [sflag:$0x2] =	stream.indirect.gather [hbm4b:s2+s13], $0x80, s8, s13, $0xb8;
	[tilespmem:$0x11600] =	vst v63  }
0x2c: {  	_ =	swait.ge [sflag:s19], $0x1E0  }
0x2d: {  	[sflag:s19] =	ssyncset.done $0x0  }
0x2e: {  	[sflag:s19] =	ssyncadd.s32 $0xFFFFFE20  }
0x2f: {  	_ =	swait.ge [sflag:s20], $0x1E0  }
0x30: {  	[sflag:s20] =	ssyncset.done $0x0  }
0x31: {  	s10 =	simm.s32 $0x1400;
	[sflag:s20] =	ssyncadd.s32 $0xFFFFFE20  }
0x32: {  	[tilespmem:s10], [sflag:$0x3] =	stream.indirect.gather [hbm4b:s0+s13], $0x80, s13, s13, $0xb8;
	[tilespmem:$0x11600] =	vst v63  }
0x33: {  	s8 =	simm.s32 $0x9400  }
0x34: {  	[tilespmem:s8], [sflag:$0x4] =	stream.indirect.gather [hbm4b:s2+s13], $0x80, s9, s13, $0xb8;
	[tilespmem:$0x11600] =	vst v63  }
0x35: {  	s10 =	simm.s32 $0x2400;
	s9 =	simm.s32 $0x40  }
0x36: {  	[tilespmem:s10], [sflag:$0x5] =	stream.indirect.gather [hbm4b:s0+s13], $0x80, s9, s13, $0xb8;
	[tilespmem:$0x11600] =	vst v63  }
0x37: {  	s9 =	simm.s32 $0x240;
	s10 =	simm.s32 $0xA400  }
0x38: {  	[tilespmem:s10], [sflag:$0x6] =	stream.indirect.gather [hbm4b:s2+s13], $0x80, s9, s13, $0xb8;
	[tilespmem:$0x11600] =	vst v63  }
0x39: {  	s9 =	simm.s32 $0x60;
	s10 =	simm.s32 $0x3400  }
0x3a: {  	[tilespmem:s10], [sflag:$0x7] =	stream.indirect.gather [hbm4b:s0+s13], $0x80, s9, s13, $0xb8;
	[tilespmem:$0x11600] =	vst v63  }
0x3b: {  	s9 =	simm.s32 $0x260;
	s10 =	simm.s32 $0xB400  }
0x3c: {  	[tilespmem:s10], [sflag:$0x8] =	stream.indirect.gather [hbm4b:s2+s13], $0x80, s9, s13, $0xb8;
	[tilespmem:$0x11600] =	vst v63  }
0x3d: {  	s9 =	simm.s32 $0x80;
	s10 =	simm.s32 $0x4400  }
0x3e: {  	[tilespmem:s10], [sflag:$0x9] =	stream.indirect.gather [hbm4b:s0+s13], $0x80, s9, s13, $0xb8;
	[tilespmem:$0x11600] =	vst v63  }
0x3f: {  	s9 =	simm.s32 $0x280;
	s10 =	simm.s32 $0xC400  }
0x40: {  	[tilespmem:s10], [sflag:$0xA] =	stream.indirect.gather [hbm4b:s2+s13], $0x80, s9, s13, $0xb8;
	[tilespmem:$0x11600] =	vst v63  }
0x41: {  	s9 =	simm.s32 $0xA0;
	s10 =	simm.s32 $0x5400  }
0x42: {  	[tilespmem:s10], [sflag:$0xB] =	stream.indirect.gather [hbm4b:s0+s13], $0x80, s9, s13, $0xb8;
	[tilespmem:$0x11600] =	vst v63  }
0x43: {  	s9 =	simm.s32 $0x2A0;
	s10 =	simm.s32 $0xD400  }
0x44: {  	[tilespmem:s10], [sflag:$0xC] =	stream.indirect.gather [hbm4b:s2+s13], $0x80, s9, s13, $0xb8;
	[tilespmem:$0x11600] =	vst v63  }
0x45: {  	s9 =	simm.s32 $0xC0;
	s10 =	simm.s32 $0x6400  }
0x46: {  	[tilespmem:s10], [sflag:$0xD] =	stream.indirect.gather [hbm4b:s0+s13], $0x80, s9, s13, $0xb8;
	[tilespmem:$0x11600] =	vst v63  }
0x47: {  	p1 =	por $0x1, $0x1;
	s9 =	simm.s32 $0x2C0;
	s10 =	simm.s32 $0xE400  }
0x48: {  	[tilespmem:s10], [sflag:$0xE] =	stream.indirect.gather [hbm4b:s2+s13], $0x80, s9, s13, $0xb8;
	[tilespmem:$0x11600] =	vst v63  }
0x49: {  	s7 =	simm.s32 $0x0;
	s8 =	simm.s32 $0x2E0;
	s9 =	simm.s32 $0xE0  }
.LBB2_2:
0x4a: {  	[tilespmem:s30], [sflag:$0xF] =	stream.indirect.gather [hbm4b:s0+s13], $0x80, s9, s13, $0xb8;
	[tilespmem:$0x11600] =	vst v63  }
0x4b: {  	_ = 	snop  }
0x4c: {  	[tilespmem:s31], [sflag:$0x10] =	stream.indirect.gather [hbm4b:s2+s13], $0x80, s8, s13, $0xb8;
	[tilespmem:$0x11600] =	vst v63  }
0x4d: {  	_ =	swait.ge [sflag:s15], $0x1000  }
0x4e: {  	[sflag:s15] =	ssyncset.done $0x0  }
0x4f: {  	[sflag:s15] =	ssyncadd.s32 $0xFFFFF000  }
0x50: {  	_ =	swait.ge [sflag:s16], $0x1000  }
0x51: {  	[sflag:s16] =	ssyncset.done $0x0  }
0x52: {  	s8 =	simm.s32 $0x0;
	[sflag:s16] =	ssyncadd.s32 $0xFFFFF000  }
0x53: {  	v7 =	vld [tilespmem:s8+$0x400]  }
0x54: {  	v8 =	vld [tilespmem:s8+$0x8400]  }
0x55: {  	v9 =	vld [tilespmem:s8+$0x410]  }
0x56: {  	v10 =	vld [tilespmem:s8+$0x8410]  }
0x57: {  	v11 =	vld [tilespmem:s8+$0x420]  }
0x58: {  	v12 =	vld [tilespmem:s8+$0x8420]  }
0x59: {  	v13 =	vld [tilespmem:s8+$0x430]  }
0x5a: {  	v14 =	vld [tilespmem:s8+$0x8430]  }
0x5b: {  	v7 =	vmul.f32 v8, v7;
	v8 =	vmul.f32 v10, v9;
	v9 =	vld [tilespmem:s8+$0x440]  }
0x5c: {  	v10 =	vld [tilespmem:s8+$0x8440]  }
0x5d: {  	v7 =	vadd.f32 v8, v7;
	v8 =	vmul.f32 v12, v11;
	v11 =	vld [tilespmem:s8+$0x450]  }
0x5e: {  	v12 =	vld [tilespmem:s8+$0x8450]  }
0x5f: {  	v15 =	vld [tilespmem:s8+$0x8460];
	v7 =	vadd.f32 v8, v7;
	v8 =	vmul.f32 v14, v13  }
0x60: {  	v14 =	vld [tilespmem:s8+$0x460]  }
0x61: {  	v10 =	vmul.f32 v10, v9;
	v13 =	vadd.f32 v8, v7;
	v7 =	vld [tilespmem:s8+$0x470]  }
0x62: {  	s9 =	simm.s32 $0x80;
	v8 =	vld [tilespmem:s8+$0x8470]  }
0x63: {  	v9 =	vld [tilespmem:s9+$0x400];
	v11 =	vmul.f32 v12, v11;
	v10 =	vadd.f32 v10, v13  }
0x64: {  	v12 =	vld [tilespmem:s9+$0x8400]  }
0x65: {  	p0 =	por p1, p1;
	s10 =	simm.s32 $0x400;
	v13 =	vld [tilespmem:s9+$0x410];
	v10 =	vadd.f32 v11, v10;
	v11 =	vmul.f32 v15, v14  }
.LBB2_3:
0x66: {  	p1 =	seq.s32 s10, $0x3E00;
	v14 =	vld [tilespmem:s9+$0x8410]  }
0x67: {  	v15 =	vld [tilespmem:s9+$0x420];
	v10 =	vadd.f32 v11, v10;
	v7 =	vmul.f32 v8, v7  }
0x68: {  	v8 =	vld [tilespmem:s9+$0x8420]  }
0x69: {  	v11 =	vld [tilespmem:s9+$0x430];
	v7 =	vadd.f32 v7, v10  }
0x6a: {  	v10 =	vld [tilespmem:s9+$0x8430]  }
0x6b: {  	v9 =	vmul.f32 v12, v9;
	v12 =	vmul.f32 v14, v13;
	v13 =	vld [tilespmem:s9+$0x440];
	[tilespmem:s8+$0x10600] =	vst v7;
	s8 =	smov.u32 s9  }
0x6c: {  	v7 =	vld [tilespmem:s8+$0x8440]  }
0x6d: {  	v9 =	vadd.f32 v12, v9;
	v8 =	vmul.f32 v8, v15;
	v12 =	vld [tilespmem:s8+$0x450]  }
0x6e: {  	v14 =	vld [tilespmem:s8+$0x8450]  }
0x6f: {  	v8 =	vadd.f32 v8, v9;
	v9 =	vmul.f32 v10, v11;
	v11 =	vld [tilespmem:s8+$0x460]  }
0x70: {  	v15 =	vld [tilespmem:s8+$0x8460]  }
.Ltmp0:
0x71: {  	v10 =	vadd.f32 v9, v8;
	v13 =	vmul.f32 v7, v13;
	v7 =	vld [tilespmem:s8+$0x470];
	(pc) =	sbr.rel @!p1 .LBB2_3-.Ltmp0, $4  }
0x72: {  	s9 =	sshra.s32 s10, $0x2;
	v8 =	vld [tilespmem:s8+$0x8470]  }
0x73: {  	v9 =	vld [tilespmem:s9+$0x400];
	v10 =	vadd.f32 v13, v10;
	v14 =	vmul.f32 v14, v12  }
0x74: {  	v12 =	vld [tilespmem:s9+$0x8400]  }
0x75: {  	s10 =	sadd.s32 $0x200, s10;
	v13 =	vld [tilespmem:s9+$0x410];
	v10 =	vadd.f32 v14, v10;
	v11 =	vmul.f32 v15, v11  }
0x76: {  	v14 =	vld [tilespmem:s9+$0x8410]  }
0x77: {  	v15 =	vld [tilespmem:s9+$0x420]  }
0x78: {  	v16 =	vld [tilespmem:s9+$0x8420]  }
0x79: {  	v17 =	vld [tilespmem:s9+$0x430]  }
0x7a: {  	v18 =	vld [tilespmem:s9+$0x8430]  }
0x7b: {  	v50 =	vld [tilespmem:s9+$0x440];
	v9 =	vmul.f32 v12, v9;
	v49 =	vmul.f32 v14, v13  }
0x7c: {  	v51 =	vld [tilespmem:s9+$0x8440]  }
0x7d: {  	v53 =	vld [tilespmem:s9+$0x450];
	v52 =	vmul.f32 v16, v15;
	v9 =	vadd.f32 v49, v9  }
0x7e: {  	v54 =	vld [tilespmem:s9+$0x8450]  }
0x7f: {  	v56 =	vld [tilespmem:s9+$0x460];
	v55 =	vmul.f32 v18, v17;
	v9 =	vadd.f32 v52, v9  }
0x80: {  	v57 =	vld [tilespmem:s9+$0x8460]  }
0x81: {  	v59 =	vld [tilespmem:s9+$0x470];
	v58 =	vmul.f32 v51, v50;
	v9 =	vadd.f32 v55, v9  }
0x82: {  	v60 =	vld [tilespmem:s9+$0x8470]  }
0x83: {  	v61 =	vmul.f32 v54, v53;
	v9 =	vadd.f32 v58, v9  }
0x84: {  	v10 =	vadd.f32 v11, v10;
	v7 =	vmul.f32 v8, v7  }
0x85: {  	v62 =	vmul.f32 v57, v56;
	v9 =	vadd.f32 v61, v9  }
0x86: {  	v7 =	vadd.f32 v7, v10  }
0x87: {  	v63 =	vmul.f32 v60, v59;
	v8 =	vadd.f32 v62, v9  }
0x88: {  	[tilespmem:s8+$0x10600] =	vst v7;
	s8 =	sshll.u32 s7, $0x8  }
0x89: {  	s10 =	sand.u32 $0x3FFFFF00, s8;
	v8 =	vadd.f32 v63, v8  }
0x8a: {  	s10 =	sadd.s32 $0x10400, s10  }
0x8b: {  	p1 =	por $0x1, $0x1;
	v7 =	vmov s10;
	[tilespmem:s9+$0x10600] =	vst v8;
	s9 =	simm.s32 $0x0  }
.LBB2_5:
0x8c: {  	s10 =	sshll.u32 s9, $0xB  }
0x8d: {  	s10 =	sand.u32 $0x3FFFF800, s10  }
0x8e: {  	v8 =	vld [tilespmem:s10+$0x10600]  }
0x8f: {  	v9 =	vld [tilespmem:s10+$0x10A00]  }
0x90: {  	v10 =	vld [tilespmem:s10+$0x10800]  }
0x91: {  	v11 =	vld [tilespmem:s10+$0x10C00]  }
0x92: {  	v12 =	vld [tilespmem:s10+$0x10700]  }
0x93: {  	v13 =	vld [tilespmem:s10+$0x10B00]  }
0x94: {  	v16 =	vld [tilespmem:s10+$0x10900]  }
0x95: {  	v19 =	vld [tilespmem:s10+$0x10D00]  }
0x96: {  	v30 =	vld [tilespmem:s10+$0x10680]  }
0x97: {  	v31 =	vld [tilespmem:s10+$0x10A80]  }
0x98: {  	v20 =	vld [tilespmem:s10+$0x10880];
	v14 =	vperm.xlane v8, v0;
	v15 =	vperm.xlane v9, v0  }
0x99: {  	v35 =	vld [tilespmem:s10+$0x10C80];
	v17 =	vperm.xlane v10, v0;
	v18 =	vperm.xlane v11, v0  }
0x9a: {  	v37 =	vld [tilespmem:s10+$0x10780];
	v32 =	vperm.xlane v12, v0;
	v33 =	vperm.xlane v13, v0  }
0x9b: {  	v21 =	vld [tilespmem:s10+$0x10B80];
	v40 =	vperm.xlane v16, v0;
	v42 =	vperm.xlane v19, v0  }
0x9c: {  	v23 =	vld [tilespmem:s10+$0x10D80];
	v43 =	vperm.xlane v30, v0;
	v24 =	vperm.xlane v31, v0  }
0x9d: {  	v41 =	vld [tilespmem:s10+$0x10980];
	v44 =	vperm.xlane v20, v0;
	v8 =	vadd.f32 v14, v8;
	v9 =	vadd.f32 v15, v9  }
0x9e: {  	v45 =	vperm.xlane v35, v0;
	v10 =	vadd.f32 v17, v10;
	v11 =	vadd.f32 v18, v11  }
0x9f: {  	v46 =	vperm.xlane v37, v0;
	v12 =	vadd.f32 v32, v12;
	v13 =	vadd.f32 v33, v13  }
0xa0: {  	v47 =	vperm.xlane v21, v0;
	v18 =	vadd.f32 v42, v19;
	v14 =	vadd.f32 v43, v30  }
0xa1: {  	v49 =	vperm.xlane v23, v0;
	v15 =	vadd.f32 v24, v31;
	v19 =	vadd.f32 v44, v20  }
0xa2: {  	v48 =	vperm.xlane v41, v0;
	v17 =	vadd.f32 v46, v37;
	v50 =	vadd.f32 v47, v21  }
0xa3: {  	v51 =	vadd.f32 v49, v23;
	v8 =	vsel vm2, v8, v9;
	v34 =	vsel vm2, v10, v11  }
0xa4: {  	v39 =	vsel vm2, v12, v13;
	v12 =	vadd.f32 v40, v16;
	v10 =	vadd.f32 v45, v35  }
0xa5: {  	v14 =	vsel vm2, v14, v15;
	v13 =	vadd.f32 v48, v41;
	v36 =	vperm.xlane v8, v3  }
0xa6: {  	v17 =	vsel vm2, v17, v50;
	v38 =	vperm.xlane v34, v4;
	v22 =	vperm.xlane v39, v3  }
0xa7: {  	v53 =	vperm.xlane v14, v3;
	v55 =	vperm.xlane v17, v3;
	v12 =	vsel vm2, v12, v18  }
0xa8: {  	v10 =	vsel vm2, v19, v10;
	v13 =	vsel vm2, v13, v51;
	v8 =	vadd.f32 v36, v8  }
0xa9: {  	v9 =	vadd.f32 v38, v34;
	v11 =	vadd.f32 v22, v39;
	v52 =	vperm.xlane v12, v4  }
0xaa: {  	v54 =	vperm.xlane v10, v4;
	v56 =	vperm.xlane v13, v4;
	v14 =	vadd.f32 v53, v14  }
0xab: {  	v57 =	vadd.f32 v55, v17;
	v12 =	vadd.f32 v52, v12  }
0xac: {  	v10 =	vadd.f32 v54, v10;
	v8 =	vsel vm0, v8, v9;
	v13 =	vadd.f32 v56, v13  }
0xad: {  	v58 =	vperm.xlane v8, v5;
	v11 =	vsel vm0, v11, v12  }
0xae: {  	v10 =	vsel vm0, v14, v10;
	v9 =	vsel vm0, v57, v13;
	v59 =	vperm.xlane v11, v6  }
0xaf: {  	v60 =	vperm.xlane v10, v5;
	v61 =	vperm.xlane v9, v6  }
0xb0: {  	v8 =	vadd.f32 v58, v8;
	v11 =	vadd.f32 v59, v11  }
0xb1: {  	v10 =	vadd.f32 v60, v10;
	v9 =	vadd.f32 v61, v9;
	_ =	sdelay $0x1  }
0xb2: {  	v8 =	vsel vm1, v8, v11;
	v9 =	vsel vm1, v10, v9  }
0xb3: {  	p2 =	por p1, p1;
	v62 =	vperm.xlane v8, v1;
	v63 =	vperm.xlane v9, v2  }
.Ltmp1:
0xb4: {  	_ = 	snop;
	(pc) =	sbr.rel @p2 .LBB2_5-.Ltmp1, $4  }
0xb5: {  	v8 =	vadd.f32 v62, v8;
	v9 =	vadd.f32 v63, v9  }
0xb6: {  	s10 =	sshll.u32 s9, $0x4  }
0xb7: {  	s9 =	sand.u32 $0x3FFFFFF0, s10;
	v8 =	vsel vm3, v8, v9  }
0xb8: {  	p1 =	por $0x0, $0x0;
	[tilespmem:v7+s9+$0x0 ss:$0x1] =	vst.idx.msk $0xffff, v8;
	s9 =	simm.s32 $0x1  }
0xb9: {  	s9 =	sor.u32 s6, s8  }
0xba: {  	s9 =	sshrl.u32 s9, $0x3  }
0xbb: {  	s10 =	sadd.s32 $0x10400, s8;
	s9 =	sadd.s32 s3, s9  }
0xbc: {  	[hbm4b:s9+s5] =	stream.linear.scatter [tilespmem:s10], [sflag:$0x11], $0x20, $0x38;
	[tilespmem:$0x11600] =	vst v63  }
0xbd: {  	s8 =	simm.s32 @p0 $0x20;
	s9 =	simm.s32 @p0 $0x100;
	s10 =	simm.s32 @p0 $0x400  }
0xbe: {  	[tilespmem:s10], [sflag:$0x1] =	stream.indirect.gather @p0 [hbm4b:s0+s8], $0x80, s9, s8, $0xb8;
	[tilespmem:$0x11600] =	vst v63  }
0xbf: {  	s9 =	simm.s32 @p0 $0x300;
	s10 =	simm.s32 @p0 $0x8400  }
0xc0: {  	[tilespmem:s10], [sflag:$0x2] =	stream.indirect.gather @p0 [hbm4b:s2+s8], $0x80, s9, s8, $0xb8;
	[tilespmem:$0x11600] =	vst v63  }
0xc1: {  	_ =	swait.ge [sflag:s19], $0x1000  }
0xc2: {  	[sflag:s19] =	ssyncset.done $0x0  }
0xc3: {  	[sflag:s19] =	ssyncadd.s32 $0xFFFFF000  }
0xc4: {  	_ =	swait.ge [sflag:s20], $0x1000  }
0xc5: {  	[sflag:s20] =	ssyncset.done $0x0  }
0xc6: {  	s8 =	simm.s32 $0x0;
	[sflag:s20] =	ssyncadd.s32 $0xFFFFF000  }
0xc7: {  	v7 =	vld [tilespmem:s8+$0x1400]  }
0xc8: {  	v8 =	vld [tilespmem:s8+$0x9400]  }
0xc9: {  	v9 =	vld [tilespmem:s8+$0x1410]  }
0xca: {  	v10 =	vld [tilespmem:s8+$0x9410]  }
0xcb: {  	v11 =	vld [tilespmem:s8+$0x1420]  }
0xcc: {  	v12 =	vld [tilespmem:s8+$0x9420]  }
0xcd: {  	v13 =	vld [tilespmem:s8+$0x1430]  }
0xce: {  	v14 =	vld [tilespmem:s8+$0x9430]  }
0xcf: {  	v7 =	vmul.f32 v8, v7;
	v8 =	vmul.f32 v10, v9;
	v9 =	vld [tilespmem:s8+$0x1440]  }
0xd0: {  	v10 =	vld [tilespmem:s8+$0x9440]  }
0xd1: {  	v7 =	vadd.f32 v8, v7;
	v8 =	vmul.f32 v12, v11;
	v11 =	vld [tilespmem:s8+$0x1450]  }
0xd2: {  	v12 =	vld [tilespmem:s8+$0x9450]  }
0xd3: {  	v15 =	vld [tilespmem:s8+$0x9460];
	v7 =	vadd.f32 v8, v7;
	v8 =	vmul.f32 v14, v13  }
0xd4: {  	v14 =	vld [tilespmem:s8+$0x1460]  }
0xd5: {  	v10 =	vmul.f32 v10, v9;
	v13 =	vadd.f32 v8, v7;
	v7 =	vld [tilespmem:s8+$0x1470]  }
0xd6: {  	s9 =	simm.s32 $0x80;
	v8 =	vld [tilespmem:s8+$0x9470]  }
0xd7: {  	v9 =	vld [tilespmem:s9+$0x1400];
	v11 =	vmul.f32 v12, v11;
	v10 =	vadd.f32 v10, v13  }
0xd8: {  	v12 =	vld [tilespmem:s9+$0x9400]  }
0xd9: {  	s7 =	sshll.u32 s7, $0x3;
	s10 =	simm.s32 $0x400;
	v13 =	vld [tilespmem:s9+$0x1410];
	v10 =	vadd.f32 v11, v10;
	v11 =	vmul.f32 v15, v14  }
.LBB2_7:
0xda: {  	p1 =	seq.s32 s10, $0x3E00;
	v14 =	vld [tilespmem:s9+$0x9410]  }
0xdb: {  	v15 =	vld [tilespmem:s9+$0x1420];
	v10 =	vadd.f32 v11, v10;
	v7 =	vmul.f32 v8, v7  }
0xdc: {  	v8 =	vld [tilespmem:s9+$0x9420]  }
0xdd: {  	v11 =	vld [tilespmem:s9+$0x1430];
	v7 =	vadd.f32 v7, v10  }
0xde: {  	v10 =	vld [tilespmem:s9+$0x9430]  }
0xdf: {  	v9 =	vmul.f32 v12, v9;
	v12 =	vmul.f32 v14, v13;
	v13 =	vld [tilespmem:s9+$0x1440];
	[tilespmem:s8+$0x10600] =	vst v7;
	s8 =	smov.u32 s9  }
0xe0: {  	v7 =	vld [tilespmem:s8+$0x9440]  }
0xe1: {  	v9 =	vadd.f32 v12, v9;
	v8 =	vmul.f32 v8, v15;
	v12 =	vld [tilespmem:s8+$0x1450]  }
0xe2: {  	v14 =	vld [tilespmem:s8+$0x9450]  }
0xe3: {  	v8 =	vadd.f32 v8, v9;
	v9 =	vmul.f32 v10, v11;
	v11 =	vld [tilespmem:s8+$0x1460]  }
0xe4: {  	v15 =	vld [tilespmem:s8+$0x9460]  }
.Ltmp2:
0xe5: {  	v10 =	vadd.f32 v9, v8;
	v13 =	vmul.f32 v7, v13;
	v7 =	vld [tilespmem:s8+$0x1470];
	(pc) =	sbr.rel @!p1 .LBB2_7-.Ltmp2, $4  }
0xe6: {  	s9 =	sshra.s32 s10, $0x2;
	v8 =	vld [tilespmem:s8+$0x9470]  }
0xe7: {  	v9 =	vld [tilespmem:s9+$0x1400];
	v10 =	vadd.f32 v13, v10;
	v14 =	vmul.f32 v14, v12  }
0xe8: {  	v12 =	vld [tilespmem:s9+$0x9400]  }
0xe9: {  	s10 =	sadd.s32 $0x200, s10;
	v13 =	vld [tilespmem:s9+$0x1410];
	v10 =	vadd.f32 v14, v10;
	v11 =	vmul.f32 v15, v11  }
0xea: {  	v14 =	vld [tilespmem:s9+$0x9410]  }
0xeb: {  	v15 =	vld [tilespmem:s9+$0x1420]  }
0xec: {  	v16 =	vld [tilespmem:s9+$0x9420]  }
0xed: {  	v17 =	vld [tilespmem:s9+$0x1430]  }
0xee: {  	v18 =	vld [tilespmem:s9+$0x9430]  }
0xef: {  	v50 =	vld [tilespmem:s9+$0x1440];
	v9 =	vmul.f32 v12, v9;
	v49 =	vmul.f32 v14, v13  }
0xf0: {  	v51 =	vld [tilespmem:s9+$0x9440]  }
0xf1: {  	v53 =	vld [tilespmem:s9+$0x1450];
	v52 =	vmul.f32 v16, v15;
	v9 =	vadd.f32 v49, v9  }
0xf2: {  	v54 =	vld [tilespmem:s9+$0x9450]  }
0xf3: {  	v56 =	vld [tilespmem:s9+$0x1460];
	v55 =	vmul.f32 v18, v17;
	v9 =	vadd.f32 v52, v9  }
0xf4: {  	v57 =	vld [tilespmem:s9+$0x9460]  }
0xf5: {  	v59 =	vld [tilespmem:s9+$0x1470];
	v58 =	vmul.f32 v51, v50;
	v9 =	vadd.f32 v55, v9  }
0xf6: {  	v60 =	vld [tilespmem:s9+$0x9470]  }
0xf7: {  	v61 =	vmul.f32 v54, v53;
	v9 =	vadd.f32 v58, v9;
	_ =	sdelay $0x1  }
0xf8: {  	v62 =	vmul.f32 v57, v56;
	v9 =	vadd.f32 v61, v9;
	_ =	sdelay $0x1  }
0xf9: {  	v7 =	vmul.f32 v8, v7;
	v63 =	vmul.f32 v60, v59;
	v8 =	vadd.f32 v62, v9  }
0xfa: {  	v10 =	vadd.f32 v11, v10  }
0xfb: {  	v8 =	vadd.f32 v63, v8  }
0xfc: {  	v7 =	vadd.f32 v7, v10  }
0xfd: {  	[tilespmem:s9+$0x10600] =	vst v8;
	s9 =	sor.u32 $0x1, s7  }
0xfe: {  	[tilespmem:s8+$0x10600] =	vst v7;
	s8 =	sshll.u32 s9, $0x5  }
0xff: {  	s10 =	sand.u32 $0x3FFFFFE0, s8  }
0x100: {  	s10 =	sadd.s32 $0x10400, s10  }
0x101: {  	p1 =	por $0x1, $0x1;
	s9 =	simm.s32 $0x0;
	v7 =	vmov s10  }
.LBB2_9:
0x102: {  	s10 =	sshll.u32 s9, $0xB  }
0x103: {  	s10 =	sand.u32 $0x3FFFF800, s10  }
0x104: {  	v8 =	vld [tilespmem:s10+$0x10600]  }
0x105: {  	v9 =	vld [tilespmem:s10+$0x10A00]  }
0x106: {  	v10 =	vld [tilespmem:s10+$0x10800]  }
0x107: {  	v11 =	vld [tilespmem:s10+$0x10C00]  }
0x108: {  	v12 =	vld [tilespmem:s10+$0x10700]  }
0x109: {  	v13 =	vld [tilespmem:s10+$0x10B00]  }
0x10a: {  	v16 =	vld [tilespmem:s10+$0x10900]  }
0x10b: {  	v19 =	vld [tilespmem:s10+$0x10D00]  }
0x10c: {  	v30 =	vld [tilespmem:s10+$0x10680]  }
0x10d: {  	v31 =	vld [tilespmem:s10+$0x10A80]  }
0x10e: {  	v20 =	vld [tilespmem:s10+$0x10880];
	v14 =	vperm.xlane v8, v0;
	v15 =	vperm.xlane v9, v0  }
0x10f: {  	v35 =	vld [tilespmem:s10+$0x10C80];
	v17 =	vperm.xlane v10, v0;
	v18 =	vperm.xlane v11, v0  }
0x110: {  	v37 =	vld [tilespmem:s10+$0x10780];
	v32 =	vperm.xlane v12, v0;
	v33 =	vperm.xlane v13, v0  }
0x111: {  	v21 =	vld [tilespmem:s10+$0x10B80];
	v40 =	vperm.xlane v16, v0;
	v42 =	vperm.xlane v19, v0  }
0x112: {  	v23 =	vld [tilespmem:s10+$0x10D80];
	v43 =	vperm.xlane v30, v0;
	v24 =	vperm.xlane v31, v0  }
0x113: {  	v41 =	vld [tilespmem:s10+$0x10980];
	v44 =	vperm.xlane v20, v0;
	v8 =	vadd.f32 v14, v8;
	v9 =	vadd.f32 v15, v9  }
0x114: {  	v45 =	vperm.xlane v35, v0;
	v10 =	vadd.f32 v17, v10;
	v11 =	vadd.f32 v18, v11  }
0x115: {  	v46 =	vperm.xlane v37, v0;
	v12 =	vadd.f32 v32, v12;
	v13 =	vadd.f32 v33, v13  }
0x116: {  	v47 =	vperm.xlane v21, v0;
	v18 =	vadd.f32 v42, v19;
	v14 =	vadd.f32 v43, v30  }
0x117: {  	v49 =	vperm.xlane v23, v0;
	v15 =	vadd.f32 v24, v31;
	v19 =	vadd.f32 v44, v20  }
0x118: {  	v48 =	vperm.xlane v41, v0;
	v17 =	vadd.f32 v46, v37;
	v50 =	vadd.f32 v47, v21  }
0x119: {  	v51 =	vadd.f32 v49, v23;
	v8 =	vsel vm2, v8, v9;
	v34 =	vsel vm2, v10, v11  }
0x11a: {  	v39 =	vsel vm2, v12, v13;
	v12 =	vadd.f32 v40, v16;
	v10 =	vadd.f32 v45, v35  }
0x11b: {  	v14 =	vsel vm2, v14, v15;
	v13 =	vadd.f32 v48, v41;
	v36 =	vperm.xlane v8, v3  }
0x11c: {  	v17 =	vsel vm2, v17, v50;
	v38 =	vperm.xlane v34, v4;
	v22 =	vperm.xlane v39, v3  }
0x11d: {  	v53 =	vperm.xlane v14, v3;
	v55 =	vperm.xlane v17, v3;
	v12 =	vsel vm2, v12, v18  }
0x11e: {  	v10 =	vsel vm2, v19, v10;
	v13 =	vsel vm2, v13, v51;
	v8 =	vadd.f32 v36, v8  }
0x11f: {  	v9 =	vadd.f32 v38, v34;
	v11 =	vadd.f32 v22, v39;
	v52 =	vperm.xlane v12, v4  }
0x120: {  	v54 =	vperm.xlane v10, v4;
	v56 =	vperm.xlane v13, v4;
	v14 =	vadd.f32 v53, v14  }
0x121: {  	v57 =	vadd.f32 v55, v17;
	v12 =	vadd.f32 v52, v12  }
0x122: {  	v10 =	vadd.f32 v54, v10;
	v8 =	vsel vm0, v8, v9;
	v13 =	vadd.f32 v56, v13  }
0x123: {  	v58 =	vperm.xlane v8, v5;
	v11 =	vsel vm0, v11, v12  }
0x124: {  	v10 =	vsel vm0, v14, v10;
	v9 =	vsel vm0, v57, v13;
	v59 =	vperm.xlane v11, v6  }
0x125: {  	v60 =	vperm.xlane v10, v5;
	v61 =	vperm.xlane v9, v6  }
0x126: {  	v8 =	vadd.f32 v58, v8;
	v11 =	vadd.f32 v59, v11  }
0x127: {  	v10 =	vadd.f32 v60, v10;
	v9 =	vadd.f32 v61, v9;
	_ =	sdelay $0x1  }
0x128: {  	v8 =	vsel vm1, v8, v11;
	v9 =	vsel vm1, v10, v9  }
0x129: {  	p2 =	por p1, p1;
	v62 =	vperm.xlane v8, v1;
	v63 =	vperm.xlane v9, v2  }
.Ltmp3:
0x12a: {  	_ = 	snop;
	(pc) =	sbr.rel @p2 .LBB2_9-.Ltmp3, $4  }
0x12b: {  	v8 =	vadd.f32 v62, v8;
	v9 =	vadd.f32 v63, v9  }
0x12c: {  	s10 =	sshll.u32 s9, $0x4  }
0x12d: {  	s9 =	sand.u32 $0x3FFFFFF0, s10;
	v8 =	vsel vm3, v8, v9  }
0x12e: {  	p1 =	por $0x0, $0x0;
	[tilespmem:v7+s9+$0x0 ss:$0x1] =	vst.idx.msk $0xffff, v8;
	s9 =	simm.s32 $0x1  }
0x12f: {  	s9 =	sor.u32 s6, s8  }
0x130: {  	s9 =	sshrl.u32 s9, $0x3  }
0x131: {  	s10 =	sadd.s32 $0x10400, s8;
	s9 =	sadd.s32 s3, s9  }
0x132: {  	[hbm4b:s9+s5] =	stream.linear.scatter [tilespmem:s10], [sflag:$0x11], $0x20, $0x38;
	[tilespmem:$0x11600] =	vst v63  }
0x133: {  	s8 =	simm.s32 @p0 $0x20;
	s9 =	simm.s32 @p0 $0x120;
	s10 =	simm.s32 @p0 $0x1400  }
0x134: {  	[tilespmem:s10], [sflag:$0x3] =	stream.indirect.gather @p0 [hbm4b:s0+s8], $0x80, s9, s8, $0xb8;
	[tilespmem:$0x11600] =	vst v63  }
0x135: {  	s9 =	simm.s32 @p0 $0x320;
	s10 =	simm.s32 @p0 $0x9400  }
0x136: {  	[tilespmem:s10], [sflag:$0x4] =	stream.indirect.gather @p0 [hbm4b:s2+s8], $0x80, s9, s8, $0xb8;
	[tilespmem:$0x11600] =	vst v63  }
0x137: {  	_ =	swait.ge [sflag:s1], $0x1000  }
0x138: {  	[sflag:s1] =	ssyncset.done $0x0  }
0x139: {  	[sflag:s1] =	ssyncadd.s32 $0xFFFFF000  }
0x13a: {  	_ =	swait.ge [sflag:s4], $0x1000  }
0x13b: {  	[sflag:s4] =	ssyncset.done $0x0  }
0x13c: {  	s8 =	simm.s32 $0x0;
	[sflag:s4] =	ssyncadd.s32 $0xFFFFF000  }
0x13d: {  	v7 =	vld [tilespmem:s8+$0x2400]  }
0x13e: {  	v8 =	vld [tilespmem:s8+$0xA400]  }
0x13f: {  	v9 =	vld [tilespmem:s8+$0x2410]  }
0x140: {  	v10 =	vld [tilespmem:s8+$0xA410]  }
0x141: {  	v11 =	vld [tilespmem:s8+$0x2420]  }
0x142: {  	v12 =	vld [tilespmem:s8+$0xA420]  }
0x143: {  	v13 =	vld [tilespmem:s8+$0x2430]  }
0x144: {  	v14 =	vld [tilespmem:s8+$0xA430]  }
0x145: {  	v7 =	vmul.f32 v8, v7;
	v8 =	vmul.f32 v10, v9;
	v9 =	vld [tilespmem:s8+$0x2440]  }
0x146: {  	v10 =	vld [tilespmem:s8+$0xA440]  }
0x147: {  	v7 =	vadd.f32 v8, v7;
	v8 =	vmul.f32 v12, v11;
	v11 =	vld [tilespmem:s8+$0x2450]  }
0x148: {  	v12 =	vld [tilespmem:s8+$0xA450]  }
0x149: {  	v15 =	vld [tilespmem:s8+$0xA460];
	v7 =	vadd.f32 v8, v7;
	v8 =	vmul.f32 v14, v13  }
0x14a: {  	v14 =	vld [tilespmem:s8+$0x2460]  }
0x14b: {  	v10 =	vmul.f32 v10, v9;
	v13 =	vadd.f32 v8, v7;
	v7 =	vld [tilespmem:s8+$0x2470]  }
0x14c: {  	s9 =	simm.s32 $0x80;
	v8 =	vld [tilespmem:s8+$0xA470]  }
0x14d: {  	v9 =	vld [tilespmem:s9+$0x2400];
	v11 =	vmul.f32 v12, v11;
	v10 =	vadd.f32 v10, v13  }
0x14e: {  	v12 =	vld [tilespmem:s9+$0xA400]  }
0x14f: {  	s10 =	simm.s32 $0x400;
	v13 =	vld [tilespmem:s9+$0x2410];
	v10 =	vadd.f32 v11, v10;
	v11 =	vmul.f32 v15, v14  }
.LBB2_11:
0x150: {  	p1 =	seq.s32 s10, $0x3E00;
	v14 =	vld [tilespmem:s9+$0xA410]  }
0x151: {  	v15 =	vld [tilespmem:s9+$0x2420];
	v10 =	vadd.f32 v11, v10;
	v7 =	vmul.f32 v8, v7  }
0x152: {  	v8 =	vld [tilespmem:s9+$0xA420]  }
0x153: {  	v11 =	vld [tilespmem:s9+$0x2430];
	v7 =	vadd.f32 v7, v10  }
0x154: {  	v10 =	vld [tilespmem:s9+$0xA430]  }
0x155: {  	v9 =	vmul.f32 v12, v9;
	v12 =	vmul.f32 v14, v13;
	v13 =	vld [tilespmem:s9+$0x2440];
	[tilespmem:s8+$0x10600] =	vst v7;
	s8 =	smov.u32 s9  }
0x156: {  	v7 =	vld [tilespmem:s8+$0xA440]  }
0x157: {  	v9 =	vadd.f32 v12, v9;
	v8 =	vmul.f32 v8, v15;
	v12 =	vld [tilespmem:s8+$0x2450]  }
0x158: {  	v14 =	vld [tilespmem:s8+$0xA450]  }
0x159: {  	v8 =	vadd.f32 v8, v9;
	v9 =	vmul.f32 v10, v11;
	v11 =	vld [tilespmem:s8+$0x2460]  }
0x15a: {  	v15 =	vld [tilespmem:s8+$0xA460]  }
.Ltmp4:
0x15b: {  	v10 =	vadd.f32 v9, v8;
	v13 =	vmul.f32 v7, v13;
	v7 =	vld [tilespmem:s8+$0x2470];
	(pc) =	sbr.rel @!p1 .LBB2_11-.Ltmp4, $4  }
0x15c: {  	s9 =	sshra.s32 s10, $0x2;
	v8 =	vld [tilespmem:s8+$0xA470]  }
0x15d: {  	v9 =	vld [tilespmem:s9+$0x2400];
	v10 =	vadd.f32 v13, v10;
	v14 =	vmul.f32 v14, v12  }
0x15e: {  	v12 =	vld [tilespmem:s9+$0xA400]  }
0x15f: {  	s10 =	sadd.s32 $0x200, s10;
	v13 =	vld [tilespmem:s9+$0x2410];
	v10 =	vadd.f32 v14, v10;
	v11 =	vmul.f32 v15, v11  }
0x160: {  	v14 =	vld [tilespmem:s9+$0xA410]  }
0x161: {  	v15 =	vld [tilespmem:s9+$0x2420]  }
0x162: {  	v16 =	vld [tilespmem:s9+$0xA420]  }
0x163: {  	v17 =	vld [tilespmem:s9+$0x2430]  }
0x164: {  	v18 =	vld [tilespmem:s9+$0xA430]  }
0x165: {  	v50 =	vld [tilespmem:s9+$0x2440];
	v9 =	vmul.f32 v12, v9;
	v49 =	vmul.f32 v14, v13  }
0x166: {  	v51 =	vld [tilespmem:s9+$0xA440]  }
0x167: {  	v53 =	vld [tilespmem:s9+$0x2450];
	v52 =	vmul.f32 v16, v15;
	v9 =	vadd.f32 v49, v9  }
0x168: {  	v54 =	vld [tilespmem:s9+$0xA450]  }
0x169: {  	v56 =	vld [tilespmem:s9+$0x2460];
	v55 =	vmul.f32 v18, v17;
	v9 =	vadd.f32 v52, v9  }
0x16a: {  	v57 =	vld [tilespmem:s9+$0xA460]  }
0x16b: {  	v59 =	vld [tilespmem:s9+$0x2470];
	v58 =	vmul.f32 v51, v50;
	v9 =	vadd.f32 v55, v9  }
0x16c: {  	v60 =	vld [tilespmem:s9+$0xA470]  }
0x16d: {  	v61 =	vmul.f32 v54, v53;
	v9 =	vadd.f32 v58, v9;
	_ =	sdelay $0x1  }
0x16e: {  	v62 =	vmul.f32 v57, v56;
	v9 =	vadd.f32 v61, v9;
	_ =	sdelay $0x1  }
0x16f: {  	v7 =	vmul.f32 v8, v7;
	v63 =	vmul.f32 v60, v59;
	v8 =	vadd.f32 v62, v9  }
0x170: {  	v10 =	vadd.f32 v11, v10  }
0x171: {  	v8 =	vadd.f32 v63, v8  }
0x172: {  	v7 =	vadd.f32 v7, v10  }
0x173: {  	[tilespmem:s9+$0x10600] =	vst v8;
	s9 =	sor.u32 $0x2, s7  }
0x174: {  	[tilespmem:s8+$0x10600] =	vst v7;
	s8 =	sshll.u32 s9, $0x5  }
0x175: {  	s10 =	sand.u32 $0x3FFFFFE0, s8  }
0x176: {  	s10 =	sadd.s32 $0x10400, s10  }
0x177: {  	p1 =	por $0x1, $0x1;
	s9 =	simm.s32 $0x0;
	v7 =	vmov s10  }
.LBB2_13:
0x178: {  	s10 =	sshll.u32 s9, $0xB  }
0x179: {  	s10 =	sand.u32 $0x3FFFF800, s10  }
0x17a: {  	v8 =	vld [tilespmem:s10+$0x10600]  }
0x17b: {  	v9 =	vld [tilespmem:s10+$0x10A00]  }
0x17c: {  	v10 =	vld [tilespmem:s10+$0x10800]  }
0x17d: {  	v11 =	vld [tilespmem:s10+$0x10C00]  }
0x17e: {  	v12 =	vld [tilespmem:s10+$0x10700]  }
0x17f: {  	v13 =	vld [tilespmem:s10+$0x10B00]  }
0x180: {  	v16 =	vld [tilespmem:s10+$0x10900]  }
0x181: {  	v19 =	vld [tilespmem:s10+$0x10D00]  }
0x182: {  	v30 =	vld [tilespmem:s10+$0x10680]  }
0x183: {  	v31 =	vld [tilespmem:s10+$0x10A80]  }
0x184: {  	v20 =	vld [tilespmem:s10+$0x10880];
	v14 =	vperm.xlane v8, v0;
	v15 =	vperm.xlane v9, v0  }
0x185: {  	v35 =	vld [tilespmem:s10+$0x10C80];
	v17 =	vperm.xlane v10, v0;
	v18 =	vperm.xlane v11, v0  }
0x186: {  	v37 =	vld [tilespmem:s10+$0x10780];
	v32 =	vperm.xlane v12, v0;
	v33 =	vperm.xlane v13, v0  }
0x187: {  	v21 =	vld [tilespmem:s10+$0x10B80];
	v40 =	vperm.xlane v16, v0;
	v42 =	vperm.xlane v19, v0  }
0x188: {  	v23 =	vld [tilespmem:s10+$0x10D80];
	v43 =	vperm.xlane v30, v0;
	v24 =	vperm.xlane v31, v0  }
0x189: {  	v41 =	vld [tilespmem:s10+$0x10980];
	v44 =	vperm.xlane v20, v0;
	v8 =	vadd.f32 v14, v8;
	v9 =	vadd.f32 v15, v9  }
0x18a: {  	v45 =	vperm.xlane v35, v0;
	v10 =	vadd.f32 v17, v10;
	v11 =	vadd.f32 v18, v11  }
0x18b: {  	v46 =	vperm.xlane v37, v0;
	v12 =	vadd.f32 v32, v12;
	v13 =	vadd.f32 v33, v13  }
0x18c: {  	v47 =	vperm.xlane v21, v0;
	v18 =	vadd.f32 v42, v19;
	v14 =	vadd.f32 v43, v30  }
0x18d: {  	v49 =	vperm.xlane v23, v0;
	v15 =	vadd.f32 v24, v31;
	v19 =	vadd.f32 v44, v20  }
0x18e: {  	v48 =	vperm.xlane v41, v0;
	v17 =	vadd.f32 v46, v37;
	v50 =	vadd.f32 v47, v21  }
0x18f: {  	v51 =	vadd.f32 v49, v23;
	v8 =	vsel vm2, v8, v9;
	v34 =	vsel vm2, v10, v11  }
0x190: {  	v39 =	vsel vm2, v12, v13;
	v12 =	vadd.f32 v40, v16;
	v10 =	vadd.f32 v45, v35  }
0x191: {  	v14 =	vsel vm2, v14, v15;
	v13 =	vadd.f32 v48, v41;
	v36 =	vperm.xlane v8, v3  }
0x192: {  	v17 =	vsel vm2, v17, v50;
	v38 =	vperm.xlane v34, v4;
	v22 =	vperm.xlane v39, v3  }
0x193: {  	v53 =	vperm.xlane v14, v3;
	v55 =	vperm.xlane v17, v3;
	v12 =	vsel vm2, v12, v18  }
0x194: {  	v10 =	vsel vm2, v19, v10;
	v13 =	vsel vm2, v13, v51;
	v8 =	vadd.f32 v36, v8  }
0x195: {  	v9 =	vadd.f32 v38, v34;
	v11 =	vadd.f32 v22, v39;
	v52 =	vperm.xlane v12, v4  }
0x196: {  	v54 =	vperm.xlane v10, v4;
	v56 =	vperm.xlane v13, v4;
	v14 =	vadd.f32 v53, v14  }
0x197: {  	v57 =	vadd.f32 v55, v17;
	v12 =	vadd.f32 v52, v12  }
0x198: {  	v10 =	vadd.f32 v54, v10;
	v8 =	vsel vm0, v8, v9;
	v13 =	vadd.f32 v56, v13  }
0x199: {  	v58 =	vperm.xlane v8, v5;
	v11 =	vsel vm0, v11, v12  }
0x19a: {  	v10 =	vsel vm0, v14, v10;
	v9 =	vsel vm0, v57, v13;
	v59 =	vperm.xlane v11, v6  }
0x19b: {  	v60 =	vperm.xlane v10, v5;
	v61 =	vperm.xlane v9, v6  }
0x19c: {  	v8 =	vadd.f32 v58, v8;
	v11 =	vadd.f32 v59, v11  }
0x19d: {  	v10 =	vadd.f32 v60, v10;
	v9 =	vadd.f32 v61, v9;
	_ =	sdelay $0x1  }
0x19e: {  	v8 =	vsel vm1, v8, v11;
	v9 =	vsel vm1, v10, v9  }
0x19f: {  	p2 =	por p1, p1;
	v62 =	vperm.xlane v8, v1;
	v63 =	vperm.xlane v9, v2  }
.Ltmp5:
0x1a0: {  	_ = 	snop;
	(pc) =	sbr.rel @p2 .LBB2_13-.Ltmp5, $4  }
0x1a1: {  	v8 =	vadd.f32 v62, v8;
	v9 =	vadd.f32 v63, v9  }
0x1a2: {  	s10 =	sshll.u32 s9, $0x4  }
0x1a3: {  	s9 =	sand.u32 $0x3FFFFFF0, s10;
	v8 =	vsel vm3, v8, v9  }
0x1a4: {  	p1 =	por $0x0, $0x0;
	[tilespmem:v7+s9+$0x0 ss:$0x1] =	vst.idx.msk $0xffff, v8;
	s9 =	simm.s32 $0x1  }
0x1a5: {  	s9 =	sor.u32 s6, s8  }
0x1a6: {  	s9 =	sshrl.u32 s9, $0x3  }
0x1a7: {  	s10 =	sadd.s32 $0x10400, s8;
	s9 =	sadd.s32 s3, s9  }
0x1a8: {  	[hbm4b:s9+s5] =	stream.linear.scatter [tilespmem:s10], [sflag:$0x11], $0x20, $0x38;
	[tilespmem:$0x11600] =	vst v63  }
0x1a9: {  	s8 =	simm.s32 @p0 $0x20;
	s9 =	simm.s32 @p0 $0x140;
	s10 =	simm.s32 @p0 $0x2400  }
0x1aa: {  	[tilespmem:s10], [sflag:$0x5] =	stream.indirect.gather @p0 [hbm4b:s0+s8], $0x80, s9, s8, $0xb8;
	[tilespmem:$0x11600] =	vst v63  }
0x1ab: {  	s9 =	simm.s32 @p0 $0x340;
	s10 =	simm.s32 @p0 $0xA400  }
0x1ac: {  	[tilespmem:s10], [sflag:$0x6] =	stream.indirect.gather @p0 [hbm4b:s2+s8], $0x80, s9, s8, $0xb8;
	[tilespmem:$0x11600] =	vst v63  }
0x1ad: {  	_ =	swait.ge [sflag:s17], $0x1000  }
0x1ae: {  	[sflag:s17] =	ssyncset.done $0x0  }
0x1af: {  	[sflag:s17] =	ssyncadd.s32 $0xFFFFF000  }
0x1b0: {  	_ =	swait.ge [sflag:s18], $0x1000  }
0x1b1: {  	[sflag:s18] =	ssyncset.done $0x0  }
0x1b2: {  	s8 =	simm.s32 $0x0;
	[sflag:s18] =	ssyncadd.s32 $0xFFFFF000  }
0x1b3: {  	v7 =	vld [tilespmem:s8+$0x3400]  }
0x1b4: {  	v8 =	vld [tilespmem:s8+$0xB400]  }
0x1b5: {  	v9 =	vld [tilespmem:s8+$0x3410]  }
0x1b6: {  	v10 =	vld [tilespmem:s8+$0xB410]  }
0x1b7: {  	v11 =	vld [tilespmem:s8+$0x3420]  }
0x1b8: {  	v12 =	vld [tilespmem:s8+$0xB420]  }
0x1b9: {  	v13 =	vld [tilespmem:s8+$0x3430]  }
0x1ba: {  	v14 =	vld [tilespmem:s8+$0xB430]  }
0x1bb: {  	v7 =	vmul.f32 v8, v7;
	v8 =	vmul.f32 v10, v9;
	v9 =	vld [tilespmem:s8+$0x3440]  }
0x1bc: {  	v10 =	vld [tilespmem:s8+$0xB440]  }
0x1bd: {  	v7 =	vadd.f32 v8, v7;
	v8 =	vmul.f32 v12, v11;
	v11 =	vld [tilespmem:s8+$0x3450]  }
0x1be: {  	v12 =	vld [tilespmem:s8+$0xB450]  }
0x1bf: {  	v15 =	vld [tilespmem:s8+$0xB460];
	v7 =	vadd.f32 v8, v7;
	v8 =	vmul.f32 v14, v13  }
0x1c0: {  	v14 =	vld [tilespmem:s8+$0x3460]  }
0x1c1: {  	v10 =	vmul.f32 v10, v9;
	v13 =	vadd.f32 v8, v7;
	v7 =	vld [tilespmem:s8+$0x3470]  }
0x1c2: {  	s9 =	simm.s32 $0x80;
	v8 =	vld [tilespmem:s8+$0xB470]  }
0x1c3: {  	v9 =	vld [tilespmem:s9+$0x3400];
	v11 =	vmul.f32 v12, v11;
	v10 =	vadd.f32 v10, v13  }
0x1c4: {  	v12 =	vld [tilespmem:s9+$0xB400]  }
0x1c5: {  	s10 =	simm.s32 $0x400;
	v13 =	vld [tilespmem:s9+$0x3410];
	v10 =	vadd.f32 v11, v10;
	v11 =	vmul.f32 v15, v14  }
.LBB2_15:
0x1c6: {  	p1 =	seq.s32 s10, $0x3E00;
	v14 =	vld [tilespmem:s9+$0xB410]  }
0x1c7: {  	v15 =	vld [tilespmem:s9+$0x3420];
	v10 =	vadd.f32 v11, v10;
	v7 =	vmul.f32 v8, v7  }
0x1c8: {  	v8 =	vld [tilespmem:s9+$0xB420]  }
0x1c9: {  	v11 =	vld [tilespmem:s9+$0x3430];
	v7 =	vadd.f32 v7, v10  }
0x1ca: {  	v10 =	vld [tilespmem:s9+$0xB430]  }
0x1cb: {  	v9 =	vmul.f32 v12, v9;
	v12 =	vmul.f32 v14, v13;
	v13 =	vld [tilespmem:s9+$0x3440];
	[tilespmem:s8+$0x10600] =	vst v7;
	s8 =	smov.u32 s9  }
0x1cc: {  	v7 =	vld [tilespmem:s8+$0xB440]  }
0x1cd: {  	v9 =	vadd.f32 v12, v9;
	v8 =	vmul.f32 v8, v15;
	v12 =	vld [tilespmem:s8+$0x3450]  }
0x1ce: {  	v14 =	vld [tilespmem:s8+$0xB450]  }
0x1cf: {  	v8 =	vadd.f32 v8, v9;
	v9 =	vmul.f32 v10, v11;
	v11 =	vld [tilespmem:s8+$0x3460]  }
0x1d0: {  	v15 =	vld [tilespmem:s8+$0xB460]  }
.Ltmp6:
0x1d1: {  	v10 =	vadd.f32 v9, v8;
	v13 =	vmul.f32 v7, v13;
	v7 =	vld [tilespmem:s8+$0x3470];
	(pc) =	sbr.rel @!p1 .LBB2_15-.Ltmp6, $4  }
0x1d2: {  	s9 =	sshra.s32 s10, $0x2;
	v8 =	vld [tilespmem:s8+$0xB470]  }
0x1d3: {  	v9 =	vld [tilespmem:s9+$0x3400];
	v10 =	vadd.f32 v13, v10;
	v14 =	vmul.f32 v14, v12  }
0x1d4: {  	v12 =	vld [tilespmem:s9+$0xB400]  }
0x1d5: {  	s10 =	sadd.s32 $0x200, s10;
	v13 =	vld [tilespmem:s9+$0x3410];
	v10 =	vadd.f32 v14, v10;
	v11 =	vmul.f32 v15, v11  }
0x1d6: {  	v14 =	vld [tilespmem:s9+$0xB410]  }
0x1d7: {  	v15 =	vld [tilespmem:s9+$0x3420]  }
0x1d8: {  	v16 =	vld [tilespmem:s9+$0xB420]  }
0x1d9: {  	v17 =	vld [tilespmem:s9+$0x3430]  }
0x1da: {  	v18 =	vld [tilespmem:s9+$0xB430]  }
0x1db: {  	v50 =	vld [tilespmem:s9+$0x3440];
	v9 =	vmul.f32 v12, v9;
	v49 =	vmul.f32 v14, v13  }
0x1dc: {  	v51 =	vld [tilespmem:s9+$0xB440]  }
0x1dd: {  	v53 =	vld [tilespmem:s9+$0x3450];
	v52 =	vmul.f32 v16, v15;
	v9 =	vadd.f32 v49, v9  }
0x1de: {  	v54 =	vld [tilespmem:s9+$0xB450]  }
0x1df: {  	v56 =	vld [tilespmem:s9+$0x3460];
	v55 =	vmul.f32 v18, v17;
	v9 =	vadd.f32 v52, v9  }
0x1e0: {  	v57 =	vld [tilespmem:s9+$0xB460]  }
0x1e1: {  	v59 =	vld [tilespmem:s9+$0x3470];
	v58 =	vmul.f32 v51, v50;
	v9 =	vadd.f32 v55, v9  }
0x1e2: {  	v60 =	vld [tilespmem:s9+$0xB470]  }
0x1e3: {  	v61 =	vmul.f32 v54, v53;
	v9 =	vadd.f32 v58, v9;
	_ =	sdelay $0x1  }
0x1e4: {  	v62 =	vmul.f32 v57, v56;
	v9 =	vadd.f32 v61, v9;
	_ =	sdelay $0x1  }
0x1e5: {  	v7 =	vmul.f32 v8, v7;
	v63 =	vmul.f32 v60, v59;
	v8 =	vadd.f32 v62, v9  }
0x1e6: {  	v10 =	vadd.f32 v11, v10  }
0x1e7: {  	v8 =	vadd.f32 v63, v8  }
0x1e8: {  	v7 =	vadd.f32 v7, v10  }
0x1e9: {  	[tilespmem:s9+$0x10600] =	vst v8;
	s9 =	sor.u32 $0x3, s7  }
0x1ea: {  	[tilespmem:s8+$0x10600] =	vst v7;
	s8 =	sshll.u32 s9, $0x5  }
0x1eb: {  	s10 =	sand.u32 $0x3FFFFFE0, s8  }
0x1ec: {  	s10 =	sadd.s32 $0x10400, s10  }
0x1ed: {  	p1 =	por $0x1, $0x1;
	s9 =	simm.s32 $0x0;
	v7 =	vmov s10  }
.LBB2_17:
0x1ee: {  	s10 =	sshll.u32 s9, $0xB  }
0x1ef: {  	s10 =	sand.u32 $0x3FFFF800, s10  }
0x1f0: {  	v8 =	vld [tilespmem:s10+$0x10600]  }
0x1f1: {  	v9 =	vld [tilespmem:s10+$0x10A00]  }
0x1f2: {  	v10 =	vld [tilespmem:s10+$0x10800]  }
0x1f3: {  	v11 =	vld [tilespmem:s10+$0x10C00]  }
0x1f4: {  	v12 =	vld [tilespmem:s10+$0x10700]  }
0x1f5: {  	v13 =	vld [tilespmem:s10+$0x10B00]  }
0x1f6: {  	v16 =	vld [tilespmem:s10+$0x10900]  }
0x1f7: {  	v19 =	vld [tilespmem:s10+$0x10D00]  }
0x1f8: {  	v30 =	vld [tilespmem:s10+$0x10680]  }
0x1f9: {  	v31 =	vld [tilespmem:s10+$0x10A80]  }
0x1fa: {  	v20 =	vld [tilespmem:s10+$0x10880];
	v14 =	vperm.xlane v8, v0;
	v15 =	vperm.xlane v9, v0  }
0x1fb: {  	v35 =	vld [tilespmem:s10+$0x10C80];
	v17 =	vperm.xlane v10, v0;
	v18 =	vperm.xlane v11, v0  }
0x1fc: {  	v37 =	vld [tilespmem:s10+$0x10780];
	v32 =	vperm.xlane v12, v0;
	v33 =	vperm.xlane v13, v0  }
0x1fd: {  	v21 =	vld [tilespmem:s10+$0x10B80];
	v40 =	vperm.xlane v16, v0;
	v42 =	vperm.xlane v19, v0  }
0x1fe: {  	v23 =	vld [tilespmem:s10+$0x10D80];
	v43 =	vperm.xlane v30, v0;
	v24 =	vperm.xlane v31, v0  }
0x1ff: {  	v41 =	vld [tilespmem:s10+$0x10980];
	v44 =	vperm.xlane v20, v0;
	v8 =	vadd.f32 v14, v8;
	v9 =	vadd.f32 v15, v9  }
0x200: {  	v45 =	vperm.xlane v35, v0;
	v10 =	vadd.f32 v17, v10;
	v11 =	vadd.f32 v18, v11  }
0x201: {  	v46 =	vperm.xlane v37, v0;
	v12 =	vadd.f32 v32, v12;
	v13 =	vadd.f32 v33, v13  }
0x202: {  	v47 =	vperm.xlane v21, v0;
	v18 =	vadd.f32 v42, v19;
	v14 =	vadd.f32 v43, v30  }
0x203: {  	v49 =	vperm.xlane v23, v0;
	v15 =	vadd.f32 v24, v31;
	v19 =	vadd.f32 v44, v20  }
0x204: {  	v48 =	vperm.xlane v41, v0;
	v17 =	vadd.f32 v46, v37;
	v50 =	vadd.f32 v47, v21  }
0x205: {  	v51 =	vadd.f32 v49, v23;
	v8 =	vsel vm2, v8, v9;
	v34 =	vsel vm2, v10, v11  }
0x206: {  	v39 =	vsel vm2, v12, v13;
	v12 =	vadd.f32 v40, v16;
	v10 =	vadd.f32 v45, v35  }
0x207: {  	v14 =	vsel vm2, v14, v15;
	v13 =	vadd.f32 v48, v41;
	v36 =	vperm.xlane v8, v3  }
0x208: {  	v17 =	vsel vm2, v17, v50;
	v38 =	vperm.xlane v34, v4;
	v22 =	vperm.xlane v39, v3  }
0x209: {  	v53 =	vperm.xlane v14, v3;
	v55 =	vperm.xlane v17, v3;
	v12 =	vsel vm2, v12, v18  }
0x20a: {  	v10 =	vsel vm2, v19, v10;
	v13 =	vsel vm2, v13, v51;
	v8 =	vadd.f32 v36, v8  }
0x20b: {  	v9 =	vadd.f32 v38, v34;
	v11 =	vadd.f32 v22, v39;
	v52 =	vperm.xlane v12, v4  }
0x20c: {  	v54 =	vperm.xlane v10, v4;
	v56 =	vperm.xlane v13, v4;
	v14 =	vadd.f32 v53, v14  }
0x20d: {  	v57 =	vadd.f32 v55, v17;
	v12 =	vadd.f32 v52, v12  }
0x20e: {  	v10 =	vadd.f32 v54, v10;
	v8 =	vsel vm0, v8, v9;
	v13 =	vadd.f32 v56, v13  }
0x20f: {  	v58 =	vperm.xlane v8, v5;
	v11 =	vsel vm0, v11, v12  }
0x210: {  	v10 =	vsel vm0, v14, v10;
	v9 =	vsel vm0, v57, v13;
	v59 =	vperm.xlane v11, v6  }
0x211: {  	v60 =	vperm.xlane v10, v5;
	v61 =	vperm.xlane v9, v6  }
0x212: {  	v8 =	vadd.f32 v58, v8;
	v11 =	vadd.f32 v59, v11  }
0x213: {  	v10 =	vadd.f32 v60, v10;
	v9 =	vadd.f32 v61, v9;
	_ =	sdelay $0x1  }
0x214: {  	v8 =	vsel vm1, v8, v11;
	v9 =	vsel vm1, v10, v9  }
0x215: {  	p2 =	por p1, p1;
	v62 =	vperm.xlane v8, v1;
	v63 =	vperm.xlane v9, v2  }
.Ltmp7:
0x216: {  	_ = 	snop;
	(pc) =	sbr.rel @p2 .LBB2_17-.Ltmp7, $4  }
0x217: {  	v8 =	vadd.f32 v62, v8;
	v9 =	vadd.f32 v63, v9  }
0x218: {  	s10 =	sshll.u32 s9, $0x4  }
0x219: {  	s9 =	sand.u32 $0x3FFFFFF0, s10;
	v8 =	vsel vm3, v8, v9  }
0x21a: {  	p1 =	por $0x0, $0x0;
	[tilespmem:v7+s9+$0x0 ss:$0x1] =	vst.idx.msk $0xffff, v8;
	s9 =	simm.s32 $0x1  }
0x21b: {  	s9 =	sor.u32 s6, s8  }
0x21c: {  	s9 =	sshrl.u32 s9, $0x3  }
0x21d: {  	s10 =	sadd.s32 $0x10400, s8;
	s9 =	sadd.s32 s3, s9  }
0x21e: {  	[hbm4b:s9+s5] =	stream.linear.scatter [tilespmem:s10], [sflag:$0x11], $0x20, $0x38;
	[tilespmem:$0x11600] =	vst v63  }
0x21f: {  	s8 =	simm.s32 @p0 $0x20;
	s9 =	simm.s32 @p0 $0x160;
	s10 =	simm.s32 @p0 $0x3400  }
0x220: {  	[tilespmem:s10], [sflag:$0x7] =	stream.indirect.gather @p0 [hbm4b:s0+s8], $0x80, s9, s8, $0xb8;
	[tilespmem:$0x11600] =	vst v63  }
0x221: {  	s9 =	simm.s32 @p0 $0x360;
	s10 =	simm.s32 @p0 $0xB400  }
0x222: {  	[tilespmem:s10], [sflag:$0x8] =	stream.indirect.gather @p0 [hbm4b:s2+s8], $0x80, s9, s8, $0xb8;
	[tilespmem:$0x11600] =	vst v63  }
0x223: {  	_ =	swait.ge [sflag:s21], $0x1000  }
0x224: {  	[sflag:s21] =	ssyncset.done $0x0  }
0x225: {  	[sflag:s21] =	ssyncadd.s32 $0xFFFFF000  }
0x226: {  	_ =	swait.ge [sflag:s22], $0x1000  }
0x227: {  	[sflag:s22] =	ssyncset.done $0x0  }
0x228: {  	s8 =	simm.s32 $0x0;
	[sflag:s22] =	ssyncadd.s32 $0xFFFFF000  }
0x229: {  	v7 =	vld [tilespmem:s8+$0x4400]  }
0x22a: {  	v8 =	vld [tilespmem:s8+$0xC400]  }
0x22b: {  	v9 =	vld [tilespmem:s8+$0x4410]  }
0x22c: {  	v10 =	vld [tilespmem:s8+$0xC410]  }
0x22d: {  	v11 =	vld [tilespmem:s8+$0x4420]  }
0x22e: {  	v12 =	vld [tilespmem:s8+$0xC420]  }
0x22f: {  	v13 =	vld [tilespmem:s8+$0x4430]  }
0x230: {  	v14 =	vld [tilespmem:s8+$0xC430]  }
0x231: {  	v7 =	vmul.f32 v8, v7;
	v8 =	vmul.f32 v10, v9;
	v9 =	vld [tilespmem:s8+$0x4440]  }
0x232: {  	v10 =	vld [tilespmem:s8+$0xC440]  }
0x233: {  	v7 =	vadd.f32 v8, v7;
	v8 =	vmul.f32 v12, v11;
	v11 =	vld [tilespmem:s8+$0x4450]  }
0x234: {  	v12 =	vld [tilespmem:s8+$0xC450]  }
0x235: {  	v15 =	vld [tilespmem:s8+$0xC460];
	v7 =	vadd.f32 v8, v7;
	v8 =	vmul.f32 v14, v13  }
0x236: {  	v14 =	vld [tilespmem:s8+$0x4460]  }
0x237: {  	v10 =	vmul.f32 v10, v9;
	v13 =	vadd.f32 v8, v7;
	v7 =	vld [tilespmem:s8+$0x4470]  }
0x238: {  	s9 =	simm.s32 $0x80;
	v8 =	vld [tilespmem:s8+$0xC470]  }
0x239: {  	v9 =	vld [tilespmem:s9+$0x4400];
	v11 =	vmul.f32 v12, v11;
	v10 =	vadd.f32 v10, v13  }
0x23a: {  	v12 =	vld [tilespmem:s9+$0xC400]  }
0x23b: {  	s10 =	simm.s32 $0x400;
	v13 =	vld [tilespmem:s9+$0x4410];
	v10 =	vadd.f32 v11, v10;
	v11 =	vmul.f32 v15, v14  }
.LBB2_19:
0x23c: {  	p1 =	seq.s32 s10, $0x3E00;
	v14 =	vld [tilespmem:s9+$0xC410]  }
0x23d: {  	v15 =	vld [tilespmem:s9+$0x4420];
	v10 =	vadd.f32 v11, v10;
	v7 =	vmul.f32 v8, v7  }
0x23e: {  	v8 =	vld [tilespmem:s9+$0xC420]  }
0x23f: {  	v11 =	vld [tilespmem:s9+$0x4430];
	v7 =	vadd.f32 v7, v10  }
0x240: {  	v10 =	vld [tilespmem:s9+$0xC430]  }
0x241: {  	v9 =	vmul.f32 v12, v9;
	v12 =	vmul.f32 v14, v13;
	v13 =	vld [tilespmem:s9+$0x4440];
	[tilespmem:s8+$0x10600] =	vst v7;
	s8 =	smov.u32 s9  }
0x242: {  	v7 =	vld [tilespmem:s8+$0xC440]  }
0x243: {  	v9 =	vadd.f32 v12, v9;
	v8 =	vmul.f32 v8, v15;
	v12 =	vld [tilespmem:s8+$0x4450]  }
0x244: {  	v14 =	vld [tilespmem:s8+$0xC450]  }
0x245: {  	v8 =	vadd.f32 v8, v9;
	v9 =	vmul.f32 v10, v11;
	v11 =	vld [tilespmem:s8+$0x4460]  }
0x246: {  	v15 =	vld [tilespmem:s8+$0xC460]  }
.Ltmp8:
0x247: {  	v10 =	vadd.f32 v9, v8;
	v13 =	vmul.f32 v7, v13;
	v7 =	vld [tilespmem:s8+$0x4470];
	(pc) =	sbr.rel @!p1 .LBB2_19-.Ltmp8, $4  }
0x248: {  	s9 =	sshra.s32 s10, $0x2;
	v8 =	vld [tilespmem:s8+$0xC470]  }
0x249: {  	v9 =	vld [tilespmem:s9+$0x4400];
	v10 =	vadd.f32 v13, v10;
	v14 =	vmul.f32 v14, v12  }
0x24a: {  	v12 =	vld [tilespmem:s9+$0xC400]  }
0x24b: {  	s10 =	sadd.s32 $0x200, s10;
	v13 =	vld [tilespmem:s9+$0x4410];
	v10 =	vadd.f32 v14, v10;
	v11 =	vmul.f32 v15, v11  }
0x24c: {  	v14 =	vld [tilespmem:s9+$0xC410]  }
0x24d: {  	v15 =	vld [tilespmem:s9+$0x4420]  }
0x24e: {  	v16 =	vld [tilespmem:s9+$0xC420]  }
0x24f: {  	v17 =	vld [tilespmem:s9+$0x4430]  }
0x250: {  	v18 =	vld [tilespmem:s9+$0xC430]  }
0x251: {  	v50 =	vld [tilespmem:s9+$0x4440];
	v9 =	vmul.f32 v12, v9;
	v49 =	vmul.f32 v14, v13  }
0x252: {  	v51 =	vld [tilespmem:s9+$0xC440]  }
0x253: {  	v53 =	vld [tilespmem:s9+$0x4450];
	v52 =	vmul.f32 v16, v15;
	v9 =	vadd.f32 v49, v9  }
0x254: {  	v54 =	vld [tilespmem:s9+$0xC450]  }
0x255: {  	v56 =	vld [tilespmem:s9+$0x4460];
	v55 =	vmul.f32 v18, v17;
	v9 =	vadd.f32 v52, v9  }
0x256: {  	v57 =	vld [tilespmem:s9+$0xC460]  }
0x257: {  	v59 =	vld [tilespmem:s9+$0x4470];
	v58 =	vmul.f32 v51, v50;
	v9 =	vadd.f32 v55, v9  }
0x258: {  	v60 =	vld [tilespmem:s9+$0xC470]  }
0x259: {  	v61 =	vmul.f32 v54, v53;
	v9 =	vadd.f32 v58, v9;
	_ =	sdelay $0x1  }
0x25a: {  	v62 =	vmul.f32 v57, v56;
	v9 =	vadd.f32 v61, v9;
	_ =	sdelay $0x1  }
0x25b: {  	v7 =	vmul.f32 v8, v7;
	v63 =	vmul.f32 v60, v59;
	v8 =	vadd.f32 v62, v9  }
0x25c: {  	v10 =	vadd.f32 v11, v10  }
0x25d: {  	v8 =	vadd.f32 v63, v8  }
0x25e: {  	v7 =	vadd.f32 v7, v10  }
0x25f: {  	[tilespmem:s9+$0x10600] =	vst v8;
	s9 =	sor.u32 $0x4, s7  }
0x260: {  	[tilespmem:s8+$0x10600] =	vst v7;
	s8 =	sshll.u32 s9, $0x5  }
0x261: {  	s10 =	sand.u32 $0x3FFFFFE0, s8  }
0x262: {  	s10 =	sadd.s32 $0x10400, s10  }
0x263: {  	p1 =	por $0x1, $0x1;
	s9 =	simm.s32 $0x0;
	v7 =	vmov s10  }
.LBB2_21:
0x264: {  	s10 =	sshll.u32 s9, $0xB  }
0x265: {  	s10 =	sand.u32 $0x3FFFF800, s10  }
0x266: {  	v8 =	vld [tilespmem:s10+$0x10600]  }
0x267: {  	v9 =	vld [tilespmem:s10+$0x10A00]  }
0x268: {  	v10 =	vld [tilespmem:s10+$0x10800]  }
0x269: {  	v11 =	vld [tilespmem:s10+$0x10C00]  }
0x26a: {  	v12 =	vld [tilespmem:s10+$0x10700]  }
0x26b: {  	v13 =	vld [tilespmem:s10+$0x10B00]  }
0x26c: {  	v16 =	vld [tilespmem:s10+$0x10900]  }
0x26d: {  	v19 =	vld [tilespmem:s10+$0x10D00]  }
0x26e: {  	v30 =	vld [tilespmem:s10+$0x10680]  }
0x26f: {  	v31 =	vld [tilespmem:s10+$0x10A80]  }
0x270: {  	v20 =	vld [tilespmem:s10+$0x10880];
	v14 =	vperm.xlane v8, v0;
	v15 =	vperm.xlane v9, v0  }
0x271: {  	v35 =	vld [tilespmem:s10+$0x10C80];
	v17 =	vperm.xlane v10, v0;
	v18 =	vperm.xlane v11, v0  }
0x272: {  	v37 =	vld [tilespmem:s10+$0x10780];
	v32 =	vperm.xlane v12, v0;
	v33 =	vperm.xlane v13, v0  }
0x273: {  	v21 =	vld [tilespmem:s10+$0x10B80];
	v40 =	vperm.xlane v16, v0;
	v42 =	vperm.xlane v19, v0  }
0x274: {  	v23 =	vld [tilespmem:s10+$0x10D80];
	v43 =	vperm.xlane v30, v0;
	v24 =	vperm.xlane v31, v0  }
0x275: {  	v41 =	vld [tilespmem:s10+$0x10980];
	v44 =	vperm.xlane v20, v0;
	v8 =	vadd.f32 v14, v8;
	v9 =	vadd.f32 v15, v9  }
0x276: {  	v45 =	vperm.xlane v35, v0;
	v10 =	vadd.f32 v17, v10;
	v11 =	vadd.f32 v18, v11  }
0x277: {  	v46 =	vperm.xlane v37, v0;
	v12 =	vadd.f32 v32, v12;
	v13 =	vadd.f32 v33, v13  }
0x278: {  	v47 =	vperm.xlane v21, v0;
	v18 =	vadd.f32 v42, v19;
	v14 =	vadd.f32 v43, v30  }
0x279: {  	v49 =	vperm.xlane v23, v0;
	v15 =	vadd.f32 v24, v31;
	v19 =	vadd.f32 v44, v20  }
0x27a: {  	v48 =	vperm.xlane v41, v0;
	v17 =	vadd.f32 v46, v37;
	v50 =	vadd.f32 v47, v21  }
0x27b: {  	v51 =	vadd.f32 v49, v23;
	v8 =	vsel vm2, v8, v9;
	v34 =	vsel vm2, v10, v11  }
0x27c: {  	v39 =	vsel vm2, v12, v13;
	v12 =	vadd.f32 v40, v16;
	v10 =	vadd.f32 v45, v35  }
0x27d: {  	v14 =	vsel vm2, v14, v15;
	v13 =	vadd.f32 v48, v41;
	v36 =	vperm.xlane v8, v3  }
0x27e: {  	v17 =	vsel vm2, v17, v50;
	v38 =	vperm.xlane v34, v4;
	v22 =	vperm.xlane v39, v3  }
0x27f: {  	v53 =	vperm.xlane v14, v3;
	v55 =	vperm.xlane v17, v3;
	v12 =	vsel vm2, v12, v18  }
0x280: {  	v10 =	vsel vm2, v19, v10;
	v13 =	vsel vm2, v13, v51;
	v8 =	vadd.f32 v36, v8  }
0x281: {  	v9 =	vadd.f32 v38, v34;
	v11 =	vadd.f32 v22, v39;
	v52 =	vperm.xlane v12, v4  }
0x282: {  	v54 =	vperm.xlane v10, v4;
	v56 =	vperm.xlane v13, v4;
	v14 =	vadd.f32 v53, v14  }
0x283: {  	v57 =	vadd.f32 v55, v17;
	v12 =	vadd.f32 v52, v12  }
0x284: {  	v10 =	vadd.f32 v54, v10;
	v8 =	vsel vm0, v8, v9;
	v13 =	vadd.f32 v56, v13  }
0x285: {  	v58 =	vperm.xlane v8, v5;
	v11 =	vsel vm0, v11, v12  }
0x286: {  	v10 =	vsel vm0, v14, v10;
	v9 =	vsel vm0, v57, v13;
	v59 =	vperm.xlane v11, v6  }
0x287: {  	v60 =	vperm.xlane v10, v5;
	v61 =	vperm.xlane v9, v6  }
0x288: {  	v8 =	vadd.f32 v58, v8;
	v11 =	vadd.f32 v59, v11  }
0x289: {  	v10 =	vadd.f32 v60, v10;
	v9 =	vadd.f32 v61, v9;
	_ =	sdelay $0x1  }
0x28a: {  	v8 =	vsel vm1, v8, v11;
	v9 =	vsel vm1, v10, v9  }
0x28b: {  	p2 =	por p1, p1;
	v62 =	vperm.xlane v8, v1;
	v63 =	vperm.xlane v9, v2  }
.Ltmp9:
0x28c: {  	_ = 	snop;
	(pc) =	sbr.rel @p2 .LBB2_21-.Ltmp9, $4  }
0x28d: {  	v8 =	vadd.f32 v62, v8;
	v9 =	vadd.f32 v63, v9  }
0x28e: {  	s10 =	sshll.u32 s9, $0x4  }
0x28f: {  	s9 =	sand.u32 $0x3FFFFFF0, s10;
	v8 =	vsel vm3, v8, v9  }
0x290: {  	p1 =	por $0x0, $0x0;
	[tilespmem:v7+s9+$0x0 ss:$0x1] =	vst.idx.msk $0xffff, v8;
	s9 =	simm.s32 $0x1  }
0x291: {  	s9 =	sor.u32 s6, s8  }
0x292: {  	s9 =	sshrl.u32 s9, $0x3  }
0x293: {  	s10 =	sadd.s32 $0x10400, s8;
	s9 =	sadd.s32 s3, s9  }
0x294: {  	[hbm4b:s9+s5] =	stream.linear.scatter [tilespmem:s10], [sflag:$0x11], $0x20, $0x38;
	[tilespmem:$0x11600] =	vst v63  }
0x295: {  	s8 =	simm.s32 @p0 $0x20;
	s9 =	simm.s32 @p0 $0x180;
	s10 =	simm.s32 @p0 $0x4400  }
0x296: {  	[tilespmem:s10], [sflag:$0x9] =	stream.indirect.gather @p0 [hbm4b:s0+s8], $0x80, s9, s8, $0xb8;
	[tilespmem:$0x11600] =	vst v63  }
0x297: {  	s9 =	simm.s32 @p0 $0x380;
	s10 =	simm.s32 @p0 $0xC400  }
0x298: {  	[tilespmem:s10], [sflag:$0xA] =	stream.indirect.gather @p0 [hbm4b:s2+s8], $0x80, s9, s8, $0xb8;
	[tilespmem:$0x11600] =	vst v63  }
0x299: {  	_ =	swait.ge [sflag:s23], $0x1000  }
0x29a: {  	[sflag:s23] =	ssyncset.done $0x0  }
0x29b: {  	[sflag:s23] =	ssyncadd.s32 $0xFFFFF000  }
0x29c: {  	_ =	swait.ge [sflag:s24], $0x1000  }
0x29d: {  	[sflag:s24] =	ssyncset.done $0x0  }
0x29e: {  	s8 =	simm.s32 $0x0;
	[sflag:s24] =	ssyncadd.s32 $0xFFFFF000  }
0x29f: {  	v7 =	vld [tilespmem:s8+$0x5400]  }
0x2a0: {  	v8 =	vld [tilespmem:s8+$0xD400]  }
0x2a1: {  	v9 =	vld [tilespmem:s8+$0x5410]  }
0x2a2: {  	v10 =	vld [tilespmem:s8+$0xD410]  }
0x2a3: {  	v11 =	vld [tilespmem:s8+$0x5420]  }
0x2a4: {  	v12 =	vld [tilespmem:s8+$0xD420]  }
0x2a5: {  	v13 =	vld [tilespmem:s8+$0x5430]  }
0x2a6: {  	v14 =	vld [tilespmem:s8+$0xD430]  }
0x2a7: {  	v7 =	vmul.f32 v8, v7;
	v8 =	vmul.f32 v10, v9;
	v9 =	vld [tilespmem:s8+$0x5440]  }
0x2a8: {  	v10 =	vld [tilespmem:s8+$0xD440]  }
0x2a9: {  	v7 =	vadd.f32 v8, v7;
	v8 =	vmul.f32 v12, v11;
	v11 =	vld [tilespmem:s8+$0x5450]  }
0x2aa: {  	v12 =	vld [tilespmem:s8+$0xD450]  }
0x2ab: {  	v15 =	vld [tilespmem:s8+$0xD460];
	v7 =	vadd.f32 v8, v7;
	v8 =	vmul.f32 v14, v13  }
0x2ac: {  	v14 =	vld [tilespmem:s8+$0x5460]  }
0x2ad: {  	v10 =	vmul.f32 v10, v9;
	v13 =	vadd.f32 v8, v7;
	v7 =	vld [tilespmem:s8+$0x5470]  }
0x2ae: {  	s9 =	simm.s32 $0x80;
	v8 =	vld [tilespmem:s8+$0xD470]  }
0x2af: {  	v9 =	vld [tilespmem:s9+$0x5400];
	v11 =	vmul.f32 v12, v11;
	v10 =	vadd.f32 v10, v13  }
0x2b0: {  	v12 =	vld [tilespmem:s9+$0xD400]  }
0x2b1: {  	s10 =	simm.s32 $0x400;
	v13 =	vld [tilespmem:s9+$0x5410];
	v10 =	vadd.f32 v11, v10;
	v11 =	vmul.f32 v15, v14  }
.LBB2_23:
0x2b2: {  	p1 =	seq.s32 s10, $0x3E00;
	v14 =	vld [tilespmem:s9+$0xD410]  }
0x2b3: {  	v15 =	vld [tilespmem:s9+$0x5420];
	v10 =	vadd.f32 v11, v10;
	v7 =	vmul.f32 v8, v7  }
0x2b4: {  	v8 =	vld [tilespmem:s9+$0xD420]  }
0x2b5: {  	v11 =	vld [tilespmem:s9+$0x5430];
	v7 =	vadd.f32 v7, v10  }
0x2b6: {  	v10 =	vld [tilespmem:s9+$0xD430]  }
0x2b7: {  	v9 =	vmul.f32 v12, v9;
	v12 =	vmul.f32 v14, v13;
	v13 =	vld [tilespmem:s9+$0x5440];
	[tilespmem:s8+$0x10600] =	vst v7;
	s8 =	smov.u32 s9  }
0x2b8: {  	v7 =	vld [tilespmem:s8+$0xD440]  }
0x2b9: {  	v9 =	vadd.f32 v12, v9;
	v8 =	vmul.f32 v8, v15;
	v12 =	vld [tilespmem:s8+$0x5450]  }
0x2ba: {  	v14 =	vld [tilespmem:s8+$0xD450]  }
0x2bb: {  	v8 =	vadd.f32 v8, v9;
	v9 =	vmul.f32 v10, v11;
	v11 =	vld [tilespmem:s8+$0x5460]  }
0x2bc: {  	v15 =	vld [tilespmem:s8+$0xD460]  }
.Ltmp10:
0x2bd: {  	v10 =	vadd.f32 v9, v8;
	v13 =	vmul.f32 v7, v13;
	v7 =	vld [tilespmem:s8+$0x5470];
	(pc) =	sbr.rel @!p1 .LBB2_23-.Ltmp10, $4  }
0x2be: {  	s9 =	sshra.s32 s10, $0x2;
	v8 =	vld [tilespmem:s8+$0xD470]  }
0x2bf: {  	v9 =	vld [tilespmem:s9+$0x5400];
	v10 =	vadd.f32 v13, v10;
	v14 =	vmul.f32 v14, v12  }
0x2c0: {  	v12 =	vld [tilespmem:s9+$0xD400]  }
0x2c1: {  	s10 =	sadd.s32 $0x200, s10;
	v13 =	vld [tilespmem:s9+$0x5410];
	v10 =	vadd.f32 v14, v10;
	v11 =	vmul.f32 v15, v11  }
0x2c2: {  	v14 =	vld [tilespmem:s9+$0xD410]  }
0x2c3: {  	v15 =	vld [tilespmem:s9+$0x5420]  }
0x2c4: {  	v16 =	vld [tilespmem:s9+$0xD420]  }
0x2c5: {  	v17 =	vld [tilespmem:s9+$0x5430]  }
0x2c6: {  	v18 =	vld [tilespmem:s9+$0xD430]  }
0x2c7: {  	v50 =	vld [tilespmem:s9+$0x5440];
	v9 =	vmul.f32 v12, v9;
	v49 =	vmul.f32 v14, v13  }
0x2c8: {  	v51 =	vld [tilespmem:s9+$0xD440]  }
0x2c9: {  	v53 =	vld [tilespmem:s9+$0x5450];
	v52 =	vmul.f32 v16, v15;
	v9 =	vadd.f32 v49, v9  }
0x2ca: {  	v54 =	vld [tilespmem:s9+$0xD450]  }
0x2cb: {  	v56 =	vld [tilespmem:s9+$0x5460];
	v55 =	vmul.f32 v18, v17;
	v9 =	vadd.f32 v52, v9  }
0x2cc: {  	v57 =	vld [tilespmem:s9+$0xD460]  }
0x2cd: {  	v59 =	vld [tilespmem:s9+$0x5470];
	v58 =	vmul.f32 v51, v50;
	v9 =	vadd.f32 v55, v9  }
0x2ce: {  	v60 =	vld [tilespmem:s9+$0xD470]  }
0x2cf: {  	v61 =	vmul.f32 v54, v53;
	v9 =	vadd.f32 v58, v9;
	_ =	sdelay $0x1  }
0x2d0: {  	v62 =	vmul.f32 v57, v56;
	v9 =	vadd.f32 v61, v9;
	_ =	sdelay $0x1  }
0x2d1: {  	v7 =	vmul.f32 v8, v7;
	v63 =	vmul.f32 v60, v59;
	v8 =	vadd.f32 v62, v9  }
0x2d2: {  	v10 =	vadd.f32 v11, v10  }
0x2d3: {  	v8 =	vadd.f32 v63, v8  }
0x2d4: {  	v7 =	vadd.f32 v7, v10  }
0x2d5: {  	[tilespmem:s9+$0x10600] =	vst v8;
	s9 =	sor.u32 $0x5, s7  }
0x2d6: {  	[tilespmem:s8+$0x10600] =	vst v7;
	s8 =	sshll.u32 s9, $0x5  }
0x2d7: {  	s10 =	sand.u32 $0x3FFFFFE0, s8  }
0x2d8: {  	s10 =	sadd.s32 $0x10400, s10  }
0x2d9: {  	p1 =	por $0x1, $0x1;
	s9 =	simm.s32 $0x0;
	v7 =	vmov s10  }
.LBB2_25:
0x2da: {  	s10 =	sshll.u32 s9, $0xB  }
0x2db: {  	s10 =	sand.u32 $0x3FFFF800, s10  }
0x2dc: {  	v8 =	vld [tilespmem:s10+$0x10600]  }
0x2dd: {  	v9 =	vld [tilespmem:s10+$0x10A00]  }
0x2de: {  	v10 =	vld [tilespmem:s10+$0x10800]  }
0x2df: {  	v11 =	vld [tilespmem:s10+$0x10C00]  }
0x2e0: {  	v12 =	vld [tilespmem:s10+$0x10700]  }
0x2e1: {  	v13 =	vld [tilespmem:s10+$0x10B00]  }
0x2e2: {  	v16 =	vld [tilespmem:s10+$0x10900]  }
0x2e3: {  	v19 =	vld [tilespmem:s10+$0x10D00]  }
0x2e4: {  	v30 =	vld [tilespmem:s10+$0x10680]  }
0x2e5: {  	v31 =	vld [tilespmem:s10+$0x10A80]  }
0x2e6: {  	v20 =	vld [tilespmem:s10+$0x10880];
	v14 =	vperm.xlane v8, v0;
	v15 =	vperm.xlane v9, v0  }
0x2e7: {  	v35 =	vld [tilespmem:s10+$0x10C80];
	v17 =	vperm.xlane v10, v0;
	v18 =	vperm.xlane v11, v0  }
0x2e8: {  	v37 =	vld [tilespmem:s10+$0x10780];
	v32 =	vperm.xlane v12, v0;
	v33 =	vperm.xlane v13, v0  }
0x2e9: {  	v21 =	vld [tilespmem:s10+$0x10B80];
	v40 =	vperm.xlane v16, v0;
	v42 =	vperm.xlane v19, v0  }
0x2ea: {  	v23 =	vld [tilespmem:s10+$0x10D80];
	v43 =	vperm.xlane v30, v0;
	v24 =	vperm.xlane v31, v0  }
0x2eb: {  	v41 =	vld [tilespmem:s10+$0x10980];
	v44 =	vperm.xlane v20, v0;
	v8 =	vadd.f32 v14, v8;
	v9 =	vadd.f32 v15, v9  }
0x2ec: {  	v45 =	vperm.xlane v35, v0;
	v10 =	vadd.f32 v17, v10;
	v11 =	vadd.f32 v18, v11  }
0x2ed: {  	v46 =	vperm.xlane v37, v0;
	v12 =	vadd.f32 v32, v12;
	v13 =	vadd.f32 v33, v13  }
0x2ee: {  	v47 =	vperm.xlane v21, v0;
	v18 =	vadd.f32 v42, v19;
	v14 =	vadd.f32 v43, v30  }
0x2ef: {  	v49 =	vperm.xlane v23, v0;
	v15 =	vadd.f32 v24, v31;
	v19 =	vadd.f32 v44, v20  }
0x2f0: {  	v48 =	vperm.xlane v41, v0;
	v17 =	vadd.f32 v46, v37;
	v50 =	vadd.f32 v47, v21  }
0x2f1: {  	v51 =	vadd.f32 v49, v23;
	v8 =	vsel vm2, v8, v9;
	v34 =	vsel vm2, v10, v11  }
0x2f2: {  	v39 =	vsel vm2, v12, v13;
	v12 =	vadd.f32 v40, v16;
	v10 =	vadd.f32 v45, v35  }
0x2f3: {  	v14 =	vsel vm2, v14, v15;
	v13 =	vadd.f32 v48, v41;
	v36 =	vperm.xlane v8, v3  }
0x2f4: {  	v17 =	vsel vm2, v17, v50;
	v38 =	vperm.xlane v34, v4;
	v22 =	vperm.xlane v39, v3  }
0x2f5: {  	v53 =	vperm.xlane v14, v3;
	v55 =	vperm.xlane v17, v3;
	v12 =	vsel vm2, v12, v18  }
0x2f6: {  	v10 =	vsel vm2, v19, v10;
	v13 =	vsel vm2, v13, v51;
	v8 =	vadd.f32 v36, v8  }
0x2f7: {  	v9 =	vadd.f32 v38, v34;
	v11 =	vadd.f32 v22, v39;
	v52 =	vperm.xlane v12, v4  }
0x2f8: {  	v54 =	vperm.xlane v10, v4;
	v56 =	vperm.xlane v13, v4;
	v14 =	vadd.f32 v53, v14  }
0x2f9: {  	v57 =	vadd.f32 v55, v17;
	v12 =	vadd.f32 v52, v12  }
0x2fa: {  	v10 =	vadd.f32 v54, v10;
	v8 =	vsel vm0, v8, v9;
	v13 =	vadd.f32 v56, v13  }
0x2fb: {  	v58 =	vperm.xlane v8, v5;
	v11 =	vsel vm0, v11, v12  }
0x2fc: {  	v10 =	vsel vm0, v14, v10;
	v9 =	vsel vm0, v57, v13;
	v59 =	vperm.xlane v11, v6  }
0x2fd: {  	v60 =	vperm.xlane v10, v5;
	v61 =	vperm.xlane v9, v6  }
0x2fe: {  	v8 =	vadd.f32 v58, v8;
	v11 =	vadd.f32 v59, v11  }
0x2ff: {  	v10 =	vadd.f32 v60, v10;
	v9 =	vadd.f32 v61, v9;
	_ =	sdelay $0x1  }
0x300: {  	v8 =	vsel vm1, v8, v11;
	v9 =	vsel vm1, v10, v9  }
0x301: {  	p2 =	por p1, p1;
	v62 =	vperm.xlane v8, v1;
	v63 =	vperm.xlane v9, v2  }
.Ltmp11:
0x302: {  	_ = 	snop;
	(pc) =	sbr.rel @p2 .LBB2_25-.Ltmp11, $4  }
0x303: {  	v8 =	vadd.f32 v62, v8;
	v9 =	vadd.f32 v63, v9  }
0x304: {  	s10 =	sshll.u32 s9, $0x4  }
0x305: {  	s9 =	sand.u32 $0x3FFFFFF0, s10;
	v8 =	vsel vm3, v8, v9  }
0x306: {  	p1 =	por $0x0, $0x0;
	[tilespmem:v7+s9+$0x0 ss:$0x1] =	vst.idx.msk $0xffff, v8;
	s9 =	simm.s32 $0x1  }
0x307: {  	s9 =	sor.u32 s6, s8  }
0x308: {  	s9 =	sshrl.u32 s9, $0x3  }
0x309: {  	s10 =	sadd.s32 $0x10400, s8;
	s9 =	sadd.s32 s3, s9  }
0x30a: {  	[hbm4b:s9+s5] =	stream.linear.scatter [tilespmem:s10], [sflag:$0x11], $0x20, $0x38;
	[tilespmem:$0x11600] =	vst v63  }
0x30b: {  	s8 =	simm.s32 @p0 $0x20;
	s9 =	simm.s32 @p0 $0x1A0;
	s10 =	simm.s32 @p0 $0x5400  }
0x30c: {  	[tilespmem:s10], [sflag:$0xB] =	stream.indirect.gather @p0 [hbm4b:s0+s8], $0x80, s9, s8, $0xb8;
	[tilespmem:$0x11600] =	vst v63  }
0x30d: {  	s9 =	simm.s32 @p0 $0x3A0;
	s10 =	simm.s32 @p0 $0xD400  }
0x30e: {  	[tilespmem:s10], [sflag:$0xC] =	stream.indirect.gather @p0 [hbm4b:s2+s8], $0x80, s9, s8, $0xb8;
	[tilespmem:$0x11600] =	vst v63  }
0x30f: {  	_ =	swait.ge [sflag:s25], $0x1000  }
0x310: {  	[sflag:s25] =	ssyncset.done $0x0  }
0x311: {  	[sflag:s25] =	ssyncadd.s32 $0xFFFFF000  }
0x312: {  	_ =	swait.ge [sflag:s26], $0x1000  }
0x313: {  	[sflag:s26] =	ssyncset.done $0x0  }
0x314: {  	s8 =	simm.s32 $0x0;
	[sflag:s26] =	ssyncadd.s32 $0xFFFFF000  }
0x315: {  	v7 =	vld [tilespmem:s8+$0x6400]  }
0x316: {  	v8 =	vld [tilespmem:s8+$0xE400]  }
0x317: {  	v9 =	vld [tilespmem:s8+$0x6410]  }
0x318: {  	v10 =	vld [tilespmem:s8+$0xE410]  }
0x319: {  	v11 =	vld [tilespmem:s8+$0x6420]  }
0x31a: {  	v12 =	vld [tilespmem:s8+$0xE420]  }
0x31b: {  	v13 =	vld [tilespmem:s8+$0x6430]  }
0x31c: {  	v14 =	vld [tilespmem:s8+$0xE430]  }
0x31d: {  	v7 =	vmul.f32 v8, v7;
	v8 =	vmul.f32 v10, v9;
	v9 =	vld [tilespmem:s8+$0x6440]  }
0x31e: {  	v10 =	vld [tilespmem:s8+$0xE440]  }
0x31f: {  	v7 =	vadd.f32 v8, v7;
	v8 =	vmul.f32 v12, v11;
	v11 =	vld [tilespmem:s8+$0x6450]  }
0x320: {  	v12 =	vld [tilespmem:s8+$0xE450]  }
0x321: {  	v15 =	vld [tilespmem:s8+$0xE460];
	v7 =	vadd.f32 v8, v7;
	v8 =	vmul.f32 v14, v13  }
0x322: {  	v14 =	vld [tilespmem:s8+$0x6460]  }
0x323: {  	v10 =	vmul.f32 v10, v9;
	v13 =	vadd.f32 v8, v7;
	v7 =	vld [tilespmem:s8+$0x6470]  }
0x324: {  	s9 =	simm.s32 $0x80;
	v8 =	vld [tilespmem:s8+$0xE470]  }
0x325: {  	v9 =	vld [tilespmem:s9+$0x6400];
	v11 =	vmul.f32 v12, v11;
	v10 =	vadd.f32 v10, v13  }
0x326: {  	v12 =	vld [tilespmem:s9+$0xE400]  }
0x327: {  	s10 =	simm.s32 $0x400;
	v13 =	vld [tilespmem:s9+$0x6410];
	v10 =	vadd.f32 v11, v10;
	v11 =	vmul.f32 v15, v14  }
.LBB2_27:
0x328: {  	p1 =	seq.s32 s10, $0x3E00;
	v14 =	vld [tilespmem:s9+$0xE410]  }
0x329: {  	v15 =	vld [tilespmem:s9+$0x6420];
	v10 =	vadd.f32 v11, v10;
	v7 =	vmul.f32 v8, v7  }
0x32a: {  	v8 =	vld [tilespmem:s9+$0xE420]  }
0x32b: {  	v11 =	vld [tilespmem:s9+$0x6430];
	v7 =	vadd.f32 v7, v10  }
0x32c: {  	v10 =	vld [tilespmem:s9+$0xE430]  }
0x32d: {  	v9 =	vmul.f32 v12, v9;
	v12 =	vmul.f32 v14, v13;
	v13 =	vld [tilespmem:s9+$0x6440];
	[tilespmem:s8+$0x10600] =	vst v7;
	s8 =	smov.u32 s9  }
0x32e: {  	v7 =	vld [tilespmem:s8+$0xE440]  }
0x32f: {  	v9 =	vadd.f32 v12, v9;
	v8 =	vmul.f32 v8, v15;
	v12 =	vld [tilespmem:s8+$0x6450]  }
0x330: {  	v14 =	vld [tilespmem:s8+$0xE450]  }
0x331: {  	v8 =	vadd.f32 v8, v9;
	v9 =	vmul.f32 v10, v11;
	v11 =	vld [tilespmem:s8+$0x6460]  }
0x332: {  	v15 =	vld [tilespmem:s8+$0xE460]  }
.Ltmp12:
0x333: {  	v10 =	vadd.f32 v9, v8;
	v13 =	vmul.f32 v7, v13;
	v7 =	vld [tilespmem:s8+$0x6470];
	(pc) =	sbr.rel @!p1 .LBB2_27-.Ltmp12, $4  }
0x334: {  	s9 =	sshra.s32 s10, $0x2;
	v8 =	vld [tilespmem:s8+$0xE470]  }
0x335: {  	v9 =	vld [tilespmem:s9+$0x6400];
	v10 =	vadd.f32 v13, v10;
	v14 =	vmul.f32 v14, v12  }
0x336: {  	v12 =	vld [tilespmem:s9+$0xE400]  }
0x337: {  	s10 =	sadd.s32 $0x200, s10;
	v13 =	vld [tilespmem:s9+$0x6410];
	v10 =	vadd.f32 v14, v10;
	v11 =	vmul.f32 v15, v11  }
0x338: {  	v14 =	vld [tilespmem:s9+$0xE410]  }
0x339: {  	v15 =	vld [tilespmem:s9+$0x6420]  }
0x33a: {  	v16 =	vld [tilespmem:s9+$0xE420]  }
0x33b: {  	v17 =	vld [tilespmem:s9+$0x6430]  }
0x33c: {  	v18 =	vld [tilespmem:s9+$0xE430]  }
0x33d: {  	v50 =	vld [tilespmem:s9+$0x6440];
	v9 =	vmul.f32 v12, v9;
	v49 =	vmul.f32 v14, v13  }
0x33e: {  	v51 =	vld [tilespmem:s9+$0xE440]  }
0x33f: {  	v53 =	vld [tilespmem:s9+$0x6450];
	v52 =	vmul.f32 v16, v15;
	v9 =	vadd.f32 v49, v9  }
0x340: {  	v54 =	vld [tilespmem:s9+$0xE450]  }
0x341: {  	v56 =	vld [tilespmem:s9+$0x6460];
	v55 =	vmul.f32 v18, v17;
	v9 =	vadd.f32 v52, v9  }
0x342: {  	v57 =	vld [tilespmem:s9+$0xE460]  }
0x343: {  	v59 =	vld [tilespmem:s9+$0x6470];
	v58 =	vmul.f32 v51, v50;
	v9 =	vadd.f32 v55, v9  }
0x344: {  	v60 =	vld [tilespmem:s9+$0xE470]  }
0x345: {  	v61 =	vmul.f32 v54, v53;
	v9 =	vadd.f32 v58, v9;
	_ =	sdelay $0x1  }
0x346: {  	v62 =	vmul.f32 v57, v56;
	v9 =	vadd.f32 v61, v9;
	_ =	sdelay $0x1  }
0x347: {  	v7 =	vmul.f32 v8, v7;
	v63 =	vmul.f32 v60, v59;
	v8 =	vadd.f32 v62, v9  }
0x348: {  	v10 =	vadd.f32 v11, v10  }
0x349: {  	v8 =	vadd.f32 v63, v8  }
0x34a: {  	v7 =	vadd.f32 v7, v10  }
0x34b: {  	[tilespmem:s9+$0x10600] =	vst v8;
	s9 =	sor.u32 $0x6, s7  }
0x34c: {  	[tilespmem:s8+$0x10600] =	vst v7;
	s8 =	sshll.u32 s9, $0x5  }
0x34d: {  	s10 =	sand.u32 $0x3FFFFFE0, s8  }
0x34e: {  	s10 =	sadd.s32 $0x10400, s10  }
0x34f: {  	p1 =	por $0x1, $0x1;
	s9 =	simm.s32 $0x0;
	v7 =	vmov s10  }
.LBB2_29:
0x350: {  	s10 =	sshll.u32 s9, $0xB  }
0x351: {  	s10 =	sand.u32 $0x3FFFF800, s10  }
0x352: {  	v8 =	vld [tilespmem:s10+$0x10600]  }
0x353: {  	v9 =	vld [tilespmem:s10+$0x10A00]  }
0x354: {  	v10 =	vld [tilespmem:s10+$0x10800]  }
0x355: {  	v11 =	vld [tilespmem:s10+$0x10C00]  }
0x356: {  	v12 =	vld [tilespmem:s10+$0x10700]  }
0x357: {  	v13 =	vld [tilespmem:s10+$0x10B00]  }
0x358: {  	v16 =	vld [tilespmem:s10+$0x10900]  }
0x359: {  	v19 =	vld [tilespmem:s10+$0x10D00]  }
0x35a: {  	v30 =	vld [tilespmem:s10+$0x10680]  }
0x35b: {  	v31 =	vld [tilespmem:s10+$0x10A80]  }
0x35c: {  	v20 =	vld [tilespmem:s10+$0x10880];
	v14 =	vperm.xlane v8, v0;
	v15 =	vperm.xlane v9, v0  }
0x35d: {  	v35 =	vld [tilespmem:s10+$0x10C80];
	v17 =	vperm.xlane v10, v0;
	v18 =	vperm.xlane v11, v0  }
0x35e: {  	v37 =	vld [tilespmem:s10+$0x10780];
	v32 =	vperm.xlane v12, v0;
	v33 =	vperm.xlane v13, v0  }
0x35f: {  	v21 =	vld [tilespmem:s10+$0x10B80];
	v40 =	vperm.xlane v16, v0;
	v42 =	vperm.xlane v19, v0  }
0x360: {  	v23 =	vld [tilespmem:s10+$0x10D80];
	v43 =	vperm.xlane v30, v0;
	v24 =	vperm.xlane v31, v0  }
0x361: {  	v41 =	vld [tilespmem:s10+$0x10980];
	v44 =	vperm.xlane v20, v0;
	v8 =	vadd.f32 v14, v8;
	v9 =	vadd.f32 v15, v9  }
0x362: {  	v45 =	vperm.xlane v35, v0;
	v10 =	vadd.f32 v17, v10;
	v11 =	vadd.f32 v18, v11  }
0x363: {  	v46 =	vperm.xlane v37, v0;
	v12 =	vadd.f32 v32, v12;
	v13 =	vadd.f32 v33, v13  }
0x364: {  	v47 =	vperm.xlane v21, v0;
	v18 =	vadd.f32 v42, v19;
	v14 =	vadd.f32 v43, v30  }
0x365: {  	v49 =	vperm.xlane v23, v0;
	v15 =	vadd.f32 v24, v31;
	v19 =	vadd.f32 v44, v20  }
0x366: {  	v48 =	vperm.xlane v41, v0;
	v17 =	vadd.f32 v46, v37;
	v50 =	vadd.f32 v47, v21  }
0x367: {  	v51 =	vadd.f32 v49, v23;
	v8 =	vsel vm2, v8, v9;
	v34 =	vsel vm2, v10, v11  }
0x368: {  	v39 =	vsel vm2, v12, v13;
	v12 =	vadd.f32 v40, v16;
	v10 =	vadd.f32 v45, v35  }
0x369: {  	v14 =	vsel vm2, v14, v15;
	v13 =	vadd.f32 v48, v41;
	v36 =	vperm.xlane v8, v3  }
0x36a: {  	v17 =	vsel vm2, v17, v50;
	v38 =	vperm.xlane v34, v4;
	v22 =	vperm.xlane v39, v3  }
0x36b: {  	v53 =	vperm.xlane v14, v3;
	v55 =	vperm.xlane v17, v3;
	v12 =	vsel vm2, v12, v18  }
0x36c: {  	v10 =	vsel vm2, v19, v10;
	v13 =	vsel vm2, v13, v51;
	v8 =	vadd.f32 v36, v8  }
0x36d: {  	v9 =	vadd.f32 v38, v34;
	v11 =	vadd.f32 v22, v39;
	v52 =	vperm.xlane v12, v4  }
0x36e: {  	v54 =	vperm.xlane v10, v4;
	v56 =	vperm.xlane v13, v4;
	v14 =	vadd.f32 v53, v14  }
0x36f: {  	v57 =	vadd.f32 v55, v17;
	v12 =	vadd.f32 v52, v12  }
0x370: {  	v10 =	vadd.f32 v54, v10;
	v8 =	vsel vm0, v8, v9;
	v13 =	vadd.f32 v56, v13  }
0x371: {  	v58 =	vperm.xlane v8, v5;
	v11 =	vsel vm0, v11, v12  }
0x372: {  	v10 =	vsel vm0, v14, v10;
	v9 =	vsel vm0, v57, v13;
	v59 =	vperm.xlane v11, v6  }
0x373: {  	v60 =	vperm.xlane v10, v5;
	v61 =	vperm.xlane v9, v6  }
0x374: {  	v8 =	vadd.f32 v58, v8;
	v11 =	vadd.f32 v59, v11  }
0x375: {  	v10 =	vadd.f32 v60, v10;
	v9 =	vadd.f32 v61, v9;
	_ =	sdelay $0x1  }
0x376: {  	v8 =	vsel vm1, v8, v11;
	v9 =	vsel vm1, v10, v9  }
0x377: {  	p2 =	por p1, p1;
	v62 =	vperm.xlane v8, v1;
	v63 =	vperm.xlane v9, v2  }
.Ltmp13:
0x378: {  	_ = 	snop;
	(pc) =	sbr.rel @p2 .LBB2_29-.Ltmp13, $4  }
0x379: {  	v8 =	vadd.f32 v62, v8;
	v9 =	vadd.f32 v63, v9  }
0x37a: {  	s10 =	sshll.u32 s9, $0x4  }
0x37b: {  	s9 =	sand.u32 $0x3FFFFFF0, s10;
	v8 =	vsel vm3, v8, v9  }
0x37c: {  	p1 =	por $0x0, $0x0;
	[tilespmem:v7+s9+$0x0 ss:$0x1] =	vst.idx.msk $0xffff, v8;
	s9 =	simm.s32 $0x1  }
0x37d: {  	s9 =	sor.u32 s6, s8  }
0x37e: {  	s9 =	sshrl.u32 s9, $0x3  }
0x37f: {  	s10 =	sadd.s32 $0x10400, s8;
	s9 =	sadd.s32 s3, s9  }
0x380: {  	[hbm4b:s9+s5] =	stream.linear.scatter [tilespmem:s10], [sflag:$0x11], $0x20, $0x38;
	[tilespmem:$0x11600] =	vst v63  }
0x381: {  	s8 =	simm.s32 @p0 $0x20;
	s9 =	simm.s32 @p0 $0x1C0;
	s10 =	simm.s32 @p0 $0x6400  }
0x382: {  	[tilespmem:s10], [sflag:$0xD] =	stream.indirect.gather @p0 [hbm4b:s0+s8], $0x80, s9, s8, $0xb8;
	[tilespmem:$0x11600] =	vst v63  }
0x383: {  	s9 =	simm.s32 @p0 $0x3C0;
	s10 =	simm.s32 @p0 $0xE400  }
0x384: {  	[tilespmem:s10], [sflag:$0xE] =	stream.indirect.gather @p0 [hbm4b:s2+s8], $0x80, s9, s8, $0xb8;
	[tilespmem:$0x11600] =	vst v63  }
0x385: {  	_ =	swait.ge [sflag:s28], $0x1000  }
0x386: {  	[sflag:s28] =	ssyncset.done $0x0  }
0x387: {  	[sflag:s28] =	ssyncadd.s32 $0xFFFFF000  }
0x388: {  	_ =	swait.ge [sflag:s29], $0x1000  }
0x389: {  	[sflag:s29] =	ssyncset.done $0x0  }
0x38a: {  	s8 =	simm.s32 $0x0;
	[sflag:s29] =	ssyncadd.s32 $0xFFFFF000  }
0x38b: {  	v7 =	vld [tilespmem:s8+$0x7400]  }
0x38c: {  	v8 =	vld [tilespmem:s8+$0xF400]  }
0x38d: {  	v9 =	vld [tilespmem:s8+$0x7410]  }
0x38e: {  	v10 =	vld [tilespmem:s8+$0xF410]  }
0x38f: {  	v11 =	vld [tilespmem:s8+$0x7420]  }
0x390: {  	v12 =	vld [tilespmem:s8+$0xF420]  }
0x391: {  	v13 =	vld [tilespmem:s8+$0x7430]  }
0x392: {  	v14 =	vld [tilespmem:s8+$0xF430]  }
0x393: {  	v7 =	vmul.f32 v8, v7;
	v8 =	vmul.f32 v10, v9;
	v9 =	vld [tilespmem:s8+$0x7440]  }
0x394: {  	v10 =	vld [tilespmem:s8+$0xF440]  }
0x395: {  	v7 =	vadd.f32 v8, v7;
	v8 =	vmul.f32 v12, v11;
	v11 =	vld [tilespmem:s8+$0x7450]  }
0x396: {  	v12 =	vld [tilespmem:s8+$0xF450]  }
0x397: {  	v15 =	vld [tilespmem:s8+$0xF460];
	v7 =	vadd.f32 v8, v7;
	v8 =	vmul.f32 v14, v13  }
0x398: {  	v14 =	vld [tilespmem:s8+$0x7460]  }
0x399: {  	v10 =	vmul.f32 v10, v9;
	v13 =	vadd.f32 v8, v7;
	v7 =	vld [tilespmem:s8+$0x7470]  }
0x39a: {  	s9 =	simm.s32 $0x80;
	v8 =	vld [tilespmem:s8+$0xF470]  }
0x39b: {  	v9 =	vld [tilespmem:s9+$0x7400];
	v11 =	vmul.f32 v12, v11;
	v10 =	vadd.f32 v10, v13  }
0x39c: {  	v12 =	vld [tilespmem:s9+$0xF400]  }
0x39d: {  	s10 =	simm.s32 $0x400;
	v13 =	vld [tilespmem:s9+$0x7410];
	v10 =	vadd.f32 v11, v10;
	v11 =	vmul.f32 v15, v14  }
.LBB2_31:
0x39e: {  	p1 =	seq.s32 s10, $0x3E00;
	v14 =	vld [tilespmem:s9+$0xF410]  }
0x39f: {  	v15 =	vld [tilespmem:s9+$0x7420];
	v10 =	vadd.f32 v11, v10;
	v7 =	vmul.f32 v8, v7  }
0x3a0: {  	v8 =	vld [tilespmem:s9+$0xF420]  }
0x3a1: {  	v11 =	vld [tilespmem:s9+$0x7430];
	v7 =	vadd.f32 v7, v10  }
0x3a2: {  	v10 =	vld [tilespmem:s9+$0xF430]  }
0x3a3: {  	v9 =	vmul.f32 v12, v9;
	v12 =	vmul.f32 v14, v13;
	v13 =	vld [tilespmem:s9+$0x7440];
	[tilespmem:s8+$0x10600] =	vst v7;
	s8 =	smov.u32 s9  }
0x3a4: {  	v7 =	vld [tilespmem:s8+$0xF440]  }
0x3a5: {  	v9 =	vadd.f32 v12, v9;
	v8 =	vmul.f32 v8, v15;
	v12 =	vld [tilespmem:s8+$0x7450]  }
0x3a6: {  	v14 =	vld [tilespmem:s8+$0xF450]  }
0x3a7: {  	v8 =	vadd.f32 v8, v9;
	v9 =	vmul.f32 v10, v11;
	v11 =	vld [tilespmem:s8+$0x7460]  }
0x3a8: {  	v15 =	vld [tilespmem:s8+$0xF460]  }
.Ltmp14:
0x3a9: {  	v10 =	vadd.f32 v9, v8;
	v13 =	vmul.f32 v7, v13;
	v7 =	vld [tilespmem:s8+$0x7470];
	(pc) =	sbr.rel @!p1 .LBB2_31-.Ltmp14, $4  }
0x3aa: {  	s9 =	sshra.s32 s10, $0x2;
	v8 =	vld [tilespmem:s8+$0xF470]  }
0x3ab: {  	v9 =	vld [tilespmem:s9+$0x7400];
	v10 =	vadd.f32 v13, v10;
	v14 =	vmul.f32 v14, v12  }
0x3ac: {  	v12 =	vld [tilespmem:s9+$0xF400]  }
0x3ad: {  	s10 =	sadd.s32 $0x200, s10;
	v13 =	vld [tilespmem:s9+$0x7410];
	v10 =	vadd.f32 v14, v10;
	v11 =	vmul.f32 v15, v11  }
0x3ae: {  	v14 =	vld [tilespmem:s9+$0xF410]  }
0x3af: {  	v15 =	vld [tilespmem:s9+$0x7420]  }
0x3b0: {  	v16 =	vld [tilespmem:s9+$0xF420]  }
0x3b1: {  	v17 =	vld [tilespmem:s9+$0x7430]  }
0x3b2: {  	v18 =	vld [tilespmem:s9+$0xF430]  }
0x3b3: {  	v50 =	vld [tilespmem:s9+$0x7440];
	v9 =	vmul.f32 v12, v9;
	v49 =	vmul.f32 v14, v13  }
0x3b4: {  	v51 =	vld [tilespmem:s9+$0xF440]  }
0x3b5: {  	v53 =	vld [tilespmem:s9+$0x7450];
	v52 =	vmul.f32 v16, v15;
	v9 =	vadd.f32 v49, v9  }
0x3b6: {  	v54 =	vld [tilespmem:s9+$0xF450]  }
0x3b7: {  	v56 =	vld [tilespmem:s9+$0x7460];
	v55 =	vmul.f32 v18, v17;
	v9 =	vadd.f32 v52, v9  }
0x3b8: {  	v57 =	vld [tilespmem:s9+$0xF460]  }
0x3b9: {  	v59 =	vld [tilespmem:s9+$0x7470];
	v58 =	vmul.f32 v51, v50;
	v9 =	vadd.f32 v55, v9  }
0x3ba: {  	v60 =	vld [tilespmem:s9+$0xF470]  }
0x3bb: {  	v61 =	vmul.f32 v54, v53;
	v9 =	vadd.f32 v58, v9;
	_ =	sdelay $0x1  }
0x3bc: {  	v62 =	vmul.f32 v57, v56;
	v9 =	vadd.f32 v61, v9;
	_ =	sdelay $0x1  }
0x3bd: {  	v7 =	vmul.f32 v8, v7;
	v63 =	vmul.f32 v60, v59;
	v8 =	vadd.f32 v62, v9;
	_ =	sdelay $0x1  }
0x3be: {  	s7 =	sor.u32 $0x7, s7;
	v10 =	vadd.f32 v11, v10;
	v8 =	vadd.f32 v63, v8  }
0x3bf: {  	s7 =	sshll.u32 s7, $0x5  }
0x3c0: {  	v7 =	vadd.f32 v7, v10;
	[tilespmem:s9+$0x10600] =	vst v8;
	s9 =	sand.u32 $0x3FFFFFE0, s7  }
0x3c1: {  	s10 =	sadd.s32 $0x10400, s9  }
0x3c2: {  	p1 =	por $0x1, $0x1;
	[tilespmem:s8+$0x10600] =	vst v7;
	s8 =	simm.s32 $0x0;
	v7 =	vmov s10  }
.LBB2_33:
0x3c3: {  	s9 =	sshll.u32 s8, $0xB  }
0x3c4: {  	s9 =	sand.u32 $0x3FFFF800, s9  }
0x3c5: {  	v8 =	vld [tilespmem:s9+$0x10600]  }
0x3c6: {  	v9 =	vld [tilespmem:s9+$0x10A00]  }
0x3c7: {  	v10 =	vld [tilespmem:s9+$0x10800]  }
0x3c8: {  	v11 =	vld [tilespmem:s9+$0x10C00]  }
0x3c9: {  	v12 =	vld [tilespmem:s9+$0x10700]  }
0x3ca: {  	v13 =	vld [tilespmem:s9+$0x10B00]  }
0x3cb: {  	v16 =	vld [tilespmem:s9+$0x10900]  }
0x3cc: {  	v19 =	vld [tilespmem:s9+$0x10D00]  }
0x3cd: {  	v30 =	vld [tilespmem:s9+$0x10680]  }
0x3ce: {  	v31 =	vld [tilespmem:s9+$0x10A80]  }
0x3cf: {  	v20 =	vld [tilespmem:s9+$0x10880];
	v14 =	vperm.xlane v8, v0;
	v15 =	vperm.xlane v9, v0  }
0x3d0: {  	v35 =	vld [tilespmem:s9+$0x10C80];
	v17 =	vperm.xlane v10, v0;
	v18 =	vperm.xlane v11, v0  }
0x3d1: {  	v37 =	vld [tilespmem:s9+$0x10780];
	v32 =	vperm.xlane v12, v0;
	v33 =	vperm.xlane v13, v0  }
0x3d2: {  	v21 =	vld [tilespmem:s9+$0x10B80];
	v40 =	vperm.xlane v16, v0;
	v42 =	vperm.xlane v19, v0  }
0x3d3: {  	v23 =	vld [tilespmem:s9+$0x10D80];
	v43 =	vperm.xlane v30, v0;
	v24 =	vperm.xlane v31, v0  }
0x3d4: {  	v41 =	vld [tilespmem:s9+$0x10980];
	v44 =	vperm.xlane v20, v0;
	v8 =	vadd.f32 v14, v8;
	v9 =	vadd.f32 v15, v9  }
0x3d5: {  	v45 =	vperm.xlane v35, v0;
	v10 =	vadd.f32 v17, v10;
	v11 =	vadd.f32 v18, v11  }
0x3d6: {  	v46 =	vperm.xlane v37, v0;
	v12 =	vadd.f32 v32, v12;
	v13 =	vadd.f32 v33, v13  }
0x3d7: {  	v47 =	vperm.xlane v21, v0;
	v18 =	vadd.f32 v42, v19;
	v14 =	vadd.f32 v43, v30  }
0x3d8: {  	v49 =	vperm.xlane v23, v0;
	v15 =	vadd.f32 v24, v31;
	v19 =	vadd.f32 v44, v20  }
0x3d9: {  	v48 =	vperm.xlane v41, v0;
	v17 =	vadd.f32 v46, v37;
	v50 =	vadd.f32 v47, v21  }
0x3da: {  	v51 =	vadd.f32 v49, v23;
	v8 =	vsel vm2, v8, v9;
	v34 =	vsel vm2, v10, v11  }
0x3db: {  	v39 =	vsel vm2, v12, v13;
	v12 =	vadd.f32 v40, v16;
	v10 =	vadd.f32 v45, v35  }
0x3dc: {  	v14 =	vsel vm2, v14, v15;
	v13 =	vadd.f32 v48, v41;
	v36 =	vperm.xlane v8, v3  }
0x3dd: {  	v17 =	vsel vm2, v17, v50;
	v38 =	vperm.xlane v34, v4;
	v22 =	vperm.xlane v39, v3  }
0x3de: {  	v53 =	vperm.xlane v14, v3;
	v55 =	vperm.xlane v17, v3;
	v12 =	vsel vm2, v12, v18  }
0x3df: {  	v10 =	vsel vm2, v19, v10;
	v13 =	vsel vm2, v13, v51;
	v8 =	vadd.f32 v36, v8  }
0x3e0: {  	v9 =	vadd.f32 v38, v34;
	v11 =	vadd.f32 v22, v39;
	v52 =	vperm.xlane v12, v4  }
0x3e1: {  	v54 =	vperm.xlane v10, v4;
	v56 =	vperm.xlane v13, v4;
	v14 =	vadd.f32 v53, v14  }
0x3e2: {  	v57 =	vadd.f32 v55, v17;
	v12 =	vadd.f32 v52, v12  }
0x3e3: {  	v10 =	vadd.f32 v54, v10;
	v8 =	vsel vm0, v8, v9;
	v13 =	vadd.f32 v56, v13  }
0x3e4: {  	v58 =	vperm.xlane v8, v5;
	v11 =	vsel vm0, v11, v12  }
0x3e5: {  	v10 =	vsel vm0, v14, v10;
	v9 =	vsel vm0, v57, v13;
	v59 =	vperm.xlane v11, v6  }
0x3e6: {  	v60 =	vperm.xlane v10, v5;
	v61 =	vperm.xlane v9, v6  }
0x3e7: {  	v8 =	vadd.f32 v58, v8;
	v11 =	vadd.f32 v59, v11  }
0x3e8: {  	v10 =	vadd.f32 v60, v10;
	v9 =	vadd.f32 v61, v9;
	_ =	sdelay $0x1  }
0x3e9: {  	v8 =	vsel vm1, v8, v11;
	v9 =	vsel vm1, v10, v9  }
0x3ea: {  	p2 =	por p1, p1;
	v62 =	vperm.xlane v8, v1;
	v63 =	vperm.xlane v9, v2  }
.Ltmp15:
0x3eb: {  	_ = 	snop;
	(pc) =	sbr.rel @p2 .LBB2_33-.Ltmp15, $4  }
0x3ec: {  	v8 =	vadd.f32 v62, v8;
	v9 =	vadd.f32 v63, v9  }
0x3ed: {  	s10 =	sshll.u32 s8, $0x4  }
0x3ee: {  	s8 =	sand.u32 $0x3FFFFFF0, s10;
	v8 =	vsel vm3, v8, v9  }
0x3ef: {  	p1 =	por $0x0, $0x0;
	[tilespmem:v7+s8+$0x0 ss:$0x1] =	vst.idx.msk $0xffff, v8;
	s8 =	simm.s32 $0x1  }
.Ltmp16:
0x3f0: {  	s8 =	sor.u32 s6, s7;
	(pc) =	sbr.rel @p0 .LBB2_2-.Ltmp16, $4  }
0x3f1: {  	s8 =	sshrl.u32 s8, $0x3  }
0x3f2: {  	s10 =	sadd.s32 $0x10400, s7;
	s7 =	simm.s32 $0x1;
	s8 =	sadd.s32 s3, s8  }
0x3f3: {  	[hbm4b:s8+s5] =	stream.linear.scatter [tilespmem:s10], [sflag:$0x11], $0x20, $0x38;
	[tilespmem:$0x11600] =	vst v63  }
0x3f4: {  	p1 =	por $0x0, $0x0;
	s9 =	simm.s32 $0x1E0;
	s8 =	simm.s32 $0x3E0  }
0x3f5: {  	_ =	swait.ge [sflag:s12], $0x20  }
0x3f6: {  	[sflag:s12] =	ssyncset.done $0x0  }
0x3f7: {  	[sflag:s12] =	ssyncadd.s32 $0xFFFFFFE0  }
0x3f8: {  	_ =	swait.ge [sflag:s12], $0x20  }
0x3f9: {  	[sflag:s12] =	ssyncset.done $0x0  }
0x3fa: {  	[sflag:s12] =	ssyncadd.s32 $0xFFFFFFE0  }
0x3fb: {  	_ =	swait.ge [sflag:s12], $0x20  }
0x3fc: {  	[sflag:s12] =	ssyncset.done $0x0  }
0x3fd: {  	[sflag:s12] =	ssyncadd.s32 $0xFFFFFFE0  }
0x3fe: {  	_ =	swait.ge [sflag:s12], $0x20  }
0x3ff: {  	[sflag:s12] =	ssyncset.done $0x0  }
0x400: {  	[sflag:s12] =	ssyncadd.s32 $0xFFFFFFE0  }
0x401: {  	_ =	swait.ge [sflag:s12], $0x20  }
0x402: {  	[sflag:s12] =	ssyncset.done $0x0  }
0x403: {  	[sflag:s12] =	ssyncadd.s32 $0xFFFFFFE0  }
0x404: {  	_ =	swait.ge [sflag:s12], $0x20  }
0x405: {  	[sflag:s12] =	ssyncset.done $0x0  }
0x406: {  	[sflag:s12] =	ssyncadd.s32 $0xFFFFFFE0  }
0x407: {  	_ =	swait.ge [sflag:s12], $0x20  }
0x408: {  	[sflag:s12] =	ssyncset.done $0x0  }
0x409: {  	[sflag:s12] =	ssyncadd.s32 $0xFFFFFFE0  }
0x40a: {  	_ =	swait.ge [sflag:s12], $0x20  }
0x40b: {  	[sflag:s12] =	ssyncset.done $0x0  }
0x40c: {  	[sflag:s12] =	ssyncadd.s32 $0xFFFFFFE0  }
0x40d: {  	_ =	swait.ge [sflag:s12], $0x20  }
0x40e: {  	[sflag:s12] =	ssyncset.done $0x0  }
0x40f: {  	[sflag:s12] =	ssyncadd.s32 $0xFFFFFFE0  }
0x410: {  	_ =	swait.ge [sflag:s12], $0x20  }
0x411: {  	[sflag:s12] =	ssyncset.done $0x0  }
0x412: {  	[sflag:s12] =	ssyncadd.s32 $0xFFFFFFE0  }
0x413: {  	_ =	swait.ge [sflag:s12], $0x20  }
0x414: {  	[sflag:s12] =	ssyncset.done $0x0  }
0x415: {  	[sflag:s12] =	ssyncadd.s32 $0xFFFFFFE0  }
0x416: {  	_ =	swait.ge [sflag:s12], $0x20  }
0x417: {  	[sflag:s12] =	ssyncset.done $0x0  }
0x418: {  	[sflag:s12] =	ssyncadd.s32 $0xFFFFFFE0  }
0x419: {  	_ =	swait.ge [sflag:s12], $0x20  }
0x41a: {  	[sflag:s12] =	ssyncset.done $0x0  }
0x41b: {  	[sflag:s12] =	ssyncadd.s32 $0xFFFFFFE0  }
0x41c: {  	_ =	swait.ge [sflag:s12], $0x20  }
0x41d: {  	[sflag:s12] =	ssyncset.done $0x0  }
0x41e: {  	s14 =	sadd.s32 $0x1, s14;
	[sflag:s12] =	ssyncadd.s32 $0xFFFFFFE0  }
0x41f: {  	p0 =	sne.s32 s14, s11;
	_ =	swait.ge [sflag:s12], $0x20  }
.Ltmp17:
0x420: {  	[sflag:s12] =	ssyncset.done $0x0;
	(pc) =	sbr.rel @p0 .LBB2_1-.Ltmp17, $4  }
0x421: {  	[sflag:s12] =	ssyncadd.s32 $0xFFFFFFE0  }
0x422: {  	_ =	swait.ge [sflag:s12], $0x20  }
0x423: {  	[sflag:s12] =	ssyncset.done $0x0  }
0x424: {  	[sflag:s12] =	ssyncadd.s32 $0xFFFFFFE0  }
0x425: {  	_ =	sfence.sel $0x180000  }
0x426: {  	[bflag:$0x0] =	sbarrier.arrive $0xFFFF  }
0x427: {  	_ =	strace $0x90000047  }
0x428: {  	s0 =	stileid.u32;
	[bflag:$0x2] =	sbarrier.arrive $0xFFFF  }
0x429: {  	p0 =	sne.s32 s0, $0x0;
	s0 =	rddreg [dreg:$0x5]  }
0x42a: {  	s0 =	sadd.s32 @!p0 $0x100000, s0  }
0x42b: {  	[sflag:s0] =	ssyncadd.tile.s32 @!p0 $0x1;
	_ =	shalt  }
.Lfunc_end2:
_tile_overlayer_lowered:
.L_overlay_start_2:
0x42c: {  	(tag) =	ssettag $0x2  }
0x42d: {  	s0 =	rddreg [dreg:$0x0];
	s2 =	stileid.u32  }
0x42e: {  	s1 =	rddreg [dreg:$0x1];
	p0 =	sne.s32 s2, $0x0  }
0x42f: {  	s3 =	rddreg [dreg:$0x2];
	[bflag:$0x3] =	sbarrier.arrive $0xFFFF;
	s2 =	simm.s32 @!p0 $0x1C12  }
0x430: {  	[timem:s3], [sflag:s2] =	dma.local @!p0 [hbm:s0], s1  }
0x431: {  	s0 =	simm.s32 @!p0 $0x12  }
0x432: {  	_ =	swait.ge @!p0 [sflag:s0], s1  }
0x433: {  	s1 =	ssub.s32 @!p0 $0x0, s1;
	[sflag:s0] =	ssyncset.done @!p0 $0x0  }
0x434: {  	[sflag:s0] =	ssyncadd.s32 @!p0 s1  }
0x435: {  	[bflag:$0x3] =	sbarrier.arrive $0xFFFF  }
0x436: {  	_ =	shalt  }

</sc_bundles>
